<compile_context>
chip_gen: v7x
topology: tpu7x:2x2x1
jax: 0.10.2.dev20260603
libtpu: 0.0.44.dev20260713+nightly
codegen_flags: <defaults>
</compile_context>

<pallas_src>
import functools

import jax
import jax.numpy as jnp
from jax import lax
from jax.experimental import pallas as pl
from jax.experimental.pallas import tpu as pltpu
from jax.experimental.pallas import tpu_sc as plsc

N = 2048
C = 768
F = 64
E = 8
H = 1536
NB = 4
R = 8
ALPHA = 16.0
CAP = 1.25
LOSS_COEF = 0.01
SCALE = ALPHA / float(R)
K_SEL = 320
LR = NB * R

TILE = 256
NT = 24
P = NT * TILE

SC_CORES = 2
SC_SUBCORES = 16
NW = SC_CORES * SC_SUBCORES
RW = N // NW
CT = 32



def _router_body(lgt_ref, bwr_ref, pos1_ref, pos2_ref, cat1_ref, cat2_ref,
                 te_ref, loss_ref):
    lgt = lgt_ref[...]
    u = lax.bitcast_convert_type(lgt, jnp.uint32)
    key = jnp.where((u >> 31) == jnp.uint32(1), ~u,
                    u ^ jnp.uint32(0x80000000))

    t = jnp.zeros((E, 1), jnp.uint32)
    for b in range(31, -1, -1):
        cand = t | jnp.uint32(1 << b)
        cnt = jnp.sum((key >= cand).astype(jnp.float32), axis=1, keepdims=True)
        t = jnp.where(cnt >= K_SEL, cand, t)

    gt = key > t
    n_gt = jnp.sum(gt.astype(jnp.float32), axis=1, keepdims=True)
    eq = key == t

    BLK = 256
    rio = lax.broadcasted_iota(jnp.int32, (BLK, BLK), 0)
    cio = lax.broadcasted_iota(jnp.int32, (BLK, BLK), 1)
    SLT = (rio < cio).astype(jnp.float32)

    def rowcumsum_excl(m):
        carry = jnp.zeros((E, 1), jnp.float32)
        parts = []
        for i in range(N // BLK):
            blk = m[:, i * BLK:(i + 1) * BLK]
            parts.append(
                jnp.dot(blk, SLT, preferred_element_type=jnp.float32) + carry)
            carry = carry + jnp.sum(blk, axis=1, keepdims=True)
        return jnp.concatenate(parts, axis=1), carry

    eq_rank, _ = rowcumsum_excl(eq.astype(jnp.float32))
    need = jnp.float32(K_SEL) - n_gt
    dispatch = gt | (eq & (eq_rank < need))

    e_io = lax.broadcasted_iota(jnp.int32, (E, N), 0).astype(jnp.float32)
    covered = jnp.max(dispatch.astype(jnp.float32), axis=0, keepdims=True) > 0.0
    colmax = jnp.max(lgt, axis=0, keepdims=True)
    best = jnp.min(jnp.where(lgt == colmax, e_io, 1e9), axis=0, keepdims=True)
    dispatch = dispatch | ((~covered) & (e_io == best))

    neg = jnp.float32(-jnp.inf)
    masked = jnp.where(dispatch, lgt, neg)
    m1 = jnp.max(masked, axis=0, keepdims=True)
    i1 = jnp.min(jnp.where(masked == m1, e_io, 1e9), axis=0, keepdims=True)
    v2 = jnp.where(e_io == i1, neg, masked)
    m2 = jnp.max(v2, axis=0, keepdims=True)
    i2 = jnp.min(jnp.where((v2 == m2) & (e_io != i1), e_io, 1e9),
                 axis=0, keepdims=True)

    one1 = e_io == i1
    one2 = e_io == i2
    l1 = jnp.sum(jnp.where(one1, lgt, 0.0), axis=0, keepdims=True)
    l2 = jnp.sum(jnp.where(one2, lgt, 0.0), axis=0, keepdims=True)
    mx = jnp.maximum(l1, l2)
    ex1 = jnp.exp(l1 - mx)
    ex2 = jnp.exp(l2 - mx)
    s = ex1 + ex2
    w1 = ex1 / s
    w2 = ex2 / s

    member = (one1 | one2).astype(jnp.float32)
    rank, counts = rowcumsum_excl(member)
    seg = jnp.floor((counts + jnp.float32(TILE - 1)) / TILE) * TILE

    rio8 = lax.broadcasted_iota(jnp.int32, (E, E), 0)
    cio8 = lax.broadcasted_iota(jnp.int32, (E, E), 1)
    lt8 = (cio8 < rio8).astype(jnp.float32)
    offs = jnp.dot(lt8, seg, preferred_element_type=jnp.float32)

    o1 = jnp.sum(jnp.where(one1, offs, 0.0), axis=0, keepdims=True)
    o2 = jnp.sum(jnp.where(one2, offs, 0.0), axis=0, keepdims=True)
    r1 = jnp.sum(jnp.where(one1, rank, 0.0), axis=0, keepdims=True)
    r2 = jnp.sum(jnp.where(one2, rank, 0.0), axis=0, keepdims=True)
    pos1_ref[...] = (o1 + r1).astype(jnp.int32)
    pos2_ref[...] = (o2 + r2).astype(jnp.int32)

    bwr = bwr_ref[...]
    zpad = jnp.zeros((N, 128 - LR - E), jnp.float32)
    w1c = jnp.transpose(w1)
    w2c = jnp.transpose(w2)
    cat1_ref[...] = jnp.concatenate(
        [bwr, jnp.broadcast_to(w1c, (N, E)), zpad], axis=1)
    cat2_ref[...] = jnp.concatenate(
        [bwr, jnp.broadcast_to(w2c, (N, E)), zpad], axis=1)

    ends = offs + seg
    ts = lax.broadcasted_iota(jnp.int32, (E, 64), 1).astype(jnp.float32) * TILE
    te = jnp.sum((ts >= ends).astype(jnp.float32), axis=0, keepdims=True)
    te_ref[...] = jnp.minimum(te, jnp.float32(E - 1)).astype(jnp.int32)

    imp = jnp.sum(jnp.where(one1, w1, 0.0) + jnp.where(one2, w2, 0.0),
                  axis=1, keepdims=True)
    load = counts

    def cv(v):
        m = jnp.mean(v, axis=0, keepdims=True)
        var = jnp.mean((v - m) ** 2, axis=0, keepdims=True)
        return var / (m * m + 1e-10)

    loss_ref[...] = (cv(imp) + cv(load)) * LOSS_COEF


def _router(logits, bwr):
    return pl.pallas_call(
        _router_body,
        out_shape=[
            jax.ShapeDtypeStruct((1, N), jnp.int32),
            jax.ShapeDtypeStruct((1, N), jnp.int32),
            jax.ShapeDtypeStruct((N, 128), jnp.float32),
            jax.ShapeDtypeStruct((N, 128), jnp.float32),
            jax.ShapeDtypeStruct((1, 64), jnp.int32),
            jax.ShapeDtypeStruct((1, 1), jnp.float32),
        ],
    )(logits.T, bwr)



@functools.lru_cache(maxsize=1)
def _sc_mesh():
    return plsc.VectorSubcoreMesh(
        core_axis_name="c", subcore_axis_name="s",
        num_cores=SC_CORES, num_subcores=SC_SUBCORES)


@functools.lru_cache(maxsize=1)
def _sc_scatter():
    @functools.partial(
        pl.kernel, mesh=_sc_mesh(),
        out_type=[
            jax.ShapeDtypeStruct((P, C), jnp.float32),
            jax.ShapeDtypeStruct((P, 128), jnp.float32),
        ],
        scratch_types=[
            pltpu.VMEM((RW,), jnp.int32),
            pltpu.VMEM((RW,), jnp.int32),
            pltpu.VMEM((RW, C), jnp.float32),
            pltpu.VMEM((RW, 128), jnp.float32),
            pltpu.VMEM((RW, 128), jnp.float32),
            pltpu.SemaphoreType.DMA,
        ],
    )
    def body(x_hbm, cat1_hbm, cat2_hbm, pos1_hbm, pos2_hbm,
             ys_hbm, meta_hbm, i1_v, i2_v, rows_v, m1_v, m2_v, sem):
        wid = lax.axis_index("s") * SC_CORES + lax.axis_index("c")
        base = wid * RW
        pltpu.sync_copy(x_hbm.at[pl.ds(base, RW)], rows_v)
        pltpu.sync_copy(pos1_hbm.at[pl.ds(base, RW)], i1_v)
        pltpu.sync_copy(pos2_hbm.at[pl.ds(base, RW)], i2_v)
        pltpu.sync_copy(cat1_hbm.at[pl.ds(base, RW)], m1_v)
        pltpu.sync_copy(cat2_hbm.at[pl.ds(base, RW)], m2_v)
        c1 = pltpu.async_copy(rows_v, ys_hbm.at[i1_v], sem)
        c2 = pltpu.async_copy(rows_v, ys_hbm.at[i2_v], sem)
        c3 = pltpu.async_copy(m1_v, meta_hbm.at[i1_v], sem)
        c4 = pltpu.async_copy(m2_v, meta_hbm.at[i2_v], sem)
        c1.wait()
        c2.wait()
        c3.wait()
        c4.wait()

    return body


def _scatter_call(x32, cat1, cat2, pos1f, pos2f):
    return _sc_scatter()(x32, cat1, cat2, pos1f, pos2f)



def _ffn_body(te_ref, ys_ref, meta_ref, W1_ref, b1_ref, A1_ref,
              B1_ref, W2_ref, b2_ref, A2_ref, B2_ref, os_ref):
    ys = ys_ref[...]
    meta = meta_ref[...]
    bwr = meta[:, :LR]
    xa = jnp.dot(ys, A1_ref[0], preferred_element_type=jnp.float32) * bwr
    h = (jnp.dot(ys, W1_ref[0], preferred_element_type=jnp.float32)
         + b1_ref[0]
         + jnp.dot(xa, B1_ref[0], preferred_element_type=jnp.float32))
    h = jax.nn.gelu(h)
    ha = jnp.dot(h, A2_ref[0], preferred_element_type=jnp.float32) * bwr
    out = (jnp.dot(h, W2_ref[0], preferred_element_type=jnp.float32)
           + b2_ref[0]
           + jnp.dot(ha, B2_ref[0], preferred_element_type=jnp.float32))
    os_ref[...] = out * meta[:, LR:LR + 1]


def _ffn(tef, ys, meta, W1, b1r, A1c, B1c, W2, b2r, A2c, B2c):
    grid_spec = pltpu.PrefetchScalarGridSpec(
        num_scalar_prefetch=1,
        grid=(NT,),
        in_specs=[
            pl.BlockSpec((TILE, C), lambda i, te: (i, 0)),
            pl.BlockSpec((TILE, 128), lambda i, te: (i, 0)),
            pl.BlockSpec((1, C, H), lambda i, te: (te[i], 0, 0)),
            pl.BlockSpec((1, 1, H), lambda i, te: (te[i], 0, 0)),
            pl.BlockSpec((1, C, LR), lambda i, te: (te[i], 0, 0)),
            pl.BlockSpec((1, LR, H), lambda i, te: (te[i], 0, 0)),
            pl.BlockSpec((1, H, C), lambda i, te: (te[i], 0, 0)),
            pl.BlockSpec((1, 1, C), lambda i, te: (te[i], 0, 0)),
            pl.BlockSpec((1, H, LR), lambda i, te: (te[i], 0, 0)),
            pl.BlockSpec((1, LR, C), lambda i, te: (te[i], 0, 0)),
        ],
        out_specs=pl.BlockSpec((TILE, C), lambda i, te: (i, 0)),
    )
    return pl.pallas_call(
        _ffn_body,
        grid_spec=grid_spec,
        out_shape=jax.ShapeDtypeStruct((P, C), jnp.float32),
    )(tef, ys, meta, W1, b1r, A1c, B1c, W2, b2r, A2c, B2c)



@functools.lru_cache(maxsize=1)
def _sc_combine():
    @functools.partial(
        pl.kernel, mesh=_sc_mesh(),
        out_type=jax.ShapeDtypeStruct((N, C), jnp.float32),
        scratch_types=[
            pltpu.VMEM((CT,), jnp.int32),
            pltpu.VMEM((CT,), jnp.int32),
            pltpu.VMEM((CT, C), jnp.float32),
            pltpu.VMEM((CT, C), jnp.float32),
            pltpu.VMEM((CT, C), jnp.float32),
            pltpu.SemaphoreType.DMA,
            pltpu.SemaphoreType.DMA,
        ],
    )
    def body(os_hbm, pos1_hbm, pos2_hbm, fin_hbm,
             i1_v, i2_v, b1_v, b2_v, o_v, s1, s2):
        wid = lax.axis_index("s") * SC_CORES + lax.axis_index("c")
        for c in range(RW // CT):
            base = wid * RW + c * CT
            pltpu.sync_copy(pos1_hbm.at[pl.ds(base, CT)], i1_v)
            pltpu.sync_copy(pos2_hbm.at[pl.ds(base, CT)], i2_v)
            cp1 = pltpu.async_copy(os_hbm.at[i1_v], b1_v, s1)
            cp2 = pltpu.async_copy(os_hbm.at[i2_v], b2_v, s2)
            cp1.wait()
            cp2.wait()

            def tok(ti, _):
                for j in range(C // 16):
                    o_v[ti, j * 16:(j + 1) * 16] = (
                        b1_v[ti, j * 16:(j + 1) * 16]
                        + b2_v[ti, j * 16:(j + 1) * 16])
                return 0

            lax.fori_loop(0, CT, tok, 0)
            pltpu.sync_copy(o_v, fin_hbm.at[pl.ds(base, CT)])

    return body


def _combine_call(os, pos1f, pos2f):
    return _sc_combine()(os, pos1f, pos2f)



def kernel(x, band_weights, x_prev_tokens, W_ext, ln_g, ln_b, W_gate, b_gate,
           W1, b1, A1, B1, W2, b2, A2, B2):
    x32 = x.astype(jnp.float32)
    Z = x32 @ W_ext.T
    delta = jax.lax.stop_gradient(x32 - x_prev_tokens.astype(jnp.float32))
    ad = jnp.abs(delta)
    mu = jnp.log1p(jnp.mean(ad, axis=1, keepdims=True))
    sd = jnp.log1p(jnp.std(ad, axis=1, keepdims=True, ddof=1))
    enh = jnp.concatenate([x32, Z, mu, sd], axis=1)
    mean = jnp.mean(enh, axis=-1, keepdims=True)
    var = jnp.var(enh, axis=-1, keepdims=True)
    enh = (enh - mean) / jnp.sqrt(var + 1e-5) * ln_g + ln_b
    logits = enh @ W_gate.T + b_gate

    bwr = jnp.repeat(band_weights, R, axis=1)
    pos1, pos2, cat1, cat2, te, lossv = _router(logits, bwr)
    pos1f = pos1.reshape(N)
    pos2f = pos2.reshape(N)
    tef = te.reshape(64)

    A1c = jnp.transpose(A1, (0, 2, 1, 3)).reshape(E, C, LR)
    B1c = B1.reshape(E, LR, H) * SCALE
    A2c = jnp.transpose(A2, (0, 2, 1, 3)).reshape(E, H, LR)
    B2c = B2.reshape(E, LR, C) * SCALE
    ys, meta = _scatter_call(x32, cat1, cat2, pos1f, pos2f)
    os = _ffn(tef, ys, meta, W1, b1.reshape(E, 1, H), A1c, B1c,
              W2, b2.reshape(E, 1, C), A2c, B2c)
    final = _combine_call(os, pos1f, pos2f)
    return final, lossv.reshape(())

# --- scband reference (transcript-rebuilt; emitter-appended) ---
"""Pipeline reference for scband-dis-aware-expert-choice-mo-e-23691039604950 (READ-ONLY COPY).

The authoritative reference and input builder live on the scoring server;
editing this copy changes nothing except your own understanding.
"""

import jax, jax.numpy as jnp
import numpy as np

N = 2048   # tokens (batch=1, seq_len=2048)
C = 768    # input_size == output_size
F = 64     # dct_freq_features
E = 8      # num_experts
H = 1536   # hidden_size
NB = 4     # num_bands
R = 8      # lora_rank
ALPHA = 16.0
CAP = 1.25
M_FAN = 2
LOSS_COEF = 0.01


def _cv_squared(v):
    m = jnp.mean(v)
    var = jnp.var(v)  # correction=0, matches torch var(correction=0)
    return var / (m * m + 1e-10)


def setup_inputs(seed: int = 0) -> dict:
    key = jax.random.key(seed)
    ks = jax.random.split(key, 16)
    gin = C + F + 2
    return {
        'x': jax.random.normal(ks[0], (N, C), dtype=jnp.float32),
        'band_weights': jax.random.uniform(ks[1], (N, NB), dtype=jnp.float32),
        'x_prev_tokens': jax.random.normal(ks[2], (N, C), dtype=jnp.float32),
        'W_ext': jax.random.normal(ks[3], (F, C), dtype=jnp.float32) * 0.02,
        'ln_g': jnp.ones((gin,), dtype=jnp.float32),
        'ln_b': jnp.zeros((gin,), dtype=jnp.float32),
        'W_gate': jax.random.normal(ks[4], (E, gin), dtype=jnp.float32) * 0.02,
        'b_gate': jnp.zeros((E,), dtype=jnp.float32),
        'W1': jax.random.normal(ks[5], (E, C, H), dtype=jnp.float32) * 0.02,
        'b1': jnp.zeros((E, H), dtype=jnp.float32),
        'A1': jax.random.normal(ks[6], (E, NB, C, R), dtype=jnp.float32) * 0.02,
        'B1': jax.random.normal(ks[7], (E, NB, R, H), dtype=jnp.float32) * 0.02,
        'W2': jax.random.normal(ks[8], (E, H, C), dtype=jnp.float32) * 0.02,
        'b2': jnp.zeros((E, C), dtype=jnp.float32),
        'A2': jax.random.normal(ks[9], (E, NB, H, R), dtype=jnp.float32) * 0.02,
        'B2': jax.random.normal(ks[10], (E, NB, R, C), dtype=jnp.float32) * 0.02,
    }


def _forward(x, band_weights, x_prev_tokens, W_ext, ln_g, ln_b, W_gate, b_gate,
             W1, b1, A1, B1, W2, b2, A2, B2):
    x32 = x.astype(jnp.float32)
    # DAFE features (first call: Z_new, EMA initialized from it; training + tick 0 -> grad flows)
    Z = x32 @ W_ext.T
    # residual hint (always detached in torch)
    delta = jax.lax.stop_gradient(x32 - x_prev_tokens.astype(jnp.float32))
    ad = jnp.abs(delta)
    mu = jnp.log1p(jnp.mean(ad, axis=1, keepdims=True))
    sd = jnp.log1p(jnp.std(ad, axis=1, keepdims=True, ddof=1))  # torch std unbiased
    enh = jnp.concatenate([x32, Z, mu, sd], axis=1)
    # LayerNorm
    mean = jnp.mean(enh, axis=-1, keepdims=True)
    var = jnp.var(enh, axis=-1, keepdims=True)
    enh = (enh - mean) / jnp.sqrt(var + 1e-5) * ln_g + ln_b
    # gating logits (fp32), temperature == 1.0
    logits = enh @ W_gate.T + b_gate
    # expert-choice top-k selection
    k = min(max(1, int(N / float(E) * CAP)), N)
    _, topk_idx = jax.lax.top_k(logits.T, k)  # [E, k]
    cols = jnp.broadcast_to(jnp.arange(E)[:, None], (E, k))
    dispatch = jnp.zeros((N, E), dtype=bool).at[topk_idx, cols].set(True)
    # cover uncovered tokens with their argmax expert
    uncovered = ~jnp.any(dispatch, axis=1)
    best = jnp.argmax(logits, axis=1)
    dispatch = dispatch | (uncovered[:, None] & (jnp.arange(E)[None, :] == best[:, None]))
    # per-token top-m over candidates, sparse softmax
    masked = jnp.where(dispatch, logits, -jnp.inf)
    _, topm_idx = jax.lax.top_k(masked, M_FAN)  # [N, m]
    sel_logits = jnp.take_along_axis(logits, topm_idx, axis=1)  # gather from UNMASKED logits (as in torch)
    sel_w = jax.nn.softmax(sel_logits, axis=1)
    gating = jnp.zeros((N, E), dtype=jnp.float32).at[jnp.arange(N)[:, None], topm_idx].set(sel_w)
    # expert computation: dense-equivalent of sparse index_add (gate==0 -> zero contribution)
    scale = ALPHA / float(R)
    final = jnp.zeros((N, C), dtype=jnp.float32)
    for e in range(E):
        xa = jnp.einsum('nc,bcr->nbr', x32, A1[e])
        lh = jnp.einsum('nbr,brh->nbh', xa, B1[e])
        h = x32 @ W1[e] + b1[e] + scale * jnp.einsum('nb,nbh->nh', band_weights, lh)
        h = jax.nn.gelu(h)
        ha = jnp.einsum('nh,bhr->nbr', h, A2[e])
        lo = jnp.einsum('nbr,brc->nbc', ha, B2[e])
        out = h @ W2[e] + b2[e] + scale * jnp.einsum('nb,nbc->nc', band_weights, lo)
        final = final + out * gating[:, e:e + 1]
    importance = gating.sum(0)
    load = (gating > 0).sum(0).astype(jnp.float32)
    loss = (_cv_squared(importance) + _cv_squared(load)) * LOSS_COEF
    return final, loss


def reference(x, band_weights, x_prev_tokens, W_ext, ln_g, ln_b, W_gate, b_gate,
              W1, b1, A1, B1, W2, b2, A2, B2):
    return _forward(x, band_weights, x_prev_tokens, W_ext, ln_g, ln_b, W_gate, b_gate,
                    W1, b1, A1, B1, W2, b2, A2, B2)

if __name__ == "__main__":
    import jax
    _d = setup_inputs()
    print(jax.jit(kernel)(*tuple(_d.values())))

</pallas_src>

<mosaic_0001>
#map = affine_map<(d0, d1) -> (0, 0)>
#map1 = affine_map<(d0, d1) -> (0)>
module attributes {stable_mosaic.version = 14 : i64} {
  func.func @body(%arg0: i32, %arg1: i32, %arg2: memref<2048x768xf32, #tpu.memory_space<hbm>>, %arg3: memref<2048x128xf32, #tpu.memory_space<hbm>>, %arg4: memref<2048x128xf32, #tpu.memory_space<hbm>>, %arg5: memref<2048xi32, #tpu.memory_space<hbm>>, %arg6: memref<2048xi32, #tpu.memory_space<hbm>>, %arg7: memref<6144x768xf32, #tpu.memory_space<hbm>>, %arg8: memref<6144x128xf32, #tpu.memory_space<hbm>>, %arg9: memref<64xi32, #tpu.memory_space<vmem>>, %arg10: memref<64xi32, #tpu.memory_space<vmem>>, %arg11: memref<64x768xf32, #tpu.memory_space<vmem>>, %arg12: memref<64x128xf32, #tpu.memory_space<vmem>>, %arg13: memref<64x128xf32, #tpu.memory_space<vmem>>, %arg14: memref<!tpu.dma_semaphore, #tpu.memory_space<semaphore_mem>>) attributes {dimension_semantics = [#tpu.dimension_semantics<core_parallel>, #tpu.dimension_semantics<subcore_parallel>], iteration_bounds = array<i64: 2, 16>, scalar_prefetch = 0 : i64, scratch_operands = 6 : i64, tpu.core_type = #tpu.core_type<sc_vector_subcore>, window_params = [{transform_indices = #map}, {transform_indices = #map}, {transform_indices = #map}, {transform_indices = #map1}, {transform_indices = #map1}, {transform_indices = #map}, {transform_indices = #map}]} {
    %mul3A = arith.constant 2 : i32
    %mul3A_0 = arith.muli %arg1, %mul3A : i32
    %add3A = arith.addi %mul3A_0, %arg0 : i32
    %mul3A_1 = arith.constant 64 : i32
    %mul3A_2 = arith.muli %add3A, %mul3A_1 : i32
    "tpu.region"() ({
      %run_scoped3A = tpu.sem_alloc : memref<!tpu.dma_semaphore, #tpu.memory_space<semaphore_mem>>
      %dma_start3A_25 = arith.constant 0 : i32
      %dma_start3A_26 = tpu.memref_slice %arg2[%mul3A_2, %dma_start3A_25] : memref<2048x768xf32, #tpu.memory_space<hbm>> -> memref<64x768xf32, #tpu.memory_space<hbm>>
      %dma_start3A_27 = arith.constant 0 : i32
      %dma_start3A_28 = tpu.memref_slice %arg2[%mul3A_2, %dma_start3A_27] : memref<2048x768xf32, #tpu.memory_space<hbm>> -> memref<64x768xf32, #tpu.memory_space<hbm>>
      tpu.enqueue_dma source(%dma_start3A_28 : memref<64x768xf32, #tpu.memory_space<hbm>>) target(%arg11 : memref<64x768xf32, #tpu.memory_space<vmem>>) target_semaphore(%run_scoped3A : memref<!tpu.dma_semaphore, #tpu.memory_space<semaphore_mem>>)
      %dma_wait3A_29 = arith.constant 0 : i32
      %dma_wait3A_30 = tpu.memref_slice %arg2[%mul3A_2, %dma_wait3A_29] : memref<2048x768xf32, #tpu.memory_space<hbm>> -> memref<64x768xf32, #tpu.memory_space<hbm>>
      %dma_wait3A_31 = arith.constant 0 : i32
      %dma_wait3A_32 = tpu.memref_slice %arg2[%mul3A_2, %dma_wait3A_31] : memref<2048x768xf32, #tpu.memory_space<hbm>> -> memref<64x768xf32, #tpu.memory_space<hbm>>
      tpu.wait_dma2 semaphore(%run_scoped3A : memref<!tpu.dma_semaphore, #tpu.memory_space<semaphore_mem>>) src(%dma_wait3A_32 : memref<64x768xf32, #tpu.memory_space<hbm>>) dst(%arg11 : memref<64x768xf32, #tpu.memory_space<vmem>>)
      tpu.yield
    }) : () -> ()
    "tpu.region"() ({
      %run_scoped3A = tpu.sem_alloc : memref<!tpu.dma_semaphore, #tpu.memory_space<semaphore_mem>>
      %dma_start3A_25 = tpu.memref_slice %arg5[%mul3A_2] : memref<2048xi32, #tpu.memory_space<hbm>> -> memref<64xi32, #tpu.memory_space<hbm>>
      %dma_start3A_26 = tpu.memref_slice %arg5[%mul3A_2] : memref<2048xi32, #tpu.memory_space<hbm>> -> memref<64xi32, #tpu.memory_space<hbm>>
      tpu.enqueue_dma source(%dma_start3A_26 : memref<64xi32, #tpu.memory_space<hbm>>) target(%arg9 : memref<64xi32, #tpu.memory_space<vmem>>) target_semaphore(%run_scoped3A : memref<!tpu.dma_semaphore, #tpu.memory_space<semaphore_mem>>)
      %dma_wait3A_27 = tpu.memref_slice %arg5[%mul3A_2] : memref<2048xi32, #tpu.memory_space<hbm>> -> memref<64xi32, #tpu.memory_space<hbm>>
      %dma_wait3A_28 = tpu.memref_slice %arg5[%mul3A_2] : memref<2048xi32, #tpu.memory_space<hbm>> -> memref<64xi32, #tpu.memory_space<hbm>>
      tpu.wait_dma2 semaphore(%run_scoped3A : memref<!tpu.dma_semaphore, #tpu.memory_space<semaphore_mem>>) src(%dma_wait3A_28 : memref<64xi32, #tpu.memory_space<hbm>>) dst(%arg9 : memref<64xi32, #tpu.memory_space<vmem>>)
      tpu.yield
    }) : () -> ()
    "tpu.region"() ({
      %run_scoped3A = tpu.sem_alloc : memref<!tpu.dma_semaphore, #tpu.memory_space<semaphore_mem>>
      %dma_start3A_25 = tpu.memref_slice %arg6[%mul3A_2] : memref<2048xi32, #tpu.memory_space<hbm>> -> memref<64xi32, #tpu.memory_space<hbm>>
      %dma_start3A_26 = tpu.memref_slice %arg6[%mul3A_2] : memref<2048xi32, #tpu.memory_space<hbm>> -> memref<64xi32, #tpu.memory_space<hbm>>
      tpu.enqueue_dma source(%dma_start3A_26 : memref<64xi32, #tpu.memory_space<hbm>>) target(%arg10 : memref<64xi32, #tpu.memory_space<vmem>>) target_semaphore(%run_scoped3A : memref<!tpu.dma_semaphore, #tpu.memory_space<semaphore_mem>>)
      %dma_wait3A_27 = tpu.memref_slice %arg6[%mul3A_2] : memref<2048xi32, #tpu.memory_space<hbm>> -> memref<64xi32, #tpu.memory_space<hbm>>
      %dma_wait3A_28 = tpu.memref_slice %arg6[%mul3A_2] : memref<2048xi32, #tpu.memory_space<hbm>> -> memref<64xi32, #tpu.memory_space<hbm>>
      tpu.wait_dma2 semaphore(%run_scoped3A : memref<!tpu.dma_semaphore, #tpu.memory_space<semaphore_mem>>) src(%dma_wait3A_28 : memref<64xi32, #tpu.memory_space<hbm>>) dst(%arg10 : memref<64xi32, #tpu.memory_space<vmem>>)
      tpu.yield
    }) : () -> ()
    "tpu.region"() ({
      %run_scoped3A = tpu.sem_alloc : memref<!tpu.dma_semaphore, #tpu.memory_space<semaphore_mem>>
      %dma_start3A_25 = arith.constant 0 : i32
      %dma_start3A_26 = tpu.memref_slice %arg3[%mul3A_2, %dma_start3A_25] : memref<2048x128xf32, #tpu.memory_space<hbm>> -> memref<64x128xf32, #tpu.memory_space<hbm>>
      %dma_start3A_27 = arith.constant 0 : i32
      %dma_start3A_28 = tpu.memref_slice %arg3[%mul3A_2, %dma_start3A_27] : memref<2048x128xf32, #tpu.memory_space<hbm>> -> memref<64x128xf32, #tpu.memory_space<hbm>>
      tpu.enqueue_dma source(%dma_start3A_28 : memref<64x128xf32, #tpu.memory_space<hbm>>) target(%arg12 : memref<64x128xf32, #tpu.memory_space<vmem>>) target_semaphore(%run_scoped3A : memref<!tpu.dma_semaphore, #tpu.memory_space<semaphore_mem>>)
      %dma_wait3A_29 = arith.constant 0 : i32
      %dma_wait3A_30 = tpu.memref_slice %arg3[%mul3A_2, %dma_wait3A_29] : memref<2048x128xf32, #tpu.memory_space<hbm>> -> memref<64x128xf32, #tpu.memory_space<hbm>>
      %dma_wait3A_31 = arith.constant 0 : i32
      %dma_wait3A_32 = tpu.memref_slice %arg3[%mul3A_2, %dma_wait3A_31] : memref<2048x128xf32, #tpu.memory_space<hbm>> -> memref<64x128xf32, #tpu.memory_space<hbm>>
      tpu.wait_dma2 semaphore(%run_scoped3A : memref<!tpu.dma_semaphore, #tpu.memory_space<semaphore_mem>>) src(%dma_wait3A_32 : memref<64x128xf32, #tpu.memory_space<hbm>>) dst(%arg12 : memref<64x128xf32, #tpu.memory_space<vmem>>)
      tpu.yield
    }) : () -> ()
    "tpu.region"() ({
      %run_scoped3A = tpu.sem_alloc : memref<!tpu.dma_semaphore, #tpu.memory_space<semaphore_mem>>
      %dma_start3A_25 = arith.constant 0 : i32
      %dma_start3A_26 = tpu.memref_slice %arg4[%mul3A_2, %dma_start3A_25] : memref<2048x128xf32, #tpu.memory_space<hbm>> -> memref<64x128xf32, #tpu.memory_space<hbm>>
      %dma_start3A_27 = arith.constant 0 : i32
      %dma_start3A_28 = tpu.memref_slice %arg4[%mul3A_2, %dma_start3A_27] : memref<2048x128xf32, #tpu.memory_space<hbm>> -> memref<64x128xf32, #tpu.memory_space<hbm>>
      tpu.enqueue_dma source(%dma_start3A_28 : memref<64x128xf32, #tpu.memory_space<hbm>>) target(%arg13 : memref<64x128xf32, #tpu.memory_space<vmem>>) target_semaphore(%run_scoped3A : memref<!tpu.dma_semaphore, #tpu.memory_space<semaphore_mem>>)
      %dma_wait3A_29 = arith.constant 0 : i32
      %dma_wait3A_30 = tpu.memref_slice %arg4[%mul3A_2, %dma_wait3A_29] : memref<2048x128xf32, #tpu.memory_space<hbm>> -> memref<64x128xf32, #tpu.memory_space<hbm>>
      %dma_wait3A_31 = arith.constant 0 : i32
      %dma_wait3A_32 = tpu.memref_slice %arg4[%mul3A_2, %dma_wait3A_31] : memref<2048x128xf32, #tpu.memory_space<hbm>> -> memref<64x128xf32, #tpu.memory_space<hbm>>
      tpu.wait_dma2 semaphore(%run_scoped3A : memref<!tpu.dma_semaphore, #tpu.memory_space<semaphore_mem>>) src(%dma_wait3A_32 : memref<64x128xf32, #tpu.memory_space<hbm>>) dst(%arg13 : memref<64x128xf32, #tpu.memory_space<vmem>>)
      tpu.yield
    }) : () -> ()
    %dma_start3A = arith.constant 0 : i32
    %dma_start3A_3 = arith.constant 0 : i32
    %dma_start3A_4 = tpu.memref_slice %arg7[%dma_start3A, %dma_start3A_3] : memref<6144x768xf32, #tpu.memory_space<hbm>> -> memref<6144x768xf32, #tpu.memory_space<hbm>>
    tpu.enqueue_indirect_dma source(%arg11 : memref<64x768xf32, #tpu.memory_space<vmem>>) target(%dma_start3A_4 : memref<6144x768xf32, #tpu.memory_space<hbm>>) offsets(%arg9 : memref<64xi32, #tpu.memory_space<vmem>>) semaphore(%arg14 : memref<!tpu.dma_semaphore, #tpu.memory_space<semaphore_mem>>)
    %dma_start3A_5 = arith.constant 0 : i32
    %dma_start3A_6 = arith.constant 0 : i32
    %dma_start3A_7 = tpu.memref_slice %arg7[%dma_start3A_5, %dma_start3A_6] : memref<6144x768xf32, #tpu.memory_space<hbm>> -> memref<6144x768xf32, #tpu.memory_space<hbm>>
    tpu.enqueue_indirect_dma source(%arg11 : memref<64x768xf32, #tpu.memory_space<vmem>>) target(%dma_start3A_7 : memref<6144x768xf32, #tpu.memory_space<hbm>>) offsets(%arg10 : memref<64xi32, #tpu.memory_space<vmem>>) semaphore(%arg14 : memref<!tpu.dma_semaphore, #tpu.memory_space<semaphore_mem>>)
    %dma_start3A_8 = arith.constant 0 : i32
    %dma_start3A_9 = arith.constant 0 : i32
    %dma_start3A_10 = tpu.memref_slice %arg8[%dma_start3A_8, %dma_start3A_9] : memref<6144x128xf32, #tpu.memory_space<hbm>> -> memref<6144x128xf32, #tpu.memory_space<hbm>>
    tpu.enqueue_indirect_dma source(%arg12 : memref<64x128xf32, #tpu.memory_space<vmem>>) target(%dma_start3A_10 : memref<6144x128xf32, #tpu.memory_space<hbm>>) offsets(%arg9 : memref<64xi32, #tpu.memory_space<vmem>>) semaphore(%arg14 : memref<!tpu.dma_semaphore, #tpu.memory_space<semaphore_mem>>)
    %dma_start3A_11 = arith.constant 0 : i32
    %dma_start3A_12 = arith.constant 0 : i32
    %dma_start3A_13 = tpu.memref_slice %arg8[%dma_start3A_11, %dma_start3A_12] : memref<6144x128xf32, #tpu.memory_space<hbm>> -> memref<6144x128xf32, #tpu.memory_space<hbm>>
    tpu.enqueue_indirect_dma source(%arg13 : memref<64x128xf32, #tpu.memory_space<vmem>>) target(%dma_start3A_13 : memref<6144x128xf32, #tpu.memory_space<hbm>>) offsets(%arg10 : memref<64xi32, #tpu.memory_space<vmem>>) semaphore(%arg14 : memref<!tpu.dma_semaphore, #tpu.memory_space<semaphore_mem>>)
    %dma_wait3A = arith.constant 0 : i32
    %dma_wait3A_14 = arith.constant 0 : i32
    %dma_wait3A_15 = tpu.memref_slice %arg7[%dma_wait3A, %dma_wait3A_14] : memref<6144x768xf32, #tpu.memory_space<hbm>> -> memref<6144x768xf32, #tpu.memory_space<hbm>>
    tpu.wait_indirect_dma semaphore(%arg14 : memref<!tpu.dma_semaphore, #tpu.memory_space<semaphore_mem>>) src(%arg11 : memref<64x768xf32, #tpu.memory_space<vmem>>) dst(%dma_wait3A_15 : memref<6144x768xf32, #tpu.memory_space<hbm>>)
    %dma_wait3A_16 = arith.constant 0 : i32
    %dma_wait3A_17 = arith.constant 0 : i32
    %dma_wait3A_18 = tpu.memref_slice %arg7[%dma_wait3A_16, %dma_wait3A_17] : memref<6144x768xf32, #tpu.memory_space<hbm>> -> memref<6144x768xf32, #tpu.memory_space<hbm>>
    tpu.wait_indirect_dma semaphore(%arg14 : memref<!tpu.dma_semaphore, #tpu.memory_space<semaphore_mem>>) src(%arg11 : memref<64x768xf32, #tpu.memory_space<vmem>>) dst(%dma_wait3A_18 : memref<6144x768xf32, #tpu.memory_space<hbm>>)
    %dma_wait3A_19 = arith.constant 0 : i32
    %dma_wait3A_20 = arith.constant 0 : i32
    %dma_wait3A_21 = tpu.memref_slice %arg8[%dma_wait3A_19, %dma_wait3A_20] : memref<6144x128xf32, #tpu.memory_space<hbm>> -> memref<6144x128xf32, #tpu.memory_space<hbm>>
    tpu.wait_indirect_dma semaphore(%arg14 : memref<!tpu.dma_semaphore, #tpu.memory_space<semaphore_mem>>) src(%arg12 : memref<64x128xf32, #tpu.memory_space<vmem>>) dst(%dma_wait3A_21 : memref<6144x128xf32, #tpu.memory_space<hbm>>)
    %dma_wait3A_22 = arith.constant 0 : i32
    %dma_wait3A_23 = arith.constant 0 : i32
    %dma_wait3A_24 = tpu.memref_slice %arg8[%dma_wait3A_22, %dma_wait3A_23] : memref<6144x128xf32, #tpu.memory_space<hbm>> -> memref<6144x128xf32, #tpu.memory_space<hbm>>
    tpu.wait_indirect_dma semaphore(%arg14 : memref<!tpu.dma_semaphore, #tpu.memory_space<semaphore_mem>>) src(%arg13 : memref<64x128xf32, #tpu.memory_space<vmem>>) dst(%dma_wait3A_24 : memref<6144x128xf32, #tpu.memory_space<hbm>>)
    return
  }
}

#map = affine_map<(d0, d1) -> (0, 0)>
#map1 = affine_map<(d0, d1) -> (0)>
module attributes {stable_mosaic.version = 14 : i64} {
  func.func @body(%arg0: i32, %arg1: i32, %arg2: memref<6144x768xf32, #tpu.memory_space<hbm>>, %arg3: memref<2048xi32, #tpu.memory_space<hbm>>, %arg4: memref<2048xi32, #tpu.memory_space<hbm>>, %arg5: memref<2048x768xf32, #tpu.memory_space<hbm>>, %arg6: memref<32xi32, #tpu.memory_space<vmem>>, %arg7: memref<32xi32, #tpu.memory_space<vmem>>, %arg8: memref<32x768xf32, #tpu.memory_space<vmem>>, %arg9: memref<32x768xf32, #tpu.memory_space<vmem>>, %arg10: memref<32x768xf32, #tpu.memory_space<vmem>>, %arg11: memref<!tpu.dma_semaphore, #tpu.memory_space<semaphore_mem>>, %arg12: memref<!tpu.dma_semaphore, #tpu.memory_space<semaphore_mem>>) attributes {dimension_semantics = [#tpu.dimension_semantics<core_parallel>, #tpu.dimension_semantics<subcore_parallel>], iteration_bounds = array<i64: 2, 16>, scalar_prefetch = 0 : i64, scratch_operands = 7 : i64, tpu.core_type = #tpu.core_type<sc_vector_subcore>, window_params = [{transform_indices = #map}, {transform_indices = #map1}, {transform_indices = #map1}, {transform_indices = #map}]} {
    %mul3A = arith.constant 2 : i32
    %mul3A_0 = arith.muli %arg1, %mul3A : i32
    %add3A = arith.addi %mul3A_0, %arg0 : i32
    %mul3A_1 = arith.constant 64 : i32
    %mul3A_2 = arith.muli %add3A, %mul3A_1 : i32
    %add3A_3 = arith.constant 0 : i32
    %add3A_4 = arith.addi %mul3A_2, %add3A_3 : i32
    "tpu.region"() ({
      %run_scoped3A = tpu.sem_alloc : memref<!tpu.dma_semaphore, #tpu.memory_space<semaphore_mem>>
      %dma_start3A_44 = tpu.memref_slice %arg3[%add3A_4] : memref<2048xi32, #tpu.memory_space<hbm>> -> memref<32xi32, #tpu.memory_space<hbm>>
      %dma_start3A_45 = tpu.memref_slice %arg3[%add3A_4] : memref<2048xi32, #tpu.memory_space<hbm>> -> memref<32xi32, #tpu.memory_space<hbm>>
      tpu.enqueue_dma source(%dma_start3A_45 : memref<32xi32, #tpu.memory_space<hbm>>) target(%arg6 : memref<32xi32, #tpu.memory_space<vmem>>) target_semaphore(%run_scoped3A : memref<!tpu.dma_semaphore, #tpu.memory_space<semaphore_mem>>)
      %dma_wait3A_46 = tpu.memref_slice %arg3[%add3A_4] : memref<2048xi32, #tpu.memory_space<hbm>> -> memref<32xi32, #tpu.memory_space<hbm>>
      %dma_wait3A_47 = tpu.memref_slice %arg3[%add3A_4] : memref<2048xi32, #tpu.memory_space<hbm>> -> memref<32xi32, #tpu.memory_space<hbm>>
      tpu.wait_dma2 semaphore(%run_scoped3A : memref<!tpu.dma_semaphore, #tpu.memory_space<semaphore_mem>>) src(%dma_wait3A_47 : memref<32xi32, #tpu.memory_space<hbm>>) dst(%arg6 : memref<32xi32, #tpu.memory_space<vmem>>)
      tpu.yield
    }) : () -> ()
    "tpu.region"() ({
      %run_scoped3A = tpu.sem_alloc : memref<!tpu.dma_semaphore, #tpu.memory_space<semaphore_mem>>
      %dma_start3A_44 = tpu.memref_slice %arg4[%add3A_4] : memref<2048xi32, #tpu.memory_space<hbm>> -> memref<32xi32, #tpu.memory_space<hbm>>
      %dma_start3A_45 = tpu.memref_slice %arg4[%add3A_4] : memref<2048xi32, #tpu.memory_space<hbm>> -> memref<32xi32, #tpu.memory_space<hbm>>
      tpu.enqueue_dma source(%dma_start3A_45 : memref<32xi32, #tpu.memory_space<hbm>>) target(%arg7 : memref<32xi32, #tpu.memory_space<vmem>>) target_semaphore(%run_scoped3A : memref<!tpu.dma_semaphore, #tpu.memory_space<semaphore_mem>>)
      %dma_wait3A_46 = tpu.memref_slice %arg4[%add3A_4] : memref<2048xi32, #tpu.memory_space<hbm>> -> memref<32xi32, #tpu.memory_space<hbm>>
      %dma_wait3A_47 = tpu.memref_slice %arg4[%add3A_4] : memref<2048xi32, #tpu.memory_space<hbm>> -> memref<32xi32, #tpu.memory_space<hbm>>
      tpu.wait_dma2 semaphore(%run_scoped3A : memref<!tpu.dma_semaphore, #tpu.memory_space<semaphore_mem>>) src(%dma_wait3A_47 : memref<32xi32, #tpu.memory_space<hbm>>) dst(%arg7 : memref<32xi32, #tpu.memory_space<vmem>>)
      tpu.yield
    }) : () -> ()
    %dma_start3A = arith.constant 0 : i32
    %dma_start3A_5 = arith.constant 0 : i32
    %dma_start3A_6 = tpu.memref_slice %arg2[%dma_start3A, %dma_start3A_5] : memref<6144x768xf32, #tpu.memory_space<hbm>> -> memref<6144x768xf32, #tpu.memory_space<hbm>>
    tpu.enqueue_indirect_dma source(%dma_start3A_6 : memref<6144x768xf32, #tpu.memory_space<hbm>>) target(%arg8 : memref<32x768xf32, #tpu.memory_space<vmem>>) offsets(%arg6 : memref<32xi32, #tpu.memory_space<vmem>>) semaphore(%arg11 : memref<!tpu.dma_semaphore, #tpu.memory_space<semaphore_mem>>)
    %dma_start3A_7 = arith.constant 0 : i32
    %dma_start3A_8 = arith.constant 0 : i32
    %dma_start3A_9 = tpu.memref_slice %arg2[%dma_start3A_7, %dma_start3A_8] : memref<6144x768xf32, #tpu.memory_space<hbm>> -> memref<6144x768xf32, #tpu.memory_space<hbm>>
    tpu.enqueue_indirect_dma source(%dma_start3A_9 : memref<6144x768xf32, #tpu.memory_space<hbm>>) target(%arg9 : memref<32x768xf32, #tpu.memory_space<vmem>>) offsets(%arg7 : memref<32xi32, #tpu.memory_space<vmem>>) semaphore(%arg12 : memref<!tpu.dma_semaphore, #tpu.memory_space<semaphore_mem>>)
    %dma_wait3A = arith.constant 0 : i32
    %dma_wait3A_10 = arith.constant 0 : i32
    %dma_wait3A_11 = tpu.memref_slice %arg2[%dma_wait3A, %dma_wait3A_10] : memref<6144x768xf32, #tpu.memory_space<hbm>> -> memref<6144x768xf32, #tpu.memory_space<hbm>>
    tpu.wait_indirect_dma semaphore(%arg11 : memref<!tpu.dma_semaphore, #tpu.memory_space<semaphore_mem>>) src(%dma_wait3A_11 : memref<6144x768xf32, #tpu.memory_space<hbm>>) dst(%arg8 : memref<32x768xf32, #tpu.memory_space<vmem>>)
    %dma_wait3A_12 = arith.constant 0 : i32
    %dma_wait3A_13 = arith.constant 0 : i32
    %dma_wait3A_14 = tpu.memref_slice %arg2[%dma_wait3A_12, %dma_wait3A_13] : memref<6144x768xf32, #tpu.memory_space<hbm>> -> memref<6144x768xf32, #tpu.memory_space<hbm>>
    tpu.wait_indirect_dma semaphore(%arg12 : memref<!tpu.dma_semaphore, #tpu.memory_space<semaphore_mem>>) src(%dma_wait3A_14 : memref<6144x768xf32, #tpu.memory_space<hbm>>) dst(%arg9 : memref<32x768xf32, #tpu.memory_space<vmem>>)
    %scan3A = arith.constant 0 : i32
    %scan3A_15 = arith.constant 0 : i32
    %scan3A_16 = arith.constant 32 : i32
    %scan3A_17 = arith.addi %scan3A_15, %scan3A_16 : i32
    %scan3A_18 = arith.constant 1 : i32
    %scan3A_19 = scf.for %scan3A_44 = %scan3A_15 to %scan3A_17 step %scan3A_18 iter_args(%scan3A_45 = %scan3A) -> (i32)  : i32 {
      %get3A = arith.index_cast %scan3A_44 : i32 to index
      %get3A_46 = arith.constant 0 : index
      %get3A_47 = tpu.vector_load %arg8[%get3A, %get3A_46] {strides = array<i32>} : memref<32x768xf32, #tpu.memory_space<vmem>>, vector<1x16xf32>,
      %get3A_48 = vector.shape_cast %get3A_47 : vector<1x16xf32> to vector<16xf32>
      %get3A_49 = arith.index_cast %scan3A_44 : i32 to index
      %get3A_50 = arith.constant 0 : index
      %get3A_51 = tpu.vector_load %arg9[%get3A_49, %get3A_50] {strides = array<i32>} : memref<32x768xf32, #tpu.memory_space<vmem>>, vector<1x16xf32>,
      %get3A_52 = vector.shape_cast %get3A_51 : vector<1x16xf32> to vector<16xf32>
      %add3A_53 = arith.addf %get3A_48, %get3A_52 : vector<16xf32>
      %swap3A = arith.index_cast %scan3A_44 : i32 to index
      %swap3A_54 = arith.constant 0 : index
      %swap3A_55 = tpu.vector_load %arg10[%swap3A, %swap3A_54] {strides = array<i32>} : memref<32x768xf32, #tpu.memory_space<vmem>>, vector<1x16xf32>,
      %swap3A_56 = vector.shape_cast %swap3A_55 : vector<1x16xf32> to vector<16xf32>
      %swap3A_57 = vector.shape_cast %add3A_53 : vector<16xf32> to vector<1x16xf32>
      tpu.vector_store %arg10[%swap3A, %swap3A_54], %swap3A_57 {strides = array<i32>} : memref<32x768xf32, #tpu.memory_space<vmem>>, vector<1x16xf32>,
      %get3A_58 = arith.index_cast %scan3A_44 : i32 to index
      %get3A_59 = arith.constant 16 : index
      %get3A_60 = tpu.vector_load %arg8[%get3A_58, %get3A_59] {strides = array<i32>} : memref<32x768xf32, #tpu.memory_space<vmem>>, vector<1x16xf32>,
      %get3A_61 = vector.shape_cast %get3A_60 : vector<1x16xf32> to vector<16xf32>
      %get3A_62 = arith.index_cast %scan3A_44 : i32 to index
      %get3A_63 = arith.constant 16 : index
      %get3A_64 = tpu.vector_load %arg9[%get3A_62, %get3A_63] {strides = array<i32>} : memref<32x768xf32, #tpu.memory_space<vmem>>, vector<1x16xf32>,
      %get3A_65 = vector.shape_cast %get3A_64 : vector<1x16xf32> to vector<16xf32>
      %add3A_66 = arith.addf %get3A_61, %get3A_65 : vector<16xf32>
      %swap3A_67 = arith.index_cast %scan3A_44 : i32 to index
      %swap3A_68 = arith.constant 16 : index
      %swap3A_69 = tpu.vector_load %arg10[%swap3A_67, %swap3A_68] {strides = array<i32>} : memref<32x768xf32, #tpu.memory_space<vmem>>, vector<1x16xf32>,
      %swap3A_70 = vector.shape_cast %swap3A_69 : vector<1x16xf32> to vector<16xf32>
      %swap3A_71 = vector.shape_cast %add3A_66 : vector<16xf32> to vector<1x16xf32>
      tpu.vector_store %arg10[%swap3A_67, %swap3A_68], %swap3A_71 {strides = array<i32>} : memref<32x768xf32, #tpu.memory_space<vmem>>, vector<1x16xf32>,
      %get3A_72 = arith.index_cast %scan3A_44 : i32 to index
      %get3A_73 = arith.constant 32 : index
      %get3A_74 = tpu.vector_load %arg8[%get3A_72, %get3A_73] {strides = array<i32>} : memref<32x768xf32, #tpu.memory_space<vmem>>, vector<1x16xf32>,
      %get3A_75 = vector.shape_cast %get3A_74 : vector<1x16xf32> to vector<16xf32>
      %get3A_76 = arith.index_cast %scan3A_44 : i32 to index
      %get3A_77 = arith.constant 32 : index
      %get3A_78 = tpu.vector_load %arg9[%get3A_76, %get3A_77] {strides = array<i32>} : memref<32x768xf32, #tpu.memory_space<vmem>>, vector<1x16xf32>,
      %get3A_79 = vector.shape_cast %get3A_78 : vector<1x16xf32> to vector<16xf32>
      %add3A_80 = arith.addf %get3A_75, %get3A_79 : vector<16xf32>
      %swap3A_81 = arith.index_cast %scan3A_44 : i32 to index
      %swap3A_82 = arith.constant 32 : index
      %swap3A_83 = tpu.vector_load %arg10[%swap3A_81, %swap3A_82] {strides = array<i32>} : memref<32x768xf32, #tpu.memory_space<vmem>>, vector<1x16xf32>,
      %swap3A_84 = vector.shape_cast %swap3A_83 : vector<1x16xf32> to vector<16xf32>
      %swap3A_85 = vector.shape_cast %add3A_80 : vector<16xf32> to vector<1x16xf32>
      tpu.vector_store %arg10[%swap3A_81, %swap3A_82], %swap3A_85 {strides = array<i32>} : memref<32x768xf32, #tpu.memory_space<vmem>>, vector<1x16xf32>,
      %get3A_86 = arith.index_cast %scan3A_44 : i32 to index
      %get3A_87 = arith.constant 48 : index
      %get3A_88 = tpu.vector_load %arg8[%get3A_86, %get3A_87] {strides = array<i32>} : memref<32x768xf32, #tpu.memory_space<vmem>>, vector<1x16xf32>,
      %get3A_89 = vector.shape_cast %get3A_88 : vector<1x16xf32> to vector<16xf32>
      %get3A_90 = arith.index_cast %scan3A_44 : i32 to index
      %get3A_91 = arith.constant 48 : index
      %get3A_92 = tpu.vector_load %arg9[%get3A_90, %get3A_91] {strides = array<i32>} : memref<32x768xf32, #tpu.memory_space<vmem>>, vector<1x16xf32>,
      %get3A_93 = vector.shape_cast %get3A_92 : vector<1x16xf32> to vector<16xf32>
      %add3A_94 = arith.addf %get3A_89, %get3A_93 : vector<16xf32>
      %swap3A_95 = arith.index_cast %scan3A_44 : i32 to index
      %swap3A_96 = arith.constant 48 : index
      %swap3A_97 = tpu.vector_load %arg10[%swap3A_95, %swap3A_96] {strides = array<i32>} : memref<32x768xf32, #tpu.memory_space<vmem>>, vector<1x16xf32>,
      %swap3A_98 = vector.shape_cast %swap3A_97 : vector<1x16xf32> to vector<16xf32>
      %swap3A_99 = vector.shape_cast %add3A_94 : vector<16xf32> to vector<1x16xf32>
      tpu.vector_store %arg10[%swap3A_95, %swap3A_96], %swap3A_99 {strides = array<i32>} : memref<32x768xf32, #tpu.memory_space<vmem>>, vector<1x16xf32>,
      %get3A_100 = arith.index_cast %scan3A_44 : i32 to index
      %get3A_101 = arith.constant 64 : index
      %get3A_102 = tpu.vector_load %arg8[%get3A_100, %get3A_101] {strides = array<i32>} : memref<32x768xf32, #tpu.memory_space<vmem>>, vector<1x16xf32>,
      %get3A_103 = vector.shape_cast %get3A_102 : vector<1x16xf32> to vector<16xf32>
      %get3A_104 = arith.index_cast %scan3A_44 : i32 to index
      %get3A_105 = arith.constant 64 : index
      %get3A_106 = tpu.vector_load %arg9[%get3A_104, %get3A_105] {strides = array<i32>} : memref<32x768xf32, #tpu.memory_space<vmem>>, vector<1x16xf32>,
      %get3A_107 = vector.shape_cast %get3A_106 : vector<1x16xf32> to vector<16xf32>
      %add3A_108 = arith.addf %get3A_103, %get3A_107 : vector<16xf32>
      %swap3A_109 = arith.index_cast %scan3A_44 : i32 to index
      %swap3A_110 = arith.constant 64 : index
      %swap3A_111 = tpu.vector_load %arg10[%swap3A_109, %swap3A_110] {strides = array<i32>} : memref<32x768xf32, #tpu.memory_space<vmem>>, vector<1x16xf32>,
      %swap3A_112 = vector.shape_cast %swap3A_111 : vector<1x16xf32> to vector<16xf32>
      %swap3A_113 = vector.shape_cast %add3A_108 : vector<16xf32> to vector<1x16xf32>
      tpu.vector_store %arg10[%swap3A_109, %swap3A_110], %swap3A_113 {strides = array<i32>} : memref<32x768xf32, #tpu.memory_space<vmem>>, vector<1x16xf32>,
      %get3A_114 = arith.index_cast %scan3A_44 : i32 to index
      %get3A_115 = arith.constant 80 : index
      %get3A_116 = tpu.vector_load %arg8[%get3A_114, %get3A_115] {strides = array<i32>} : memref<32x768xf32, #tpu.memory_space<vmem>>, vector<1x16xf32>,
      %get3A_117 = vector.shape_cast %get3A_116 : vector<1x16xf32> to vector<16xf32>
      %get3A_118 = arith.index_cast %scan3A_44 : i32 to index
      %get3A_119 = arith.constant 80 : index
      %get3A_120 = tpu.vector_load %arg9[%get3A_118, %get3A_119] {strides = array<i32>} : memref<32x768xf32, #tpu.memory_space<vmem>>, vector<1x16xf32>,
      %get3A_121 = vector.shape_cast %get3A_120 : vector<1x16xf32> to vector<16xf32>
      %add3A_122 = arith.addf %get3A_117, %get3A_121 : vector<16xf32>
      %swap3A_123 = arith.index_cast %scan3A_44 : i32 to index
      %swap3A_124 = arith.constant 80 : index
      %swap3A_125 = tpu.vector_load %arg10[%swap3A_123, %swap3A_124] {strides = array<i32>} : memref<32x768xf32, #tpu.memory_space<vmem>>, vector<1x16xf32>,
      %swap3A_126 = vector.shape_cast %swap3A_125 : vector<1x16xf32> to vector<16xf32>
      %swap3A_127 = vector.shape_cast %add3A_122 : vector<16xf32> to vector<1x16xf32>
      tpu.vector_store %arg10[%swap3A_123, %swap3A_124], %swap3A_127 {strides = array<i32>} : memref<32x768xf32, #tpu.memory_space<vmem>>, vector<1x16xf32>,
      %get3A_128 = arith.index_cast %scan3A_44 : i32 to index
      %get3A_129 = arith.constant 96 : index
      %get3A_130 = tpu.vector_load %arg8[%get3A_128, %get3A_129] {strides = array<i32>} : memref<32x768xf32, #tpu.memory_space<vmem>>, vector<1x16xf32>,
      %get3A_131 = vector.shape_cast %get3A_130 : vector<1x16xf32> to vector<16xf32>
      %get3A_132 = arith.index_cast %scan3A_44 : i32 to index
      %get3A_133 = arith.constant 96 : index
      %get3A_134 = tpu.vector_load %arg9[%get3A_132, %get3A_133] {strides = array<i32>} : memref<32x768xf32, #tpu.memory_space<vmem>>, vector<1x16xf32>,
      %get3A_135 = vector.shape_cast %get3A_134 : vector<1x16xf32> to vector<16xf32>
      %add3A_136 = arith.addf %get3A_131, %get3A_135 : vector<16xf32>
      %swap3A_137 = arith.index_cast %scan3A_44 : i32 to index
      %swap3A_138 = arith.constant 96 : index
      %swap3A_139 = tpu.vector_load %arg10[%swap3A_137, %swap3A_138] {strides = array<i32>} : memref<32x768xf32, #tpu.memory_space<vmem>>, vector<1x16xf32>,
      %swap3A_140 = vector.shape_cast %swap3A_139 : vector<1x16xf32> to vector<16xf32>
      %swap3A_141 = vector.shape_cast %add3A_136 : vector<16xf32> to vector<1x16xf32>
      tpu.vector_store %arg10[%swap3A_137, %swap3A_138], %swap3A_141 {strides = array<i32>} : memref<32x768xf32, #tpu.memory_space<vmem>>, vector<1x16xf32>,
      %get3A_142 = arith.index_cast %scan3A_44 : i32 to index
      %get3A_143 = arith.constant 112 : index
      %get3A_144 = tpu.vector_load %arg8[%get3A_142, %get3A_143] {strides = array<i32>} : memref<32x768xf32, #tpu.memory_space<vmem>>, vector<1x16xf32>,
      %get3A_145 = vector.shape_cast %get3A_144 : vector<1x16xf32> to vector<16xf32>
      %get3A_146 = arith.index_cast %scan3A_44 : i32 to index
      %get3A_147 = arith.constant 112 : index
      %get3A_148 = tpu.vector_load %arg9[%get3A_146, %get3A_147] {strides = array<i32>} : memref<32x768xf32, #tpu.memory_space<vmem>>, vector<1x16xf32>,
      %get3A_149 = vector.shape_cast %get3A_148 : vector<1x16xf32> to vector<16xf32>
      %add3A_150 = arith.addf %get3A_145, %get3A_149 : vector<16xf32>
      %swap3A_151 = arith.index_cast %scan3A_44 : i32 to index
      %swap3A_152 = arith.constant 112 : index
      %swap3A_153 = tpu.vector_load %arg10[%swap3A_151, %swap3A_152] {strides = array<i32>} : memref<32x768xf32, #tpu.memory_space<vmem>>, vector<1x16xf32>,
      %swap3A_154 = vector.shape_cast %swap3A_153 : vector<1x16xf32> to vector<16xf32>
      %swap3A_155 = vector.shape_cast %add3A_150 : vector<16xf32> to vector<1x16xf32>
      tpu.vector_store %arg10[%swap3A_151, %swap3A_152], %swap3A_155 {strides = array<i32>} : memref<32x768xf32, #tpu.memory_space<vmem>>, vector<1x16xf32>,
      %get3A_156 = arith.index_cast %scan3A_44 : i32 to index
      %get3A_157 = arith.constant 128 : index
      %get3A_158 = tpu.vector_load %arg8[%get3A_156, %get3A_157] {strides = array<i32>} : memref<32x768xf32, #tpu.memory_space<vmem>>, vector<1x16xf32>,
      %get3A_159 = vector.shape_cast %get3A_158 : vector<1x16xf32> to vector<16xf32>
      %get3A_160 = arith.index_cast %scan3A_44 : i32 to index
      %get3A_161 = arith.constant 128 : index
      %get3A_162 = tpu.vector_load %arg9[%get3A_160, %get3A_161] {strides = array<i32>} : memref<32x768xf32, #tpu.memory_space<vmem>>, vector<1x16xf32>,
      %get3A_163 = vector.shape_cast %get3A_162 : vector<1x16xf32> to vector<16xf32>
      %add3A_164 = arith.addf %get3A_159, %get3A_163 : vector<16xf32>
      %swap3A_165 = arith.index_cast %scan3A_44 : i32 to index
      %swap3A_166 = arith.constant 128 : index
      %swap3A_167 = tpu.vector_load %arg10[%swap3A_165, %swap3A_166] {strides = array<i32>} : memref<32x768xf32, #tpu.memory_space<vmem>>, vector<1x16xf32>,
      %swap3A_168 = vector.shape_cast %swap3A_167 : vector<1x16xf32> to vector<16xf32>
      %swap3A_169 = vector.shape_cast %add3A_164 : vector<16xf32> to vector<1x16xf32>
      tpu.vector_store %arg10[%swap3A_165, %swap3A_166], %swap3A_169 {strides = array<i32>} : memref<32x768xf32, #tpu.memory_space<vmem>>, vector<1x16xf32>,
      %get3A_170 = arith.index_cast %scan3A_44 : i32 to index
      %get3A_171 = arith.constant 144 : index
      %get3A_172 = tpu.vector_load %arg8[%get3A_170, %get3A_171] {strides = array<i32>} : memref<32x768xf32, #tpu.memory_space<vmem>>, vector<1x16xf32>,
      %get3A_173 = vector.shape_cast %get3A_172 : vector<1x16xf32> to vector<16xf32>
      %get3A_174 = arith.index_cast %scan3A_44 : i32 to index
      %get3A_175 = arith.constant 144 : index
      %get3A_176 = tpu.vector_load %arg9[%get3A_174, %get3A_175] {strides = array<i32>} : memref<32x768xf32, #tpu.memory_space<vmem>>, vector<1x16xf32>,
      %get3A_177 = vector.shape_cast %get3A_176 : vector<1x16xf32> to vector<16xf32>
      %add3A_178 = arith.addf %get3A_173, %get3A_177 : vector<16xf32>
      %swap3A_179 = arith.index_cast %scan3A_44 : i32 to index
      %swap3A_180 = arith.constant 144 : index
      %swap3A_181 = tpu.vector_load %arg10[%swap3A_179, %swap3A_180] {strides = array<i32>} : memref<32x768xf32, #tpu.memory_space<vmem>>, vector<1x16xf32>,
      %swap3A_182 = vector.shape_cast %swap3A_181 : vector<1x16xf32> to vector<16xf32>
      %swap3A_183 = vector.shape_cast %add3A_178 : vector<16xf32> to vector<1x16xf32>
      tpu.vector_store %arg10[%swap3A_179, %swap3A_180], %swap3A_183 {strides = array<i32>} : memref<32x768xf32, #tpu.memory_space<vmem>>, vector<1x16xf32>,
      %get3A_184 = arith.index_cast %scan3A_44 : i32 to index
      %get3A_185 = arith.constant 160 : index
      %get3A_186 = tpu.vector_load %arg8[%get3A_184, %get3A_185] {strides = array<i32>} : memref<32x768xf32, #tpu.memory_space<vmem>>, vector<1x16xf32>,
      %get3A_187 = vector.shape_cast %get3A_186 : vector<1x16xf32> to vector<16xf32>
      %get3A_188 = arith.index_cast %scan3A_44 : i32 to index
      %get3A_189 = arith.constant 160 : index
      %get3A_190 = tpu.vector_load %arg9[%get3A_188, %get3A_189] {strides = array<i32>} : memref<32x768xf32, #tpu.memory_space<vmem>>, vector<1x16xf32>,
      %get3A_191 = vector.shape_cast %get3A_190 : vector<1x16xf32> to vector<16xf32>
      %add3A_192 = arith.addf %get3A_187, %get3A_191 : vector<16xf32>
      %swap3A_193 = arith.index_cast %scan3A_44 : i32 to index
      %swap3A_194 = arith.constant 160 : index
      %swap3A_195 = tpu.vector_load %arg10[%swap3A_193, %swap3A_194] {strides = array<i32>} : memref<32x768xf32, #tpu.memory_space<vmem>>, vector<1x16xf32>,
      %swap3A_196 = vector.shape_cast %swap3A_195 : vector<1x16xf32> to vector<16xf32>
      %swap3A_197 = vector.shape_cast %add3A_192 : vector<16xf32> to vector<1x16xf32>
      tpu.vector_store %arg10[%swap3A_193, %swap3A_194], %swap3A_197 {strides = array<i32>} : memref<32x768xf32, #tpu.memory_space<vmem>>, vector<1x16xf32>,
      %get3A_198 = arith.index_cast %scan3A_44 : i32 to index
      %get3A_199 = arith.constant 176 : index
      %get3A_200 = tpu.vector_load %arg8[%get3A_198, %get3A_199] {strides = array<i32>} : memref<32x768xf32, #tpu.memory_space<vmem>>, vector<1x16xf32>,
      %get3A_201 = vector.shape_cast %get3A_200 : vector<1x16xf32> to vector<16xf32>
      %get3A_202 = arith.index_cast %scan3A_44 : i32 to index
      %get3A_203 = arith.constant 176 : index
      %get3A_204 = tpu.vector_load %arg9[%get3A_202, %get3A_203] {strides = array<i32>} : memref<32x768xf32, #tpu.memory_space<vmem>>, vector<1x16xf32>,
      %get3A_205 = vector.shape_cast %get3A_204 : vector<1x16xf32> to vector<16xf32>
      %add3A_206 = arith.addf %get3A_201, %get3A_205 : vector<16xf32>
      %swap3A_207 = arith.index_cast %scan3A_44 : i32 to index
      %swap3A_208 = arith.constant 176 : index
      %swap3A_209 = tpu.vector_load %arg10[%swap3A_207, %swap3A_208] {strides = array<i32>} : memref<32x768xf32, #tpu.memory_space<vmem>>, vector<1x16xf32>,
      %swap3A_210 = vector.shape_cast %swap3A_209 : vector<1x16xf32> to vector<16xf32>
      %swap3A_211 = vector.shape_cast %add3A_206 : vector<16xf32> to vector<1x16xf32>
      tpu.vector_store %arg10[%swap3A_207, %swap3A_208], %swap3A_211 {strides = array<i32>} : memref<32x768xf32, #tpu.memory_space<vmem>>, vector<1x16xf32>,
      %get3A_212 = arith.index_cast %scan3A_44 : i32 to index
      %get3A_213 = arith.constant 192 : index
      %get3A_214 = tpu.vector_load %arg8[%get3A_212, %get3A_213] {strides = array<i32>} : memref<32x768xf32, #tpu.memory_space<vmem>>, vector<1x16xf32>,
      %get3A_215 = vector.shape_cast %get3A_214 : vector<1x16xf32> to vector<16xf32>
      %get3A_216 = arith.index_cast %scan3A_44 : i32 to index
      %get3A_217 = arith.constant 192 : index
      %get3A_218 = tpu.vector_load %arg9[%get3A_216, %get3A_217] {strides = array<i32>} : memref<32x768xf32, #tpu.memory_space<vmem>>, vector<1x16xf32>,
      %get3A_219 = vector.shape_cast %get3A_218 : vector<1x16xf32> to vector<16xf32>
      %add3A_220 = arith.addf %get3A_215, %get3A_219 : vector<16xf32>
      %swap3A_221 = arith.index_cast %scan3A_44 : i32 to index
      %swap3A_222 = arith.constant 192 : index
      %swap3A_223 = tpu.vector_load %arg10[%swap3A_221, %swap3A_222] {strides = array<i32>} : memref<32x768xf32, #tpu.memory_space<vmem>>, vector<1x16xf32>,
      %swap3A_224 = vector.shape_cast %swap3A_223 : vector<1x16xf32> to vector<16xf32>
      %swap3A_225 = vector.shape_cast %add3A_220 : vector<16xf32> to vector<1x16xf32>
      tpu.vector_store %arg10[%swap3A_221, %swap3A_222], %swap3A_225 {strides = array<i32>} : memref<32x768xf32, #tpu.memory_space<vmem>>, vector<1x16xf32>,
      %get3A_226 = arith.index_cast %scan3A_44 : i32 to index
      %get3A_227 = arith.constant 208 : index
      %get3A_228 = tpu.vector_load %arg8[%get3A_226, %get3A_227] {strides = array<i32>} : memref<32x768xf32, #tpu.memory_space<vmem>>, vector<1x16xf32>,
      %get3A_229 = vector.shape_cast %get3A_228 : vector<1x16xf32> to vector<16xf32>
      %get3A_230 = arith.index_cast %scan3A_44 : i32 to index
      %get3A_231 = arith.constant 208 : index
      %get3A_232 = tpu.vector_load %arg9[%get3A_230, %get3A_231] {strides = array<i32>} : memref<32x768xf32, #tpu.memory_space<vmem>>, vector<1x16xf32>,
      %get3A_233 = vector.shape_cast %get3A_232 : vector<1x16xf32> to vector<16xf32>
      %add3A_234 = arith.addf %get3A_229, %get3A_233 : vector<16xf32>
      %swap3A_235 = arith.index_cast %scan3A_44 : i32 to index
      %swap3A_236 = arith.constant 208 : index
      %swap3A_237 = tpu.vector_load %arg10[%swap3A_235, %swap3A_236] {strides = array<i32>} : memref<32x768xf32, #tpu.memory_space<vmem>>, vector<1x16xf32>,
      %swap3A_238 = vector.shape_cast %swap3A_237 : vector<1x16xf32> to vector<16xf32>
      %swap3A_239 = vector.shape_cast %add3A_234 : vector<16xf32> to vector<1x16xf32>
      tpu.vector_store %arg10[%swap3A_235, %swap3A_236], %swap3A_239 {strides = array<i32>} : memref<32x768xf32, #tpu.memory_space<vmem>>, vector<1x16xf32>,
      %get3A_240 = arith.index_cast %scan3A_44 : i32 to index
      %get3A_241 = arith.constant 224 : index
      %get3A_242 = tpu.vector_load %arg8[%get3A_240, %get3A_241] {strides = array<i32>} : memref<32x768xf32, #tpu.memory_space<vmem>>, vector<1x16xf32>,
      %get3A_243 = vector.shape_cast %get3A_242 : vector<1x16xf32> to vector<16xf32>
      %get3A_244 = arith.index_cast %scan3A_44 : i32 to index
      %get3A_245 = arith.constant 224 : index
      %get3A_246 = tpu.vector_load %arg9[%get3A_244, %get3A_245] {strides = array<i32>} : memref<32x768xf32, #tpu.memory_space<vmem>>, vector<1x16xf32>,
      %get3A_247 = vector.shape_cast %get3A_246 : vector<1x16xf32> to vector<16xf32>
      %add3A_248 = arith.addf %get3A_243, %get3A_247 : vector<16xf32>
      %swap3A_249 = arith.index_cast %scan3A_44 : i32 to index
      %swap3A_250 = arith.constant 224 : index
      %swap3A_251 = tpu.vector_load %arg10[%swap3A_249, %swap3A_250] {strides = array<i32>} : memref<32x768xf32, #tpu.memory_space<vmem>>, vector<1x16xf32>,
      %swap3A_252 = vector.shape_cast %swap3A_251 : vector<1x16xf32> to vector<16xf32>
      %swap3A_253 = vector.shape_cast %add3A_248 : vector<16xf32> to vector<1x16xf32>
      tpu.vector_store %arg10[%swap3A_249, %swap3A_250], %swap3A_253 {strides = array<i32>} : memref<32x768xf32, #tpu.memory_space<vmem>>, vector<1x16xf32>,
      %get3A_254 = arith.index_cast %scan3A_44 : i32 to index
      %get3A_255 = arith.constant 240 : index
      %get3A_256 = tpu.vector_load %arg8[%get3A_254, %get3A_255] {strides = array<i32>} : memref<32x768xf32, #tpu.memory_space<vmem>>, vector<1x16xf32>,
      %get3A_257 = vector.shape_cast %get3A_256 : vector<1x16xf32> to vector<16xf32>
      %get3A_258 = arith.index_cast %scan3A_44 : i32 to index
      %get3A_259 = arith.constant 240 : index
      %get3A_260 = tpu.vector_load %arg9[%get3A_258, %get3A_259] {strides = array<i32>} : memref<32x768xf32, #tpu.memory_space<vmem>>, vector<1x16xf32>,
      %get3A_261 = vector.shape_cast %get3A_260 : vector<1x16xf32> to vector<16xf32>
      %add3A_262 = arith.addf %get3A_257, %get3A_261 : vector<16xf32>
      %swap3A_263 = arith.index_cast %scan3A_44 : i32 to index
      %swap3A_264 = arith.constant 240 : index
      %swap3A_265 = tpu.vector_load %arg10[%swap3A_263, %swap3A_264] {strides = array<i32>} : memref<32x768xf32, #tpu.memory_space<vmem>>, vector<1x16xf32>,
      %swap3A_266 = vector.shape_cast %swap3A_265 : vector<1x16xf32> to vector<16xf32>
      %swap3A_267 = vector.shape_cast %add3A_262 : vector<16xf32> to vector<1x16xf32>
      tpu.vector_store %arg10[%swap3A_263, %swap3A_264], %swap3A_267 {strides = array<i32>} : memref<32x768xf32, #tpu.memory_space<vmem>>, vector<1x16xf32>,
      %get3A_268 = arith.index_cast %scan3A_44 : i32 to index
      %get3A_269 = arith.constant 256 : index
      %get3A_270 = tpu.vector_load %arg8[%get3A_268, %get3A_269] {strides = array<i32>} : memref<32x768xf32, #tpu.memory_space<vmem>>, vector<1x16xf32>,
      %get3A_271 = vector.shape_cast %get3A_270 : vector<1x16xf32> to vector<16xf32>
      %get3A_272 = arith.index_cast %scan3A_44 : i32 to index
      %get3A_273 = arith.constant 256 : index
      %get3A_274 = tpu.vector_load %arg9[%get3A_272, %get3A_273] {strides = array<i32>} : memref<32x768xf32, #tpu.memory_space<vmem>>, vector<1x16xf32>,
      %get3A_275 = vector.shape_cast %get3A_274 : vector<1x16xf32> to vector<16xf32>
      %add3A_276 = arith.addf %get3A_271, %get3A_275 : vector<16xf32>
      %swap3A_277 = arith.index_cast %scan3A_44 : i32 to index
      %swap3A_278 = arith.constant 256 : index
      %swap3A_279 = tpu.vector_load %arg10[%swap3A_277, %swap3A_278] {strides = array<i32>} : memref<32x768xf32, #tpu.memory_space<vmem>>, vector<1x16xf32>,
      %swap3A_280 = vector.shape_cast %swap3A_279 : vector<1x16xf32> to vector<16xf32>
      %swap3A_281 = vector.shape_cast %add3A_276 : vector<16xf32> to vector<1x16xf32>
      tpu.vector_store %arg10[%swap3A_277, %swap3A_278], %swap3A_281 {strides = array<i32>} : memref<32x768xf32, #tpu.memory_space<vmem>>, vector<1x16xf32>,
      %get3A_282 = arith.index_cast %scan3A_44 : i32 to index
      %get3A_283 = arith.constant 272 : index
      %get3A_284 = tpu.vector_load %arg8[%get3A_282, %get3A_283] {strides = array<i32>} : memref<32x768xf32, #tpu.memory_space<vmem>>, vector<1x16xf32>,
      %get3A_285 = vector.shape_cast %get3A_284 : vector<1x16xf32> to vector<16xf32>
      %get3A_286 = arith.index_cast %scan3A_44 : i32 to index
      %get3A_287 = arith.constant 272 : index
      %get3A_288 = tpu.vector_load %arg9[%get3A_286, %get3A_287] {strides = array<i32>} : memref<32x768xf32, #tpu.memory_space<vmem>>, vector<1x16xf32>,
      %get3A_289 = vector.shape_cast %get3A_288 : vector<1x16xf32> to vector<16xf32>
      %add3A_290 = arith.addf %get3A_285, %get3A_289 : vector<16xf32>
      %swap3A_291 = arith.index_cast %scan3A_44 : i32 to index
      %swap3A_292 = arith.constant 272 : index
      %swap3A_293 = tpu.vector_load %arg10[%swap3A_291, %swap3A_292] {strides = array<i32>} : memref<32x768xf32, #tpu.memory_space<vmem>>, vector<1x16xf32>,
      %swap3A_294 = vector.shape_cast %swap3A_293 : vector<1x16xf32> to vector<16xf32>
      %swap3A_295 = vector.shape_cast %add3A_290 : vector<16xf32> to vector<1x16xf32>
      tpu.vector_store %arg10[%swap3A_291, %swap3A_292], %swap3A_295 {strides = array<i32>} : memref<32x768xf32, #tpu.memory_space<vmem>>, vector<1x16xf32>,
      %get3A_296 = arith.index_cast %scan3A_44 : i32 to index
      %get3A_297 = arith.constant 288 : index
      %get3A_298 = tpu.vector_load %arg8[%get3A_296, %get3A_297] {strides = array<i32>} : memref<32x768xf32, #tpu.memory_space<vmem>>, vector<1x16xf32>,
      %get3A_299 = vector.shape_cast %get3A_298 : vector<1x16xf32> to vector<16xf32>
      %get3A_300 = arith.index_cast %scan3A_44 : i32 to index
      %get3A_301 = arith.constant 288 : index
      %get3A_302 = tpu.vector_load %arg9[%get3A_300, %get3A_301] {strides = array<i32>} : memref<32x768xf32, #tpu.memory_space<vmem>>, vector<1x16xf32>,
      %get3A_303 = vector.shape_cast %get3A_302 : vector<1x16xf32> to vector<16xf32>
      %add3A_304 = arith.addf %get3A_299, %get3A_303 : vector<16xf32>
      %swap3A_305 = arith.index_cast %scan3A_44 : i32 to index
      %swap3A_306 = arith.constant 288 : index
      %swap3A_307 = tpu.vector_load %arg10[%swap3A_305, %swap3A_306] {strides = array<i32>} : memref<32x768xf32, #tpu.memory_space<vmem>>, vector<1x16xf32>,
      %swap3A_308 = vector.shape_cast %swap3A_307 : vector<1x16xf32> to vector<16xf32>
      %swap3A_309 = vector.shape_cast %add3A_304 : vector<16xf32> to vector<1x16xf32>
      tpu.vector_store %arg10[%swap3A_305, %swap3A_306], %swap3A_309 {strides = array<i32>} : memref<32x768xf32, #tpu.memory_space<vmem>>, vector<1x16xf32>,
      %get3A_310 = arith.index_cast %scan3A_44 : i32 to index
      %get3A_311 = arith.constant 304 : index
      %get3A_312 = tpu.vector_load %arg8[%get3A_310, %get3A_311] {strides = array<i32>} : memref<32x768xf32, #tpu.memory_space<vmem>>, vector<1x16xf32>,
      %get3A_313 = vector.shape_cast %get3A_312 : vector<1x16xf32> to vector<16xf32>
      %get3A_314 = arith.index_cast %scan3A_44 : i32 to index
      %get3A_315 = arith.constant 304 : index
      %get3A_316 = tpu.vector_load %arg9[%get3A_314, %get3A_315] {strides = array<i32>} : memref<32x768xf32, #tpu.memory_space<vmem>>, vector<1x16xf32>,
      %get3A_317 = vector.shape_cast %get3A_316 : vector<1x16xf32> to vector<16xf32>
      %add3A_318 = arith.addf %get3A_313, %get3A_317 : vector<16xf32>
      %swap3A_319 = arith.index_cast %scan3A_44 : i32 to index
      %swap3A_320 = arith.constant 304 : index
      %swap3A_321 = tpu.vector_load %arg10[%swap3A_319, %swap3A_320] {strides = array<i32>} : memref<32x768xf32, #tpu.memory_space<vmem>>, vector<1x16xf32>,
      %swap3A_322 = vector.shape_cast %swap3A_321 : vector<1x16xf32> to vector<16xf32>
      %swap3A_323 = vector.shape_cast %add3A_318 : vector<16xf32> to vector<1x16xf32>
      tpu.vector_store %arg10[%swap3A_319, %swap3A_320], %swap3A_323 {strides = array<i32>} : memref<32x768xf32, #tpu.memory_space<vmem>>, vector<1x16xf32>,
      %get3A_324 = arith.index_cast %scan3A_44 : i32 to index
      %get3A_325 = arith.constant 320 : index
      %get3A_326 = tpu.vector_load %arg8[%get3A_324, %get3A_325] {strides = array<i32>} : memref<32x768xf32, #tpu.memory_space<vmem>>, vector<1x16xf32>,
      %get3A_327 = vector.shape_cast %get3A_326 : vector<1x16xf32> to vector<16xf32>
      %get3A_328 = arith.index_cast %scan3A_44 : i32 to index
      %get3A_329 = arith.constant 320 : index
      %get3A_330 = tpu.vector_load %arg9[%get3A_328, %get3A_329] {strides = array<i32>} : memref<32x768xf32, #tpu.memory_space<vmem>>, vector<1x16xf32>,
      %get3A_331 = vector.shape_cast %get3A_330 : vector<1x16xf32> to vector<16xf32>
      %add3A_332 = arith.addf %get3A_327, %get3A_331 : vector<16xf32>
      %swap3A_333 = arith.index_cast %scan3A_44 : i32 to index
      %swap3A_334 = arith.constant 320 : index
      %swap3A_335 = tpu.vector_load %arg10[%swap3A_333, %swap3A_334] {strides = array<i32>} : memref<32x768xf32, #tpu.memory_space<vmem>>, vector<1x16xf32>,
      %swap3A_336 = vector.shape_cast %swap3A_335 : vector<1x16xf32> to vector<16xf32>
      %swap3A_337 = vector.shape_cast %add3A_332 : vector<16xf32> to vector<1x16xf32>
      tpu.vector_store %arg10[%swap3A_333, %swap3A_334], %swap3A_337 {strides = array<i32>} : memref<32x768xf32, #tpu.memory_space<vmem>>, vector<1x16xf32>,
      %get3A_338 = arith.index_cast %scan3A_44 : i32 to index
      %get3A_339 = arith.constant 336 : index
      %get3A_340 = tpu.vector_load %arg8[%get3A_338, %get3A_339] {strides = array<i32>} : memref<32x768xf32, #tpu.memory_space<vmem>>, vector<1x16xf32>,
      %get3A_341 = vector.shape_cast %get3A_340 : vector<1x16xf32> to vector<16xf32>
      %get3A_342 = arith.index_cast %scan3A_44 : i32 to index
      %get3A_343 = arith.constant 336 : index
      %get3A_344 = tpu.vector_load %arg9[%get3A_342, %get3A_343] {strides = array<i32>} : memref<32x768xf32, #tpu.memory_space<vmem>>, vector<1x16xf32>,
      %get3A_345 = vector.shape_cast %get3A_344 : vector<1x16xf32> to vector<16xf32>
      %add3A_346 = arith.addf %get3A_341, %get3A_345 : vector<16xf32>
      %swap3A_347 = arith.index_cast %scan3A_44 : i32 to index
      %swap3A_348 = arith.constant 336 : index
      %swap3A_349 = tpu.vector_load %arg10[%swap3A_347, %swap3A_348] {strides = array<i32>} : memref<32x768xf32, #tpu.memory_space<vmem>>, vector<1x16xf32>,
      %swap3A_350 = vector.shape_cast %swap3A_349 : vector<1x16xf32> to vector<16xf32>
      %swap3A_351 = vector.shape_cast %add3A_346 : vector<16xf32> to vector<1x16xf32>
      tpu.vector_store %arg10[%swap3A_347, %swap3A_348], %swap3A_351 {strides = array<i32>} : memref<32x768xf32, #tpu.memory_space<vmem>>, vector<1x16xf32>,
      %get3A_352 = arith.index_cast %scan3A_44 : i32 to index
      %get3A_353 = arith.constant 352 : index
      %get3A_354 = tpu.vector_load %arg8[%get3A_352, %get3A_353] {strides = array<i32>} : memref<32x768xf32, #tpu.memory_space<vmem>>, vector<1x16xf32>,
      %get3A_355 = vector.shape_cast %get3A_354 : vector<1x16xf32> to vector<16xf32>
      %get3A_356 = arith.index_cast %scan3A_44 : i32 to index
      %get3A_357 = arith.constant 352 : index
      %get3A_358 = tpu.vector_load %arg9[%get3A_356, %get3A_357] {strides = array<i32>} : memref<32x768xf32, #tpu.memory_space<vmem>>, vector<1x16xf32>,
      %get3A_359 = vector.shape_cast %get3A_358 : vector<1x16xf32> to vector<16xf32>
      %add3A_360 = arith.addf %get3A_355, %get3A_359 : vector<16xf32>
      %swap3A_361 = arith.index_cast %scan3A_44 : i32 to index
      %swap3A_362 = arith.constant 352 : index
      %swap3A_363 = tpu.vector_load %arg10[%swap3A_361, %swap3A_362] {strides = array<i32>} : memref<32x768xf32, #tpu.memory_space<vmem>>, vector<1x16xf32>,
      %swap3A_364 = vector.shape_cast %swap3A_363 : vector<1x16xf32> to vector<16xf32>
      %swap3A_365 = vector.shape_cast %add3A_360 : vector<16xf32> to vector<1x16xf32>
      tpu.vector_store %arg10[%swap3A_361, %swap3A_362], %swap3A_365 {strides = array<i32>} : memref<32x768xf32, #tpu.memory_space<vmem>>, vector<1x16xf32>,
      %get3A_366 = arith.index_cast %scan3A_44 : i32 to index
      %get3A_367 = arith.constant 368 : index
      %get3A_368 = tpu.vector_load %arg8[%get3A_366, %get3A_367] {strides = array<i32>} : memref<32x768xf32, #tpu.memory_space<vmem>>, vector<1x16xf32>,
      %get3A_369 = vector.shape_cast %get3A_368 : vector<1x16xf32> to vector<16xf32>
      %get3A_370 = arith.index_cast %scan3A_44 : i32 to index
      %get3A_371 = arith.constant 368 : index
      %get3A_372 = tpu.vector_load %arg9[%get3A_370, %get3A_371] {strides = array<i32>} : memref<32x768xf32, #tpu.memory_space<vmem>>, vector<1x16xf32>,
      %get3A_373 = vector.shape_cast %get3A_372 : vector<1x16xf32> to vector<16xf32>
      %add3A_374 = arith.addf %get3A_369, %get3A_373 : vector<16xf32>
      %swap3A_375 = arith.index_cast %scan3A_44 : i32 to index
      %swap3A_376 = arith.constant 368 : index
      %swap3A_377 = tpu.vector_load %arg10[%swap3A_375, %swap3A_376] {strides = array<i32>} : memref<32x768xf32, #tpu.memory_space<vmem>>, vector<1x16xf32>,
      %swap3A_378 = vector.shape_cast %swap3A_377 : vector<1x16xf32> to vector<16xf32>
      %swap3A_379 = vector.shape_cast %add3A_374 : vector<16xf32> to vector<1x16xf32>
      tpu.vector_store %arg10[%swap3A_375, %swap3A_376], %swap3A_379 {strides = array<i32>} : memref<32x768xf32, #tpu.memory_space<vmem>>, vector<1x16xf32>,
      %get3A_380 = arith.index_cast %scan3A_44 : i32 to index
      %get3A_381 = arith.constant 384 : index
      %get3A_382 = tpu.vector_load %arg8[%get3A_380, %get3A_381] {strides = array<i32>} : memref<32x768xf32, #tpu.memory_space<vmem>>, vector<1x16xf32>,
      %get3A_383 = vector.shape_cast %get3A_382 : vector<1x16xf32> to vector<16xf32>
      %get3A_384 = arith.index_cast %scan3A_44 : i32 to index
      %get3A_385 = arith.constant 384 : index
      %get3A_386 = tpu.vector_load %arg9[%get3A_384, %get3A_385] {strides = array<i32>} : memref<32x768xf32, #tpu.memory_space<vmem>>, vector<1x16xf32>,
      %get3A_387 = vector.shape_cast %get3A_386 : vector<1x16xf32> to vector<16xf32>
      %add3A_388 = arith.addf %get3A_383, %get3A_387 : vector<16xf32>
      %swap3A_389 = arith.index_cast %scan3A_44 : i32 to index
      %swap3A_390 = arith.constant 384 : index
      %swap3A_391 = tpu.vector_load %arg10[%swap3A_389, %swap3A_390] {strides = array<i32>} : memref<32x768xf32, #tpu.memory_space<vmem>>, vector<1x16xf32>,
      %swap3A_392 = vector.shape_cast %swap3A_391 : vector<1x16xf32> to vector<16xf32>
      %swap3A_393 = vector.shape_cast %add3A_388 : vector<16xf32> to vector<1x16xf32>
      tpu.vector_store %arg10[%swap3A_389, %swap3A_390], %swap3A_393 {strides = array<i32>} : memref<32x768xf32, #tpu.memory_space<vmem>>, vector<1x16xf32>,
      %get3A_394 = arith.index_cast %scan3A_44 : i32 to index
      %get3A_395 = arith.constant 400 : index
      %get3A_396 = tpu.vector_load %arg8[%get3A_394, %get3A_395] {strides = array<i32>} : memref<32x768xf32, #tpu.memory_space<vmem>>, vector<1x16xf32>,
      %get3A_397 = vector.shape_cast %get3A_396 : vector<1x16xf32> to vector<16xf32>
      %get3A_398 = arith.index_cast %scan3A_44 : i32 to index
      %get3A_399 = arith.constant 400 : index
      %get3A_400 = tpu.vector_load %arg9[%get3A_398, %get3A_399] {strides = array<i32>} : memref<32x768xf32, #tpu.memory_space<vmem>>, vector<1x16xf32>,
      %get3A_401 = vector.shape_cast %get3A_400 : vector<1x16xf32> to vector<16xf32>
      %add3A_402 = arith.addf %get3A_397, %get3A_401 : vector<16xf32>
      %swap3A_403 = arith.index_cast %scan3A_44 : i32 to index
      %swap3A_404 = arith.constant 400 : index
      %swap3A_405 = tpu.vector_load %arg10[%swap3A_403, %swap3A_404] {strides = array<i32>} : memref<32x768xf32, #tpu.memory_space<vmem>>, vector<1x16xf32>,
      %swap3A_406 = vector.shape_cast %swap3A_405 : vector<1x16xf32> to vector<16xf32>
      %swap3A_407 = vector.shape_cast %add3A_402 : vector<16xf32> to vector<1x16xf32>
      tpu.vector_store %arg10[%swap3A_403, %swap3A_404], %swap3A_407 {strides = array<i32>} : memref<32x768xf32, #tpu.memory_space<vmem>>, vector<1x16xf32>,
      %get3A_408 = arith.index_cast %scan3A_44 : i32 to index
      %get3A_409 = arith.constant 416 : index
      %get3A_410 = tpu.vector_load %arg8[%get3A_408, %get3A_409] {strides = array<i32>} : memref<32x768xf32, #tpu.memory_space<vmem>>, vector<1x16xf32>,
      %get3A_411 = vector.shape_cast %get3A_410 : vector<1x16xf32> to vector<16xf32>
      %get3A_412 = arith.index_cast %scan3A_44 : i32 to index
      %get3A_413 = arith.constant 416 : index
      %get3A_414 = tpu.vector_load %arg9[%get3A_412, %get3A_413] {strides = array<i32>} : memref<32x768xf32, #tpu.memory_space<vmem>>, vector<1x16xf32>,
      %get3A_415 = vector.shape_cast %get3A_414 : vector<1x16xf32> to vector<16xf32>
      %add3A_416 = arith.addf %get3A_411, %get3A_415 : vector<16xf32>
      %swap3A_417 = arith.index_cast %scan3A_44 : i32 to index
      %swap3A_418 = arith.constant 416 : index
      %swap3A_419 = tpu.vector_load %arg10[%swap3A_417, %swap3A_418] {strides = array<i32>} : memref<32x768xf32, #tpu.memory_space<vmem>>, vector<1x16xf32>,
      %swap3A_420 = vector.shape_cast %swap3A_419 : vector<1x16xf32> to vector<16xf32>
      %swap3A_421 = vector.shape_cast %add3A_416 : vector<16xf32> to vector<1x16xf32>
      tpu.vector_store %arg10[%swap3A_417, %swap3A_418], %swap3A_421 {strides = array<i32>} : memref<32x768xf32, #tpu.memory_space<vmem>>, vector<1x16xf32>,
      %get3A_422 = arith.index_cast %scan3A_44 : i32 to index
      %get3A_423 = arith.constant 432 : index
      %get3A_424 = tpu.vector_load %arg8[%get3A_422, %get3A_423] {strides = array<i32>} : memref<32x768xf32, #tpu.memory_space<vmem>>, vector<1x16xf32>,
      %get3A_425 = vector.shape_cast %get3A_424 : vector<1x16xf32> to vector<16xf32>
      %get3A_426 = arith.index_cast %scan3A_44 : i32 to index
      %get3A_427 = arith.constant 432 : index
      %get3A_428 = tpu.vector_load %arg9[%get3A_426, %get3A_427] {strides = array<i32>} : memref<32x768xf32, #tpu.memory_space<vmem>>, vector<1x16xf32>,
      %get3A_429 = vector.shape_cast %get3A_428 : vector<1x16xf32> to vector<16xf32>
      %add3A_430 = arith.addf %get3A_425, %get3A_429 : vector<16xf32>
      %swap3A_431 = arith.index_cast %scan3A_44 : i32 to index
      %swap3A_432 = arith.constant 432 : index
      %swap3A_433 = tpu.vector_load %arg10[%swap3A_431, %swap3A_432] {strides = array<i32>} : memref<32x768xf32, #tpu.memory_space<vmem>>, vector<1x16xf32>,
      %swap3A_434 = vector.shape_cast %swap3A_433 : vector<1x16xf32> to vector<16xf32>
      %swap3A_435 = vector.shape_cast %add3A_430 : vector<16xf32> to vector<1x16xf32>
      tpu.vector_store %arg10[%swap3A_431, %swap3A_432], %swap3A_435 {strides = array<i32>} : memref<32x768xf32, #tpu.memory_space<vmem>>, vector<1x16xf32>,
      %get3A_436 = arith.index_cast %scan3A_44 : i32 to index
      %get3A_437 = arith.constant 448 : index
      %get3A_438 = tpu.vector_load %arg8[%get3A_436, %get3A_437] {strides = array<i32>} : memref<32x768xf32, #tpu.memory_space<vmem>>, vector<1x16xf32>,
      %get3A_439 = vector.shape_cast %get3A_438 : vector<1x16xf32> to vector<16xf32>
      %get3A_440 = arith.index_cast %scan3A_44 : i32 to index
      %get3A_441 = arith.constant 448 : index
      %get3A_442 = tpu.vector_load %arg9[%get3A_440, %get3A_441] {strides = array<i32>} : memref<32x768xf32, #tpu.memory_space<vmem>>, vector<1x16xf32>,
      %get3A_443 = vector.shape_cast %get3A_442 : vector<1x16xf32> to vector<16xf32>
      %add3A_444 = arith.addf %get3A_439, %get3A_443 : vector<16xf32>
      %swap3A_445 = arith.index_cast %scan3A_44 : i32 to index
      %swap3A_446 = arith.constant 448 : index
      %swap3A_447 = tpu.vector_load %arg10[%swap3A_445, %swap3A_446] {strides = array<i32>} : memref<32x768xf32, #tpu.memory_space<vmem>>, vector<1x16xf32>,
      %swap3A_448 = vector.shape_cast %swap3A_447 : vector<1x16xf32> to vector<16xf32>
      %swap3A_449 = vector.shape_cast %add3A_444 : vector<16xf32> to vector<1x16xf32>
      tpu.vector_store %arg10[%swap3A_445, %swap3A_446], %swap3A_449 {strides = array<i32>} : memref<32x768xf32, #tpu.memory_space<vmem>>, vector<1x16xf32>,
      %get3A_450 = arith.index_cast %scan3A_44 : i32 to index
      %get3A_451 = arith.constant 464 : index
      %get3A_452 = tpu.vector_load %arg8[%get3A_450, %get3A_451] {strides = array<i32>} : memref<32x768xf32, #tpu.memory_space<vmem>>, vector<1x16xf32>,
      %get3A_453 = vector.shape_cast %get3A_452 : vector<1x16xf32> to vector<16xf32>
      %get3A_454 = arith.index_cast %scan3A_44 : i32 to index
      %get3A_455 = arith.constant 464 : index
      %get3A_456 = tpu.vector_load %arg9[%get3A_454, %get3A_455] {strides = array<i32>} : memref<32x768xf32, #tpu.memory_space<vmem>>, vector<1x16xf32>,
      %get3A_457 = vector.shape_cast %get3A_456 : vector<1x16xf32> to vector<16xf32>
      %add3A_458 = arith.addf %get3A_453, %get3A_457 : vector<16xf32>
      %swap3A_459 = arith.index_cast %scan3A_44 : i32 to index
      %swap3A_460 = arith.constant 464 : index
      %swap3A_461 = tpu.vector_load %arg10[%swap3A_459, %swap3A_460] {strides = array<i32>} : memref<32x768xf32, #tpu.memory_space<vmem>>, vector<1x16xf32>,
      %swap3A_462 = vector.shape_cast %swap3A_461 : vector<1x16xf32> to vector<16xf32>
      %swap3A_463 = vector.shape_cast %add3A_458 : vector<16xf32> to vector<1x16xf32>
      tpu.vector_store %arg10[%swap3A_459, %swap3A_460], %swap3A_463 {strides = array<i32>} : memref<32x768xf32, #tpu.memory_space<vmem>>, vector<1x16xf32>,
      %get3A_464 = arith.index_cast %scan3A_44 : i32 to index
      %get3A_465 = arith.constant 480 : index
      %get3A_466 = tpu.vector_load %arg8[%get3A_464, %get3A_465] {strides = array<i32>} : memref<32x768xf32, #tpu.memory_space<vmem>>, vector<1x16xf32>,
      %get3A_467 = vector.shape_cast %get3A_466 : vector<1x16xf32> to vector<16xf32>
      %get3A_468 = arith.index_cast %scan3A_44 : i32 to index
      %get3A_469 = arith.constant 480 : index
      %get3A_470 = tpu.vector_load %arg9[%get3A_468, %get3A_469] {strides = array<i32>} : memref<32x768xf32, #tpu.memory_space<vmem>>, vector<1x16xf32>,
      %get3A_471 = vector.shape_cast %get3A_470 : vector<1x16xf32> to vector<16xf32>
      %add3A_472 = arith.addf %get3A_467, %get3A_471 : vector<16xf32>
      %swap3A_473 = arith.index_cast %scan3A_44 : i32 to index
      %swap3A_474 = arith.constant 480 : index
      %swap3A_475 = tpu.vector_load %arg10[%swap3A_473, %swap3A_474] {strides = array<i32>} : memref<32x768xf32, #tpu.memory_space<vmem>>, vector<1x16xf32>,
      %swap3A_476 = vector.shape_cast %swap3A_475 : vector<1x16xf32> to vector<16xf32>
      %swap3A_477 = vector.shape_cast %add3A_472 : vector<16xf32> to vector<1x16xf32>
      tpu.vector_store %arg10[%swap3A_473, %swap3A_474], %swap3A_477 {strides = array<i32>} : memref<32x768xf32, #tpu.memory_space<vmem>>, vector<1x16xf32>,
      %get3A_478 = arith.index_cast %scan3A_44 : i32 to index
      %get3A_479 = arith.constant 496 : index
      %get3A_480 = tpu.vector_load %arg8[%get3A_478, %get3A_479] {strides = array<i32>} : memref<32x768xf32, #tpu.memory_space<vmem>>, vector<1x16xf32>,
      %get3A_481 = vector.shape_cast %get3A_480 : vector<1x16xf32> to vector<16xf32>
      %get3A_482 = arith.index_cast %scan3A_44 : i32 to index
      %get3A_483 = arith.constant 496 : index
      %get3A_484 = tpu.vector_load %arg9[%get3A_482, %get3A_483] {strides = array<i32>} : memref<32x768xf32, #tpu.memory_space<vmem>>, vector<1x16xf32>,
      %get3A_485 = vector.shape_cast %get3A_484 : vector<1x16xf32> to vector<16xf32>
      %add3A_486 = arith.addf %get3A_481, %get3A_485 : vector<16xf32>
      %swap3A_487 = arith.index_cast %scan3A_44 : i32 to index
      %swap3A_488 = arith.constant 496 : index
      %swap3A_489 = tpu.vector_load %arg10[%swap3A_487, %swap3A_488] {strides = array<i32>} : memref<32x768xf32, #tpu.memory_space<vmem>>, vector<1x16xf32>,
      %swap3A_490 = vector.shape_cast %swap3A_489 : vector<1x16xf32> to vector<16xf32>
      %swap3A_491 = vector.shape_cast %add3A_486 : vector<16xf32> to vector<1x16xf32>
      tpu.vector_store %arg10[%swap3A_487, %swap3A_488], %swap3A_491 {strides = array<i32>} : memref<32x768xf32, #tpu.memory_space<vmem>>, vector<1x16xf32>,
      %get3A_492 = arith.index_cast %scan3A_44 : i32 to index
      %get3A_493 = arith.constant 512 : index
      %get3A_494 = tpu.vector_load %arg8[%get3A_492, %get3A_493] {strides = array<i32>} : memref<32x768xf32, #tpu.memory_space<vmem>>, vector<1x16xf32>,
      %get3A_495 = vector.shape_cast %get3A_494 : vector<1x16xf32> to vector<16xf32>
      %get3A_496 = arith.index_cast %scan3A_44 : i32 to index
      %get3A_497 = arith.constant 512 : index
      %get3A_498 = tpu.vector_load %arg9[%get3A_496, %get3A_497] {strides = array<i32>} : memref<32x768xf32, #tpu.memory_space<vmem>>, vector<1x16xf32>,
      %get3A_499 = vector.shape_cast %get3A_498 : vector<1x16xf32> to vector<16xf32>
      %add3A_500 = arith.addf %get3A_495, %get3A_499 : vector<16xf32>
      %swap3A_501 = arith.index_cast %scan3A_44 : i32 to index
      %swap3A_502 = arith.constant 512 : index
      %swap3A_503 = tpu.vector_load %arg10[%swap3A_501, %swap3A_502] {strides = array<i32>} : memref<32x768xf32, #tpu.memory_space<vmem>>, vector<1x16xf32>,
      %swap3A_504 = vector.shape_cast %swap3A_503 : vector<1x16xf32> to vector<16xf32>
      %swap3A_505 = vector.shape_cast %add3A_500 : vector<16xf32> to vector<1x16xf32>
      tpu.vector_store %arg10[%swap3A_501, %swap3A_502], %swap3A_505 {strides = array<i32>} : memref<32x768xf32, #tpu.memory_space<vmem>>, vector<1x16xf32>,
      %get3A_506 = arith.index_cast %scan3A_44 : i32 to index
      %get3A_507 = arith.constant 528 : index
      %get3A_508 = tpu.vector_load %arg8[%get3A_506, %get3A_507] {strides = array<i32>} : memref<32x768xf32, #tpu.memory_space<vmem>>, vector<1x16xf32>,
      %get3A_509 = vector.shape_cast %get3A_508 : vector<1x16xf32> to vector<16xf32>
      %get3A_510 = arith.index_cast %scan3A_44 : i32 to index
      %get3A_511 = arith.constant 528 : index
      %get3A_512 = tpu.vector_load %arg9[%get3A_510, %get3A_511] {strides = array<i32>} : memref<32x768xf32, #tpu.memory_space<vmem>>, vector<1x16xf32>,
      %get3A_513 = vector.shape_cast %get3A_512 : vector<1x16xf32> to vector<16xf32>
      %add3A_514 = arith.addf %get3A_509, %get3A_513 : vector<16xf32>
      %swap3A_515 = arith.index_cast %scan3A_44 : i32 to index
      %swap3A_516 = arith.constant 528 : index
      %swap3A_517 = tpu.vector_load %arg10[%swap3A_515, %swap3A_516] {strides = array<i32>} : memref<32x768xf32, #tpu.memory_space<vmem>>, vector<1x16xf32>,
      %swap3A_518 = vector.shape_cast %swap3A_517 : vector<1x16xf32> to vector<16xf32>
      %swap3A_519 = vector.shape_cast %add3A_514 : vector<16xf32> to vector<1x16xf32>
      tpu.vector_store %arg10[%swap3A_515, %swap3A_516], %swap3A_519 {strides = array<i32>} : memref<32x768xf32, #tpu.memory_space<vmem>>, vector<1x16xf32>,
      %get3A_520 = arith.index_cast %scan3A_44 : i32 to index
      %get3A_521 = arith.constant 544 : index
      %get3A_522 = tpu.vector_load %arg8[%get3A_520, %get3A_521] {strides = array<i32>} : memref<32x768xf32, #tpu.memory_space<vmem>>, vector<1x16xf32>,
      %get3A_523 = vector.shape_cast %get3A_522 : vector<1x16xf32> to vector<16xf32>
      %get3A_524 = arith.index_cast %scan3A_44 : i32 to index
      %get3A_525 = arith.constant 544 : index
      %get3A_526 = tpu.vector_load %arg9[%get3A_524, %get3A_525] {strides = array<i32>} : memref<32x768xf32, #tpu.memory_space<vmem>>, vector<1x16xf32>,
      %get3A_527 = vector.shape_cast %get3A_526 : vector<1x16xf32> to vector<16xf32>
      %add3A_528 = arith.addf %get3A_523, %get3A_527 : vector<16xf32>
      %swap3A_529 = arith.index_cast %scan3A_44 : i32 to index
      %swap3A_530 = arith.constant 544 : index
      %swap3A_531 = tpu.vector_load %arg10[%swap3A_529, %swap3A_530] {strides = array<i32>} : memref<32x768xf32, #tpu.memory_space<vmem>>, vector<1x16xf32>,
      %swap3A_532 = vector.shape_cast %swap3A_531 : vector<1x16xf32> to vector<16xf32>
      %swap3A_533 = vector.shape_cast %add3A_528 : vector<16xf32> to vector<1x16xf32>
      tpu.vector_store %arg10[%swap3A_529, %swap3A_530], %swap3A_533 {strides = array<i32>} : memref<32x768xf32, #tpu.memory_space<vmem>>, vector<1x16xf32>,
      %get3A_534 = arith.index_cast %scan3A_44 : i32 to index
      %get3A_535 = arith.constant 560 : index
      %get3A_536 = tpu.vector_load %arg8[%get3A_534, %get3A_535] {strides = array<i32>} : memref<32x768xf32, #tpu.memory_space<vmem>>, vector<1x16xf32>,
      %get3A_537 = vector.shape_cast %get3A_536 : vector<1x16xf32> to vector<16xf32>
      %get3A_538 = arith.index_cast %scan3A_44 : i32 to index
      %get3A_539 = arith.constant 560 : index
      %get3A_540 = tpu.vector_load %arg9[%get3A_538, %get3A_539] {strides = array<i32>} : memref<32x768xf32, #tpu.memory_space<vmem>>, vector<1x16xf32>,
      %get3A_541 = vector.shape_cast %get3A_540 : vector<1x16xf32> to vector<16xf32>
      %add3A_542 = arith.addf %get3A_537, %get3A_541 : vector<16xf32>
      %swap3A_543 = arith.index_cast %scan3A_44 : i32 to index
      %swap3A_544 = arith.constant 560 : index
      %swap3A_545 = tpu.vector_load %arg10[%swap3A_543, %swap3A_544] {strides = array<i32>} : memref<32x768xf32, #tpu.memory_space<vmem>>, vector<1x16xf32>,
      %swap3A_546 = vector.shape_cast %swap3A_545 : vector<1x16xf32> to vector<16xf32>
      %swap3A_547 = vector.shape_cast %add3A_542 : vector<16xf32> to vector<1x16xf32>
      tpu.vector_store %arg10[%swap3A_543, %swap3A_544], %swap3A_547 {strides = array<i32>} : memref<32x768xf32, #tpu.memory_space<vmem>>, vector<1x16xf32>,
      %get3A_548 = arith.index_cast %scan3A_44 : i32 to index
      %get3A_549 = arith.constant 576 : index
      %get3A_550 = tpu.vector_load %arg8[%get3A_548, %get3A_549] {strides = array<i32>} : memref<32x768xf32, #tpu.memory_space<vmem>>, vector<1x16xf32>,
      %get3A_551 = vector.shape_cast %get3A_550 : vector<1x16xf32> to vector<16xf32>
      %get3A_552 = arith.index_cast %scan3A_44 : i32 to index
      %get3A_553 = arith.constant 576 : index
      %get3A_554 = tpu.vector_load %arg9[%get3A_552, %get3A_553] {strides = array<i32>} : memref<32x768xf32, #tpu.memory_space<vmem>>, vector<1x16xf32>,
      %get3A_555 = vector.shape_cast %get3A_554 : vector<1x16xf32> to vector<16xf32>
      %add3A_556 = arith.addf %get3A_551, %get3A_555 : vector<16xf32>
      %swap3A_557 = arith.index_cast %scan3A_44 : i32 to index
      %swap3A_558 = arith.constant 576 : index
      %swap3A_559 = tpu.vector_load %arg10[%swap3A_557, %swap3A_558] {strides = array<i32>} : memref<32x768xf32, #tpu.memory_space<vmem>>, vector<1x16xf32>,
      %swap3A_560 = vector.shape_cast %swap3A_559 : vector<1x16xf32> to vector<16xf32>
      %swap3A_561 = vector.shape_cast %add3A_556 : vector<16xf32> to vector<1x16xf32>
      tpu.vector_store %arg10[%swap3A_557, %swap3A_558], %swap3A_561 {strides = array<i32>} : memref<32x768xf32, #tpu.memory_space<vmem>>, vector<1x16xf32>,
      %get3A_562 = arith.index_cast %scan3A_44 : i32 to index
      %get3A_563 = arith.constant 592 : index
      %get3A_564 = tpu.vector_load %arg8[%get3A_562, %get3A_563] {strides = array<i32>} : memref<32x768xf32, #tpu.memory_space<vmem>>, vector<1x16xf32>,
      %get3A_565 = vector.shape_cast %get3A_564 : vector<1x16xf32> to vector<16xf32>
      %get3A_566 = arith.index_cast %scan3A_44 : i32 to index
      %get3A_567 = arith.constant 592 : index
      %get3A_568 = tpu.vector_load %arg9[%get3A_566, %get3A_567] {strides = array<i32>} : memref<32x768xf32, #tpu.memory_space<vmem>>, vector<1x16xf32>,
      %get3A_569 = vector.shape_cast %get3A_568 : vector<1x16xf32> to vector<16xf32>
      %add3A_570 = arith.addf %get3A_565, %get3A_569 : vector<16xf32>
      %swap3A_571 = arith.index_cast %scan3A_44 : i32 to index
      %swap3A_572 = arith.constant 592 : index
      %swap3A_573 = tpu.vector_load %arg10[%swap3A_571, %swap3A_572] {strides = array<i32>} : memref<32x768xf32, #tpu.memory_space<vmem>>, vector<1x16xf32>,
      %swap3A_574 = vector.shape_cast %swap3A_573 : vector<1x16xf32> to vector<16xf32>
      %swap3A_575 = vector.shape_cast %add3A_570 : vector<16xf32> to vector<1x16xf32>
      tpu.vector_store %arg10[%swap3A_571, %swap3A_572], %swap3A_575 {strides = array<i32>} : memref<32x768xf32, #tpu.memory_space<vmem>>, vector<1x16xf32>,
      %get3A_576 = arith.index_cast %scan3A_44 : i32 to index
      %get3A_577 = arith.constant 608 : index
      %get3A_578 = tpu.vector_load %arg8[%get3A_576, %get3A_577] {strides = array<i32>} : memref<32x768xf32, #tpu.memory_space<vmem>>, vector<1x16xf32>,
      %get3A_579 = vector.shape_cast %get3A_578 : vector<1x16xf32> to vector<16xf32>
      %get3A_580 = arith.index_cast %scan3A_44 : i32 to index
      %get3A_581 = arith.constant 608 : index
      %get3A_582 = tpu.vector_load %arg9[%get3A_580, %get3A_581] {strides = array<i32>} : memref<32x768xf32, #tpu.memory_space<vmem>>, vector<1x16xf32>,
      %get3A_583 = vector.shape_cast %get3A_582 : vector<1x16xf32> to vector<16xf32>
      %add3A_584 = arith.addf %get3A_579, %get3A_583 : vector<16xf32>
      %swap3A_585 = arith.index_cast %scan3A_44 : i32 to index
      %swap3A_586 = arith.constant 608 : index
      %swap3A_587 = tpu.vector_load %arg10[%swap3A_585, %swap3A_586] {strides = array<i32>} : memref<32x768xf32, #tpu.memory_space<vmem>>, vector<1x16xf32>,
      %swap3A_588 = vector.shape_cast %swap3A_587 : vector<1x16xf32> to vector<16xf32>
      %swap3A_589 = vector.shape_cast %add3A_584 : vector<16xf32> to vector<1x16xf32>
      tpu.vector_store %arg10[%swap3A_585, %swap3A_586], %swap3A_589 {strides = array<i32>} : memref<32x768xf32, #tpu.memory_space<vmem>>, vector<1x16xf32>,
      %get3A_590 = arith.index_cast %scan3A_44 : i32 to index
      %get3A_591 = arith.constant 624 : index
      %get3A_592 = tpu.vector_load %arg8[%get3A_590, %get3A_591] {strides = array<i32>} : memref<32x768xf32, #tpu.memory_space<vmem>>, vector<1x16xf32>,
      %get3A_593 = vector.shape_cast %get3A_592 : vector<1x16xf32> to vector<16xf32>
      %get3A_594 = arith.index_cast %scan3A_44 : i32 to index
      %get3A_595 = arith.constant 624 : index
      %get3A_596 = tpu.vector_load %arg9[%get3A_594, %get3A_595] {strides = array<i32>} : memref<32x768xf32, #tpu.memory_space<vmem>>, vector<1x16xf32>,
      %get3A_597 = vector.shape_cast %get3A_596 : vector<1x16xf32> to vector<16xf32>
      %add3A_598 = arith.addf %get3A_593, %get3A_597 : vector<16xf32>
      %swap3A_599 = arith.index_cast %scan3A_44 : i32 to index
      %swap3A_600 = arith.constant 624 : index
      %swap3A_601 = tpu.vector_load %arg10[%swap3A_599, %swap3A_600] {strides = array<i32>} : memref<32x768xf32, #tpu.memory_space<vmem>>, vector<1x16xf32>,
      %swap3A_602 = vector.shape_cast %swap3A_601 : vector<1x16xf32> to vector<16xf32>
      %swap3A_603 = vector.shape_cast %add3A_598 : vector<16xf32> to vector<1x16xf32>
      tpu.vector_store %arg10[%swap3A_599, %swap3A_600], %swap3A_603 {strides = array<i32>} : memref<32x768xf32, #tpu.memory_space<vmem>>, vector<1x16xf32>,
      %get3A_604 = arith.index_cast %scan3A_44 : i32 to index
      %get3A_605 = arith.constant 640 : index
      %get3A_606 = tpu.vector_load %arg8[%get3A_604, %get3A_605] {strides = array<i32>} : memref<32x768xf32, #tpu.memory_space<vmem>>, vector<1x16xf32>,
      %get3A_607 = vector.shape_cast %get3A_606 : vector<1x16xf32> to vector<16xf32>
      %get3A_608 = arith.index_cast %scan3A_44 : i32 to index
      %get3A_609 = arith.constant 640 : index
      %get3A_610 = tpu.vector_load %arg9[%get3A_608, %get3A_609] {strides = array<i32>} : memref<32x768xf32, #tpu.memory_space<vmem>>, vector<1x16xf32>,
      %get3A_611 = vector.shape_cast %get3A_610 : vector<1x16xf32> to vector<16xf32>
      %add3A_612 = arith.addf %get3A_607, %get3A_611 : vector<16xf32>
      %swap3A_613 = arith.index_cast %scan3A_44 : i32 to index
      %swap3A_614 = arith.constant 640 : index
      %swap3A_615 = tpu.vector_load %arg10[%swap3A_613, %swap3A_614] {strides = array<i32>} : memref<32x768xf32, #tpu.memory_space<vmem>>, vector<1x16xf32>,
      %swap3A_616 = vector.shape_cast %swap3A_615 : vector<1x16xf32> to vector<16xf32>
      %swap3A_617 = vector.shape_cast %add3A_612 : vector<16xf32> to vector<1x16xf32>
      tpu.vector_store %arg10[%swap3A_613, %swap3A_614], %swap3A_617 {strides = array<i32>} : memref<32x768xf32, #tpu.memory_space<vmem>>, vector<1x16xf32>,
      %get3A_618 = arith.index_cast %scan3A_44 : i32 to index
      %get3A_619 = arith.constant 656 : index
      %get3A_620 = tpu.vector_load %arg8[%get3A_618, %get3A_619] {strides = array<i32>} : memref<32x768xf32, #tpu.memory_space<vmem>>, vector<1x16xf32>,
      %get3A_621 = vector.shape_cast %get3A_620 : vector<1x16xf32> to vector<16xf32>
      %get3A_622 = arith.index_cast %scan3A_44 : i32 to index
      %get3A_623 = arith.constant 656 : index
      %get3A_624 = tpu.vector_load %arg9[%get3A_622, %get3A_623] {strides = array<i32>} : memref<32x768xf32, #tpu.memory_space<vmem>>, vector<1x16xf32>,
      %get3A_625 = vector.shape_cast %get3A_624 : vector<1x16xf32> to vector<16xf32>
      %add3A_626 = arith.addf %get3A_621, %get3A_625 : vector<16xf32>
      %swap3A_627 = arith.index_cast %scan3A_44 : i32 to index
      %swap3A_628 = arith.constant 656 : index
      %swap3A_629 = tpu.vector_load %arg10[%swap3A_627, %swap3A_628] {strides = array<i32>} : memref<32x768xf32, #tpu.memory_space<vmem>>, vector<1x16xf32>,
      %swap3A_630 = vector.shape_cast %swap3A_629 : vector<1x16xf32> to vector<16xf32>
      %swap3A_631 = vector.shape_cast %add3A_626 : vector<16xf32> to vector<1x16xf32>
      tpu.vector_store %arg10[%swap3A_627, %swap3A_628], %swap3A_631 {strides = array<i32>} : memref<32x768xf32, #tpu.memory_space<vmem>>, vector<1x16xf32>,
      %get3A_632 = arith.index_cast %scan3A_44 : i32 to index
      %get3A_633 = arith.constant 672 : index
      %get3A_634 = tpu.vector_load %arg8[%get3A_632, %get3A_633] {strides = array<i32>} : memref<32x768xf32, #tpu.memory_space<vmem>>, vector<1x16xf32>,
      %get3A_635 = vector.shape_cast %get3A_634 : vector<1x16xf32> to vector<16xf32>
      %get3A_636 = arith.index_cast %scan3A_44 : i32 to index
      %get3A_637 = arith.constant 672 : index
      %get3A_638 = tpu.vector_load %arg9[%get3A_636, %get3A_637] {strides = array<i32>} : memref<32x768xf32, #tpu.memory_space<vmem>>, vector<1x16xf32>,
      %get3A_639 = vector.shape_cast %get3A_638 : vector<1x16xf32> to vector<16xf32>
      %add3A_640 = arith.addf %get3A_635, %get3A_639 : vector<16xf32>
      %swap3A_641 = arith.index_cast %scan3A_44 : i32 to index
      %swap3A_642 = arith.constant 672 : index
      %swap3A_643 = tpu.vector_load %arg10[%swap3A_641, %swap3A_642] {strides = array<i32>} : memref<32x768xf32, #tpu.memory_space<vmem>>, vector<1x16xf32>,
      %swap3A_644 = vector.shape_cast %swap3A_643 : vector<1x16xf32> to vector<16xf32>
      %swap3A_645 = vector.shape_cast %add3A_640 : vector<16xf32> to vector<1x16xf32>
      tpu.vector_store %arg10[%swap3A_641, %swap3A_642], %swap3A_645 {strides = array<i32>} : memref<32x768xf32, #tpu.memory_space<vmem>>, vector<1x16xf32>,
      %get3A_646 = arith.index_cast %scan3A_44 : i32 to index
      %get3A_647 = arith.constant 688 : index
      %get3A_648 = tpu.vector_load %arg8[%get3A_646, %get3A_647] {strides = array<i32>} : memref<32x768xf32, #tpu.memory_space<vmem>>, vector<1x16xf32>,
      %get3A_649 = vector.shape_cast %get3A_648 : vector<1x16xf32> to vector<16xf32>
      %get3A_650 = arith.index_cast %scan3A_44 : i32 to index
      %get3A_651 = arith.constant 688 : index
      %get3A_652 = tpu.vector_load %arg9[%get3A_650, %get3A_651] {strides = array<i32>} : memref<32x768xf32, #tpu.memory_space<vmem>>, vector<1x16xf32>,
      %get3A_653 = vector.shape_cast %get3A_652 : vector<1x16xf32> to vector<16xf32>
      %add3A_654 = arith.addf %get3A_649, %get3A_653 : vector<16xf32>
      %swap3A_655 = arith.index_cast %scan3A_44 : i32 to index
      %swap3A_656 = arith.constant 688 : index
      %swap3A_657 = tpu.vector_load %arg10[%swap3A_655, %swap3A_656] {strides = array<i32>} : memref<32x768xf32, #tpu.memory_space<vmem>>, vector<1x16xf32>,
      %swap3A_658 = vector.shape_cast %swap3A_657 : vector<1x16xf32> to vector<16xf32>
      %swap3A_659 = vector.shape_cast %add3A_654 : vector<16xf32> to vector<1x16xf32>
      tpu.vector_store %arg10[%swap3A_655, %swap3A_656], %swap3A_659 {strides = array<i32>} : memref<32x768xf32, #tpu.memory_space<vmem>>, vector<1x16xf32>,
      %get3A_660 = arith.index_cast %scan3A_44 : i32 to index
      %get3A_661 = arith.constant 704 : index
      %get3A_662 = tpu.vector_load %arg8[%get3A_660, %get3A_661] {strides = array<i32>} : memref<32x768xf32, #tpu.memory_space<vmem>>, vector<1x16xf32>,
      %get3A_663 = vector.shape_cast %get3A_662 : vector<1x16xf32> to vector<16xf32>
      %get3A_664 = arith.index_cast %scan3A_44 : i32 to index
      %get3A_665 = arith.constant 704 : index
      %get3A_666 = tpu.vector_load %arg9[%get3A_664, %get3A_665] {strides = array<i32>} : memref<32x768xf32, #tpu.memory_space<vmem>>, vector<1x16xf32>,
      %get3A_667 = vector.shape_cast %get3A_666 : vector<1x16xf32> to vector<16xf32>
      %add3A_668 = arith.addf %get3A_663, %get3A_667 : vector<16xf32>
      %swap3A_669 = arith.index_cast %scan3A_44 : i32 to index
      %swap3A_670 = arith.constant 704 : index
      %swap3A_671 = tpu.vector_load %arg10[%swap3A_669, %swap3A_670] {strides = array<i32>} : memref<32x768xf32, #tpu.memory_space<vmem>>, vector<1x16xf32>,
      %swap3A_672 = vector.shape_cast %swap3A_671 : vector<1x16xf32> to vector<16xf32>
      %swap3A_673 = vector.shape_cast %add3A_668 : vector<16xf32> to vector<1x16xf32>
      tpu.vector_store %arg10[%swap3A_669, %swap3A_670], %swap3A_673 {strides = array<i32>} : memref<32x768xf32, #tpu.memory_space<vmem>>, vector<1x16xf32>,
      %get3A_674 = arith.index_cast %scan3A_44 : i32 to index
      %get3A_675 = arith.constant 720 : index
      %get3A_676 = tpu.vector_load %arg8[%get3A_674, %get3A_675] {strides = array<i32>} : memref<32x768xf32, #tpu.memory_space<vmem>>, vector<1x16xf32>,
      %get3A_677 = vector.shape_cast %get3A_676 : vector<1x16xf32> to vector<16xf32>
      %get3A_678 = arith.index_cast %scan3A_44 : i32 to index
      %get3A_679 = arith.constant 720 : index
      %get3A_680 = tpu.vector_load %arg9[%get3A_678, %get3A_679] {strides = array<i32>} : memref<32x768xf32, #tpu.memory_space<vmem>>, vector<1x16xf32>,
      %get3A_681 = vector.shape_cast %get3A_680 : vector<1x16xf32> to vector<16xf32>
      %add3A_682 = arith.addf %get3A_677, %get3A_681 : vector<16xf32>
      %swap3A_683 = arith.index_cast %scan3A_44 : i32 to index
      %swap3A_684 = arith.constant 720 : index
      %swap3A_685 = tpu.vector_load %arg10[%swap3A_683, %swap3A_684] {strides = array<i32>} : memref<32x768xf32, #tpu.memory_space<vmem>>, vector<1x16xf32>,
      %swap3A_686 = vector.shape_cast %swap3A_685 : vector<1x16xf32> to vector<16xf32>
      %swap3A_687 = vector.shape_cast %add3A_682 : vector<16xf32> to vector<1x16xf32>
      tpu.vector_store %arg10[%swap3A_683, %swap3A_684], %swap3A_687 {strides = array<i32>} : memref<32x768xf32, #tpu.memory_space<vmem>>, vector<1x16xf32>,
      %get3A_688 = arith.index_cast %scan3A_44 : i32 to index
      %get3A_689 = arith.constant 736 : index
      %get3A_690 = tpu.vector_load %arg8[%get3A_688, %get3A_689] {strides = array<i32>} : memref<32x768xf32, #tpu.memory_space<vmem>>, vector<1x16xf32>,
      %get3A_691 = vector.shape_cast %get3A_690 : vector<1x16xf32> to vector<16xf32>
      %get3A_692 = arith.index_cast %scan3A_44 : i32 to index
      %get3A_693 = arith.constant 736 : index
      %get3A_694 = tpu.vector_load %arg9[%get3A_692, %get3A_693] {strides = array<i32>} : memref<32x768xf32, #tpu.memory_space<vmem>>, vector<1x16xf32>,
      %get3A_695 = vector.shape_cast %get3A_694 : vector<1x16xf32> to vector<16xf32>
      %add3A_696 = arith.addf %get3A_691, %get3A_695 : vector<16xf32>
      %swap3A_697 = arith.index_cast %scan3A_44 : i32 to index
      %swap3A_698 = arith.constant 736 : index
      %swap3A_699 = tpu.vector_load %arg10[%swap3A_697, %swap3A_698] {strides = array<i32>} : memref<32x768xf32, #tpu.memory_space<vmem>>, vector<1x16xf32>,
      %swap3A_700 = vector.shape_cast %swap3A_699 : vector<1x16xf32> to vector<16xf32>
      %swap3A_701 = vector.shape_cast %add3A_696 : vector<16xf32> to vector<1x16xf32>
      tpu.vector_store %arg10[%swap3A_697, %swap3A_698], %swap3A_701 {strides = array<i32>} : memref<32x768xf32, #tpu.memory_space<vmem>>, vector<1x16xf32>,
      %get3A_702 = arith.index_cast %scan3A_44 : i32 to index
      %get3A_703 = arith.constant 752 : index
      %get3A_704 = tpu.vector_load %arg8[%get3A_702, %get3A_703] {strides = array<i32>} : memref<32x768xf32, #tpu.memory_space<vmem>>, vector<1x16xf32>,
      %get3A_705 = vector.shape_cast %get3A_704 : vector<1x16xf32> to vector<16xf32>
      %get3A_706 = arith.index_cast %scan3A_44 : i32 to index
      %get3A_707 = arith.constant 752 : index
      %get3A_708 = tpu.vector_load %arg9[%get3A_706, %get3A_707] {strides = array<i32>} : memref<32x768xf32, #tpu.memory_space<vmem>>, vector<1x16xf32>,
      %get3A_709 = vector.shape_cast %get3A_708 : vector<1x16xf32> to vector<16xf32>
      %add3A_710 = arith.addf %get3A_705, %get3A_709 : vector<16xf32>
      %swap3A_711 = arith.index_cast %scan3A_44 : i32 to index
      %swap3A_712 = arith.constant 752 : index
      %swap3A_713 = tpu.vector_load %arg10[%swap3A_711, %swap3A_712] {strides = array<i32>} : memref<32x768xf32, #tpu.memory_space<vmem>>, vector<1x16xf32>,
      %swap3A_714 = vector.shape_cast %swap3A_713 : vector<1x16xf32> to vector<16xf32>
      %swap3A_715 = vector.shape_cast %add3A_710 : vector<16xf32> to vector<1x16xf32>
      tpu.vector_store %arg10[%swap3A_711, %swap3A_712], %swap3A_715 {strides = array<i32>} : memref<32x768xf32, #tpu.memory_space<vmem>>, vector<1x16xf32>,
      %scan3A_716 = arith.constant 0 : i32
      scf.yield %scan3A_716 : i32
    }
    %scan3A_20 = arith.constant 32 : i32
    "tpu.region"() ({
      %run_scoped3A = tpu.sem_alloc : memref<!tpu.dma_semaphore, #tpu.memory_space<semaphore_mem>>
      %dma_start3A_44 = arith.constant 0 : i32
      %dma_start3A_45 = tpu.memref_slice %arg5[%add3A_4, %dma_start3A_44] : memref<2048x768xf32, #tpu.memory_space<hbm>> -> memref<32x768xf32, #tpu.memory_space<hbm>>
      %dma_start3A_46 = arith.constant 0 : i32
      %dma_start3A_47 = tpu.memref_slice %arg5[%add3A_4, %dma_start3A_46] : memref<2048x768xf32, #tpu.memory_space<hbm>> -> memref<32x768xf32, #tpu.memory_space<hbm>>
      tpu.enqueue_dma source(%arg10 : memref<32x768xf32, #tpu.memory_space<vmem>>) target(%dma_start3A_47 : memref<32x768xf32, #tpu.memory_space<hbm>>) target_semaphore(%run_scoped3A : memref<!tpu.dma_semaphore, #tpu.memory_space<semaphore_mem>>)
      %dma_wait3A_48 = arith.constant 0 : i32
      %dma_wait3A_49 = tpu.memref_slice %arg5[%add3A_4, %dma_wait3A_48] : memref<2048x768xf32, #tpu.memory_space<hbm>> -> memref<32x768xf32, #tpu.memory_space<hbm>>
      %dma_wait3A_50 = arith.constant 0 : i32
      %dma_wait3A_51 = tpu.memref_slice %arg5[%add3A_4, %dma_wait3A_50] : memref<2048x768xf32, #tpu.memory_space<hbm>> -> memref<32x768xf32, #tpu.memory_space<hbm>>
      tpu.wait_dma2 semaphore(%run_scoped3A : memref<!tpu.dma_semaphore, #tpu.memory_space<semaphore_mem>>) src(%arg10 : memref<32x768xf32, #tpu.memory_space<vmem>>) dst(%dma_wait3A_51 : memref<32x768xf32, #tpu.memory_space<hbm>>)
      tpu.yield
    }) : () -> ()
    %mul3A_21 = arith.constant 64 : i32
    %mul3A_22 = arith.muli %add3A, %mul3A_21 : i32
    %add3A_23 = arith.constant 32 : i32
    %add3A_24 = arith.addi %mul3A_22, %add3A_23 : i32
    "tpu.region"() ({
      %run_scoped3A = tpu.sem_alloc : memref<!tpu.dma_semaphore, #tpu.memory_space<semaphore_mem>>
      %dma_start3A_44 = tpu.memref_slice %arg3[%add3A_24] : memref<2048xi32, #tpu.memory_space<hbm>> -> memref<32xi32, #tpu.memory_space<hbm>>
      %dma_start3A_45 = tpu.memref_slice %arg3[%add3A_24] : memref<2048xi32, #tpu.memory_space<hbm>> -> memref<32xi32, #tpu.memory_space<hbm>>
      tpu.enqueue_dma source(%dma_start3A_45 : memref<32xi32, #tpu.memory_space<hbm>>) target(%arg6 : memref<32xi32, #tpu.memory_space<vmem>>) target_semaphore(%run_scoped3A : memref<!tpu.dma_semaphore, #tpu.memory_space<semaphore_mem>>)
      %dma_wait3A_46 = tpu.memref_slice %arg3[%add3A_24] : memref<2048xi32, #tpu.memory_space<hbm>> -> memref<32xi32, #tpu.memory_space<hbm>>
      %dma_wait3A_47 = tpu.memref_slice %arg3[%add3A_24] : memref<2048xi32, #tpu.memory_space<hbm>> -> memref<32xi32, #tpu.memory_space<hbm>>
      tpu.wait_dma2 semaphore(%run_scoped3A : memref<!tpu.dma_semaphore, #tpu.memory_space<semaphore_mem>>) src(%dma_wait3A_47 : memref<32xi32, #tpu.memory_space<hbm>>) dst(%arg6 : memref<32xi32, #tpu.memory_space<vmem>>)
      tpu.yield
    }) : () -> ()
    "tpu.region"() ({
      %run_scoped3A = tpu.sem_alloc : memref<!tpu.dma_semaphore, #tpu.memory_space<semaphore_mem>>
      %dma_start3A_44 = tpu.memref_slice %arg4[%add3A_24] : memref<2048xi32, #tpu.memory_space<hbm>> -> memref<32xi32, #tpu.memory_space<hbm>>
      %dma_start3A_45 = tpu.memref_slice %arg4[%add3A_24] : memref<2048xi32, #tpu.memory_space<hbm>> -> memref<32xi32, #tpu.memory_space<hbm>>
      tpu.enqueue_dma source(%dma_start3A_45 : memref<32xi32, #tpu.memory_space<hbm>>) target(%arg7 : memref<32xi32, #tpu.memory_space<vmem>>) target_semaphore(%run_scoped3A : memref<!tpu.dma_semaphore, #tpu.memory_space<semaphore_mem>>)
      %dma_wait3A_46 = tpu.memref_slice %arg4[%add3A_24] : memref<2048xi32, #tpu.memory_space<hbm>> -> memref<32xi32, #tpu.memory_space<hbm>>
      %dma_wait3A_47 = tpu.memref_slice %arg4[%add3A_24] : memref<2048xi32, #tpu.memory_space<hbm>> -> memref<32xi32, #tpu.memory_space<hbm>>
      tpu.wait_dma2 semaphore(%run_scoped3A : memref<!tpu.dma_semaphore, #tpu.memory_space<semaphore_mem>>) src(%dma_wait3A_47 : memref<32xi32, #tpu.memory_space<hbm>>) dst(%arg7 : memref<32xi32, #tpu.memory_space<vmem>>)
      tpu.yield
    }) : () -> ()
    %dma_start3A_25 = arith.constant 0 : i32
    %dma_start3A_26 = arith.constant 0 : i32
    %dma_start3A_27 = tpu.memref_slice %arg2[%dma_start3A_25, %dma_start3A_26] : memref<6144x768xf32, #tpu.memory_space<hbm>> -> memref<6144x768xf32, #tpu.memory_space<hbm>>
    tpu.enqueue_indirect_dma source(%dma_start3A_27 : memref<6144x768xf32, #tpu.memory_space<hbm>>) target(%arg8 : memref<32x768xf32, #tpu.memory_space<vmem>>) offsets(%arg6 : memref<32xi32, #tpu.memory_space<vmem>>) semaphore(%arg11 : memref<!tpu.dma_semaphore, #tpu.memory_space<semaphore_mem>>)
    %dma_start3A_28 = arith.constant 0 : i32
    %dma_start3A_29 = arith.constant 0 : i32
    %dma_start3A_30 = tpu.memref_slice %arg2[%dma_start3A_28, %dma_start3A_29] : memref<6144x768xf32, #tpu.memory_space<hbm>> -> memref<6144x768xf32, #tpu.memory_space<hbm>>
    tpu.enqueue_indirect_dma source(%dma_start3A_30 : memref<6144x768xf32, #tpu.memory_space<hbm>>) target(%arg9 : memref<32x768xf32, #tpu.memory_space<vmem>>) offsets(%arg7 : memref<32xi32, #tpu.memory_space<vmem>>) semaphore(%arg12 : memref<!tpu.dma_semaphore, #tpu.memory_space<semaphore_mem>>)
    %dma_wait3A_31 = arith.constant 0 : i32
    %dma_wait3A_32 = arith.constant 0 : i32
    %dma_wait3A_33 = tpu.memref_slice %arg2[%dma_wait3A_31, %dma_wait3A_32] : memref<6144x768xf32, #tpu.memory_space<hbm>> -> memref<6144x768xf32, #tpu.memory_space<hbm>>
    tpu.wait_indirect_dma semaphore(%arg11 : memref<!tpu.dma_semaphore, #tpu.memory_space<semaphore_mem>>) src(%dma_wait3A_33 : memref<6144x768xf32, #tpu.memory_space<hbm>>) dst(%arg8 : memref<32x768xf32, #tpu.memory_space<vmem>>)
    %dma_wait3A_34 = arith.constant 0 : i32
    %dma_wait3A_35 = arith.constant 0 : i32
    %dma_wait3A_36 = tpu.memref_slice %arg2[%dma_wait3A_34, %dma_wait3A_35] : memref<6144x768xf32, #tpu.memory_space<hbm>> -> memref<6144x768xf32, #tpu.memory_space<hbm>>
    tpu.wait_indirect_dma semaphore(%arg12 : memref<!tpu.dma_semaphore, #tpu.memory_space<semaphore_mem>>) src(%dma_wait3A_36 : memref<6144x768xf32, #tpu.memory_space<hbm>>) dst(%arg9 : memref<32x768xf32, #tpu.memory_space<vmem>>)
    %scan3A_37 = arith.constant 0 : i32
    %scan3A_38 = arith.constant 0 : i32
    %scan3A_39 = arith.constant 32 : i32
    %scan3A_40 = arith.addi %scan3A_38, %scan3A_39 : i32
    %scan3A_41 = arith.constant 1 : i32
    %scan3A_42 = scf.for %scan3A_44 = %scan3A_38 to %scan3A_40 step %scan3A_41 iter_args(%scan3A_45 = %scan3A_37) -> (i32)  : i32 {
      %get3A = arith.index_cast %scan3A_44 : i32 to index
      %get3A_46 = arith.constant 0 : index
      %get3A_47 = tpu.vector_load %arg8[%get3A, %get3A_46] {strides = array<i32>} : memref<32x768xf32, #tpu.memory_space<vmem>>, vector<1x16xf32>,
      %get3A_48 = vector.shape_cast %get3A_47 : vector<1x16xf32> to vector<16xf32>
      %get3A_49 = arith.index_cast %scan3A_44 : i32 to index
      %get3A_50 = arith.constant 0 : index
      %get3A_51 = tpu.vector_load %arg9[%get3A_49, %get3A_50] {strides = array<i32>} : memref<32x768xf32, #tpu.memory_space<vmem>>, vector<1x16xf32>,
      %get3A_52 = vector.shape_cast %get3A_51 : vector<1x16xf32> to vector<16xf32>
      %add3A_53 = arith.addf %get3A_48, %get3A_52 : vector<16xf32>
      %swap3A = arith.index_cast %scan3A_44 : i32 to index
      %swap3A_54 = arith.constant 0 : index
      %swap3A_55 = tpu.vector_load %arg10[%swap3A, %swap3A_54] {strides = array<i32>} : memref<32x768xf32, #tpu.memory_space<vmem>>, vector<1x16xf32>,
      %swap3A_56 = vector.shape_cast %swap3A_55 : vector<1x16xf32> to vector<16xf32>
      %swap3A_57 = vector.shape_cast %add3A_53 : vector<16xf32> to vector<1x16xf32>
      tpu.vector_store %arg10[%swap3A, %swap3A_54], %swap3A_57 {strides = array<i32>} : memref<32x768xf32, #tpu.memory_space<vmem>>, vector<1x16xf32>,
      %get3A_58 = arith.index_cast %scan3A_44 : i32 to index
      %get3A_59 = arith.constant 16 : index
      %get3A_60 = tpu.vector_load %arg8[%get3A_58, %get3A_59] {strides = array<i32>} : memref<32x768xf32, #tpu.memory_space<vmem>>, vector<1x16xf32>,
      %get3A_61 = vector.shape_cast %get3A_60 : vector<1x16xf32> to vector<16xf32>
      %get3A_62 = arith.index_cast %scan3A_44 : i32 to index
      %get3A_63 = arith.constant 16 : index
      %get3A_64 = tpu.vector_load %arg9[%get3A_62, %get3A_63] {strides = array<i32>} : memref<32x768xf32, #tpu.memory_space<vmem>>, vector<1x16xf32>,
      %get3A_65 = vector.shape_cast %get3A_64 : vector<1x16xf32> to vector<16xf32>
      %add3A_66 = arith.addf %get3A_61, %get3A_65 : vector<16xf32>
      %swap3A_67 = arith.index_cast %scan3A_44 : i32 to index
      %swap3A_68 = arith.constant 16 : index
      %swap3A_69 = tpu.vector_load %arg10[%swap3A_67, %swap3A_68] {strides = array<i32>} : memref<32x768xf32, #tpu.memory_space<vmem>>, vector<1x16xf32>,
      %swap3A_70 = vector.shape_cast %swap3A_69 : vector<1x16xf32> to vector<16xf32>
      %swap3A_71 = vector.shape_cast %add3A_66 : vector<16xf32> to vector<1x16xf32>
      tpu.vector_store %arg10[%swap3A_67, %swap3A_68], %swap3A_71 {strides = array<i32>} : memref<32x768xf32, #tpu.memory_space<vmem>>, vector<1x16xf32>,
      %get3A_72 = arith.index_cast %scan3A_44 : i32 to index
      %get3A_73 = arith.constant 32 : index
      %get3A_74 = tpu.vector_load %arg8[%get3A_72, %get3A_73] {strides = array<i32>} : memref<32x768xf32, #tpu.memory_space<vmem>>, vector<1x16xf32>,
      %get3A_75 = vector.shape_cast %get3A_74 : vector<1x16xf32> to vector<16xf32>
      %get3A_76 = arith.index_cast %scan3A_44 : i32 to index
      %get3A_77 = arith.constant 32 : index
      %get3A_78 = tpu.vector_load %arg9[%get3A_76, %get3A_77] {strides = array<i32>} : memref<32x768xf32, #tpu.memory_space<vmem>>, vector<1x16xf32>,
      %get3A_79 = vector.shape_cast %get3A_78 : vector<1x16xf32> to vector<16xf32>
      %add3A_80 = arith.addf %get3A_75, %get3A_79 : vector<16xf32>
      %swap3A_81 = arith.index_cast %scan3A_44 : i32 to index
      %swap3A_82 = arith.constant 32 : index
      %swap3A_83 = tpu.vector_load %arg10[%swap3A_81, %swap3A_82] {strides = array<i32>} : memref<32x768xf32, #tpu.memory_space<vmem>>, vector<1x16xf32>,
      %swap3A_84 = vector.shape_cast %swap3A_83 : vector<1x16xf32> to vector<16xf32>
      %swap3A_85 = vector.shape_cast %add3A_80 : vector<16xf32> to vector<1x16xf32>
      tpu.vector_store %arg10[%swap3A_81, %swap3A_82], %swap3A_85 {strides = array<i32>} : memref<32x768xf32, #tpu.memory_space<vmem>>, vector<1x16xf32>,
      %get3A_86 = arith.index_cast %scan3A_44 : i32 to index
      %get3A_87 = arith.constant 48 : index
      %get3A_88 = tpu.vector_load %arg8[%get3A_86, %get3A_87] {strides = array<i32>} : memref<32x768xf32, #tpu.memory_space<vmem>>, vector<1x16xf32>,
      %get3A_89 = vector.shape_cast %get3A_88 : vector<1x16xf32> to vector<16xf32>
      %get3A_90 = arith.index_cast %scan3A_44 : i32 to index
      %get3A_91 = arith.constant 48 : index
      %get3A_92 = tpu.vector_load %arg9[%get3A_90, %get3A_91] {strides = array<i32>} : memref<32x768xf32, #tpu.memory_space<vmem>>, vector<1x16xf32>,
      %get3A_93 = vector.shape_cast %get3A_92 : vector<1x16xf32> to vector<16xf32>
      %add3A_94 = arith.addf %get3A_89, %get3A_93 : vector<16xf32>
      %swap3A_95 = arith.index_cast %scan3A_44 : i32 to index
      %swap3A_96 = arith.constant 48 : index
      %swap3A_97 = tpu.vector_load %arg10[%swap3A_95, %swap3A_96] {strides = array<i32>} : memref<32x768xf32, #tpu.memory_space<vmem>>, vector<1x16xf32>,
      %swap3A_98 = vector.shape_cast %swap3A_97 : vector<1x16xf32> to vector<16xf32>
      %swap3A_99 = vector.shape_cast %add3A_94 : vector<16xf32> to vector<1x16xf32>
      tpu.vector_store %arg10[%swap3A_95, %swap3A_96], %swap3A_99 {strides = array<i32>} : memref<32x768xf32, #tpu.memory_space<vmem>>, vector<1x16xf32>,
      %get3A_100 = arith.index_cast %scan3A_44 : i32 to index
      %get3A_101 = arith.constant 64 : index
      %get3A_102 = tpu.vector_load %arg8[%get3A_100, %get3A_101] {strides = array<i32>} : memref<32x768xf32, #tpu.memory_space<vmem>>, vector<1x16xf32>,
      %get3A_103 = vector.shape_cast %get3A_102 : vector<1x16xf32> to vector<16xf32>
      %get3A_104 = arith.index_cast %scan3A_44 : i32 to index
      %get3A_105 = arith.constant 64 : index
      %get3A_106 = tpu.vector_load %arg9[%get3A_104, %get3A_105] {strides = array<i32>} : memref<32x768xf32, #tpu.memory_space<vmem>>, vector<1x16xf32>,
      %get3A_107 = vector.shape_cast %get3A_106 : vector<1x16xf32> to vector<16xf32>
      %add3A_108 = arith.addf %get3A_103, %get3A_107 : vector<16xf32>
      %swap3A_109 = arith.index_cast %scan3A_44 : i32 to index
      %swap3A_110 = arith.constant 64 : index
      %swap3A_111 = tpu.vector_load %arg10[%swap3A_109, %swap3A_110] {strides = array<i32>} : memref<32x768xf32, #tpu.memory_space<vmem>>, vector<1x16xf32>,
      %swap3A_112 = vector.shape_cast %swap3A_111 : vector<1x16xf32> to vector<16xf32>
      %swap3A_113 = vector.shape_cast %add3A_108 : vector<16xf32> to vector<1x16xf32>
      tpu.vector_store %arg10[%swap3A_109, %swap3A_110], %swap3A_113 {strides = array<i32>} : memref<32x768xf32, #tpu.memory_space<vmem>>, vector<1x16xf32>,
      %get3A_114 = arith.index_cast %scan3A_44 : i32 to index
      %get3A_115 = arith.constant 80 : index
      %get3A_116 = tpu.vector_load %arg8[%get3A_114, %get3A_115] {strides = array<i32>} : memref<32x768xf32, #tpu.memory_space<vmem>>, vector<1x16xf32>,
      %get3A_117 = vector.shape_cast %get3A_116 : vector<1x16xf32> to vector<16xf32>
      %get3A_118 = arith.index_cast %scan3A_44 : i32 to index
      %get3A_119 = arith.constant 80 : index
      %get3A_120 = tpu.vector_load %arg9[%get3A_118, %get3A_119] {strides = array<i32>} : memref<32x768xf32, #tpu.memory_space<vmem>>, vector<1x16xf32>,
      %get3A_121 = vector.shape_cast %get3A_120 : vector<1x16xf32> to vector<16xf32>
      %add3A_122 = arith.addf %get3A_117, %get3A_121 : vector<16xf32>
      %swap3A_123 = arith.index_cast %scan3A_44 : i32 to index
      %swap3A_124 = arith.constant 80 : index
      %swap3A_125 = tpu.vector_load %arg10[%swap3A_123, %swap3A_124] {strides = array<i32>} : memref<32x768xf32, #tpu.memory_space<vmem>>, vector<1x16xf32>,
      %swap3A_126 = vector.shape_cast %swap3A_125 : vector<1x16xf32> to vector<16xf32>
      %swap3A_127 = vector.shape_cast %add3A_122 : vector<16xf32> to vector<1x16xf32>
      tpu.vector_store %arg10[%swap3A_123, %swap3A_124], %swap3A_127 {strides = array<i32>} : memref<32x768xf32, #tpu.memory_space<vmem>>, vector<1x16xf32>,
      %get3A_128 = arith.index_cast %scan3A_44 : i32 to index
      %get3A_129 = arith.constant 96 : index
      %get3A_130 = tpu.vector_load %arg8[%get3A_128, %get3A_129] {strides = array<i32>} : memref<32x768xf32, #tpu.memory_space<vmem>>, vector<1x16xf32>,
      %get3A_131 = vector.shape_cast %get3A_130 : vector<1x16xf32> to vector<16xf32>
      %get3A_132 = arith.index_cast %scan3A_44 : i32 to index
      %get3A_133 = arith.constant 96 : index
      %get3A_134 = tpu.vector_load %arg9[%get3A_132, %get3A_133] {strides = array<i32>} : memref<32x768xf32, #tpu.memory_space<vmem>>, vector<1x16xf32>,
      %get3A_135 = vector.shape_cast %get3A_134 : vector<1x16xf32> to vector<16xf32>
      %add3A_136 = arith.addf %get3A_131, %get3A_135 : vector<16xf32>
      %swap3A_137 = arith.index_cast %scan3A_44 : i32 to index
      %swap3A_138 = arith.constant 96 : index
      %swap3A_139 = tpu.vector_load %arg10[%swap3A_137, %swap3A_138] {strides = array<i32>} : memref<32x768xf32, #tpu.memory_space<vmem>>, vector<1x16xf32>,
      %swap3A_140 = vector.shape_cast %swap3A_139 : vector<1x16xf32> to vector<16xf32>
      %swap3A_141 = vector.shape_cast %add3A_136 : vector<16xf32> to vector<1x16xf32>
      tpu.vector_store %arg10[%swap3A_137, %swap3A_138], %swap3A_141 {strides = array<i32>} : memref<32x768xf32, #tpu.memory_space<vmem>>, vector<1x16xf32>,
      %get3A_142 = arith.index_cast %scan3A_44 : i32 to index
      %get3A_143 = arith.constant 112 : index
      %get3A_144 = tpu.vector_load %arg8[%get3A_142, %get3A_143] {strides = array<i32>} : memref<32x768xf32, #tpu.memory_space<vmem>>, vector<1x16xf32>,
      %get3A_145 = vector.shape_cast %get3A_144 : vector<1x16xf32> to vector<16xf32>
      %get3A_146 = arith.index_cast %scan3A_44 : i32 to index
      %get3A_147 = arith.constant 112 : index
      %get3A_148 = tpu.vector_load %arg9[%get3A_146, %get3A_147] {strides = array<i32>} : memref<32x768xf32, #tpu.memory_space<vmem>>, vector<1x16xf32>,
      %get3A_149 = vector.shape_cast %get3A_148 : vector<1x16xf32> to vector<16xf32>
      %add3A_150 = arith.addf %get3A_145, %get3A_149 : vector<16xf32>
      %swap3A_151 = arith.index_cast %scan3A_44 : i32 to index
      %swap3A_152 = arith.constant 112 : index
      %swap3A_153 = tpu.vector_load %arg10[%swap3A_151, %swap3A_152] {strides = array<i32>} : memref<32x768xf32, #tpu.memory_space<vmem>>, vector<1x16xf32>,
      %swap3A_154 = vector.shape_cast %swap3A_153 : vector<1x16xf32> to vector<16xf32>
      %swap3A_155 = vector.shape_cast %add3A_150 : vector<16xf32> to vector<1x16xf32>
      tpu.vector_store %arg10[%swap3A_151, %swap3A_152], %swap3A_155 {strides = array<i32>} : memref<32x768xf32, #tpu.memory_space<vmem>>, vector<1x16xf32>,
      %get3A_156 = arith.index_cast %scan3A_44 : i32 to index
      %get3A_157 = arith.constant 128 : index
      %get3A_158 = tpu.vector_load %arg8[%get3A_156, %get3A_157] {strides = array<i32>} : memref<32x768xf32, #tpu.memory_space<vmem>>, vector<1x16xf32>,
      %get3A_159 = vector.shape_cast %get3A_158 : vector<1x16xf32> to vector<16xf32>
      %get3A_160 = arith.index_cast %scan3A_44 : i32 to index
      %get3A_161 = arith.constant 128 : index
      %get3A_162 = tpu.vector_load %arg9[%get3A_160, %get3A_161] {strides = array<i32>} : memref<32x768xf32, #tpu.memory_space<vmem>>, vector<1x16xf32>,
      %get3A_163 = vector.shape_cast %get3A_162 : vector<1x16xf32> to vector<16xf32>
      %add3A_164 = arith.addf %get3A_159, %get3A_163 : vector<16xf32>
      %swap3A_165 = arith.index_cast %scan3A_44 : i32 to index
      %swap3A_166 = arith.constant 128 : index
      %swap3A_167 = tpu.vector_load %arg10[%swap3A_165, %swap3A_166] {strides = array<i32>} : memref<32x768xf32, #tpu.memory_space<vmem>>, vector<1x16xf32>,
      %swap3A_168 = vector.shape_cast %swap3A_167 : vector<1x16xf32> to vector<16xf32>
      %swap3A_169 = vector.shape_cast %add3A_164 : vector<16xf32> to vector<1x16xf32>
      tpu.vector_store %arg10[%swap3A_165, %swap3A_166], %swap3A_169 {strides = array<i32>} : memref<32x768xf32, #tpu.memory_space<vmem>>, vector<1x16xf32>,
      %get3A_170 = arith.index_cast %scan3A_44 : i32 to index
      %get3A_171 = arith.constant 144 : index
      %get3A_172 = tpu.vector_load %arg8[%get3A_170, %get3A_171] {strides = array<i32>} : memref<32x768xf32, #tpu.memory_space<vmem>>, vector<1x16xf32>,
      %get3A_173 = vector.shape_cast %get3A_172 : vector<1x16xf32> to vector<16xf32>
      %get3A_174 = arith.index_cast %scan3A_44 : i32 to index
      %get3A_175 = arith.constant 144 : index
      %get3A_176 = tpu.vector_load %arg9[%get3A_174, %get3A_175] {strides = array<i32>} : memref<32x768xf32, #tpu.memory_space<vmem>>, vector<1x16xf32>,
      %get3A_177 = vector.shape_cast %get3A_176 : vector<1x16xf32> to vector<16xf32>
      %add3A_178 = arith.addf %get3A_173, %get3A_177 : vector<16xf32>
      %swap3A_179 = arith.index_cast %scan3A_44 : i32 to index
      %swap3A_180 = arith.constant 144 : index
      %swap3A_181 = tpu.vector_load %arg10[%swap3A_179, %swap3A_180] {strides = array<i32>} : memref<32x768xf32, #tpu.memory_space<vmem>>, vector<1x16xf32>,
      %swap3A_182 = vector.shape_cast %swap3A_181 : vector<1x16xf32> to vector<16xf32>
      %swap3A_183 = vector.shape_cast %add3A_178 : vector<16xf32> to vector<1x16xf32>
      tpu.vector_store %arg10[%swap3A_179, %swap3A_180], %swap3A_183 {strides = array<i32>} : memref<32x768xf32, #tpu.memory_space<vmem>>, vector<1x16xf32>,
      %get3A_184 = arith.index_cast %scan3A_44 : i32 to index
      %get3A_185 = arith.constant 160 : index
      %get3A_186 = tpu.vector_load %arg8[%get3A_184, %get3A_185] {strides = array<i32>} : memref<32x768xf32, #tpu.memory_space<vmem>>, vector<1x16xf32>,
      %get3A_187 = vector.shape_cast %get3A_186 : vector<1x16xf32> to vector<16xf32>
      %get3A_188 = arith.index_cast %scan3A_44 : i32 to index
      %get3A_189 = arith.constant 160 : index
      %get3A_190 = tpu.vector_load %arg9[%get3A_188, %get3A_189] {strides = array<i32>} : memref<32x768xf32, #tpu.memory_space<vmem>>, vector<1x16xf32>,
      %get3A_191 = vector.shape_cast %get3A_190 : vector<1x16xf32> to vector<16xf32>
      %add3A_192 = arith.addf %get3A_187, %get3A_191 : vector<16xf32>
      %swap3A_193 = arith.index_cast %scan3A_44 : i32 to index
      %swap3A_194 = arith.constant 160 : index
      %swap3A_195 = tpu.vector_load %arg10[%swap3A_193, %swap3A_194] {strides = array<i32>} : memref<32x768xf32, #tpu.memory_space<vmem>>, vector<1x16xf32>,
      %swap3A_196 = vector.shape_cast %swap3A_195 : vector<1x16xf32> to vector<16xf32>
      %swap3A_197 = vector.shape_cast %add3A_192 : vector<16xf32> to vector<1x16xf32>
      tpu.vector_store %arg10[%swap3A_193, %swap3A_194], %swap3A_197 {strides = array<i32>} : memref<32x768xf32, #tpu.memory_space<vmem>>, vector<1x16xf32>,
      %get3A_198 = arith.index_cast %scan3A_44 : i32 to index
      %get3A_199 = arith.constant 176 : index
      %get3A_200 = tpu.vector_load %arg8[%get3A_198, %get3A_199] {strides = array<i32>} : memref<32x768xf32, #tpu.memory_space<vmem>>, vector<1x16xf32>,
      %get3A_201 = vector.shape_cast %get3A_200 : vector<1x16xf32> to vector<16xf32>
      %get3A_202 = arith.index_cast %scan3A_44 : i32 to index
      %get3A_203 = arith.constant 176 : index
      %get3A_204 = tpu.vector_load %arg9[%get3A_202, %get3A_203] {strides = array<i32>} : memref<32x768xf32, #tpu.memory_space<vmem>>, vector<1x16xf32>,
      %get3A_205 = vector.shape_cast %get3A_204 : vector<1x16xf32> to vector<16xf32>
      %add3A_206 = arith.addf %get3A_201, %get3A_205 : vector<16xf32>
      %swap3A_207 = arith.index_cast %scan3A_44 : i32 to index
      %swap3A_208 = arith.constant 176 : index
      %swap3A_209 = tpu.vector_load %arg10[%swap3A_207, %swap3A_208] {strides = array<i32>} : memref<32x768xf32, #tpu.memory_space<vmem>>, vector<1x16xf32>,
      %swap3A_210 = vector.shape_cast %swap3A_209 : vector<1x16xf32> to vector<16xf32>
      %swap3A_211 = vector.shape_cast %add3A_206 : vector<16xf32> to vector<1x16xf32>
      tpu.vector_store %arg10[%swap3A_207, %swap3A_208], %swap3A_211 {strides = array<i32>} : memref<32x768xf32, #tpu.memory_space<vmem>>, vector<1x16xf32>,
      %get3A_212 = arith.index_cast %scan3A_44 : i32 to index
      %get3A_213 = arith.constant 192 : index
      %get3A_214 = tpu.vector_load %arg8[%get3A_212, %get3A_213] {strides = array<i32>} : memref<32x768xf32, #tpu.memory_space<vmem>>, vector<1x16xf32>,
      %get3A_215 = vector.shape_cast %get3A_214 : vector<1x16xf32> to vector<16xf32>
      %get3A_216 = arith.index_cast %scan3A_44 : i32 to index
      %get3A_217 = arith.constant 192 : index
      %get3A_218 = tpu.vector_load %arg9[%get3A_216, %get3A_217] {strides = array<i32>} : memref<32x768xf32, #tpu.memory_space<vmem>>, vector<1x16xf32>,
      %get3A_219 = vector.shape_cast %get3A_218 : vector<1x16xf32> to vector<16xf32>
      %add3A_220 = arith.addf %get3A_215, %get3A_219 : vector<16xf32>
      %swap3A_221 = arith.index_cast %scan3A_44 : i32 to index
      %swap3A_222 = arith.constant 192 : index
      %swap3A_223 = tpu.vector_load %arg10[%swap3A_221, %swap3A_222] {strides = array<i32>} : memref<32x768xf32, #tpu.memory_space<vmem>>, vector<1x16xf32>,
      %swap3A_224 = vector.shape_cast %swap3A_223 : vector<1x16xf32> to vector<16xf32>
      %swap3A_225 = vector.shape_cast %add3A_220 : vector<16xf32> to vector<1x16xf32>
      tpu.vector_store %arg10[%swap3A_221, %swap3A_222], %swap3A_225 {strides = array<i32>} : memref<32x768xf32, #tpu.memory_space<vmem>>, vector<1x16xf32>,
      %get3A_226 = arith.index_cast %scan3A_44 : i32 to index
      %get3A_227 = arith.constant 208 : index
      %get3A_228 = tpu.vector_load %arg8[%get3A_226, %get3A_227] {strides = array<i32>} : memref<32x768xf32, #tpu.memory_space<vmem>>, vector<1x16xf32>,
      %get3A_229 = vector.shape_cast %get3A_228 : vector<1x16xf32> to vector<16xf32>
      %get3A_230 = arith.index_cast %scan3A_44 : i32 to index
      %get3A_231 = arith.constant 208 : index
      %get3A_232 = tpu.vector_load %arg9[%get3A_230, %get3A_231] {strides = array<i32>} : memref<32x768xf32, #tpu.memory_space<vmem>>, vector<1x16xf32>,
      %get3A_233 = vector.shape_cast %get3A_232 : vector<1x16xf32> to vector<16xf32>
      %add3A_234 = arith.addf %get3A_229, %get3A_233 : vector<16xf32>
      %swap3A_235 = arith.index_cast %scan3A_44 : i32 to index
      %swap3A_236 = arith.constant 208 : index
      %swap3A_237 = tpu.vector_load %arg10[%swap3A_235, %swap3A_236] {strides = array<i32>} : memref<32x768xf32, #tpu.memory_space<vmem>>, vector<1x16xf32>,
      %swap3A_238 = vector.shape_cast %swap3A_237 : vector<1x16xf32> to vector<16xf32>
      %swap3A_239 = vector.shape_cast %add3A_234 : vector<16xf32> to vector<1x16xf32>
      tpu.vector_store %arg10[%swap3A_235, %swap3A_236], %swap3A_239 {strides = array<i32>} : memref<32x768xf32, #tpu.memory_space<vmem>>, vector<1x16xf32>,
      %get3A_240 = arith.index_cast %scan3A_44 : i32 to index
      %get3A_241 = arith.constant 224 : index
      %get3A_242 = tpu.vector_load %arg8[%get3A_240, %get3A_241] {strides = array<i32>} : memref<32x768xf32, #tpu.memory_space<vmem>>, vector<1x16xf32>,
      %get3A_243 = vector.shape_cast %get3A_242 : vector<1x16xf32> to vector<16xf32>
      %get3A_244 = arith.index_cast %scan3A_44 : i32 to index
      %get3A_245 = arith.constant 224 : index
      %get3A_246 = tpu.vector_load %arg9[%get3A_244, %get3A_245] {strides = array<i32>} : memref<32x768xf32, #tpu.memory_space<vmem>>, vector<1x16xf32>,
      %get3A_247 = vector.shape_cast %get3A_246 : vector<1x16xf32> to vector<16xf32>
      %add3A_248 = arith.addf %get3A_243, %get3A_247 : vector<16xf32>
      %swap3A_249 = arith.index_cast %scan3A_44 : i32 to index
      %swap3A_250 = arith.constant 224 : index
      %swap3A_251 = tpu.vector_load %arg10[%swap3A_249, %swap3A_250] {strides = array<i32>} : memref<32x768xf32, #tpu.memory_space<vmem>>, vector<1x16xf32>,
      %swap3A_252 = vector.shape_cast %swap3A_251 : vector<1x16xf32> to vector<16xf32>
      %swap3A_253 = vector.shape_cast %add3A_248 : vector<16xf32> to vector<1x16xf32>
      tpu.vector_store %arg10[%swap3A_249, %swap3A_250], %swap3A_253 {strides = array<i32>} : memref<32x768xf32, #tpu.memory_space<vmem>>, vector<1x16xf32>,
      %get3A_254 = arith.index_cast %scan3A_44 : i32 to index
      %get3A_255 = arith.constant 240 : index
      %get3A_256 = tpu.vector_load %arg8[%get3A_254, %get3A_255] {strides = array<i32>} : memref<32x768xf32, #tpu.memory_space<vmem>>, vector<1x16xf32>,
      %get3A_257 = vector.shape_cast %get3A_256 : vector<1x16xf32> to vector<16xf32>
      %get3A_258 = arith.index_cast %scan3A_44 : i32 to index
      %get3A_259 = arith.constant 240 : index
      %get3A_260 = tpu.vector_load %arg9[%get3A_258, %get3A_259] {strides = array<i32>} : memref<32x768xf32, #tpu.memory_space<vmem>>, vector<1x16xf32>,
      %get3A_261 = vector.shape_cast %get3A_260 : vector<1x16xf32> to vector<16xf32>
      %add3A_262 = arith.addf %get3A_257, %get3A_261 : vector<16xf32>
      %swap3A_263 = arith.index_cast %scan3A_44 : i32 to index
      %swap3A_264 = arith.constant 240 : index
      %swap3A_265 = tpu.vector_load %arg10[%swap3A_263, %swap3A_264] {strides = array<i32>} : memref<32x768xf32, #tpu.memory_space<vmem>>, vector<1x16xf32>,
      %swap3A_266 = vector.shape_cast %swap3A_265 : vector<1x16xf32> to vector<16xf32>
      %swap3A_267 = vector.shape_cast %add3A_262 : vector<16xf32> to vector<1x16xf32>
      tpu.vector_store %arg10[%swap3A_263, %swap3A_264], %swap3A_267 {strides = array<i32>} : memref<32x768xf32, #tpu.memory_space<vmem>>, vector<1x16xf32>,
      %get3A_268 = arith.index_cast %scan3A_44 : i32 to index
      %get3A_269 = arith.constant 256 : index
      %get3A_270 = tpu.vector_load %arg8[%get3A_268, %get3A_269] {strides = array<i32>} : memref<32x768xf32, #tpu.memory_space<vmem>>, vector<1x16xf32>,
      %get3A_271 = vector.shape_cast %get3A_270 : vector<1x16xf32> to vector<16xf32>
      %get3A_272 = arith.index_cast %scan3A_44 : i32 to index
      %get3A_273 = arith.constant 256 : index
      %get3A_274 = tpu.vector_load %arg9[%get3A_272, %get3A_273] {strides = array<i32>} : memref<32x768xf32, #tpu.memory_space<vmem>>, vector<1x16xf32>,
      %get3A_275 = vector.shape_cast %get3A_274 : vector<1x16xf32> to vector<16xf32>
      %add3A_276 = arith.addf %get3A_271, %get3A_275 : vector<16xf32>
      %swap3A_277 = arith.index_cast %scan3A_44 : i32 to index
      %swap3A_278 = arith.constant 256 : index
      %swap3A_279 = tpu.vector_load %arg10[%swap3A_277, %swap3A_278] {strides = array<i32>} : memref<32x768xf32, #tpu.memory_space<vmem>>, vector<1x16xf32>,
      %swap3A_280 = vector.shape_cast %swap3A_279 : vector<1x16xf32> to vector<16xf32>
      %swap3A_281 = vector.shape_cast %add3A_276 : vector<16xf32> to vector<1x16xf32>
      tpu.vector_store %arg10[%swap3A_277, %swap3A_278], %swap3A_281 {strides = array<i32>} : memref<32x768xf32, #tpu.memory_space<vmem>>, vector<1x16xf32>,
      %get3A_282 = arith.index_cast %scan3A_44 : i32 to index
      %get3A_283 = arith.constant 272 : index
      %get3A_284 = tpu.vector_load %arg8[%get3A_282, %get3A_283] {strides = array<i32>} : memref<32x768xf32, #tpu.memory_space<vmem>>, vector<1x16xf32>,
      %get3A_285 = vector.shape_cast %get3A_284 : vector<1x16xf32> to vector<16xf32>
      %get3A_286 = arith.index_cast %scan3A_44 : i32 to index
      %get3A_287 = arith.constant 272 : index
      %get3A_288 = tpu.vector_load %arg9[%get3A_286, %get3A_287] {strides = array<i32>} : memref<32x768xf32, #tpu.memory_space<vmem>>, vector<1x16xf32>,
      %get3A_289 = vector.shape_cast %get3A_288 : vector<1x16xf32> to vector<16xf32>
      %add3A_290 = arith.addf %get3A_285, %get3A_289 : vector<16xf32>
      %swap3A_291 = arith.index_cast %scan3A_44 : i32 to index
      %swap3A_292 = arith.constant 272 : index
      %swap3A_293 = tpu.vector_load %arg10[%swap3A_291, %swap3A_292] {strides = array<i32>} : memref<32x768xf32, #tpu.memory_space<vmem>>, vector<1x16xf32>,
      %swap3A_294 = vector.shape_cast %swap3A_293 : vector<1x16xf32> to vector<16xf32>
      %swap3A_295 = vector.shape_cast %add3A_290 : vector<16xf32> to vector<1x16xf32>
      tpu.vector_store %arg10[%swap3A_291, %swap3A_292], %swap3A_295 {strides = array<i32>} : memref<32x768xf32, #tpu.memory_space<vmem>>, vector<1x16xf32>,
      %get3A_296 = arith.index_cast %scan3A_44 : i32 to index
      %get3A_297 = arith.constant 288 : index
      %get3A_298 = tpu.vector_load %arg8[%get3A_296, %get3A_297] {strides = array<i32>} : memref<32x768xf32, #tpu.memory_space<vmem>>, vector<1x16xf32>,
      %get3A_299 = vector.shape_cast %get3A_298 : vector<1x16xf32> to vector<16xf32>
      %get3A_300 = arith.index_cast %scan3A_44 : i32 to index
      %get3A_301 = arith.constant 288 : index
      %get3A_302 = tpu.vector_load %arg9[%get3A_300, %get3A_301] {strides = array<i32>} : memref<32x768xf32, #tpu.memory_space<vmem>>, vector<1x16xf32>,
      %get3A_303 = vector.shape_cast %get3A_302 : vector<1x16xf32> to vector<16xf32>
      %add3A_304 = arith.addf %get3A_299, %get3A_303 : vector<16xf32>
      %swap3A_305 = arith.index_cast %scan3A_44 : i32 to index
      %swap3A_306 = arith.constant 288 : index
      %swap3A_307 = tpu.vector_load %arg10[%swap3A_305, %swap3A_306] {strides = array<i32>} : memref<32x768xf32, #tpu.memory_space<vmem>>, vector<1x16xf32>,
      %swap3A_308 = vector.shape_cast %swap3A_307 : vector<1x16xf32> to vector<16xf32>
      %swap3A_309 = vector.shape_cast %add3A_304 : vector<16xf32> to vector<1x16xf32>
      tpu.vector_store %arg10[%swap3A_305, %swap3A_306], %swap3A_309 {strides = array<i32>} : memref<32x768xf32, #tpu.memory_space<vmem>>, vector<1x16xf32>,
      %get3A_310 = arith.index_cast %scan3A_44 : i32 to index
      %get3A_311 = arith.constant 304 : index
      %get3A_312 = tpu.vector_load %arg8[%get3A_310, %get3A_311] {strides = array<i32>} : memref<32x768xf32, #tpu.memory_space<vmem>>, vector<1x16xf32>,
      %get3A_313 = vector.shape_cast %get3A_312 : vector<1x16xf32> to vector<16xf32>
      %get3A_314 = arith.index_cast %scan3A_44 : i32 to index
      %get3A_315 = arith.constant 304 : index
      %get3A_316 = tpu.vector_load %arg9[%get3A_314, %get3A_315] {strides = array<i32>} : memref<32x768xf32, #tpu.memory_space<vmem>>, vector<1x16xf32>,
      %get3A_317 = vector.shape_cast %get3A_316 : vector<1x16xf32> to vector<16xf32>
      %add3A_318 = arith.addf %get3A_313, %get3A_317 : vector<16xf32>
      %swap3A_319 = arith.index_cast %scan3A_44 : i32 to index
      %swap3A_320 = arith.constant 304 : index
      %swap3A_321 = tpu.vector_load %arg10[%swap3A_319, %swap3A_320] {strides = array<i32>} : memref<32x768xf32, #tpu.memory_space<vmem>>, vector<1x16xf32>,
      %swap3A_322 = vector.shape_cast %swap3A_321 : vector<1x16xf32> to vector<16xf32>
      %swap3A_323 = vector.shape_cast %add3A_318 : vector<16xf32> to vector<1x16xf32>
      tpu.vector_store %arg10[%swap3A_319, %swap3A_320], %swap3A_323 {strides = array<i32>} : memref<32x768xf32, #tpu.memory_space<vmem>>, vector<1x16xf32>,
      %get3A_324 = arith.index_cast %scan3A_44 : i32 to index
      %get3A_325 = arith.constant 320 : index
      %get3A_326 = tpu.vector_load %arg8[%get3A_324, %get3A_325] {strides = array<i32>} : memref<32x768xf32, #tpu.memory_space<vmem>>, vector<1x16xf32>,
      %get3A_327 = vector.shape_cast %get3A_326 : vector<1x16xf32> to vector<16xf32>
      %get3A_328 = arith.index_cast %scan3A_44 : i32 to index
      %get3A_329 = arith.constant 320 : index
      %get3A_330 = tpu.vector_load %arg9[%get3A_328, %get3A_329] {strides = array<i32>} : memref<32x768xf32, #tpu.memory_space<vmem>>, vector<1x16xf32>,
      %get3A_331 = vector.shape_cast %get3A_330 : vector<1x16xf32> to vector<16xf32>
      %add3A_332 = arith.addf %get3A_327, %get3A_331 : vector<16xf32>
      %swap3A_333 = arith.index_cast %scan3A_44 : i32 to index
      %swap3A_334 = arith.constant 320 : index
      %swap3A_335 = tpu.vector_load %arg10[%swap3A_333, %swap3A_334] {strides = array<i32>} : memref<32x768xf32, #tpu.memory_space<vmem>>, vector<1x16xf32>,
      %swap3A_336 = vector.shape_cast %swap3A_335 : vector<1x16xf32> to vector<16xf32>
      %swap3A_337 = vector.shape_cast %add3A_332 : vector<16xf32> to vector<1x16xf32>
      tpu.vector_store %arg10[%swap3A_333, %swap3A_334], %swap3A_337 {strides = array<i32>} : memref<32x768xf32, #tpu.memory_space<vmem>>, vector<1x16xf32>,
      %get3A_338 = arith.index_cast %scan3A_44 : i32 to index
      %get3A_339 = arith.constant 336 : index
      %get3A_340 = tpu.vector_load %arg8[%get3A_338, %get3A_339] {strides = array<i32>} : memref<32x768xf32, #tpu.memory_space<vmem>>, vector<1x16xf32>,
      %get3A_341 = vector.shape_cast %get3A_340 : vector<1x16xf32> to vector<16xf32>
      %get3A_342 = arith.index_cast %scan3A_44 : i32 to index
      %get3A_343 = arith.constant 336 : index
      %get3A_344 = tpu.vector_load %arg9[%get3A_342, %get3A_343] {strides = array<i32>} : memref<32x768xf32, #tpu.memory_space<vmem>>, vector<1x16xf32>,
      %get3A_345 = vector.shape_cast %get3A_344 : vector<1x16xf32> to vector<16xf32>
      %add3A_346 = arith.addf %get3A_341, %get3A_345 : vector<16xf32>
      %swap3A_347 = arith.index_cast %scan3A_44 : i32 to index
      %swap3A_348 = arith.constant 336 : index
      %swap3A_349 = tpu.vector_load %arg10[%swap3A_347, %swap3A_348] {strides = array<i32>} : memref<32x768xf32, #tpu.memory_space<vmem>>, vector<1x16xf32>,
      %swap3A_350 = vector.shape_cast %swap3A_349 : vector<1x16xf32> to vector<16xf32>
      %swap3A_351 = vector.shape_cast %add3A_346 : vector<16xf32> to vector<1x16xf32>
      tpu.vector_store %arg10[%swap3A_347, %swap3A_348], %swap3A_351 {strides = array<i32>} : memref<32x768xf32, #tpu.memory_space<vmem>>, vector<1x16xf32>,
      %get3A_352 = arith.index_cast %scan3A_44 : i32 to index
      %get3A_353 = arith.constant 352 : index
      %get3A_354 = tpu.vector_load %arg8[%get3A_352, %get3A_353] {strides = array<i32>} : memref<32x768xf32, #tpu.memory_space<vmem>>, vector<1x16xf32>,
      %get3A_355 = vector.shape_cast %get3A_354 : vector<1x16xf32> to vector<16xf32>
      %get3A_356 = arith.index_cast %scan3A_44 : i32 to index
      %get3A_357 = arith.constant 352 : index
      %get3A_358 = tpu.vector_load %arg9[%get3A_356, %get3A_357] {strides = array<i32>} : memref<32x768xf32, #tpu.memory_space<vmem>>, vector<1x16xf32>,
      %get3A_359 = vector.shape_cast %get3A_358 : vector<1x16xf32> to vector<16xf32>
      %add3A_360 = arith.addf %get3A_355, %get3A_359 : vector<16xf32>
      %swap3A_361 = arith.index_cast %scan3A_44 : i32 to index
      %swap3A_362 = arith.constant 352 : index
      %swap3A_363 = tpu.vector_load %arg10[%swap3A_361, %swap3A_362] {strides = array<i32>} : memref<32x768xf32, #tpu.memory_space<vmem>>, vector<1x16xf32>,
      %swap3A_364 = vector.shape_cast %swap3A_363 : vector<1x16xf32> to vector<16xf32>
      %swap3A_365 = vector.shape_cast %add3A_360 : vector<16xf32> to vector<1x16xf32>
      tpu.vector_store %arg10[%swap3A_361, %swap3A_362], %swap3A_365 {strides = array<i32>} : memref<32x768xf32, #tpu.memory_space<vmem>>, vector<1x16xf32>,
      %get3A_366 = arith.index_cast %scan3A_44 : i32 to index
      %get3A_367 = arith.constant 368 : index
      %get3A_368 = tpu.vector_load %arg8[%get3A_366, %get3A_367] {strides = array<i32>} : memref<32x768xf32, #tpu.memory_space<vmem>>, vector<1x16xf32>,
      %get3A_369 = vector.shape_cast %get3A_368 : vector<1x16xf32> to vector<16xf32>
      %get3A_370 = arith.index_cast %scan3A_44 : i32 to index
      %get3A_371 = arith.constant 368 : index
      %get3A_372 = tpu.vector_load %arg9[%get3A_370, %get3A_371] {strides = array<i32>} : memref<32x768xf32, #tpu.memory_space<vmem>>, vector<1x16xf32>,
      %get3A_373 = vector.shape_cast %get3A_372 : vector<1x16xf32> to vector<16xf32>
      %add3A_374 = arith.addf %get3A_369, %get3A_373 : vector<16xf32>
      %swap3A_375 = arith.index_cast %scan3A_44 : i32 to index
      %swap3A_376 = arith.constant 368 : index
      %swap3A_377 = tpu.vector_load %arg10[%swap3A_375, %swap3A_376] {strides = array<i32>} : memref<32x768xf32, #tpu.memory_space<vmem>>, vector<1x16xf32>,
      %swap3A_378 = vector.shape_cast %swap3A_377 : vector<1x16xf32> to vector<16xf32>
      %swap3A_379 = vector.shape_cast %add3A_374 : vector<16xf32> to vector<1x16xf32>
      tpu.vector_store %arg10[%swap3A_375, %swap3A_376], %swap3A_379 {strides = array<i32>} : memref<32x768xf32, #tpu.memory_space<vmem>>, vector<1x16xf32>,
      %get3A_380 = arith.index_cast %scan3A_44 : i32 to index
      %get3A_381 = arith.constant 384 : index
      %get3A_382 = tpu.vector_load %arg8[%get3A_380, %get3A_381] {strides = array<i32>} : memref<32x768xf32, #tpu.memory_space<vmem>>, vector<1x16xf32>,
      %get3A_383 = vector.shape_cast %get3A_382 : vector<1x16xf32> to vector<16xf32>
      %get3A_384 = arith.index_cast %scan3A_44 : i32 to index
      %get3A_385 = arith.constant 384 : index
      %get3A_386 = tpu.vector_load %arg9[%get3A_384, %get3A_385] {strides = array<i32>} : memref<32x768xf32, #tpu.memory_space<vmem>>, vector<1x16xf32>,
      %get3A_387 = vector.shape_cast %get3A_386 : vector<1x16xf32> to vector<16xf32>
      %add3A_388 = arith.addf %get3A_383, %get3A_387 : vector<16xf32>
      %swap3A_389 = arith.index_cast %scan3A_44 : i32 to index
      %swap3A_390 = arith.constant 384 : index
      %swap3A_391 = tpu.vector_load %arg10[%swap3A_389, %swap3A_390] {strides = array<i32>} : memref<32x768xf32, #tpu.memory_space<vmem>>, vector<1x16xf32>,
      %swap3A_392 = vector.shape_cast %swap3A_391 : vector<1x16xf32> to vector<16xf32>
      %swap3A_393 = vector.shape_cast %add3A_388 : vector<16xf32> to vector<1x16xf32>
      tpu.vector_store %arg10[%swap3A_389, %swap3A_390], %swap3A_393 {strides = array<i32>} : memref<32x768xf32, #tpu.memory_space<vmem>>, vector<1x16xf32>,
      %get3A_394 = arith.index_cast %scan3A_44 : i32 to index
      %get3A_395 = arith.constant 400 : index
      %get3A_396 = tpu.vector_load %arg8[%get3A_394, %get3A_395] {strides = array<i32>} : memref<32x768xf32, #tpu.memory_space<vmem>>, vector<1x16xf32>,
      %get3A_397 = vector.shape_cast %get3A_396 : vector<1x16xf32> to vector<16xf32>
      %get3A_398 = arith.index_cast %scan3A_44 : i32 to index
      %get3A_399 = arith.constant 400 : index
      %get3A_400 = tpu.vector_load %arg9[%get3A_398, %get3A_399] {strides = array<i32>} : memref<32x768xf32, #tpu.memory_space<vmem>>, vector<1x16xf32>,
      %get3A_401 = vector.shape_cast %get3A_400 : vector<1x16xf32> to vector<16xf32>
      %add3A_402 = arith.addf %get3A_397, %get3A_401 : vector<16xf32>
      %swap3A_403 = arith.index_cast %scan3A_44 : i32 to index
      %swap3A_404 = arith.constant 400 : index
      %swap3A_405 = tpu.vector_load %arg10[%swap3A_403, %swap3A_404] {strides = array<i32>} : memref<32x768xf32, #tpu.memory_space<vmem>>, vector<1x16xf32>,
      %swap3A_406 = vector.shape_cast %swap3A_405 : vector<1x16xf32> to vector<16xf32>
      %swap3A_407 = vector.shape_cast %add3A_402 : vector<16xf32> to vector<1x16xf32>
      tpu.vector_store %arg10[%swap3A_403, %swap3A_404], %swap3A_407 {strides = array<i32>} : memref<32x768xf32, #tpu.memory_space<vmem>>, vector<1x16xf32>,
      %get3A_408 = arith.index_cast %scan3A_44 : i32 to index
      %get3A_409 = arith.constant 416 : index
      %get3A_410 = tpu.vector_load %arg8[%get3A_408, %get3A_409] {strides = array<i32>} : memref<32x768xf32, #tpu.memory_space<vmem>>, vector<1x16xf32>,
      %get3A_411 = vector.shape_cast %get3A_410 : vector<1x16xf32> to vector<16xf32>
      %get3A_412 = arith.index_cast %scan3A_44 : i32 to index
      %get3A_413 = arith.constant 416 : index
      %get3A_414 = tpu.vector_load %arg9[%get3A_412, %get3A_413] {strides = array<i32>} : memref<32x768xf32, #tpu.memory_space<vmem>>, vector<1x16xf32>,
      %get3A_415 = vector.shape_cast %get3A_414 : vector<1x16xf32> to vector<16xf32>
      %add3A_416 = arith.addf %get3A_411, %get3A_415 : vector<16xf32>
      %swap3A_417 = arith.index_cast %scan3A_44 : i32 to index
      %swap3A_418 = arith.constant 416 : index
      %swap3A_419 = tpu.vector_load %arg10[%swap3A_417, %swap3A_418] {strides = array<i32>} : memref<32x768xf32, #tpu.memory_space<vmem>>, vector<1x16xf32>,
      %swap3A_420 = vector.shape_cast %swap3A_419 : vector<1x16xf32> to vector<16xf32>
      %swap3A_421 = vector.shape_cast %add3A_416 : vector<16xf32> to vector<1x16xf32>
      tpu.vector_store %arg10[%swap3A_417, %swap3A_418], %swap3A_421 {strides = array<i32>} : memref<32x768xf32, #tpu.memory_space<vmem>>, vector<1x16xf32>,
      %get3A_422 = arith.index_cast %scan3A_44 : i32 to index
      %get3A_423 = arith.constant 432 : index
      %get3A_424 = tpu.vector_load %arg8[%get3A_422, %get3A_423] {strides = array<i32>} : memref<32x768xf32, #tpu.memory_space<vmem>>, vector<1x16xf32>,
      %get3A_425 = vector.shape_cast %get3A_424 : vector<1x16xf32> to vector<16xf32>
      %get3A_426 = arith.index_cast %scan3A_44 : i32 to index
      %get3A_427 = arith.constant 432 : index
      %get3A_428 = tpu.vector_load %arg9[%get3A_426, %get3A_427] {strides = array<i32>} : memref<32x768xf32, #tpu.memory_space<vmem>>, vector<1x16xf32>,
      %get3A_429 = vector.shape_cast %get3A_428 : vector<1x16xf32> to vector<16xf32>
      %add3A_430 = arith.addf %get3A_425, %get3A_429 : vector<16xf32>
      %swap3A_431 = arith.index_cast %scan3A_44 : i32 to index
      %swap3A_432 = arith.constant 432 : index
      %swap3A_433 = tpu.vector_load %arg10[%swap3A_431, %swap3A_432] {strides = array<i32>} : memref<32x768xf32, #tpu.memory_space<vmem>>, vector<1x16xf32>,
      %swap3A_434 = vector.shape_cast %swap3A_433 : vector<1x16xf32> to vector<16xf32>
      %swap3A_435 = vector.shape_cast %add3A_430 : vector<16xf32> to vector<1x16xf32>
      tpu.vector_store %arg10[%swap3A_431, %swap3A_432], %swap3A_435 {strides = array<i32>} : memref<32x768xf32, #tpu.memory_space<vmem>>, vector<1x16xf32>,
      %get3A_436 = arith.index_cast %scan3A_44 : i32 to index
      %get3A_437 = arith.constant 448 : index
      %get3A_438 = tpu.vector_load %arg8[%get3A_436, %get3A_437] {strides = array<i32>} : memref<32x768xf32, #tpu.memory_space<vmem>>, vector<1x16xf32>,
      %get3A_439 = vector.shape_cast %get3A_438 : vector<1x16xf32> to vector<16xf32>
      %get3A_440 = arith.index_cast %scan3A_44 : i32 to index
      %get3A_441 = arith.constant 448 : index
      %get3A_442 = tpu.vector_load %arg9[%get3A_440, %get3A_441] {strides = array<i32>} : memref<32x768xf32, #tpu.memory_space<vmem>>, vector<1x16xf32>,
      %get3A_443 = vector.shape_cast %get3A_442 : vector<1x16xf32> to vector<16xf32>
      %add3A_444 = arith.addf %get3A_439, %get3A_443 : vector<16xf32>
      %swap3A_445 = arith.index_cast %scan3A_44 : i32 to index
      %swap3A_446 = arith.constant 448 : index
      %swap3A_447 = tpu.vector_load %arg10[%swap3A_445, %swap3A_446] {strides = array<i32>} : memref<32x768xf32, #tpu.memory_space<vmem>>, vector<1x16xf32>,
      %swap3A_448 = vector.shape_cast %swap3A_447 : vector<1x16xf32> to vector<16xf32>
      %swap3A_449 = vector.shape_cast %add3A_444 : vector<16xf32> to vector<1x16xf32>
      tpu.vector_store %arg10[%swap3A_445, %swap3A_446], %swap3A_449 {strides = array<i32>} : memref<32x768xf32, #tpu.memory_space<vmem>>, vector<1x16xf32>,
      %get3A_450 = arith.index_cast %scan3A_44 : i32 to index
      %get3A_451 = arith.constant 464 : index
      %get3A_452 = tpu.vector_load %arg8[%get3A_450, %get3A_451] {strides = array<i32>} : memref<32x768xf32, #tpu.memory_space<vmem>>, vector<1x16xf32>,
      %get3A_453 = vector.shape_cast %get3A_452 : vector<1x16xf32> to vector<16xf32>
      %get3A_454 = arith.index_cast %scan3A_44 : i32 to index
      %get3A_455 = arith.constant 464 : index
      %get3A_456 = tpu.vector_load %arg9[%get3A_454, %get3A_455] {strides = array<i32>} : memref<32x768xf32, #tpu.memory_space<vmem>>, vector<1x16xf32>,
      %get3A_457 = vector.shape_cast %get3A_456 : vector<1x16xf32> to vector<16xf32>
      %add3A_458 = arith.addf %get3A_453, %get3A_457 : vector<16xf32>
      %swap3A_459 = arith.index_cast %scan3A_44 : i32 to index
      %swap3A_460 = arith.constant 464 : index
      %swap3A_461 = tpu.vector_load %arg10[%swap3A_459, %swap3A_460] {strides = array<i32>} : memref<32x768xf32, #tpu.memory_space<vmem>>, vector<1x16xf32>,
      %swap3A_462 = vector.shape_cast %swap3A_461 : vector<1x16xf32> to vector<16xf32>
      %swap3A_463 = vector.shape_cast %add3A_458 : vector<16xf32> to vector<1x16xf32>
      tpu.vector_store %arg10[%swap3A_459, %swap3A_460], %swap3A_463 {strides = array<i32>} : memref<32x768xf32, #tpu.memory_space<vmem>>, vector<1x16xf32>,
      %get3A_464 = arith.index_cast %scan3A_44 : i32 to index
      %get3A_465 = arith.constant 480 : index
      %get3A_466 = tpu.vector_load %arg8[%get3A_464, %get3A_465] {strides = array<i32>} : memref<32x768xf32, #tpu.memory_space<vmem>>, vector<1x16xf32>,
      %get3A_467 = vector.shape_cast %get3A_466 : vector<1x16xf32> to vector<16xf32>
      %get3A_468 = arith.index_cast %scan3A_44 : i32 to index
      %get3A_469 = arith.constant 480 : index
      %get3A_470 = tpu.vector_load %arg9[%get3A_468, %get3A_469] {strides = array<i32>} : memref<32x768xf32, #tpu.memory_space<vmem>>, vector<1x16xf32>,
      %get3A_471 = vector.shape_cast %get3A_470 : vector<1x16xf32> to vector<16xf32>
      %add3A_472 = arith.addf %get3A_467, %get3A_471 : vector<16xf32>
      %swap3A_473 = arith.index_cast %scan3A_44 : i32 to index
      %swap3A_474 = arith.constant 480 : index
      %swap3A_475 = tpu.vector_load %arg10[%swap3A_473, %swap3A_474] {strides = array<i32>} : memref<32x768xf32, #tpu.memory_space<vmem>>, vector<1x16xf32>,
      %swap3A_476 = vector.shape_cast %swap3A_475 : vector<1x16xf32> to vector<16xf32>
      %swap3A_477 = vector.shape_cast %add3A_472 : vector<16xf32> to vector<1x16xf32>
      tpu.vector_store %arg10[%swap3A_473, %swap3A_474], %swap3A_477 {strides = array<i32>} : memref<32x768xf32, #tpu.memory_space<vmem>>, vector<1x16xf32>,
      %get3A_478 = arith.index_cast %scan3A_44 : i32 to index
      %get3A_479 = arith.constant 496 : index
      %get3A_480 = tpu.vector_load %arg8[%get3A_478, %get3A_479] {strides = array<i32>} : memref<32x768xf32, #tpu.memory_space<vmem>>, vector<1x16xf32>,
      %get3A_481 = vector.shape_cast %get3A_480 : vector<1x16xf32> to vector<16xf32>
      %get3A_482 = arith.index_cast %scan3A_44 : i32 to index
      %get3A_483 = arith.constant 496 : index
      %get3A_484 = tpu.vector_load %arg9[%get3A_482, %get3A_483] {strides = array<i32>} : memref<32x768xf32, #tpu.memory_space<vmem>>, vector<1x16xf32>,
      %get3A_485 = vector.shape_cast %get3A_484 : vector<1x16xf32> to vector<16xf32>
      %add3A_486 = arith.addf %get3A_481, %get3A_485 : vector<16xf32>
      %swap3A_487 = arith.index_cast %scan3A_44 : i32 to index
      %swap3A_488 = arith.constant 496 : index
      %swap3A_489 = tpu.vector_load %arg10[%swap3A_487, %swap3A_488] {strides = array<i32>} : memref<32x768xf32, #tpu.memory_space<vmem>>, vector<1x16xf32>,
      %swap3A_490 = vector.shape_cast %swap3A_489 : vector<1x16xf32> to vector<16xf32>
      %swap3A_491 = vector.shape_cast %add3A_486 : vector<16xf32> to vector<1x16xf32>
      tpu.vector_store %arg10[%swap3A_487, %swap3A_488], %swap3A_491 {strides = array<i32>} : memref<32x768xf32, #tpu.memory_space<vmem>>, vector<1x16xf32>,
      %get3A_492 = arith.index_cast %scan3A_44 : i32 to index
      %get3A_493 = arith.constant 512 : index
      %get3A_494 = tpu.vector_load %arg8[%get3A_492, %get3A_493] {strides = array<i32>} : memref<32x768xf32, #tpu.memory_space<vmem>>, vector<1x16xf32>,
      %get3A_495 = vector.shape_cast %get3A_494 : vector<1x16xf32> to vector<16xf32>
      %get3A_496 = arith.index_cast %scan3A_44 : i32 to index
      %get3A_497 = arith.constant 512 : index
      %get3A_498 = tpu.vector_load %arg9[%get3A_496, %get3A_497] {strides = array<i32>} : memref<32x768xf32, #tpu.memory_space<vmem>>, vector<1x16xf32>,
      %get3A_499 = vector.shape_cast %get3A_498 : vector<1x16xf32> to vector<16xf32>
      %add3A_500 = arith.addf %get3A_495, %get3A_499 : vector<16xf32>
      %swap3A_501 = arith.index_cast %scan3A_44 : i32 to index
      %swap3A_502 = arith.constant 512 : index
      %swap3A_503 = tpu.vector_load %arg10[%swap3A_501, %swap3A_502] {strides = array<i32>} : memref<32x768xf32, #tpu.memory_space<vmem>>, vector<1x16xf32>,
      %swap3A_504 = vector.shape_cast %swap3A_503 : vector<1x16xf32> to vector<16xf32>
      %swap3A_505 = vector.shape_cast %add3A_500 : vector<16xf32> to vector<1x16xf32>
      tpu.vector_store %arg10[%swap3A_501, %swap3A_502], %swap3A_505 {strides = array<i32>} : memref<32x768xf32, #tpu.memory_space<vmem>>, vector<1x16xf32>,
      %get3A_506 = arith.index_cast %scan3A_44 : i32 to index
      %get3A_507 = arith.constant 528 : index
      %get3A_508 = tpu.vector_load %arg8[%get3A_506, %get3A_507] {strides = array<i32>} : memref<32x768xf32, #tpu.memory_space<vmem>>, vector<1x16xf32>,
      %get3A_509 = vector.shape_cast %get3A_508 : vector<1x16xf32> to vector<16xf32>
      %get3A_510 = arith.index_cast %scan3A_44 : i32 to index
      %get3A_511 = arith.constant 528 : index
      %get3A_512 = tpu.vector_load %arg9[%get3A_510, %get3A_511] {strides = array<i32>} : memref<32x768xf32, #tpu.memory_space<vmem>>, vector<1x16xf32>,
      %get3A_513 = vector.shape_cast %get3A_512 : vector<1x16xf32> to vector<16xf32>
      %add3A_514 = arith.addf %get3A_509, %get3A_513 : vector<16xf32>
      %swap3A_515 = arith.index_cast %scan3A_44 : i32 to index
      %swap3A_516 = arith.constant 528 : index
      %swap3A_517 = tpu.vector_load %arg10[%swap3A_515, %swap3A_516] {strides = array<i32>} : memref<32x768xf32, #tpu.memory_space<vmem>>, vector<1x16xf32>,
      %swap3A_518 = vector.shape_cast %swap3A_517 : vector<1x16xf32> to vector<16xf32>
      %swap3A_519 = vector.shape_cast %add3A_514 : vector<16xf32> to vector<1x16xf32>
      tpu.vector_store %arg10[%swap3A_515, %swap3A_516], %swap3A_519 {strides = array<i32>} : memref<32x768xf32, #tpu.memory_space<vmem>>, vector<1x16xf32>,
      %get3A_520 = arith.index_cast %scan3A_44 : i32 to index
      %get3A_521 = arith.constant 544 : index
      %get3A_522 = tpu.vector_load %arg8[%get3A_520, %get3A_521] {strides = array<i32>} : memref<32x768xf32, #tpu.memory_space<vmem>>, vector<1x16xf32>,
      %get3A_523 = vector.shape_cast %get3A_522 : vector<1x16xf32> to vector<16xf32>
      %get3A_524 = arith.index_cast %scan3A_44 : i32 to index
      %get3A_525 = arith.constant 544 : index
      %get3A_526 = tpu.vector_load %arg9[%get3A_524, %get3A_525] {strides = array<i32>} : memref<32x768xf32, #tpu.memory_space<vmem>>, vector<1x16xf32>,
      %get3A_527 = vector.shape_cast %get3A_526 : vector<1x16xf32> to vector<16xf32>
      %add3A_528 = arith.addf %get3A_523, %get3A_527 : vector<16xf32>
      %swap3A_529 = arith.index_cast %scan3A_44 : i32 to index
      %swap3A_530 = arith.constant 544 : index
      %swap3A_531 = tpu.vector_load %arg10[%swap3A_529, %swap3A_530] {strides = array<i32>} : memref<32x768xf32, #tpu.memory_space<vmem>>, vector<1x16xf32>,
      %swap3A_532 = vector.shape_cast %swap3A_531 : vector<1x16xf32> to vector<16xf32>
      %swap3A_533 = vector.shape_cast %add3A_528 : vector<16xf32> to vector<1x16xf32>
      tpu.vector_store %arg10[%swap3A_529, %swap3A_530], %swap3A_533 {strides = array<i32>} : memref<32x768xf32, #tpu.memory_space<vmem>>, vector<1x16xf32>,
      %get3A_534 = arith.index_cast %scan3A_44 : i32 to index
      %get3A_535 = arith.constant 560 : index
      %get3A_536 = tpu.vector_load %arg8[%get3A_534, %get3A_535] {strides = array<i32>} : memref<32x768xf32, #tpu.memory_space<vmem>>, vector<1x16xf32>,
      %get3A_537 = vector.shape_cast %get3A_536 : vector<1x16xf32> to vector<16xf32>
      %get3A_538 = arith.index_cast %scan3A_44 : i32 to index
      %get3A_539 = arith.constant 560 : index
      %get3A_540 = tpu.vector_load %arg9[%get3A_538, %get3A_539] {strides = array<i32>} : memref<32x768xf32, #tpu.memory_space<vmem>>, vector<1x16xf32>,
      %get3A_541 = vector.shape_cast %get3A_540 : vector<1x16xf32> to vector<16xf32>
      %add3A_542 = arith.addf %get3A_537, %get3A_541 : vector<16xf32>
      %swap3A_543 = arith.index_cast %scan3A_44 : i32 to index
      %swap3A_544 = arith.constant 560 : index
      %swap3A_545 = tpu.vector_load %arg10[%swap3A_543, %swap3A_544] {strides = array<i32>} : memref<32x768xf32, #tpu.memory_space<vmem>>, vector<1x16xf32>,
      %swap3A_546 = vector.shape_cast %swap3A_545 : vector<1x16xf32> to vector<16xf32>
      %swap3A_547 = vector.shape_cast %add3A_542 : vector<16xf32> to vector<1x16xf32>
      tpu.vector_store %arg10[%swap3A_543, %swap3A_544], %swap3A_547 {strides = array<i32>} : memref<32x768xf32, #tpu.memory_space<vmem>>, vector<1x16xf32>,
      %get3A_548 = arith.index_cast %scan3A_44 : i32 to index
      %get3A_549 = arith.constant 576 : index
      %get3A_550 = tpu.vector_load %arg8[%get3A_548, %get3A_549] {strides = array<i32>} : memref<32x768xf32, #tpu.memory_space<vmem>>, vector<1x16xf32>,
      %get3A_551 = vector.shape_cast %get3A_550 : vector<1x16xf32> to vector<16xf32>
      %get3A_552 = arith.index_cast %scan3A_44 : i32 to index
      %get3A_553 = arith.constant 576 : index
      %get3A_554 = tpu.vector_load %arg9[%get3A_552, %get3A_553] {strides = array<i32>} : memref<32x768xf32, #tpu.memory_space<vmem>>, vector<1x16xf32>,
      %get3A_555 = vector.shape_cast %get3A_554 : vector<1x16xf32> to vector<16xf32>
      %add3A_556 = arith.addf %get3A_551, %get3A_555 : vector<16xf32>
      %swap3A_557 = arith.index_cast %scan3A_44 : i32 to index
      %swap3A_558 = arith.constant 576 : index
      %swap3A_559 = tpu.vector_load %arg10[%swap3A_557, %swap3A_558] {strides = array<i32>} : memref<32x768xf32, #tpu.memory_space<vmem>>, vector<1x16xf32>,
      %swap3A_560 = vector.shape_cast %swap3A_559 : vector<1x16xf32> to vector<16xf32>
      %swap3A_561 = vector.shape_cast %add3A_556 : vector<16xf32> to vector<1x16xf32>
      tpu.vector_store %arg10[%swap3A_557, %swap3A_558], %swap3A_561 {strides = array<i32>} : memref<32x768xf32, #tpu.memory_space<vmem>>, vector<1x16xf32>,
      %get3A_562 = arith.index_cast %scan3A_44 : i32 to index
      %get3A_563 = arith.constant 592 : index
      %get3A_564 = tpu.vector_load %arg8[%get3A_562, %get3A_563] {strides = array<i32>} : memref<32x768xf32, #tpu.memory_space<vmem>>, vector<1x16xf32>,
      %get3A_565 = vector.shape_cast %get3A_564 : vector<1x16xf32> to vector<16xf32>
      %get3A_566 = arith.index_cast %scan3A_44 : i32 to index
      %get3A_567 = arith.constant 592 : index
      %get3A_568 = tpu.vector_load %arg9[%get3A_566, %get3A_567] {strides = array<i32>} : memref<32x768xf32, #tpu.memory_space<vmem>>, vector<1x16xf32>,
      %get3A_569 = vector.shape_cast %get3A_568 : vector<1x16xf32> to vector<16xf32>
      %add3A_570 = arith.addf %get3A_565, %get3A_569 : vector<16xf32>
      %swap3A_571 = arith.index_cast %scan3A_44 : i32 to index
      %swap3A_572 = arith.constant 592 : index
      %swap3A_573 = tpu.vector_load %arg10[%swap3A_571, %swap3A_572] {strides = array<i32>} : memref<32x768xf32, #tpu.memory_space<vmem>>, vector<1x16xf32>,
      %swap3A_574 = vector.shape_cast %swap3A_573 : vector<1x16xf32> to vector<16xf32>
      %swap3A_575 = vector.shape_cast %add3A_570 : vector<16xf32> to vector<1x16xf32>
      tpu.vector_store %arg10[%swap3A_571, %swap3A_572], %swap3A_575 {strides = array<i32>} : memref<32x768xf32, #tpu.memory_space<vmem>>, vector<1x16xf32>,
      %get3A_576 = arith.index_cast %scan3A_44 : i32 to index
      %get3A_577 = arith.constant 608 : index
      %get3A_578 = tpu.vector_load %arg8[%get3A_576, %get3A_577] {strides = array<i32>} : memref<32x768xf32, #tpu.memory_space<vmem>>, vector<1x16xf32>,
      %get3A_579 = vector.shape_cast %get3A_578 : vector<1x16xf32> to vector<16xf32>
      %get3A_580 = arith.index_cast %scan3A_44 : i32 to index
      %get3A_581 = arith.constant 608 : index
      %get3A_582 = tpu.vector_load %arg9[%get3A_580, %get3A_581] {strides = array<i32>} : memref<32x768xf32, #tpu.memory_space<vmem>>, vector<1x16xf32>,
      %get3A_583 = vector.shape_cast %get3A_582 : vector<1x16xf32> to vector<16xf32>
      %add3A_584 = arith.addf %get3A_579, %get3A_583 : vector<16xf32>
      %swap3A_585 = arith.index_cast %scan3A_44 : i32 to index
      %swap3A_586 = arith.constant 608 : index
      %swap3A_587 = tpu.vector_load %arg10[%swap3A_585, %swap3A_586] {strides = array<i32>} : memref<32x768xf32, #tpu.memory_space<vmem>>, vector<1x16xf32>,
      %swap3A_588 = vector.shape_cast %swap3A_587 : vector<1x16xf32> to vector<16xf32>
      %swap3A_589 = vector.shape_cast %add3A_584 : vector<16xf32> to vector<1x16xf32>
      tpu.vector_store %arg10[%swap3A_585, %swap3A_586], %swap3A_589 {strides = array<i32>} : memref<32x768xf32, #tpu.memory_space<vmem>>, vector<1x16xf32>,
      %get3A_590 = arith.index_cast %scan3A_44 : i32 to index
      %get3A_591 = arith.constant 624 : index
      %get3A_592 = tpu.vector_load %arg8[%get3A_590, %get3A_591] {strides = array<i32>} : memref<32x768xf32, #tpu.memory_space<vmem>>, vector<1x16xf32>,
      %get3A_593 = vector.shape_cast %get3A_592 : vector<1x16xf32> to vector<16xf32>
      %get3A_594 = arith.index_cast %scan3A_44 : i32 to index
      %get3A_595 = arith.constant 624 : index
      %get3A_596 = tpu.vector_load %arg9[%get3A_594, %get3A_595] {strides = array<i32>} : memref<32x768xf32, #tpu.memory_space<vmem>>, vector<1x16xf32>,
      %get3A_597 = vector.shape_cast %get3A_596 : vector<1x16xf32> to vector<16xf32>
      %add3A_598 = arith.addf %get3A_593, %get3A_597 : vector<16xf32>
      %swap3A_599 = arith.index_cast %scan3A_44 : i32 to index
      %swap3A_600 = arith.constant 624 : index
      %swap3A_601 = tpu.vector_load %arg10[%swap3A_599, %swap3A_600] {strides = array<i32>} : memref<32x768xf32, #tpu.memory_space<vmem>>, vector<1x16xf32>,
      %swap3A_602 = vector.shape_cast %swap3A_601 : vector<1x16xf32> to vector<16xf32>
      %swap3A_603 = vector.shape_cast %add3A_598 : vector<16xf32> to vector<1x16xf32>
      tpu.vector_store %arg10[%swap3A_599, %swap3A_600], %swap3A_603 {strides = array<i32>} : memref<32x768xf32, #tpu.memory_space<vmem>>, vector<1x16xf32>,
      %get3A_604 = arith.index_cast %scan3A_44 : i32 to index
      %get3A_605 = arith.constant 640 : index
      %get3A_606 = tpu.vector_load %arg8[%get3A_604, %get3A_605] {strides = array<i32>} : memref<32x768xf32, #tpu.memory_space<vmem>>, vector<1x16xf32>,
      %get3A_607 = vector.shape_cast %get3A_606 : vector<1x16xf32> to vector<16xf32>
      %get3A_608 = arith.index_cast %scan3A_44 : i32 to index
      %get3A_609 = arith.constant 640 : index
      %get3A_610 = tpu.vector_load %arg9[%get3A_608, %get3A_609] {strides = array<i32>} : memref<32x768xf32, #tpu.memory_space<vmem>>, vector<1x16xf32>,
      %get3A_611 = vector.shape_cast %get3A_610 : vector<1x16xf32> to vector<16xf32>
      %add3A_612 = arith.addf %get3A_607, %get3A_611 : vector<16xf32>
      %swap3A_613 = arith.index_cast %scan3A_44 : i32 to index
      %swap3A_614 = arith.constant 640 : index
      %swap3A_615 = tpu.vector_load %arg10[%swap3A_613, %swap3A_614] {strides = array<i32>} : memref<32x768xf32, #tpu.memory_space<vmem>>, vector<1x16xf32>,
      %swap3A_616 = vector.shape_cast %swap3A_615 : vector<1x16xf32> to vector<16xf32>
      %swap3A_617 = vector.shape_cast %add3A_612 : vector<16xf32> to vector<1x16xf32>
      tpu.vector_store %arg10[%swap3A_613, %swap3A_614], %swap3A_617 {strides = array<i32>} : memref<32x768xf32, #tpu.memory_space<vmem>>, vector<1x16xf32>,
      %get3A_618 = arith.index_cast %scan3A_44 : i32 to index
      %get3A_619 = arith.constant 656 : index
      %get3A_620 = tpu.vector_load %arg8[%get3A_618, %get3A_619] {strides = array<i32>} : memref<32x768xf32, #tpu.memory_space<vmem>>, vector<1x16xf32>,
      %get3A_621 = vector.shape_cast %get3A_620 : vector<1x16xf32> to vector<16xf32>
      %get3A_622 = arith.index_cast %scan3A_44 : i32 to index
      %get3A_623 = arith.constant 656 : index
      %get3A_624 = tpu.vector_load %arg9[%get3A_622, %get3A_623] {strides = array<i32>} : memref<32x768xf32, #tpu.memory_space<vmem>>, vector<1x16xf32>,
      %get3A_625 = vector.shape_cast %get3A_624 : vector<1x16xf32> to vector<16xf32>
      %add3A_626 = arith.addf %get3A_621, %get3A_625 : vector<16xf32>
      %swap3A_627 = arith.index_cast %scan3A_44 : i32 to index
      %swap3A_628 = arith.constant 656 : index
      %swap3A_629 = tpu.vector_load %arg10[%swap3A_627, %swap3A_628] {strides = array<i32>} : memref<32x768xf32, #tpu.memory_space<vmem>>, vector<1x16xf32>,
      %swap3A_630 = vector.shape_cast %swap3A_629 : vector<1x16xf32> to vector<16xf32>
      %swap3A_631 = vector.shape_cast %add3A_626 : vector<16xf32> to vector<1x16xf32>
      tpu.vector_store %arg10[%swap3A_627, %swap3A_628], %swap3A_631 {strides = array<i32>} : memref<32x768xf32, #tpu.memory_space<vmem>>, vector<1x16xf32>,
      %get3A_632 = arith.index_cast %scan3A_44 : i32 to index
      %get3A_633 = arith.constant 672 : index
      %get3A_634 = tpu.vector_load %arg8[%get3A_632, %get3A_633] {strides = array<i32>} : memref<32x768xf32, #tpu.memory_space<vmem>>, vector<1x16xf32>,
      %get3A_635 = vector.shape_cast %get3A_634 : vector<1x16xf32> to vector<16xf32>
      %get3A_636 = arith.index_cast %scan3A_44 : i32 to index
      %get3A_637 = arith.constant 672 : index
      %get3A_638 = tpu.vector_load %arg9[%get3A_636, %get3A_637] {strides = array<i32>} : memref<32x768xf32, #tpu.memory_space<vmem>>, vector<1x16xf32>,
      %get3A_639 = vector.shape_cast %get3A_638 : vector<1x16xf32> to vector<16xf32>
      %add3A_640 = arith.addf %get3A_635, %get3A_639 : vector<16xf32>
      %swap3A_641 = arith.index_cast %scan3A_44 : i32 to index
      %swap3A_642 = arith.constant 672 : index
      %swap3A_643 = tpu.vector_load %arg10[%swap3A_641, %swap3A_642] {strides = array<i32>} : memref<32x768xf32, #tpu.memory_space<vmem>>, vector<1x16xf32>,
      %swap3A_644 = vector.shape_cast %swap3A_643 : vector<1x16xf32> to vector<16xf32>
      %swap3A_645 = vector.shape_cast %add3A_640 : vector<16xf32> to vector<1x16xf32>
      tpu.vector_store %arg10[%swap3A_641, %swap3A_642], %swap3A_645 {strides = array<i32>} : memref<32x768xf32, #tpu.memory_space<vmem>>, vector<1x16xf32>,
      %get3A_646 = arith.index_cast %scan3A_44 : i32 to index
      %get3A_647 = arith.constant 688 : index
      %get3A_648 = tpu.vector_load %arg8[%get3A_646, %get3A_647] {strides = array<i32>} : memref<32x768xf32, #tpu.memory_space<vmem>>, vector<1x16xf32>,
      %get3A_649 = vector.shape_cast %get3A_648 : vector<1x16xf32> to vector<16xf32>
      %get3A_650 = arith.index_cast %scan3A_44 : i32 to index
      %get3A_651 = arith.constant 688 : index
      %get3A_652 = tpu.vector_load %arg9[%get3A_650, %get3A_651] {strides = array<i32>} : memref<32x768xf32, #tpu.memory_space<vmem>>, vector<1x16xf32>,
      %get3A_653 = vector.shape_cast %get3A_652 : vector<1x16xf32> to vector<16xf32>
      %add3A_654 = arith.addf %get3A_649, %get3A_653 : vector<16xf32>
      %swap3A_655 = arith.index_cast %scan3A_44 : i32 to index
      %swap3A_656 = arith.constant 688 : index
      %swap3A_657 = tpu.vector_load %arg10[%swap3A_655, %swap3A_656] {strides = array<i32>} : memref<32x768xf32, #tpu.memory_space<vmem>>, vector<1x16xf32>,
      %swap3A_658 = vector.shape_cast %swap3A_657 : vector<1x16xf32> to vector<16xf32>
      %swap3A_659 = vector.shape_cast %add3A_654 : vector<16xf32> to vector<1x16xf32>
      tpu.vector_store %arg10[%swap3A_655, %swap3A_656], %swap3A_659 {strides = array<i32>} : memref<32x768xf32, #tpu.memory_space<vmem>>, vector<1x16xf32>,
      %get3A_660 = arith.index_cast %scan3A_44 : i32 to index
      %get3A_661 = arith.constant 704 : index
      %get3A_662 = tpu.vector_load %arg8[%get3A_660, %get3A_661] {strides = array<i32>} : memref<32x768xf32, #tpu.memory_space<vmem>>, vector<1x16xf32>,
      %get3A_663 = vector.shape_cast %get3A_662 : vector<1x16xf32> to vector<16xf32>
      %get3A_664 = arith.index_cast %scan3A_44 : i32 to index
      %get3A_665 = arith.constant 704 : index
      %get3A_666 = tpu.vector_load %arg9[%get3A_664, %get3A_665] {strides = array<i32>} : memref<32x768xf32, #tpu.memory_space<vmem>>, vector<1x16xf32>,
      %get3A_667 = vector.shape_cast %get3A_666 : vector<1x16xf32> to vector<16xf32>
      %add3A_668 = arith.addf %get3A_663, %get3A_667 : vector<16xf32>
      %swap3A_669 = arith.index_cast %scan3A_44 : i32 to index
      %swap3A_670 = arith.constant 704 : index
      %swap3A_671 = tpu.vector_load %arg10[%swap3A_669, %swap3A_670] {strides = array<i32>} : memref<32x768xf32, #tpu.memory_space<vmem>>, vector<1x16xf32>,
      %swap3A_672 = vector.shape_cast %swap3A_671 : vector<1x16xf32> to vector<16xf32>
      %swap3A_673 = vector.shape_cast %add3A_668 : vector<16xf32> to vector<1x16xf32>
      tpu.vector_store %arg10[%swap3A_669, %swap3A_670], %swap3A_673 {strides = array<i32>} : memref<32x768xf32, #tpu.memory_space<vmem>>, vector<1x16xf32>,
      %get3A_674 = arith.index_cast %scan3A_44 : i32 to index
      %get3A_675 = arith.constant 720 : index
      %get3A_676 = tpu.vector_load %arg8[%get3A_674, %get3A_675] {strides = array<i32>} : memref<32x768xf32, #tpu.memory_space<vmem>>, vector<1x16xf32>,
      %get3A_677 = vector.shape_cast %get3A_676 : vector<1x16xf32> to vector<16xf32>
      %get3A_678 = arith.index_cast %scan3A_44 : i32 to index
      %get3A_679 = arith.constant 720 : index
      %get3A_680 = tpu.vector_load %arg9[%get3A_678, %get3A_679] {strides = array<i32>} : memref<32x768xf32, #tpu.memory_space<vmem>>, vector<1x16xf32>,
      %get3A_681 = vector.shape_cast %get3A_680 : vector<1x16xf32> to vector<16xf32>
      %add3A_682 = arith.addf %get3A_677, %get3A_681 : vector<16xf32>
      %swap3A_683 = arith.index_cast %scan3A_44 : i32 to index
      %swap3A_684 = arith.constant 720 : index
      %swap3A_685 = tpu.vector_load %arg10[%swap3A_683, %swap3A_684] {strides = array<i32>} : memref<32x768xf32, #tpu.memory_space<vmem>>, vector<1x16xf32>,
      %swap3A_686 = vector.shape_cast %swap3A_685 : vector<1x16xf32> to vector<16xf32>
      %swap3A_687 = vector.shape_cast %add3A_682 : vector<16xf32> to vector<1x16xf32>
      tpu.vector_store %arg10[%swap3A_683, %swap3A_684], %swap3A_687 {strides = array<i32>} : memref<32x768xf32, #tpu.memory_space<vmem>>, vector<1x16xf32>,
      %get3A_688 = arith.index_cast %scan3A_44 : i32 to index
      %get3A_689 = arith.constant 736 : index
      %get3A_690 = tpu.vector_load %arg8[%get3A_688, %get3A_689] {strides = array<i32>} : memref<32x768xf32, #tpu.memory_space<vmem>>, vector<1x16xf32>,
      %get3A_691 = vector.shape_cast %get3A_690 : vector<1x16xf32> to vector<16xf32>
      %get3A_692 = arith.index_cast %scan3A_44 : i32 to index
      %get3A_693 = arith.constant 736 : index
      %get3A_694 = tpu.vector_load %arg9[%get3A_692, %get3A_693] {strides = array<i32>} : memref<32x768xf32, #tpu.memory_space<vmem>>, vector<1x16xf32>,
      %get3A_695 = vector.shape_cast %get3A_694 : vector<1x16xf32> to vector<16xf32>
      %add3A_696 = arith.addf %get3A_691, %get3A_695 : vector<16xf32>
      %swap3A_697 = arith.index_cast %scan3A_44 : i32 to index
      %swap3A_698 = arith.constant 736 : index
      %swap3A_699 = tpu.vector_load %arg10[%swap3A_697, %swap3A_698] {strides = array<i32>} : memref<32x768xf32, #tpu.memory_space<vmem>>, vector<1x16xf32>,
      %swap3A_700 = vector.shape_cast %swap3A_699 : vector<1x16xf32> to vector<16xf32>
      %swap3A_701 = vector.shape_cast %add3A_696 : vector<16xf32> to vector<1x16xf32>
      tpu.vector_store %arg10[%swap3A_697, %swap3A_698], %swap3A_701 {strides = array<i32>} : memref<32x768xf32, #tpu.memory_space<vmem>>, vector<1x16xf32>,
      %get3A_702 = arith.index_cast %scan3A_44 : i32 to index
      %get3A_703 = arith.constant 752 : index
      %get3A_704 = tpu.vector_load %arg8[%get3A_702, %get3A_703] {strides = array<i32>} : memref<32x768xf32, #tpu.memory_space<vmem>>, vector<1x16xf32>,
      %get3A_705 = vector.shape_cast %get3A_704 : vector<1x16xf32> to vector<16xf32>
      %get3A_706 = arith.index_cast %scan3A_44 : i32 to index
      %get3A_707 = arith.constant 752 : index
      %get3A_708 = tpu.vector_load %arg9[%get3A_706, %get3A_707] {strides = array<i32>} : memref<32x768xf32, #tpu.memory_space<vmem>>, vector<1x16xf32>,
      %get3A_709 = vector.shape_cast %get3A_708 : vector<1x16xf32> to vector<16xf32>
      %add3A_710 = arith.addf %get3A_705, %get3A_709 : vector<16xf32>
      %swap3A_711 = arith.index_cast %scan3A_44 : i32 to index
      %swap3A_712 = arith.constant 752 : index
      %swap3A_713 = tpu.vector_load %arg10[%swap3A_711, %swap3A_712] {strides = array<i32>} : memref<32x768xf32, #tpu.memory_space<vmem>>, vector<1x16xf32>,
      %swap3A_714 = vector.shape_cast %swap3A_713 : vector<1x16xf32> to vector<16xf32>
      %swap3A_715 = vector.shape_cast %add3A_710 : vector<16xf32> to vector<1x16xf32>
      tpu.vector_store %arg10[%swap3A_711, %swap3A_712], %swap3A_715 {strides = array<i32>} : memref<32x768xf32, #tpu.memory_space<vmem>>, vector<1x16xf32>,
      %scan3A_716 = arith.constant 0 : i32
      scf.yield %scan3A_716 : i32
    }
    %scan3A_43 = arith.constant 32 : i32
    "tpu.region"() ({
      %run_scoped3A = tpu.sem_alloc : memref<!tpu.dma_semaphore, #tpu.memory_space<semaphore_mem>>
      %dma_start3A_44 = arith.constant 0 : i32
      %dma_start3A_45 = tpu.memref_slice %arg5[%add3A_24, %dma_start3A_44] : memref<2048x768xf32, #tpu.memory_space<hbm>> -> memref<32x768xf32, #tpu.memory_space<hbm>>
      %dma_start3A_46 = arith.constant 0 : i32
      %dma_start3A_47 = tpu.memref_slice %arg5[%add3A_24, %dma_start3A_46] : memref<2048x768xf32, #tpu.memory_space<hbm>> -> memref<32x768xf32, #tpu.memory_space<hbm>>
      tpu.enqueue_dma source(%arg10 : memref<32x768xf32, #tpu.memory_space<vmem>>) target(%dma_start3A_47 : memref<32x768xf32, #tpu.memory_space<hbm>>) target_semaphore(%run_scoped3A : memref<!tpu.dma_semaphore, #tpu.memory_space<semaphore_mem>>)
      %dma_wait3A_48 = arith.constant 0 : i32
      %dma_wait3A_49 = tpu.memref_slice %arg5[%add3A_24, %dma_wait3A_48] : memref<2048x768xf32, #tpu.memory_space<hbm>> -> memref<32x768xf32, #tpu.memory_space<hbm>>
      %dma_wait3A_50 = arith.constant 0 : i32
      %dma_wait3A_51 = tpu.memref_slice %arg5[%add3A_24, %dma_wait3A_50] : memref<2048x768xf32, #tpu.memory_space<hbm>> -> memref<32x768xf32, #tpu.memory_space<hbm>>
      tpu.wait_dma2 semaphore(%run_scoped3A : memref<!tpu.dma_semaphore, #tpu.memory_space<semaphore_mem>>) src(%arg10 : memref<32x768xf32, #tpu.memory_space<vmem>>) dst(%dma_wait3A_51 : memref<32x768xf32, #tpu.memory_space<hbm>>)
      tpu.yield
    }) : () -> ()
    return
  }
}

module attributes {stable_mosaic.version = 14 : i64} {
  func.func @_router_body(%arg0: memref<8x2048xf32, #tpu.memory_space<vmem>>, %arg1: memref<2048x32xf32, #tpu.memory_space<vmem>>, %arg2: memref<1x2048xi32, #tpu.memory_space<vmem>>, %arg3: memref<1x2048xi32, #tpu.memory_space<vmem>>, %arg4: memref<2048x128xf32, #tpu.memory_space<vmem>>, %arg5: memref<2048x128xf32, #tpu.memory_space<vmem>>, %arg6: memref<1x64xi32, #tpu.memory_space<vmem>>, %arg7: memref<1x1xf32, #tpu.memory_space<vmem>>) attributes {dimension_semantics = [], scalar_prefetch = 0 : i64, scratch_operands = 0 : i64, tpu.core_type = #tpu.core_type<tc>} {
    %get3A = arith.constant 0 : index
    %get3A_0 = arith.constant 0 : index
    %get3A_1 = vector.load %arg0[%get3A, %get3A_0] : memref<8x2048xf32, #tpu.memory_space<vmem>>, vector<8x2048xf32>
    %bitcast_convert_type3A = tpu.bitcast %get3A_1 : vector<8x2048xf32> -> vector<8x2048xi32>
    %shift_right_logical3A = arith.constant 31 : i32
    %shift_right_logical3A_2 = vector.broadcast %shift_right_logical3A : i32 to vector<8x2048xi32>
    %shift_right_logical3A_3 = arith.shrui %bitcast_convert_type3A, %shift_right_logical3A_2 : vector<8x2048xi32>
    %eq3A = arith.constant 1 : i32
    %eq3A_4 = vector.broadcast %eq3A : i32 to vector<8x2048xi32>
    %eq3A_5 = arith.cmpi eq, %shift_right_logical3A_3, %eq3A_4 : vector<8x2048xi32>
    %not3A = arith.constant dense<-1> : vector<8x2048xi32>
    %not3A_6 = arith.xori %bitcast_convert_type3A, %not3A : vector<8x2048xi32>
    %xor3A = arith.constant -2147483648 : i32
    %xor3A_7 = vector.broadcast %xor3A : i32 to vector<8x2048xi32>
    %xor3A_8 = arith.xori %bitcast_convert_type3A, %xor3A_7 : vector<8x2048xi32>
    %select_n3A = arith.select %eq3A_5, %not3A_6, %xor3A_8 : vector<8x2048xi1>, vector<8x2048xi32>
    %broadcast_in_dim3A = arith.constant 0 : i32
    %broadcast_in_dim3A_9 = vector.broadcast %broadcast_in_dim3A : i32 to vector<8x1xi32>
    %or3A = arith.constant -2147483648 : i32
    %or3A_10 = vector.broadcast %or3A : i32 to vector<8x1xi32>
    %or3A_11 = arith.ori %broadcast_in_dim3A_9, %or3A_10 : vector<8x1xi32>
    %ge3A = vector.broadcast %or3A_11 : vector<8x1xi32> to vector<8x2048xi32>
    %ge3A_12 = arith.cmpi uge, %select_n3A, %ge3A : vector<8x2048xi32>
    %convert_element_type3A = arith.extui %ge3A_12 : vector<8x2048xi1> to vector<8x2048xi32>
    %convert_element_type3A_13 = arith.sitofp %convert_element_type3A : vector<8x2048xi32> to vector<8x2048xf32>
    %reduce_sum3A = arith.constant dense<0.000000e+00> : vector<8xf32>
    %reduce_sum3A_14 = vector.multi_reduction <add>, %convert_element_type3A_13, %reduce_sum3A [1] : vector<8x2048xf32> to vector<8xf32>
    %broadcast_in_dim3A_15 = vector.shape_cast %reduce_sum3A_14 : vector<8xf32> to vector<8x1xf32>
    %ge3A_16 = arith.constant 3.200000e+02 : f32
    %ge3A_17 = vector.broadcast %ge3A_16 : f32 to vector<8x1xf32>
    %ge3A_18 = arith.cmpf oge, %broadcast_in_dim3A_15, %ge3A_17 : vector<8x1xf32>
    %select_n3A_19 = arith.select %ge3A_18, %or3A_11, %broadcast_in_dim3A_9 : vector<8x1xi1>, vector<8x1xi32>
    %or3A_20 = arith.constant 1073741824 : i32
    %or3A_21 = vector.broadcast %or3A_20 : i32 to vector<8x1xi32>
    %or3A_22 = arith.ori %select_n3A_19, %or3A_21 : vector<8x1xi32>
    %ge3A_23 = vector.broadcast %or3A_22 : vector<8x1xi32> to vector<8x2048xi32>
    %ge3A_24 = arith.cmpi uge, %select_n3A, %ge3A_23 : vector<8x2048xi32>
    %convert_element_type3A_25 = arith.extui %ge3A_24 : vector<8x2048xi1> to vector<8x2048xi32>
    %convert_element_type3A_26 = arith.sitofp %convert_element_type3A_25 : vector<8x2048xi32> to vector<8x2048xf32>
    %reduce_sum3A_27 = arith.constant dense<0.000000e+00> : vector<8xf32>
    %reduce_sum3A_28 = vector.multi_reduction <add>, %convert_element_type3A_26, %reduce_sum3A_27 [1] : vector<8x2048xf32> to vector<8xf32>
    %broadcast_in_dim3A_29 = vector.shape_cast %reduce_sum3A_28 : vector<8xf32> to vector<8x1xf32>
    %ge3A_30 = arith.constant 3.200000e+02 : f32
    %ge3A_31 = vector.broadcast %ge3A_30 : f32 to vector<8x1xf32>
    %ge3A_32 = arith.cmpf oge, %broadcast_in_dim3A_29, %ge3A_31 : vector<8x1xf32>
    %select_n3A_33 = arith.select %ge3A_32, %or3A_22, %select_n3A_19 : vector<8x1xi1>, vector<8x1xi32>
    %or3A_34 = arith.constant 536870912 : i32
    %or3A_35 = vector.broadcast %or3A_34 : i32 to vector<8x1xi32>
    %or3A_36 = arith.ori %select_n3A_33, %or3A_35 : vector<8x1xi32>
    %ge3A_37 = vector.broadcast %or3A_36 : vector<8x1xi32> to vector<8x2048xi32>
    %ge3A_38 = arith.cmpi uge, %select_n3A, %ge3A_37 : vector<8x2048xi32>
    %convert_element_type3A_39 = arith.extui %ge3A_38 : vector<8x2048xi1> to vector<8x2048xi32>
    %convert_element_type3A_40 = arith.sitofp %convert_element_type3A_39 : vector<8x2048xi32> to vector<8x2048xf32>
    %reduce_sum3A_41 = arith.constant dense<0.000000e+00> : vector<8xf32>
    %reduce_sum3A_42 = vector.multi_reduction <add>, %convert_element_type3A_40, %reduce_sum3A_41 [1] : vector<8x2048xf32> to vector<8xf32>
    %broadcast_in_dim3A_43 = vector.shape_cast %reduce_sum3A_42 : vector<8xf32> to vector<8x1xf32>
    %ge3A_44 = arith.constant 3.200000e+02 : f32
    %ge3A_45 = vector.broadcast %ge3A_44 : f32 to vector<8x1xf32>
    %ge3A_46 = arith.cmpf oge, %broadcast_in_dim3A_43, %ge3A_45 : vector<8x1xf32>
    %select_n3A_47 = arith.select %ge3A_46, %or3A_36, %select_n3A_33 : vector<8x1xi1>, vector<8x1xi32>
    %or3A_48 = arith.constant 268435456 : i32
    %or3A_49 = vector.broadcast %or3A_48 : i32 to vector<8x1xi32>
    %or3A_50 = arith.ori %select_n3A_47, %or3A_49 : vector<8x1xi32>
    %ge3A_51 = vector.broadcast %or3A_50 : vector<8x1xi32> to vector<8x2048xi32>
    %ge3A_52 = arith.cmpi uge, %select_n3A, %ge3A_51 : vector<8x2048xi32>
    %convert_element_type3A_53 = arith.extui %ge3A_52 : vector<8x2048xi1> to vector<8x2048xi32>
    %convert_element_type3A_54 = arith.sitofp %convert_element_type3A_53 : vector<8x2048xi32> to vector<8x2048xf32>
    %reduce_sum3A_55 = arith.constant dense<0.000000e+00> : vector<8xf32>
    %reduce_sum3A_56 = vector.multi_reduction <add>, %convert_element_type3A_54, %reduce_sum3A_55 [1] : vector<8x2048xf32> to vector<8xf32>
    %broadcast_in_dim3A_57 = vector.shape_cast %reduce_sum3A_56 : vector<8xf32> to vector<8x1xf32>
    %ge3A_58 = arith.constant 3.200000e+02 : f32
    %ge3A_59 = vector.broadcast %ge3A_58 : f32 to vector<8x1xf32>
    %ge3A_60 = arith.cmpf oge, %broadcast_in_dim3A_57, %ge3A_59 : vector<8x1xf32>
    %select_n3A_61 = arith.select %ge3A_60, %or3A_50, %select_n3A_47 : vector<8x1xi1>, vector<8x1xi32>
    %or3A_62 = arith.constant 134217728 : i32
    %or3A_63 = vector.broadcast %or3A_62 : i32 to vector<8x1xi32>
    %or3A_64 = arith.ori %select_n3A_61, %or3A_63 : vector<8x1xi32>
    %ge3A_65 = vector.broadcast %or3A_64 : vector<8x1xi32> to vector<8x2048xi32>
    %ge3A_66 = arith.cmpi uge, %select_n3A, %ge3A_65 : vector<8x2048xi32>
    %convert_element_type3A_67 = arith.extui %ge3A_66 : vector<8x2048xi1> to vector<8x2048xi32>
    %convert_element_type3A_68 = arith.sitofp %convert_element_type3A_67 : vector<8x2048xi32> to vector<8x2048xf32>
    %reduce_sum3A_69 = arith.constant dense<0.000000e+00> : vector<8xf32>
    %reduce_sum3A_70 = vector.multi_reduction <add>, %convert_element_type3A_68, %reduce_sum3A_69 [1] : vector<8x2048xf32> to vector<8xf32>
    %broadcast_in_dim3A_71 = vector.shape_cast %reduce_sum3A_70 : vector<8xf32> to vector<8x1xf32>
    %ge3A_72 = arith.constant 3.200000e+02 : f32
    %ge3A_73 = vector.broadcast %ge3A_72 : f32 to vector<8x1xf32>
    %ge3A_74 = arith.cmpf oge, %broadcast_in_dim3A_71, %ge3A_73 : vector<8x1xf32>
    %select_n3A_75 = arith.select %ge3A_74, %or3A_64, %select_n3A_61 : vector<8x1xi1>, vector<8x1xi32>
    %or3A_76 = arith.constant 67108864 : i32
    %or3A_77 = vector.broadcast %or3A_76 : i32 to vector<8x1xi32>
    %or3A_78 = arith.ori %select_n3A_75, %or3A_77 : vector<8x1xi32>
    %ge3A_79 = vector.broadcast %or3A_78 : vector<8x1xi32> to vector<8x2048xi32>
    %ge3A_80 = arith.cmpi uge, %select_n3A, %ge3A_79 : vector<8x2048xi32>
    %convert_element_type3A_81 = arith.extui %ge3A_80 : vector<8x2048xi1> to vector<8x2048xi32>
    %convert_element_type3A_82 = arith.sitofp %convert_element_type3A_81 : vector<8x2048xi32> to vector<8x2048xf32>
    %reduce_sum3A_83 = arith.constant dense<0.000000e+00> : vector<8xf32>
    %reduce_sum3A_84 = vector.multi_reduction <add>, %convert_element_type3A_82, %reduce_sum3A_83 [1] : vector<8x2048xf32> to vector<8xf32>
    %broadcast_in_dim3A_85 = vector.shape_cast %reduce_sum3A_84 : vector<8xf32> to vector<8x1xf32>
    %ge3A_86 = arith.constant 3.200000e+02 : f32
    %ge3A_87 = vector.broadcast %ge3A_86 : f32 to vector<8x1xf32>
    %ge3A_88 = arith.cmpf oge, %broadcast_in_dim3A_85, %ge3A_87 : vector<8x1xf32>
    %select_n3A_89 = arith.select %ge3A_88, %or3A_78, %select_n3A_75 : vector<8x1xi1>, vector<8x1xi32>
    %or3A_90 = arith.constant 33554432 : i32
    %or3A_91 = vector.broadcast %or3A_90 : i32 to vector<8x1xi32>
    %or3A_92 = arith.ori %select_n3A_89, %or3A_91 : vector<8x1xi32>
    %ge3A_93 = vector.broadcast %or3A_92 : vector<8x1xi32> to vector<8x2048xi32>
    %ge3A_94 = arith.cmpi uge, %select_n3A, %ge3A_93 : vector<8x2048xi32>
    %convert_element_type3A_95 = arith.extui %ge3A_94 : vector<8x2048xi1> to vector<8x2048xi32>
    %convert_element_type3A_96 = arith.sitofp %convert_element_type3A_95 : vector<8x2048xi32> to vector<8x2048xf32>
    %reduce_sum3A_97 = arith.constant dense<0.000000e+00> : vector<8xf32>
    %reduce_sum3A_98 = vector.multi_reduction <add>, %convert_element_type3A_96, %reduce_sum3A_97 [1] : vector<8x2048xf32> to vector<8xf32>
    %broadcast_in_dim3A_99 = vector.shape_cast %reduce_sum3A_98 : vector<8xf32> to vector<8x1xf32>
    %ge3A_100 = arith.constant 3.200000e+02 : f32
    %ge3A_101 = vector.broadcast %ge3A_100 : f32 to vector<8x1xf32>
    %ge3A_102 = arith.cmpf oge, %broadcast_in_dim3A_99, %ge3A_101 : vector<8x1xf32>
    %select_n3A_103 = arith.select %ge3A_102, %or3A_92, %select_n3A_89 : vector<8x1xi1>, vector<8x1xi32>
    %or3A_104 = arith.constant 16777216 : i32
    %or3A_105 = vector.broadcast %or3A_104 : i32 to vector<8x1xi32>
    %or3A_106 = arith.ori %select_n3A_103, %or3A_105 : vector<8x1xi32>
    %ge3A_107 = vector.broadcast %or3A_106 : vector<8x1xi32> to vector<8x2048xi32>
    %ge3A_108 = arith.cmpi uge, %select_n3A, %ge3A_107 : vector<8x2048xi32>
    %convert_element_type3A_109 = arith.extui %ge3A_108 : vector<8x2048xi1> to vector<8x2048xi32>
    %convert_element_type3A_110 = arith.sitofp %convert_element_type3A_109 : vector<8x2048xi32> to vector<8x2048xf32>
    %reduce_sum3A_111 = arith.constant dense<0.000000e+00> : vector<8xf32>
    %reduce_sum3A_112 = vector.multi_reduction <add>, %convert_element_type3A_110, %reduce_sum3A_111 [1] : vector<8x2048xf32> to vector<8xf32>
    %broadcast_in_dim3A_113 = vector.shape_cast %reduce_sum3A_112 : vector<8xf32> to vector<8x1xf32>
    %ge3A_114 = arith.constant 3.200000e+02 : f32
    %ge3A_115 = vector.broadcast %ge3A_114 : f32 to vector<8x1xf32>
    %ge3A_116 = arith.cmpf oge, %broadcast_in_dim3A_113, %ge3A_115 : vector<8x1xf32>
    %select_n3A_117 = arith.select %ge3A_116, %or3A_106, %select_n3A_103 : vector<8x1xi1>, vector<8x1xi32>
    %or3A_118 = arith.constant 8388608 : i32
    %or3A_119 = vector.broadcast %or3A_118 : i32 to vector<8x1xi32>
    %or3A_120 = arith.ori %select_n3A_117, %or3A_119 : vector<8x1xi32>
    %ge3A_121 = vector.broadcast %or3A_120 : vector<8x1xi32> to vector<8x2048xi32>
    %ge3A_122 = arith.cmpi uge, %select_n3A, %ge3A_121 : vector<8x2048xi32>
    %convert_element_type3A_123 = arith.extui %ge3A_122 : vector<8x2048xi1> to vector<8x2048xi32>
    %convert_element_type3A_124 = arith.sitofp %convert_element_type3A_123 : vector<8x2048xi32> to vector<8x2048xf32>
    %reduce_sum3A_125 = arith.constant dense<0.000000e+00> : vector<8xf32>
    %reduce_sum3A_126 = vector.multi_reduction <add>, %convert_element_type3A_124, %reduce_sum3A_125 [1] : vector<8x2048xf32> to vector<8xf32>
    %broadcast_in_dim3A_127 = vector.shape_cast %reduce_sum3A_126 : vector<8xf32> to vector<8x1xf32>
    %ge3A_128 = arith.constant 3.200000e+02 : f32
    %ge3A_129 = vector.broadcast %ge3A_128 : f32 to vector<8x1xf32>
    %ge3A_130 = arith.cmpf oge, %broadcast_in_dim3A_127, %ge3A_129 : vector<8x1xf32>
    %select_n3A_131 = arith.select %ge3A_130, %or3A_120, %select_n3A_117 : vector<8x1xi1>, vector<8x1xi32>
    %or3A_132 = arith.constant 4194304 : i32
    %or3A_133 = vector.broadcast %or3A_132 : i32 to vector<8x1xi32>
    %or3A_134 = arith.ori %select_n3A_131, %or3A_133 : vector<8x1xi32>
    %ge3A_135 = vector.broadcast %or3A_134 : vector<8x1xi32> to vector<8x2048xi32>
    %ge3A_136 = arith.cmpi uge, %select_n3A, %ge3A_135 : vector<8x2048xi32>
    %convert_element_type3A_137 = arith.extui %ge3A_136 : vector<8x2048xi1> to vector<8x2048xi32>
    %convert_element_type3A_138 = arith.sitofp %convert_element_type3A_137 : vector<8x2048xi32> to vector<8x2048xf32>
    %reduce_sum3A_139 = arith.constant dense<0.000000e+00> : vector<8xf32>
    %reduce_sum3A_140 = vector.multi_reduction <add>, %convert_element_type3A_138, %reduce_sum3A_139 [1] : vector<8x2048xf32> to vector<8xf32>
    %broadcast_in_dim3A_141 = vector.shape_cast %reduce_sum3A_140 : vector<8xf32> to vector<8x1xf32>
    %ge3A_142 = arith.constant 3.200000e+02 : f32
    %ge3A_143 = vector.broadcast %ge3A_142 : f32 to vector<8x1xf32>
    %ge3A_144 = arith.cmpf oge, %broadcast_in_dim3A_141, %ge3A_143 : vector<8x1xf32>
    %select_n3A_145 = arith.select %ge3A_144, %or3A_134, %select_n3A_131 : vector<8x1xi1>, vector<8x1xi32>
    %or3A_146 = arith.constant 2097152 : i32
    %or3A_147 = vector.broadcast %or3A_146 : i32 to vector<8x1xi32>
    %or3A_148 = arith.ori %select_n3A_145, %or3A_147 : vector<8x1xi32>
    %ge3A_149 = vector.broadcast %or3A_148 : vector<8x1xi32> to vector<8x2048xi32>
    %ge3A_150 = arith.cmpi uge, %select_n3A, %ge3A_149 : vector<8x2048xi32>
    %convert_element_type3A_151 = arith.extui %ge3A_150 : vector<8x2048xi1> to vector<8x2048xi32>
    %convert_element_type3A_152 = arith.sitofp %convert_element_type3A_151 : vector<8x2048xi32> to vector<8x2048xf32>
    %reduce_sum3A_153 = arith.constant dense<0.000000e+00> : vector<8xf32>
    %reduce_sum3A_154 = vector.multi_reduction <add>, %convert_element_type3A_152, %reduce_sum3A_153 [1] : vector<8x2048xf32> to vector<8xf32>
    %broadcast_in_dim3A_155 = vector.shape_cast %reduce_sum3A_154 : vector<8xf32> to vector<8x1xf32>
    %ge3A_156 = arith.constant 3.200000e+02 : f32
    %ge3A_157 = vector.broadcast %ge3A_156 : f32 to vector<8x1xf32>
    %ge3A_158 = arith.cmpf oge, %broadcast_in_dim3A_155, %ge3A_157 : vector<8x1xf32>
    %select_n3A_159 = arith.select %ge3A_158, %or3A_148, %select_n3A_145 : vector<8x1xi1>, vector<8x1xi32>
    %or3A_160 = arith.constant 1048576 : i32
    %or3A_161 = vector.broadcast %or3A_160 : i32 to vector<8x1xi32>
    %or3A_162 = arith.ori %select_n3A_159, %or3A_161 : vector<8x1xi32>
    %ge3A_163 = vector.broadcast %or3A_162 : vector<8x1xi32> to vector<8x2048xi32>
    %ge3A_164 = arith.cmpi uge, %select_n3A, %ge3A_163 : vector<8x2048xi32>
    %convert_element_type3A_165 = arith.extui %ge3A_164 : vector<8x2048xi1> to vector<8x2048xi32>
    %convert_element_type3A_166 = arith.sitofp %convert_element_type3A_165 : vector<8x2048xi32> to vector<8x2048xf32>
    %reduce_sum3A_167 = arith.constant dense<0.000000e+00> : vector<8xf32>
    %reduce_sum3A_168 = vector.multi_reduction <add>, %convert_element_type3A_166, %reduce_sum3A_167 [1] : vector<8x2048xf32> to vector<8xf32>
    %broadcast_in_dim3A_169 = vector.shape_cast %reduce_sum3A_168 : vector<8xf32> to vector<8x1xf32>
    %ge3A_170 = arith.constant 3.200000e+02 : f32
    %ge3A_171 = vector.broadcast %ge3A_170 : f32 to vector<8x1xf32>
    %ge3A_172 = arith.cmpf oge, %broadcast_in_dim3A_169, %ge3A_171 : vector<8x1xf32>
    %select_n3A_173 = arith.select %ge3A_172, %or3A_162, %select_n3A_159 : vector<8x1xi1>, vector<8x1xi32>
    %or3A_174 = arith.constant 524288 : i32
    %or3A_175 = vector.broadcast %or3A_174 : i32 to vector<8x1xi32>
    %or3A_176 = arith.ori %select_n3A_173, %or3A_175 : vector<8x1xi32>
    %ge3A_177 = vector.broadcast %or3A_176 : vector<8x1xi32> to vector<8x2048xi32>
    %ge3A_178 = arith.cmpi uge, %select_n3A, %ge3A_177 : vector<8x2048xi32>
    %convert_element_type3A_179 = arith.extui %ge3A_178 : vector<8x2048xi1> to vector<8x2048xi32>
    %convert_element_type3A_180 = arith.sitofp %convert_element_type3A_179 : vector<8x2048xi32> to vector<8x2048xf32>
    %reduce_sum3A_181 = arith.constant dense<0.000000e+00> : vector<8xf32>
    %reduce_sum3A_182 = vector.multi_reduction <add>, %convert_element_type3A_180, %reduce_sum3A_181 [1] : vector<8x2048xf32> to vector<8xf32>
    %broadcast_in_dim3A_183 = vector.shape_cast %reduce_sum3A_182 : vector<8xf32> to vector<8x1xf32>
    %ge3A_184 = arith.constant 3.200000e+02 : f32
    %ge3A_185 = vector.broadcast %ge3A_184 : f32 to vector<8x1xf32>
    %ge3A_186 = arith.cmpf oge, %broadcast_in_dim3A_183, %ge3A_185 : vector<8x1xf32>
    %select_n3A_187 = arith.select %ge3A_186, %or3A_176, %select_n3A_173 : vector<8x1xi1>, vector<8x1xi32>
    %or3A_188 = arith.constant 262144 : i32
    %or3A_189 = vector.broadcast %or3A_188 : i32 to vector<8x1xi32>
    %or3A_190 = arith.ori %select_n3A_187, %or3A_189 : vector<8x1xi32>
    %ge3A_191 = vector.broadcast %or3A_190 : vector<8x1xi32> to vector<8x2048xi32>
    %ge3A_192 = arith.cmpi uge, %select_n3A, %ge3A_191 : vector<8x2048xi32>
    %convert_element_type3A_193 = arith.extui %ge3A_192 : vector<8x2048xi1> to vector<8x2048xi32>
    %convert_element_type3A_194 = arith.sitofp %convert_element_type3A_193 : vector<8x2048xi32> to vector<8x2048xf32>
    %reduce_sum3A_195 = arith.constant dense<0.000000e+00> : vector<8xf32>
    %reduce_sum3A_196 = vector.multi_reduction <add>, %convert_element_type3A_194, %reduce_sum3A_195 [1] : vector<8x2048xf32> to vector<8xf32>
    %broadcast_in_dim3A_197 = vector.shape_cast %reduce_sum3A_196 : vector<8xf32> to vector<8x1xf32>
    %ge3A_198 = arith.constant 3.200000e+02 : f32
    %ge3A_199 = vector.broadcast %ge3A_198 : f32 to vector<8x1xf32>
    %ge3A_200 = arith.cmpf oge, %broadcast_in_dim3A_197, %ge3A_199 : vector<8x1xf32>
    %select_n3A_201 = arith.select %ge3A_200, %or3A_190, %select_n3A_187 : vector<8x1xi1>, vector<8x1xi32>
    %or3A_202 = arith.constant 131072 : i32
    %or3A_203 = vector.broadcast %or3A_202 : i32 to vector<8x1xi32>
    %or3A_204 = arith.ori %select_n3A_201, %or3A_203 : vector<8x1xi32>
    %ge3A_205 = vector.broadcast %or3A_204 : vector<8x1xi32> to vector<8x2048xi32>
    %ge3A_206 = arith.cmpi uge, %select_n3A, %ge3A_205 : vector<8x2048xi32>
    %convert_element_type3A_207 = arith.extui %ge3A_206 : vector<8x2048xi1> to vector<8x2048xi32>
    %convert_element_type3A_208 = arith.sitofp %convert_element_type3A_207 : vector<8x2048xi32> to vector<8x2048xf32>
    %reduce_sum3A_209 = arith.constant dense<0.000000e+00> : vector<8xf32>
    %reduce_sum3A_210 = vector.multi_reduction <add>, %convert_element_type3A_208, %reduce_sum3A_209 [1] : vector<8x2048xf32> to vector<8xf32>
    %broadcast_in_dim3A_211 = vector.shape_cast %reduce_sum3A_210 : vector<8xf32> to vector<8x1xf32>
    %ge3A_212 = arith.constant 3.200000e+02 : f32
    %ge3A_213 = vector.broadcast %ge3A_212 : f32 to vector<8x1xf32>
    %ge3A_214 = arith.cmpf oge, %broadcast_in_dim3A_211, %ge3A_213 : vector<8x1xf32>
    %select_n3A_215 = arith.select %ge3A_214, %or3A_204, %select_n3A_201 : vector<8x1xi1>, vector<8x1xi32>
    %or3A_216 = arith.constant 65536 : i32
    %or3A_217 = vector.broadcast %or3A_216 : i32 to vector<8x1xi32>
    %or3A_218 = arith.ori %select_n3A_215, %or3A_217 : vector<8x1xi32>
    %ge3A_219 = vector.broadcast %or3A_218 : vector<8x1xi32> to vector<8x2048xi32>
    %ge3A_220 = arith.cmpi uge, %select_n3A, %ge3A_219 : vector<8x2048xi32>
    %convert_element_type3A_221 = arith.extui %ge3A_220 : vector<8x2048xi1> to vector<8x2048xi32>
    %convert_element_type3A_222 = arith.sitofp %convert_element_type3A_221 : vector<8x2048xi32> to vector<8x2048xf32>
    %reduce_sum3A_223 = arith.constant dense<0.000000e+00> : vector<8xf32>
    %reduce_sum3A_224 = vector.multi_reduction <add>, %convert_element_type3A_222, %reduce_sum3A_223 [1] : vector<8x2048xf32> to vector<8xf32>
    %broadcast_in_dim3A_225 = vector.shape_cast %reduce_sum3A_224 : vector<8xf32> to vector<8x1xf32>
    %ge3A_226 = arith.constant 3.200000e+02 : f32
    %ge3A_227 = vector.broadcast %ge3A_226 : f32 to vector<8x1xf32>
    %ge3A_228 = arith.cmpf oge, %broadcast_in_dim3A_225, %ge3A_227 : vector<8x1xf32>
    %select_n3A_229 = arith.select %ge3A_228, %or3A_218, %select_n3A_215 : vector<8x1xi1>, vector<8x1xi32>
    %or3A_230 = arith.constant 32768 : i32
    %or3A_231 = vector.broadcast %or3A_230 : i32 to vector<8x1xi32>
    %or3A_232 = arith.ori %select_n3A_229, %or3A_231 : vector<8x1xi32>
    %ge3A_233 = vector.broadcast %or3A_232 : vector<8x1xi32> to vector<8x2048xi32>
    %ge3A_234 = arith.cmpi uge, %select_n3A, %ge3A_233 : vector<8x2048xi32>
    %convert_element_type3A_235 = arith.extui %ge3A_234 : vector<8x2048xi1> to vector<8x2048xi32>
    %convert_element_type3A_236 = arith.sitofp %convert_element_type3A_235 : vector<8x2048xi32> to vector<8x2048xf32>
    %reduce_sum3A_237 = arith.constant dense<0.000000e+00> : vector<8xf32>
    %reduce_sum3A_238 = vector.multi_reduction <add>, %convert_element_type3A_236, %reduce_sum3A_237 [1] : vector<8x2048xf32> to vector<8xf32>
    %broadcast_in_dim3A_239 = vector.shape_cast %reduce_sum3A_238 : vector<8xf32> to vector<8x1xf32>
    %ge3A_240 = arith.constant 3.200000e+02 : f32
    %ge3A_241 = vector.broadcast %ge3A_240 : f32 to vector<8x1xf32>
    %ge3A_242 = arith.cmpf oge, %broadcast_in_dim3A_239, %ge3A_241 : vector<8x1xf32>
    %select_n3A_243 = arith.select %ge3A_242, %or3A_232, %select_n3A_229 : vector<8x1xi1>, vector<8x1xi32>
    %or3A_244 = arith.constant 16384 : i32
    %or3A_245 = vector.broadcast %or3A_244 : i32 to vector<8x1xi32>
    %or3A_246 = arith.ori %select_n3A_243, %or3A_245 : vector<8x1xi32>
    %ge3A_247 = vector.broadcast %or3A_246 : vector<8x1xi32> to vector<8x2048xi32>
    %ge3A_248 = arith.cmpi uge, %select_n3A, %ge3A_247 : vector<8x2048xi32>
    %convert_element_type3A_249 = arith.extui %ge3A_248 : vector<8x2048xi1> to vector<8x2048xi32>
    %convert_element_type3A_250 = arith.sitofp %convert_element_type3A_249 : vector<8x2048xi32> to vector<8x2048xf32>
    %reduce_sum3A_251 = arith.constant dense<0.000000e+00> : vector<8xf32>
    %reduce_sum3A_252 = vector.multi_reduction <add>, %convert_element_type3A_250, %reduce_sum3A_251 [1] : vector<8x2048xf32> to vector<8xf32>
    %broadcast_in_dim3A_253 = vector.shape_cast %reduce_sum3A_252 : vector<8xf32> to vector<8x1xf32>
    %ge3A_254 = arith.constant 3.200000e+02 : f32
    %ge3A_255 = vector.broadcast %ge3A_254 : f32 to vector<8x1xf32>
    %ge3A_256 = arith.cmpf oge, %broadcast_in_dim3A_253, %ge3A_255 : vector<8x1xf32>
    %select_n3A_257 = arith.select %ge3A_256, %or3A_246, %select_n3A_243 : vector<8x1xi1>, vector<8x1xi32>
    %or3A_258 = arith.constant 8192 : i32
    %or3A_259 = vector.broadcast %or3A_258 : i32 to vector<8x1xi32>
    %or3A_260 = arith.ori %select_n3A_257, %or3A_259 : vector<8x1xi32>
    %ge3A_261 = vector.broadcast %or3A_260 : vector<8x1xi32> to vector<8x2048xi32>
    %ge3A_262 = arith.cmpi uge, %select_n3A, %ge3A_261 : vector<8x2048xi32>
    %convert_element_type3A_263 = arith.extui %ge3A_262 : vector<8x2048xi1> to vector<8x2048xi32>
    %convert_element_type3A_264 = arith.sitofp %convert_element_type3A_263 : vector<8x2048xi32> to vector<8x2048xf32>
    %reduce_sum3A_265 = arith.constant dense<0.000000e+00> : vector<8xf32>
    %reduce_sum3A_266 = vector.multi_reduction <add>, %convert_element_type3A_264, %reduce_sum3A_265 [1] : vector<8x2048xf32> to vector<8xf32>
    %broadcast_in_dim3A_267 = vector.shape_cast %reduce_sum3A_266 : vector<8xf32> to vector<8x1xf32>
    %ge3A_268 = arith.constant 3.200000e+02 : f32
    %ge3A_269 = vector.broadcast %ge3A_268 : f32 to vector<8x1xf32>
    %ge3A_270 = arith.cmpf oge, %broadcast_in_dim3A_267, %ge3A_269 : vector<8x1xf32>
    %select_n3A_271 = arith.select %ge3A_270, %or3A_260, %select_n3A_257 : vector<8x1xi1>, vector<8x1xi32>
    %or3A_272 = arith.constant 4096 : i32
    %or3A_273 = vector.broadcast %or3A_272 : i32 to vector<8x1xi32>
    %or3A_274 = arith.ori %select_n3A_271, %or3A_273 : vector<8x1xi32>
    %ge3A_275 = vector.broadcast %or3A_274 : vector<8x1xi32> to vector<8x2048xi32>
    %ge3A_276 = arith.cmpi uge, %select_n3A, %ge3A_275 : vector<8x2048xi32>
    %convert_element_type3A_277 = arith.extui %ge3A_276 : vector<8x2048xi1> to vector<8x2048xi32>
    %convert_element_type3A_278 = arith.sitofp %convert_element_type3A_277 : vector<8x2048xi32> to vector<8x2048xf32>
    %reduce_sum3A_279 = arith.constant dense<0.000000e+00> : vector<8xf32>
    %reduce_sum3A_280 = vector.multi_reduction <add>, %convert_element_type3A_278, %reduce_sum3A_279 [1] : vector<8x2048xf32> to vector<8xf32>
    %broadcast_in_dim3A_281 = vector.shape_cast %reduce_sum3A_280 : vector<8xf32> to vector<8x1xf32>
    %ge3A_282 = arith.constant 3.200000e+02 : f32
    %ge3A_283 = vector.broadcast %ge3A_282 : f32 to vector<8x1xf32>
    %ge3A_284 = arith.cmpf oge, %broadcast_in_dim3A_281, %ge3A_283 : vector<8x1xf32>
    %select_n3A_285 = arith.select %ge3A_284, %or3A_274, %select_n3A_271 : vector<8x1xi1>, vector<8x1xi32>
    %or3A_286 = arith.constant 2048 : i32
    %or3A_287 = vector.broadcast %or3A_286 : i32 to vector<8x1xi32>
    %or3A_288 = arith.ori %select_n3A_285, %or3A_287 : vector<8x1xi32>
    %ge3A_289 = vector.broadcast %or3A_288 : vector<8x1xi32> to vector<8x2048xi32>
    %ge3A_290 = arith.cmpi uge, %select_n3A, %ge3A_289 : vector<8x2048xi32>
    %convert_element_type3A_291 = arith.extui %ge3A_290 : vector<8x2048xi1> to vector<8x2048xi32>
    %convert_element_type3A_292 = arith.sitofp %convert_element_type3A_291 : vector<8x2048xi32> to vector<8x2048xf32>
    %reduce_sum3A_293 = arith.constant dense<0.000000e+00> : vector<8xf32>
    %reduce_sum3A_294 = vector.multi_reduction <add>, %convert_element_type3A_292, %reduce_sum3A_293 [1] : vector<8x2048xf32> to vector<8xf32>
    %broadcast_in_dim3A_295 = vector.shape_cast %reduce_sum3A_294 : vector<8xf32> to vector<8x1xf32>
    %ge3A_296 = arith.constant 3.200000e+02 : f32
    %ge3A_297 = vector.broadcast %ge3A_296 : f32 to vector<8x1xf32>
    %ge3A_298 = arith.cmpf oge, %broadcast_in_dim3A_295, %ge3A_297 : vector<8x1xf32>
    %select_n3A_299 = arith.select %ge3A_298, %or3A_288, %select_n3A_285 : vector<8x1xi1>, vector<8x1xi32>
    %or3A_300 = arith.constant 1024 : i32
    %or3A_301 = vector.broadcast %or3A_300 : i32 to vector<8x1xi32>
    %or3A_302 = arith.ori %select_n3A_299, %or3A_301 : vector<8x1xi32>
    %ge3A_303 = vector.broadcast %or3A_302 : vector<8x1xi32> to vector<8x2048xi32>
    %ge3A_304 = arith.cmpi uge, %select_n3A, %ge3A_303 : vector<8x2048xi32>
    %convert_element_type3A_305 = arith.extui %ge3A_304 : vector<8x2048xi1> to vector<8x2048xi32>
    %convert_element_type3A_306 = arith.sitofp %convert_element_type3A_305 : vector<8x2048xi32> to vector<8x2048xf32>
    %reduce_sum3A_307 = arith.constant dense<0.000000e+00> : vector<8xf32>
    %reduce_sum3A_308 = vector.multi_reduction <add>, %convert_element_type3A_306, %reduce_sum3A_307 [1] : vector<8x2048xf32> to vector<8xf32>
    %broadcast_in_dim3A_309 = vector.shape_cast %reduce_sum3A_308 : vector<8xf32> to vector<8x1xf32>
    %ge3A_310 = arith.constant 3.200000e+02 : f32
    %ge3A_311 = vector.broadcast %ge3A_310 : f32 to vector<8x1xf32>
    %ge3A_312 = arith.cmpf oge, %broadcast_in_dim3A_309, %ge3A_311 : vector<8x1xf32>
    %select_n3A_313 = arith.select %ge3A_312, %or3A_302, %select_n3A_299 : vector<8x1xi1>, vector<8x1xi32>
    %or3A_314 = arith.constant 512 : i32
    %or3A_315 = vector.broadcast %or3A_314 : i32 to vector<8x1xi32>
    %or3A_316 = arith.ori %select_n3A_313, %or3A_315 : vector<8x1xi32>
    %ge3A_317 = vector.broadcast %or3A_316 : vector<8x1xi32> to vector<8x2048xi32>
    %ge3A_318 = arith.cmpi uge, %select_n3A, %ge3A_317 : vector<8x2048xi32>
    %convert_element_type3A_319 = arith.extui %ge3A_318 : vector<8x2048xi1> to vector<8x2048xi32>
    %convert_element_type3A_320 = arith.sitofp %convert_element_type3A_319 : vector<8x2048xi32> to vector<8x2048xf32>
    %reduce_sum3A_321 = arith.constant dense<0.000000e+00> : vector<8xf32>
    %reduce_sum3A_322 = vector.multi_reduction <add>, %convert_element_type3A_320, %reduce_sum3A_321 [1] : vector<8x2048xf32> to vector<8xf32>
    %broadcast_in_dim3A_323 = vector.shape_cast %reduce_sum3A_322 : vector<8xf32> to vector<8x1xf32>
    %ge3A_324 = arith.constant 3.200000e+02 : f32
    %ge3A_325 = vector.broadcast %ge3A_324 : f32 to vector<8x1xf32>
    %ge3A_326 = arith.cmpf oge, %broadcast_in_dim3A_323, %ge3A_325 : vector<8x1xf32>
    %select_n3A_327 = arith.select %ge3A_326, %or3A_316, %select_n3A_313 : vector<8x1xi1>, vector<8x1xi32>
    %or3A_328 = arith.constant 256 : i32
    %or3A_329 = vector.broadcast %or3A_328 : i32 to vector<8x1xi32>
    %or3A_330 = arith.ori %select_n3A_327, %or3A_329 : vector<8x1xi32>
    %ge3A_331 = vector.broadcast %or3A_330 : vector<8x1xi32> to vector<8x2048xi32>
    %ge3A_332 = arith.cmpi uge, %select_n3A, %ge3A_331 : vector<8x2048xi32>
    %convert_element_type3A_333 = arith.extui %ge3A_332 : vector<8x2048xi1> to vector<8x2048xi32>
    %convert_element_type3A_334 = arith.sitofp %convert_element_type3A_333 : vector<8x2048xi32> to vector<8x2048xf32>
    %reduce_sum3A_335 = arith.constant dense<0.000000e+00> : vector<8xf32>
    %reduce_sum3A_336 = vector.multi_reduction <add>, %convert_element_type3A_334, %reduce_sum3A_335 [1] : vector<8x2048xf32> to vector<8xf32>
    %broadcast_in_dim3A_337 = vector.shape_cast %reduce_sum3A_336 : vector<8xf32> to vector<8x1xf32>
    %ge3A_338 = arith.constant 3.200000e+02 : f32
    %ge3A_339 = vector.broadcast %ge3A_338 : f32 to vector<8x1xf32>
    %ge3A_340 = arith.cmpf oge, %broadcast_in_dim3A_337, %ge3A_339 : vector<8x1xf32>
    %select_n3A_341 = arith.select %ge3A_340, %or3A_330, %select_n3A_327 : vector<8x1xi1>, vector<8x1xi32>
    %or3A_342 = arith.constant 128 : i32
    %or3A_343 = vector.broadcast %or3A_342 : i32 to vector<8x1xi32>
    %or3A_344 = arith.ori %select_n3A_341, %or3A_343 : vector<8x1xi32>
    %ge3A_345 = vector.broadcast %or3A_344 : vector<8x1xi32> to vector<8x2048xi32>
    %ge3A_346 = arith.cmpi uge, %select_n3A, %ge3A_345 : vector<8x2048xi32>
    %convert_element_type3A_347 = arith.extui %ge3A_346 : vector<8x2048xi1> to vector<8x2048xi32>
    %convert_element_type3A_348 = arith.sitofp %convert_element_type3A_347 : vector<8x2048xi32> to vector<8x2048xf32>
    %reduce_sum3A_349 = arith.constant dense<0.000000e+00> : vector<8xf32>
    %reduce_sum3A_350 = vector.multi_reduction <add>, %convert_element_type3A_348, %reduce_sum3A_349 [1] : vector<8x2048xf32> to vector<8xf32>
    %broadcast_in_dim3A_351 = vector.shape_cast %reduce_sum3A_350 : vector<8xf32> to vector<8x1xf32>
    %ge3A_352 = arith.constant 3.200000e+02 : f32
    %ge3A_353 = vector.broadcast %ge3A_352 : f32 to vector<8x1xf32>
    %ge3A_354 = arith.cmpf oge, %broadcast_in_dim3A_351, %ge3A_353 : vector<8x1xf32>
    %select_n3A_355 = arith.select %ge3A_354, %or3A_344, %select_n3A_341 : vector<8x1xi1>, vector<8x1xi32>
    %or3A_356 = arith.constant 64 : i32
    %or3A_357 = vector.broadcast %or3A_356 : i32 to vector<8x1xi32>
    %or3A_358 = arith.ori %select_n3A_355, %or3A_357 : vector<8x1xi32>
    %ge3A_359 = vector.broadcast %or3A_358 : vector<8x1xi32> to vector<8x2048xi32>
    %ge3A_360 = arith.cmpi uge, %select_n3A, %ge3A_359 : vector<8x2048xi32>
    %convert_element_type3A_361 = arith.extui %ge3A_360 : vector<8x2048xi1> to vector<8x2048xi32>
    %convert_element_type3A_362 = arith.sitofp %convert_element_type3A_361 : vector<8x2048xi32> to vector<8x2048xf32>
    %reduce_sum3A_363 = arith.constant dense<0.000000e+00> : vector<8xf32>
    %reduce_sum3A_364 = vector.multi_reduction <add>, %convert_element_type3A_362, %reduce_sum3A_363 [1] : vector<8x2048xf32> to vector<8xf32>
    %broadcast_in_dim3A_365 = vector.shape_cast %reduce_sum3A_364 : vector<8xf32> to vector<8x1xf32>
    %ge3A_366 = arith.constant 3.200000e+02 : f32
    %ge3A_367 = vector.broadcast %ge3A_366 : f32 to vector<8x1xf32>
    %ge3A_368 = arith.cmpf oge, %broadcast_in_dim3A_365, %ge3A_367 : vector<8x1xf32>
    %select_n3A_369 = arith.select %ge3A_368, %or3A_358, %select_n3A_355 : vector<8x1xi1>, vector<8x1xi32>
    %or3A_370 = arith.constant 32 : i32
    %or3A_371 = vector.broadcast %or3A_370 : i32 to vector<8x1xi32>
    %or3A_372 = arith.ori %select_n3A_369, %or3A_371 : vector<8x1xi32>
    %ge3A_373 = vector.broadcast %or3A_372 : vector<8x1xi32> to vector<8x2048xi32>
    %ge3A_374 = arith.cmpi uge, %select_n3A, %ge3A_373 : vector<8x2048xi32>
    %convert_element_type3A_375 = arith.extui %ge3A_374 : vector<8x2048xi1> to vector<8x2048xi32>
    %convert_element_type3A_376 = arith.sitofp %convert_element_type3A_375 : vector<8x2048xi32> to vector<8x2048xf32>
    %reduce_sum3A_377 = arith.constant dense<0.000000e+00> : vector<8xf32>
    %reduce_sum3A_378 = vector.multi_reduction <add>, %convert_element_type3A_376, %reduce_sum3A_377 [1] : vector<8x2048xf32> to vector<8xf32>
    %broadcast_in_dim3A_379 = vector.shape_cast %reduce_sum3A_378 : vector<8xf32> to vector<8x1xf32>
    %ge3A_380 = arith.constant 3.200000e+02 : f32
    %ge3A_381 = vector.broadcast %ge3A_380 : f32 to vector<8x1xf32>
    %ge3A_382 = arith.cmpf oge, %broadcast_in_dim3A_379, %ge3A_381 : vector<8x1xf32>
    %select_n3A_383 = arith.select %ge3A_382, %or3A_372, %select_n3A_369 : vector<8x1xi1>, vector<8x1xi32>
    %or3A_384 = arith.constant 16 : i32
    %or3A_385 = vector.broadcast %or3A_384 : i32 to vector<8x1xi32>
    %or3A_386 = arith.ori %select_n3A_383, %or3A_385 : vector<8x1xi32>
    %ge3A_387 = vector.broadcast %or3A_386 : vector<8x1xi32> to vector<8x2048xi32>
    %ge3A_388 = arith.cmpi uge, %select_n3A, %ge3A_387 : vector<8x2048xi32>
    %convert_element_type3A_389 = arith.extui %ge3A_388 : vector<8x2048xi1> to vector<8x2048xi32>
    %convert_element_type3A_390 = arith.sitofp %convert_element_type3A_389 : vector<8x2048xi32> to vector<8x2048xf32>
    %reduce_sum3A_391 = arith.constant dense<0.000000e+00> : vector<8xf32>
    %reduce_sum3A_392 = vector.multi_reduction <add>, %convert_element_type3A_390, %reduce_sum3A_391 [1] : vector<8x2048xf32> to vector<8xf32>
    %broadcast_in_dim3A_393 = vector.shape_cast %reduce_sum3A_392 : vector<8xf32> to vector<8x1xf32>
    %ge3A_394 = arith.constant 3.200000e+02 : f32
    %ge3A_395 = vector.broadcast %ge3A_394 : f32 to vector<8x1xf32>
    %ge3A_396 = arith.cmpf oge, %broadcast_in_dim3A_393, %ge3A_395 : vector<8x1xf32>
    %select_n3A_397 = arith.select %ge3A_396, %or3A_386, %select_n3A_383 : vector<8x1xi1>, vector<8x1xi32>
    %or3A_398 = arith.constant 8 : i32
    %or3A_399 = vector.broadcast %or3A_398 : i32 to vector<8x1xi32>
    %or3A_400 = arith.ori %select_n3A_397, %or3A_399 : vector<8x1xi32>
    %ge3A_401 = vector.broadcast %or3A_400 : vector<8x1xi32> to vector<8x2048xi32>
    %ge3A_402 = arith.cmpi uge, %select_n3A, %ge3A_401 : vector<8x2048xi32>
    %convert_element_type3A_403 = arith.extui %ge3A_402 : vector<8x2048xi1> to vector<8x2048xi32>
    %convert_element_type3A_404 = arith.sitofp %convert_element_type3A_403 : vector<8x2048xi32> to vector<8x2048xf32>
    %reduce_sum3A_405 = arith.constant dense<0.000000e+00> : vector<8xf32>
    %reduce_sum3A_406 = vector.multi_reduction <add>, %convert_element_type3A_404, %reduce_sum3A_405 [1] : vector<8x2048xf32> to vector<8xf32>
    %broadcast_in_dim3A_407 = vector.shape_cast %reduce_sum3A_406 : vector<8xf32> to vector<8x1xf32>
    %ge3A_408 = arith.constant 3.200000e+02 : f32
    %ge3A_409 = vector.broadcast %ge3A_408 : f32 to vector<8x1xf32>
    %ge3A_410 = arith.cmpf oge, %broadcast_in_dim3A_407, %ge3A_409 : vector<8x1xf32>
    %select_n3A_411 = arith.select %ge3A_410, %or3A_400, %select_n3A_397 : vector<8x1xi1>, vector<8x1xi32>
    %or3A_412 = arith.constant 4 : i32
    %or3A_413 = vector.broadcast %or3A_412 : i32 to vector<8x1xi32>
    %or3A_414 = arith.ori %select_n3A_411, %or3A_413 : vector<8x1xi32>
    %ge3A_415 = vector.broadcast %or3A_414 : vector<8x1xi32> to vector<8x2048xi32>
    %ge3A_416 = arith.cmpi uge, %select_n3A, %ge3A_415 : vector<8x2048xi32>
    %convert_element_type3A_417 = arith.extui %ge3A_416 : vector<8x2048xi1> to vector<8x2048xi32>
    %convert_element_type3A_418 = arith.sitofp %convert_element_type3A_417 : vector<8x2048xi32> to vector<8x2048xf32>
    %reduce_sum3A_419 = arith.constant dense<0.000000e+00> : vector<8xf32>
    %reduce_sum3A_420 = vector.multi_reduction <add>, %convert_element_type3A_418, %reduce_sum3A_419 [1] : vector<8x2048xf32> to vector<8xf32>
    %broadcast_in_dim3A_421 = vector.shape_cast %reduce_sum3A_420 : vector<8xf32> to vector<8x1xf32>
    %ge3A_422 = arith.constant 3.200000e+02 : f32
    %ge3A_423 = vector.broadcast %ge3A_422 : f32 to vector<8x1xf32>
    %ge3A_424 = arith.cmpf oge, %broadcast_in_dim3A_421, %ge3A_423 : vector<8x1xf32>
    %select_n3A_425 = arith.select %ge3A_424, %or3A_414, %select_n3A_411 : vector<8x1xi1>, vector<8x1xi32>
    %or3A_426 = arith.constant 2 : i32
    %or3A_427 = vector.broadcast %or3A_426 : i32 to vector<8x1xi32>
    %or3A_428 = arith.ori %select_n3A_425, %or3A_427 : vector<8x1xi32>
    %ge3A_429 = vector.broadcast %or3A_428 : vector<8x1xi32> to vector<8x2048xi32>
    %ge3A_430 = arith.cmpi uge, %select_n3A, %ge3A_429 : vector<8x2048xi32>
    %convert_element_type3A_431 = arith.extui %ge3A_430 : vector<8x2048xi1> to vector<8x2048xi32>
    %convert_element_type3A_432 = arith.sitofp %convert_element_type3A_431 : vector<8x2048xi32> to vector<8x2048xf32>
    %reduce_sum3A_433 = arith.constant dense<0.000000e+00> : vector<8xf32>
    %reduce_sum3A_434 = vector.multi_reduction <add>, %convert_element_type3A_432, %reduce_sum3A_433 [1] : vector<8x2048xf32> to vector<8xf32>
    %broadcast_in_dim3A_435 = vector.shape_cast %reduce_sum3A_434 : vector<8xf32> to vector<8x1xf32>
    %ge3A_436 = arith.constant 3.200000e+02 : f32
    %ge3A_437 = vector.broadcast %ge3A_436 : f32 to vector<8x1xf32>
    %ge3A_438 = arith.cmpf oge, %broadcast_in_dim3A_435, %ge3A_437 : vector<8x1xf32>
    %select_n3A_439 = arith.select %ge3A_438, %or3A_428, %select_n3A_425 : vector<8x1xi1>, vector<8x1xi32>
    %or3A_440 = arith.constant 1 : i32
    %or3A_441 = vector.broadcast %or3A_440 : i32 to vector<8x1xi32>
    %or3A_442 = arith.ori %select_n3A_439, %or3A_441 : vector<8x1xi32>
    %ge3A_443 = vector.broadcast %or3A_442 : vector<8x1xi32> to vector<8x2048xi32>
    %ge3A_444 = arith.cmpi uge, %select_n3A, %ge3A_443 : vector<8x2048xi32>
    %convert_element_type3A_445 = arith.extui %ge3A_444 : vector<8x2048xi1> to vector<8x2048xi32>
    %convert_element_type3A_446 = arith.sitofp %convert_element_type3A_445 : vector<8x2048xi32> to vector<8x2048xf32>
    %reduce_sum3A_447 = arith.constant dense<0.000000e+00> : vector<8xf32>
    %reduce_sum3A_448 = vector.multi_reduction <add>, %convert_element_type3A_446, %reduce_sum3A_447 [1] : vector<8x2048xf32> to vector<8xf32>
    %broadcast_in_dim3A_449 = vector.shape_cast %reduce_sum3A_448 : vector<8xf32> to vector<8x1xf32>
    %ge3A_450 = arith.constant 3.200000e+02 : f32
    %ge3A_451 = vector.broadcast %ge3A_450 : f32 to vector<8x1xf32>
    %ge3A_452 = arith.cmpf oge, %broadcast_in_dim3A_449, %ge3A_451 : vector<8x1xf32>
    %select_n3A_453 = arith.select %ge3A_452, %or3A_442, %select_n3A_439 : vector<8x1xi1>, vector<8x1xi32>
    %gt3A = vector.broadcast %select_n3A_453 : vector<8x1xi32> to vector<8x2048xi32>
    %gt3A_454 = arith.cmpi ugt, %select_n3A, %gt3A : vector<8x2048xi32>
    %convert_element_type3A_455 = arith.extui %gt3A_454 : vector<8x2048xi1> to vector<8x2048xi32>
    %convert_element_type3A_456 = arith.sitofp %convert_element_type3A_455 : vector<8x2048xi32> to vector<8x2048xf32>
    %reduce_sum3A_457 = arith.constant dense<0.000000e+00> : vector<8xf32>
    %reduce_sum3A_458 = vector.multi_reduction <add>, %convert_element_type3A_456, %reduce_sum3A_457 [1] : vector<8x2048xf32> to vector<8xf32>
    %broadcast_in_dim3A_459 = vector.shape_cast %reduce_sum3A_458 : vector<8xf32> to vector<8x1xf32>
    %eq3A_460 = vector.broadcast %select_n3A_453 : vector<8x1xi32> to vector<8x2048xi32>
    %eq3A_461 = arith.cmpi eq, %select_n3A, %eq3A_460 : vector<8x2048xi32>
    %iota3A = tpu.iota {dimensions = array<i32: 0>} : vector<256x256xi32>
    %iota3A_462 = tpu.iota {dimensions = array<i32: 1>} : vector<256x256xi32>
    %lt3A = arith.cmpi slt, %iota3A, %iota3A_462 : vector<256x256xi32>
    %convert_element_type3A_463 = arith.extui %lt3A : vector<256x256xi1> to vector<256x256xi32>
    %convert_element_type3A_464 = arith.sitofp %convert_element_type3A_463 : vector<256x256xi32> to vector<256x256xf32>
    %convert_element_type3A_465 = arith.extui %eq3A_461 : vector<8x2048xi1> to vector<8x2048xi32>
    %convert_element_type3A_466 = arith.sitofp %convert_element_type3A_465 : vector<8x2048xi32> to vector<8x2048xf32>
    %broadcast_in_dim3A_467 = arith.constant 0.000000e+00 : f32
    %broadcast_in_dim3A_468 = vector.broadcast %broadcast_in_dim3A_467 : f32 to vector<8x1xf32>
    %slice3A = vector.extract_strided_slice %convert_element_type3A_466 {offsets = [0, 0], sizes = [8, 256], strides = [1, 1]} : vector<8x2048xf32> to vector<8x256xf32>
    %dot_general3A = arith.constant dense<0.000000e+00> : vector<8x256xf32>
    %dot_general3A_469 = tpu.matmul %slice3A, %convert_element_type3A_464, %dot_general3A {dimension_numbers = #tpu.dot_dimension_numbers<[1], [0], [0], [1], [0, 0, 1, 1], [], []>, transpose_lhs_hint = false} : vector<8x256xf32>, vector<256x256xf32>, vector<8x256xf32> -> vector<8x256xf32>
    %add3A = vector.broadcast %broadcast_in_dim3A_468 : vector<8x1xf32> to vector<8x256xf32>
    %add3A_470 = arith.addf %dot_general3A_469, %add3A : vector<8x256xf32>
    %reduce_sum3A_471 = arith.constant dense<0.000000e+00> : vector<8xf32>
    %reduce_sum3A_472 = vector.multi_reduction <add>, %slice3A, %reduce_sum3A_471 [1] : vector<8x256xf32> to vector<8xf32>
    %broadcast_in_dim3A_473 = vector.shape_cast %reduce_sum3A_472 : vector<8xf32> to vector<8x1xf32>
    %add3A_474 = arith.addf %broadcast_in_dim3A_468, %broadcast_in_dim3A_473 : vector<8x1xf32>
    %slice3A_475 = vector.extract_strided_slice %convert_element_type3A_466 {offsets = [0, 256], sizes = [8, 256], strides = [1, 1]} : vector<8x2048xf32> to vector<8x256xf32>
    %dot_general3A_476 = arith.constant dense<0.000000e+00> : vector<8x256xf32>
    %dot_general3A_477 = tpu.matmul %slice3A_475, %convert_element_type3A_464, %dot_general3A_476 {dimension_numbers = #tpu.dot_dimension_numbers<[1], [0], [0], [1], [0, 0, 1, 1], [], []>, transpose_lhs_hint = false} : vector<8x256xf32>, vector<256x256xf32>, vector<8x256xf32> -> vector<8x256xf32>
    %add3A_478 = vector.broadcast %add3A_474 : vector<8x1xf32> to vector<8x256xf32>
    %add3A_479 = arith.addf %dot_general3A_477, %add3A_478 : vector<8x256xf32>
    %reduce_sum3A_480 = arith.constant dense<0.000000e+00> : vector<8xf32>
    %reduce_sum3A_481 = vector.multi_reduction <add>, %slice3A_475, %reduce_sum3A_480 [1] : vector<8x256xf32> to vector<8xf32>
    %broadcast_in_dim3A_482 = vector.shape_cast %reduce_sum3A_481 : vector<8xf32> to vector<8x1xf32>
    %add3A_483 = arith.addf %add3A_474, %broadcast_in_dim3A_482 : vector<8x1xf32>
    %slice3A_484 = vector.extract_strided_slice %convert_element_type3A_466 {offsets = [0, 512], sizes = [8, 256], strides = [1, 1]} : vector<8x2048xf32> to vector<8x256xf32>
    %dot_general3A_485 = arith.constant dense<0.000000e+00> : vector<8x256xf32>
    %dot_general3A_486 = tpu.matmul %slice3A_484, %convert_element_type3A_464, %dot_general3A_485 {dimension_numbers = #tpu.dot_dimension_numbers<[1], [0], [0], [1], [0, 0, 1, 1], [], []>, transpose_lhs_hint = false} : vector<8x256xf32>, vector<256x256xf32>, vector<8x256xf32> -> vector<8x256xf32>
    %add3A_487 = vector.broadcast %add3A_483 : vector<8x1xf32> to vector<8x256xf32>
    %add3A_488 = arith.addf %dot_general3A_486, %add3A_487 : vector<8x256xf32>
    %reduce_sum3A_489 = arith.constant dense<0.000000e+00> : vector<8xf32>
    %reduce_sum3A_490 = vector.multi_reduction <add>, %slice3A_484, %reduce_sum3A_489 [1] : vector<8x256xf32> to vector<8xf32>
    %broadcast_in_dim3A_491 = vector.shape_cast %reduce_sum3A_490 : vector<8xf32> to vector<8x1xf32>
    %add3A_492 = arith.addf %add3A_483, %broadcast_in_dim3A_491 : vector<8x1xf32>
    %slice3A_493 = vector.extract_strided_slice %convert_element_type3A_466 {offsets = [0, 768], sizes = [8, 256], strides = [1, 1]} : vector<8x2048xf32> to vector<8x256xf32>
    %dot_general3A_494 = arith.constant dense<0.000000e+00> : vector<8x256xf32>
    %dot_general3A_495 = tpu.matmul %slice3A_493, %convert_element_type3A_464, %dot_general3A_494 {dimension_numbers = #tpu.dot_dimension_numbers<[1], [0], [0], [1], [0, 0, 1, 1], [], []>, transpose_lhs_hint = false} : vector<8x256xf32>, vector<256x256xf32>, vector<8x256xf32> -> vector<8x256xf32>
    %add3A_496 = vector.broadcast %add3A_492 : vector<8x1xf32> to vector<8x256xf32>
    %add3A_497 = arith.addf %dot_general3A_495, %add3A_496 : vector<8x256xf32>
    %reduce_sum3A_498 = arith.constant dense<0.000000e+00> : vector<8xf32>
    %reduce_sum3A_499 = vector.multi_reduction <add>, %slice3A_493, %reduce_sum3A_498 [1] : vector<8x256xf32> to vector<8xf32>
    %broadcast_in_dim3A_500 = vector.shape_cast %reduce_sum3A_499 : vector<8xf32> to vector<8x1xf32>
    %add3A_501 = arith.addf %add3A_492, %broadcast_in_dim3A_500 : vector<8x1xf32>
    %slice3A_502 = vector.extract_strided_slice %convert_element_type3A_466 {offsets = [0, 1024], sizes = [8, 256], strides = [1, 1]} : vector<8x2048xf32> to vector<8x256xf32>
    %dot_general3A_503 = arith.constant dense<0.000000e+00> : vector<8x256xf32>
    %dot_general3A_504 = tpu.matmul %slice3A_502, %convert_element_type3A_464, %dot_general3A_503 {dimension_numbers = #tpu.dot_dimension_numbers<[1], [0], [0], [1], [0, 0, 1, 1], [], []>, transpose_lhs_hint = false} : vector<8x256xf32>, vector<256x256xf32>, vector<8x256xf32> -> vector<8x256xf32>
    %add3A_505 = vector.broadcast %add3A_501 : vector<8x1xf32> to vector<8x256xf32>
    %add3A_506 = arith.addf %dot_general3A_504, %add3A_505 : vector<8x256xf32>
    %reduce_sum3A_507 = arith.constant dense<0.000000e+00> : vector<8xf32>
    %reduce_sum3A_508 = vector.multi_reduction <add>, %slice3A_502, %reduce_sum3A_507 [1] : vector<8x256xf32> to vector<8xf32>
    %broadcast_in_dim3A_509 = vector.shape_cast %reduce_sum3A_508 : vector<8xf32> to vector<8x1xf32>
    %add3A_510 = arith.addf %add3A_501, %broadcast_in_dim3A_509 : vector<8x1xf32>
    %slice3A_511 = vector.extract_strided_slice %convert_element_type3A_466 {offsets = [0, 1280], sizes = [8, 256], strides = [1, 1]} : vector<8x2048xf32> to vector<8x256xf32>
    %dot_general3A_512 = arith.constant dense<0.000000e+00> : vector<8x256xf32>
    %dot_general3A_513 = tpu.matmul %slice3A_511, %convert_element_type3A_464, %dot_general3A_512 {dimension_numbers = #tpu.dot_dimension_numbers<[1], [0], [0], [1], [0, 0, 1, 1], [], []>, transpose_lhs_hint = false} : vector<8x256xf32>, vector<256x256xf32>, vector<8x256xf32> -> vector<8x256xf32>
    %add3A_514 = vector.broadcast %add3A_510 : vector<8x1xf32> to vector<8x256xf32>
    %add3A_515 = arith.addf %dot_general3A_513, %add3A_514 : vector<8x256xf32>
    %reduce_sum3A_516 = arith.constant dense<0.000000e+00> : vector<8xf32>
    %reduce_sum3A_517 = vector.multi_reduction <add>, %slice3A_511, %reduce_sum3A_516 [1] : vector<8x256xf32> to vector<8xf32>
    %broadcast_in_dim3A_518 = vector.shape_cast %reduce_sum3A_517 : vector<8xf32> to vector<8x1xf32>
    %add3A_519 = arith.addf %add3A_510, %broadcast_in_dim3A_518 : vector<8x1xf32>
    %slice3A_520 = vector.extract_strided_slice %convert_element_type3A_466 {offsets = [0, 1536], sizes = [8, 256], strides = [1, 1]} : vector<8x2048xf32> to vector<8x256xf32>
    %dot_general3A_521 = arith.constant dense<0.000000e+00> : vector<8x256xf32>
    %dot_general3A_522 = tpu.matmul %slice3A_520, %convert_element_type3A_464, %dot_general3A_521 {dimension_numbers = #tpu.dot_dimension_numbers<[1], [0], [0], [1], [0, 0, 1, 1], [], []>, transpose_lhs_hint = false} : vector<8x256xf32>, vector<256x256xf32>, vector<8x256xf32> -> vector<8x256xf32>
    %add3A_523 = vector.broadcast %add3A_519 : vector<8x1xf32> to vector<8x256xf32>
    %add3A_524 = arith.addf %dot_general3A_522, %add3A_523 : vector<8x256xf32>
    %reduce_sum3A_525 = arith.constant dense<0.000000e+00> : vector<8xf32>
    %reduce_sum3A_526 = vector.multi_reduction <add>, %slice3A_520, %reduce_sum3A_525 [1] : vector<8x256xf32> to vector<8xf32>
    %broadcast_in_dim3A_527 = vector.shape_cast %reduce_sum3A_526 : vector<8xf32> to vector<8x1xf32>
    %add3A_528 = arith.addf %add3A_519, %broadcast_in_dim3A_527 : vector<8x1xf32>
    %slice3A_529 = vector.extract_strided_slice %convert_element_type3A_466 {offsets = [0, 1792], sizes = [8, 256], strides = [1, 1]} : vector<8x2048xf32> to vector<8x256xf32>
    %dot_general3A_530 = arith.constant dense<0.000000e+00> : vector<8x256xf32>
    %dot_general3A_531 = tpu.matmul %slice3A_529, %convert_element_type3A_464, %dot_general3A_530 {dimension_numbers = #tpu.dot_dimension_numbers<[1], [0], [0], [1], [0, 0, 1, 1], [], []>, transpose_lhs_hint = false} : vector<8x256xf32>, vector<256x256xf32>, vector<8x256xf32> -> vector<8x256xf32>
    %add3A_532 = vector.broadcast %add3A_528 : vector<8x1xf32> to vector<8x256xf32>
    %add3A_533 = arith.addf %dot_general3A_531, %add3A_532 : vector<8x256xf32>
    %concatenate3A = tpu.concatenate %add3A_470, %add3A_479, %add3A_488, %add3A_497, %add3A_506, %add3A_515, %add3A_524, %add3A_533 in 1 : vector<8x256xf32>, vector<8x256xf32>, vector<8x256xf32>, vector<8x256xf32>, vector<8x256xf32>, vector<8x256xf32>, vector<8x256xf32>, vector<8x256xf32> -> vector<8x2048xf32>
    %sub3A = arith.constant 3.200000e+02 : f32
    %sub3A_534 = vector.broadcast %sub3A : f32 to vector<8x1xf32>
    %sub3A_535 = arith.subf %sub3A_534, %broadcast_in_dim3A_459 : vector<8x1xf32>
    %lt3A_536 = vector.broadcast %sub3A_535 : vector<8x1xf32> to vector<8x2048xf32>
    %lt3A_537 = arith.cmpf olt, %concatenate3A, %lt3A_536 : vector<8x2048xf32>
    %and3A = arith.andi %eq3A_461, %lt3A_537 : vector<8x2048xi1>
    %or3A_538 = arith.ori %gt3A_454, %and3A : vector<8x2048xi1>
    %iota3A_539 = tpu.iota {dimensions = array<i32: 0>} : vector<8x2048xi32>
    %convert_element_type3A_540 = arith.sitofp %iota3A_539 : vector<8x2048xi32> to vector<8x2048xf32>
    %convert_element_type3A_541 = arith.extui %or3A_538 : vector<8x2048xi1> to vector<8x2048xi32>
    %convert_element_type3A_542 = arith.sitofp %convert_element_type3A_541 : vector<8x2048xi32> to vector<8x2048xf32>
    %reduce_max3A = arith.constant dense<0xFF800000> : vector<2048xf32>
    %reduce_max3A_543 = vector.multi_reduction <maximumf>, %convert_element_type3A_542, %reduce_max3A [0] : vector<8x2048xf32> to vector<2048xf32>
    %broadcast_in_dim3A_544 = vector.shape_cast %reduce_max3A_543 : vector<2048xf32> to vector<1x2048xf32>
    %gt3A_545 = arith.constant 0.000000e+00 : f32
    %gt3A_546 = vector.broadcast %gt3A_545 : f32 to vector<1x2048xf32>
    %gt3A_547 = arith.cmpf ogt, %broadcast_in_dim3A_544, %gt3A_546 : vector<1x2048xf32>
    %reduce_max3A_548 = arith.constant dense<0xFF800000> : vector<2048xf32>
    %reduce_max3A_549 = vector.multi_reduction <maximumf>, %get3A_1, %reduce_max3A_548 [0] : vector<8x2048xf32> to vector<2048xf32>
    %broadcast_in_dim3A_550 = vector.shape_cast %reduce_max3A_549 : vector<2048xf32> to vector<1x2048xf32>
    %eq3A_551 = vector.broadcast %broadcast_in_dim3A_550 : vector<1x2048xf32> to vector<8x2048xf32>
    %eq3A_552 = arith.cmpf oeq, %get3A_1, %eq3A_551 : vector<8x2048xf32>
    %jit3A = arith.constant 1.000000e+09 : f32
    %broadcast_in_dim3A_553 = vector.broadcast %jit3A : f32 to vector<8x2048xf32>
    %select_n3A_554 = arith.select %eq3A_552, %convert_element_type3A_540, %broadcast_in_dim3A_553 : vector<8x2048xi1>, vector<8x2048xf32>
    %reduce_min3A = arith.constant dense<0x7F800000> : vector<2048xf32>
    %reduce_min3A_555 = vector.multi_reduction <minimumf>, %select_n3A_554, %reduce_min3A [0] : vector<8x2048xf32> to vector<2048xf32>
    %broadcast_in_dim3A_556 = vector.shape_cast %reduce_min3A_555 : vector<2048xf32> to vector<1x2048xf32>
    %not3A_557 = arith.constant dense<true> : vector<1x2048xi1>
    %not3A_558 = arith.xori %gt3A_547, %not3A_557 : vector<1x2048xi1>
    %eq3A_559 = vector.broadcast %broadcast_in_dim3A_556 : vector<1x2048xf32> to vector<8x2048xf32>
    %eq3A_560 = arith.cmpf oeq, %convert_element_type3A_540, %eq3A_559 : vector<8x2048xf32>
    %and3A_561 = vector.broadcast %not3A_558 : vector<1x2048xi1> to vector<8x2048xi1>
    %and3A_562 = arith.andi %and3A_561, %eq3A_560 : vector<8x2048xi1>
    %or3A_563 = arith.ori %or3A_538, %and3A_562 : vector<8x2048xi1>
    %jit3A_564 = arith.constant 0xFF800000 : f32
    %broadcast_in_dim3A_565 = vector.broadcast %jit3A_564 : f32 to vector<8x2048xf32>
    %select_n3A_566 = arith.select %or3A_563, %get3A_1, %broadcast_in_dim3A_565 : vector<8x2048xi1>, vector<8x2048xf32>
    %reduce_max3A_567 = arith.constant dense<0xFF800000> : vector<2048xf32>
    %reduce_max3A_568 = vector.multi_reduction <maximumf>, %select_n3A_566, %reduce_max3A_567 [0] : vector<8x2048xf32> to vector<2048xf32>
    %broadcast_in_dim3A_569 = vector.shape_cast %reduce_max3A_568 : vector<2048xf32> to vector<1x2048xf32>
    %eq3A_570 = vector.broadcast %broadcast_in_dim3A_569 : vector<1x2048xf32> to vector<8x2048xf32>
    %eq3A_571 = arith.cmpf oeq, %select_n3A_566, %eq3A_570 : vector<8x2048xf32>
    %jit3A_572 = arith.constant 1.000000e+09 : f32
    %broadcast_in_dim3A_573 = vector.broadcast %jit3A_572 : f32 to vector<8x2048xf32>
    %select_n3A_574 = arith.select %eq3A_571, %convert_element_type3A_540, %broadcast_in_dim3A_573 : vector<8x2048xi1>, vector<8x2048xf32>
    %reduce_min3A_575 = arith.constant dense<0x7F800000> : vector<2048xf32>
    %reduce_min3A_576 = vector.multi_reduction <minimumf>, %select_n3A_574, %reduce_min3A_575 [0] : vector<8x2048xf32> to vector<2048xf32>
    %broadcast_in_dim3A_577 = vector.shape_cast %reduce_min3A_576 : vector<2048xf32> to vector<1x2048xf32>
    %eq3A_578 = vector.broadcast %broadcast_in_dim3A_577 : vector<1x2048xf32> to vector<8x2048xf32>
    %eq3A_579 = arith.cmpf oeq, %convert_element_type3A_540, %eq3A_578 : vector<8x2048xf32>
    %jit3A_580 = arith.constant 0xFF800000 : f32
    %broadcast_in_dim3A_581 = vector.broadcast %jit3A_580 : f32 to vector<8x2048xf32>
    %select_n3A_582 = arith.select %eq3A_579, %broadcast_in_dim3A_581, %select_n3A_566 : vector<8x2048xi1>, vector<8x2048xf32>
    %reduce_max3A_583 = arith.constant dense<0xFF800000> : vector<2048xf32>
    %reduce_max3A_584 = vector.multi_reduction <maximumf>, %select_n3A_582, %reduce_max3A_583 [0] : vector<8x2048xf32> to vector<2048xf32>
    %broadcast_in_dim3A_585 = vector.shape_cast %reduce_max3A_584 : vector<2048xf32> to vector<1x2048xf32>
    %eq3A_586 = vector.broadcast %broadcast_in_dim3A_585 : vector<1x2048xf32> to vector<8x2048xf32>
    %eq3A_587 = arith.cmpf oeq, %select_n3A_582, %eq3A_586 : vector<8x2048xf32>
    %ne3A = vector.broadcast %broadcast_in_dim3A_577 : vector<1x2048xf32> to vector<8x2048xf32>
    %ne3A_588 = arith.cmpf one, %convert_element_type3A_540, %ne3A : vector<8x2048xf32>
    %and3A_589 = arith.andi %eq3A_587, %ne3A_588 : vector<8x2048xi1>
    %jit3A_590 = arith.constant 1.000000e+09 : f32
    %broadcast_in_dim3A_591 = vector.broadcast %jit3A_590 : f32 to vector<8x2048xf32>
    %select_n3A_592 = arith.select %and3A_589, %convert_element_type3A_540, %broadcast_in_dim3A_591 : vector<8x2048xi1>, vector<8x2048xf32>
    %reduce_min3A_593 = arith.constant dense<0x7F800000> : vector<2048xf32>
    %reduce_min3A_594 = vector.multi_reduction <minimumf>, %select_n3A_592, %reduce_min3A_593 [0] : vector<8x2048xf32> to vector<2048xf32>
    %broadcast_in_dim3A_595 = vector.shape_cast %reduce_min3A_594 : vector<2048xf32> to vector<1x2048xf32>
    %eq3A_596 = vector.broadcast %broadcast_in_dim3A_577 : vector<1x2048xf32> to vector<8x2048xf32>
    %eq3A_597 = arith.cmpf oeq, %convert_element_type3A_540, %eq3A_596 : vector<8x2048xf32>
    %eq3A_598 = vector.broadcast %broadcast_in_dim3A_595 : vector<1x2048xf32> to vector<8x2048xf32>
    %eq3A_599 = arith.cmpf oeq, %convert_element_type3A_540, %eq3A_598 : vector<8x2048xf32>
    %jit3A_600 = arith.constant 0.000000e+00 : f32
    %broadcast_in_dim3A_601 = vector.broadcast %jit3A_600 : f32 to vector<8x2048xf32>
    %select_n3A_602 = arith.select %eq3A_597, %get3A_1, %broadcast_in_dim3A_601 : vector<8x2048xi1>, vector<8x2048xf32>
    %reduce_sum3A_603 = arith.constant dense<0.000000e+00> : vector<2048xf32>
    %reduce_sum3A_604 = vector.multi_reduction <add>, %select_n3A_602, %reduce_sum3A_603 [0] : vector<8x2048xf32> to vector<2048xf32>
    %broadcast_in_dim3A_605 = vector.shape_cast %reduce_sum3A_604 : vector<2048xf32> to vector<1x2048xf32>
    %jit3A_606 = arith.constant 0.000000e+00 : f32
    %broadcast_in_dim3A_607 = vector.broadcast %jit3A_606 : f32 to vector<8x2048xf32>
    %select_n3A_608 = arith.select %eq3A_599, %get3A_1, %broadcast_in_dim3A_607 : vector<8x2048xi1>, vector<8x2048xf32>
    %reduce_sum3A_609 = arith.constant dense<0.000000e+00> : vector<2048xf32>
    %reduce_sum3A_610 = vector.multi_reduction <add>, %select_n3A_608, %reduce_sum3A_609 [0] : vector<8x2048xf32> to vector<2048xf32>
    %broadcast_in_dim3A_611 = vector.shape_cast %reduce_sum3A_610 : vector<2048xf32> to vector<1x2048xf32>
    %max3A = arith.maximumf %broadcast_in_dim3A_605, %broadcast_in_dim3A_611 : vector<1x2048xf32>
    %sub3A_612 = arith.subf %broadcast_in_dim3A_605, %max3A : vector<1x2048xf32>
    %exp3A = math.exp %sub3A_612 : vector<1x2048xf32>
    %sub3A_613 = arith.subf %broadcast_in_dim3A_611, %max3A : vector<1x2048xf32>
    %exp3A_614 = math.exp %sub3A_613 : vector<1x2048xf32>
    %add3A_615 = arith.addf %exp3A, %exp3A_614 : vector<1x2048xf32>
    %div3A = arith.divf %exp3A, %add3A_615 : vector<1x2048xf32>
    %div3A_616 = arith.divf %exp3A_614, %add3A_615 : vector<1x2048xf32>
    %or3A_617 = arith.ori %eq3A_597, %eq3A_599 : vector<8x2048xi1>
    %convert_element_type3A_618 = arith.extui %or3A_617 : vector<8x2048xi1> to vector<8x2048xi32>
    %convert_element_type3A_619 = arith.sitofp %convert_element_type3A_618 : vector<8x2048xi32> to vector<8x2048xf32>
    %broadcast_in_dim3A_620 = arith.constant 0.000000e+00 : f32
    %broadcast_in_dim3A_621 = vector.broadcast %broadcast_in_dim3A_620 : f32 to vector<8x1xf32>
    %slice3A_622 = vector.extract_strided_slice %convert_element_type3A_619 {offsets = [0, 0], sizes = [8, 256], strides = [1, 1]} : vector<8x2048xf32> to vector<8x256xf32>
    %dot_general3A_623 = arith.constant dense<0.000000e+00> : vector<8x256xf32>
    %dot_general3A_624 = tpu.matmul %slice3A_622, %convert_element_type3A_464, %dot_general3A_623 {dimension_numbers = #tpu.dot_dimension_numbers<[1], [0], [0], [1], [0, 0, 1, 1], [], []>, transpose_lhs_hint = false} : vector<8x256xf32>, vector<256x256xf32>, vector<8x256xf32> -> vector<8x256xf32>
    %add3A_625 = vector.broadcast %broadcast_in_dim3A_621 : vector<8x1xf32> to vector<8x256xf32>
    %add3A_626 = arith.addf %dot_general3A_624, %add3A_625 : vector<8x256xf32>
    %reduce_sum3A_627 = arith.constant dense<0.000000e+00> : vector<8xf32>
    %reduce_sum3A_628 = vector.multi_reduction <add>, %slice3A_622, %reduce_sum3A_627 [1] : vector<8x256xf32> to vector<8xf32>
    %broadcast_in_dim3A_629 = vector.shape_cast %reduce_sum3A_628 : vector<8xf32> to vector<8x1xf32>
    %add3A_630 = arith.addf %broadcast_in_dim3A_621, %broadcast_in_dim3A_629 : vector<8x1xf32>
    %slice3A_631 = vector.extract_strided_slice %convert_element_type3A_619 {offsets = [0, 256], sizes = [8, 256], strides = [1, 1]} : vector<8x2048xf32> to vector<8x256xf32>
    %dot_general3A_632 = arith.constant dense<0.000000e+00> : vector<8x256xf32>
    %dot_general3A_633 = tpu.matmul %slice3A_631, %convert_element_type3A_464, %dot_general3A_632 {dimension_numbers = #tpu.dot_dimension_numbers<[1], [0], [0], [1], [0, 0, 1, 1], [], []>, transpose_lhs_hint = false} : vector<8x256xf32>, vector<256x256xf32>, vector<8x256xf32> -> vector<8x256xf32>
    %add3A_634 = vector.broadcast %add3A_630 : vector<8x1xf32> to vector<8x256xf32>
    %add3A_635 = arith.addf %dot_general3A_633, %add3A_634 : vector<8x256xf32>
    %reduce_sum3A_636 = arith.constant dense<0.000000e+00> : vector<8xf32>
    %reduce_sum3A_637 = vector.multi_reduction <add>, %slice3A_631, %reduce_sum3A_636 [1] : vector<8x256xf32> to vector<8xf32>
    %broadcast_in_dim3A_638 = vector.shape_cast %reduce_sum3A_637 : vector<8xf32> to vector<8x1xf32>
    %add3A_639 = arith.addf %add3A_630, %broadcast_in_dim3A_638 : vector<8x1xf32>
    %slice3A_640 = vector.extract_strided_slice %convert_element_type3A_619 {offsets = [0, 512], sizes = [8, 256], strides = [1, 1]} : vector<8x2048xf32> to vector<8x256xf32>
    %dot_general3A_641 = arith.constant dense<0.000000e+00> : vector<8x256xf32>
    %dot_general3A_642 = tpu.matmul %slice3A_640, %convert_element_type3A_464, %dot_general3A_641 {dimension_numbers = #tpu.dot_dimension_numbers<[1], [0], [0], [1], [0, 0, 1, 1], [], []>, transpose_lhs_hint = false} : vector<8x256xf32>, vector<256x256xf32>, vector<8x256xf32> -> vector<8x256xf32>
    %add3A_643 = vector.broadcast %add3A_639 : vector<8x1xf32> to vector<8x256xf32>
    %add3A_644 = arith.addf %dot_general3A_642, %add3A_643 : vector<8x256xf32>
    %reduce_sum3A_645 = arith.constant dense<0.000000e+00> : vector<8xf32>
    %reduce_sum3A_646 = vector.multi_reduction <add>, %slice3A_640, %reduce_sum3A_645 [1] : vector<8x256xf32> to vector<8xf32>
    %broadcast_in_dim3A_647 = vector.shape_cast %reduce_sum3A_646 : vector<8xf32> to vector<8x1xf32>
    %add3A_648 = arith.addf %add3A_639, %broadcast_in_dim3A_647 : vector<8x1xf32>
    %slice3A_649 = vector.extract_strided_slice %convert_element_type3A_619 {offsets = [0, 768], sizes = [8, 256], strides = [1, 1]} : vector<8x2048xf32> to vector<8x256xf32>
    %dot_general3A_650 = arith.constant dense<0.000000e+00> : vector<8x256xf32>
    %dot_general3A_651 = tpu.matmul %slice3A_649, %convert_element_type3A_464, %dot_general3A_650 {dimension_numbers = #tpu.dot_dimension_numbers<[1], [0], [0], [1], [0, 0, 1, 1], [], []>, transpose_lhs_hint = false} : vector<8x256xf32>, vector<256x256xf32>, vector<8x256xf32> -> vector<8x256xf32>
    %add3A_652 = vector.broadcast %add3A_648 : vector<8x1xf32> to vector<8x256xf32>
    %add3A_653 = arith.addf %dot_general3A_651, %add3A_652 : vector<8x256xf32>
    %reduce_sum3A_654 = arith.constant dense<0.000000e+00> : vector<8xf32>
    %reduce_sum3A_655 = vector.multi_reduction <add>, %slice3A_649, %reduce_sum3A_654 [1] : vector<8x256xf32> to vector<8xf32>
    %broadcast_in_dim3A_656 = vector.shape_cast %reduce_sum3A_655 : vector<8xf32> to vector<8x1xf32>
    %add3A_657 = arith.addf %add3A_648, %broadcast_in_dim3A_656 : vector<8x1xf32>
    %slice3A_658 = vector.extract_strided_slice %convert_element_type3A_619 {offsets = [0, 1024], sizes = [8, 256], strides = [1, 1]} : vector<8x2048xf32> to vector<8x256xf32>
    %dot_general3A_659 = arith.constant dense<0.000000e+00> : vector<8x256xf32>
    %dot_general3A_660 = tpu.matmul %slice3A_658, %convert_element_type3A_464, %dot_general3A_659 {dimension_numbers = #tpu.dot_dimension_numbers<[1], [0], [0], [1], [0, 0, 1, 1], [], []>, transpose_lhs_hint = false} : vector<8x256xf32>, vector<256x256xf32>, vector<8x256xf32> -> vector<8x256xf32>
    %add3A_661 = vector.broadcast %add3A_657 : vector<8x1xf32> to vector<8x256xf32>
    %add3A_662 = arith.addf %dot_general3A_660, %add3A_661 : vector<8x256xf32>
    %reduce_sum3A_663 = arith.constant dense<0.000000e+00> : vector<8xf32>
    %reduce_sum3A_664 = vector.multi_reduction <add>, %slice3A_658, %reduce_sum3A_663 [1] : vector<8x256xf32> to vector<8xf32>
    %broadcast_in_dim3A_665 = vector.shape_cast %reduce_sum3A_664 : vector<8xf32> to vector<8x1xf32>
    %add3A_666 = arith.addf %add3A_657, %broadcast_in_dim3A_665 : vector<8x1xf32>
    %slice3A_667 = vector.extract_strided_slice %convert_element_type3A_619 {offsets = [0, 1280], sizes = [8, 256], strides = [1, 1]} : vector<8x2048xf32> to vector<8x256xf32>
    %dot_general3A_668 = arith.constant dense<0.000000e+00> : vector<8x256xf32>
    %dot_general3A_669 = tpu.matmul %slice3A_667, %convert_element_type3A_464, %dot_general3A_668 {dimension_numbers = #tpu.dot_dimension_numbers<[1], [0], [0], [1], [0, 0, 1, 1], [], []>, transpose_lhs_hint = false} : vector<8x256xf32>, vector<256x256xf32>, vector<8x256xf32> -> vector<8x256xf32>
    %add3A_670 = vector.broadcast %add3A_666 : vector<8x1xf32> to vector<8x256xf32>
    %add3A_671 = arith.addf %dot_general3A_669, %add3A_670 : vector<8x256xf32>
    %reduce_sum3A_672 = arith.constant dense<0.000000e+00> : vector<8xf32>
    %reduce_sum3A_673 = vector.multi_reduction <add>, %slice3A_667, %reduce_sum3A_672 [1] : vector<8x256xf32> to vector<8xf32>
    %broadcast_in_dim3A_674 = vector.shape_cast %reduce_sum3A_673 : vector<8xf32> to vector<8x1xf32>
    %add3A_675 = arith.addf %add3A_666, %broadcast_in_dim3A_674 : vector<8x1xf32>
    %slice3A_676 = vector.extract_strided_slice %convert_element_type3A_619 {offsets = [0, 1536], sizes = [8, 256], strides = [1, 1]} : vector<8x2048xf32> to vector<8x256xf32>
    %dot_general3A_677 = arith.constant dense<0.000000e+00> : vector<8x256xf32>
    %dot_general3A_678 = tpu.matmul %slice3A_676, %convert_element_type3A_464, %dot_general3A_677 {dimension_numbers = #tpu.dot_dimension_numbers<[1], [0], [0], [1], [0, 0, 1, 1], [], []>, transpose_lhs_hint = false} : vector<8x256xf32>, vector<256x256xf32>, vector<8x256xf32> -> vector<8x256xf32>
    %add3A_679 = vector.broadcast %add3A_675 : vector<8x1xf32> to vector<8x256xf32>
    %add3A_680 = arith.addf %dot_general3A_678, %add3A_679 : vector<8x256xf32>
    %reduce_sum3A_681 = arith.constant dense<0.000000e+00> : vector<8xf32>
    %reduce_sum3A_682 = vector.multi_reduction <add>, %slice3A_676, %reduce_sum3A_681 [1] : vector<8x256xf32> to vector<8xf32>
    %broadcast_in_dim3A_683 = vector.shape_cast %reduce_sum3A_682 : vector<8xf32> to vector<8x1xf32>
    %add3A_684 = arith.addf %add3A_675, %broadcast_in_dim3A_683 : vector<8x1xf32>
    %slice3A_685 = vector.extract_strided_slice %convert_element_type3A_619 {offsets = [0, 1792], sizes = [8, 256], strides = [1, 1]} : vector<8x2048xf32> to vector<8x256xf32>
    %dot_general3A_686 = arith.constant dense<0.000000e+00> : vector<8x256xf32>
    %dot_general3A_687 = tpu.matmul %slice3A_685, %convert_element_type3A_464, %dot_general3A_686 {dimension_numbers = #tpu.dot_dimension_numbers<[1], [0], [0], [1], [0, 0, 1, 1], [], []>, transpose_lhs_hint = false} : vector<8x256xf32>, vector<256x256xf32>, vector<8x256xf32> -> vector<8x256xf32>
    %add3A_688 = vector.broadcast %add3A_684 : vector<8x1xf32> to vector<8x256xf32>
    %add3A_689 = arith.addf %dot_general3A_687, %add3A_688 : vector<8x256xf32>
    %reduce_sum3A_690 = arith.constant dense<0.000000e+00> : vector<8xf32>
    %reduce_sum3A_691 = vector.multi_reduction <add>, %slice3A_685, %reduce_sum3A_690 [1] : vector<8x256xf32> to vector<8xf32>
    %broadcast_in_dim3A_692 = vector.shape_cast %reduce_sum3A_691 : vector<8xf32> to vector<8x1xf32>
    %add3A_693 = arith.addf %add3A_684, %broadcast_in_dim3A_692 : vector<8x1xf32>
    %concatenate3A_694 = tpu.concatenate %add3A_626, %add3A_635, %add3A_644, %add3A_653, %add3A_662, %add3A_671, %add3A_680, %add3A_689 in 1 : vector<8x256xf32>, vector<8x256xf32>, vector<8x256xf32>, vector<8x256xf32>, vector<8x256xf32>, vector<8x256xf32>, vector<8x256xf32>, vector<8x256xf32> -> vector<8x2048xf32>
    %add3A_695 = arith.constant 2.550000e+02 : f32
    %add3A_696 = vector.broadcast %add3A_695 : f32 to vector<8x1xf32>
    %add3A_697 = arith.addf %add3A_693, %add3A_696 : vector<8x1xf32>
    %div3A_698 = arith.constant 2.560000e+02 : f32
    %div3A_699 = vector.broadcast %div3A_698 : f32 to vector<8x1xf32>
    %div3A_700 = arith.divf %add3A_697, %div3A_699 : vector<8x1xf32>
    %floor3A = math.floor %div3A_700 : vector<8x1xf32>
    %mul3A = arith.constant 2.560000e+02 : f32
    %mul3A_701 = vector.broadcast %mul3A : f32 to vector<8x1xf32>
    %mul3A_702 = arith.mulf %floor3A, %mul3A_701 : vector<8x1xf32>
    %iota3A_703 = tpu.iota {dimensions = array<i32: 0>} : vector<8x8xi32>
    %iota3A_704 = tpu.iota {dimensions = array<i32: 1>} : vector<8x8xi32>
    %lt3A_705 = arith.cmpi slt, %iota3A_704, %iota3A_703 : vector<8x8xi32>
    %convert_element_type3A_706 = arith.extui %lt3A_705 : vector<8x8xi1> to vector<8x8xi32>
    %convert_element_type3A_707 = arith.sitofp %convert_element_type3A_706 : vector<8x8xi32> to vector<8x8xf32>
    %dot_general3A_708 = arith.constant dense<0.000000e+00> : vector<8x1xf32>
    %dot_general3A_709 = tpu.matmul %convert_element_type3A_707, %mul3A_702, %dot_general3A_708 {dimension_numbers = #tpu.dot_dimension_numbers<[1], [0], [0], [1], [0, 0, 1, 1], [], []>, transpose_lhs_hint = false} : vector<8x8xf32>, vector<8x1xf32>, vector<8x1xf32> -> vector<8x1xf32>
    %jit3A_710 = arith.constant 0.000000e+00 : f32
    %broadcast_in_dim3A_711 = vector.shape_cast %dot_general3A_709 : vector<8x1xf32> to vector<8x1xf32>
    %broadcast_in_dim3A_712 = vector.broadcast %broadcast_in_dim3A_711 : vector<8x1xf32> to vector<8x2048xf32>
    %broadcast_in_dim3A_713 = vector.broadcast %jit3A_710 : f32 to vector<8x2048xf32>
    %select_n3A_714 = arith.select %eq3A_597, %broadcast_in_dim3A_712, %broadcast_in_dim3A_713 : vector<8x2048xi1>, vector<8x2048xf32>
    %reduce_sum3A_715 = arith.constant dense<0.000000e+00> : vector<2048xf32>
    %reduce_sum3A_716 = vector.multi_reduction <add>, %select_n3A_714, %reduce_sum3A_715 [0] : vector<8x2048xf32> to vector<2048xf32>
    %broadcast_in_dim3A_717 = vector.shape_cast %reduce_sum3A_716 : vector<2048xf32> to vector<1x2048xf32>
    %jit3A_718 = arith.constant 0.000000e+00 : f32
    %broadcast_in_dim3A_719 = vector.shape_cast %dot_general3A_709 : vector<8x1xf32> to vector<8x1xf32>
    %broadcast_in_dim3A_720 = vector.broadcast %broadcast_in_dim3A_719 : vector<8x1xf32> to vector<8x2048xf32>
    %broadcast_in_dim3A_721 = vector.broadcast %jit3A_718 : f32 to vector<8x2048xf32>
    %select_n3A_722 = arith.select %eq3A_599, %broadcast_in_dim3A_720, %broadcast_in_dim3A_721 : vector<8x2048xi1>, vector<8x2048xf32>
    %reduce_sum3A_723 = arith.constant dense<0.000000e+00> : vector<2048xf32>
    %reduce_sum3A_724 = vector.multi_reduction <add>, %select_n3A_722, %reduce_sum3A_723 [0] : vector<8x2048xf32> to vector<2048xf32>
    %broadcast_in_dim3A_725 = vector.shape_cast %reduce_sum3A_724 : vector<2048xf32> to vector<1x2048xf32>
    %jit3A_726 = arith.constant 0.000000e+00 : f32
    %broadcast_in_dim3A_727 = vector.broadcast %jit3A_726 : f32 to vector<8x2048xf32>
    %select_n3A_728 = arith.select %eq3A_597, %concatenate3A_694, %broadcast_in_dim3A_727 : vector<8x2048xi1>, vector<8x2048xf32>
    %reduce_sum3A_729 = arith.constant dense<0.000000e+00> : vector<2048xf32>
    %reduce_sum3A_730 = vector.multi_reduction <add>, %select_n3A_728, %reduce_sum3A_729 [0] : vector<8x2048xf32> to vector<2048xf32>
    %broadcast_in_dim3A_731 = vector.shape_cast %reduce_sum3A_730 : vector<2048xf32> to vector<1x2048xf32>
    %jit3A_732 = arith.constant 0.000000e+00 : f32
    %broadcast_in_dim3A_733 = vector.broadcast %jit3A_732 : f32 to vector<8x2048xf32>
    %select_n3A_734 = arith.select %eq3A_599, %concatenate3A_694, %broadcast_in_dim3A_733 : vector<8x2048xi1>, vector<8x2048xf32>
    %reduce_sum3A_735 = arith.constant dense<0.000000e+00> : vector<2048xf32>
    %reduce_sum3A_736 = vector.multi_reduction <add>, %select_n3A_734, %reduce_sum3A_735 [0] : vector<8x2048xf32> to vector<2048xf32>
    %broadcast_in_dim3A_737 = vector.shape_cast %reduce_sum3A_736 : vector<2048xf32> to vector<1x2048xf32>
    %add3A_738 = arith.addf %broadcast_in_dim3A_717, %broadcast_in_dim3A_731 : vector<1x2048xf32>
    %convert_element_type3A_739 = arith.fptosi %add3A_738 : vector<1x2048xf32> to vector<1x2048xi32>
    %swap3A = arith.constant 0 : index
    %swap3A_740 = arith.constant 0 : index
    %swap3A_741 = vector.load %arg2[%swap3A, %swap3A_740] : memref<1x2048xi32, #tpu.memory_space<vmem>>, vector<1x2048xi32>
    tpu.vector_store %arg2[%swap3A, %swap3A_740], %convert_element_type3A_739 {strides = array<i32>} : memref<1x2048xi32, #tpu.memory_space<vmem>>, vector<1x2048xi32>,
    %add3A_742 = arith.addf %broadcast_in_dim3A_725, %broadcast_in_dim3A_737 : vector<1x2048xf32>
    %convert_element_type3A_743 = arith.fptosi %add3A_742 : vector<1x2048xf32> to vector<1x2048xi32>
    %swap3A_744 = arith.constant 0 : index
    %swap3A_745 = arith.constant 0 : index
    %swap3A_746 = vector.load %arg3[%swap3A_744, %swap3A_745] : memref<1x2048xi32, #tpu.memory_space<vmem>>, vector<1x2048xi32>
    tpu.vector_store %arg3[%swap3A_744, %swap3A_745], %convert_element_type3A_743 {strides = array<i32>} : memref<1x2048xi32, #tpu.memory_space<vmem>>, vector<1x2048xi32>,
    %get3A_747 = arith.constant 0 : index
    %get3A_748 = arith.constant 0 : index
    %get3A_749 = vector.load %arg1[%get3A_747, %get3A_748] : memref<2048x32xf32, #tpu.memory_space<vmem>>, vector<2048x32xf32>
    %broadcast_in_dim3A_750 = arith.constant 0.000000e+00 : f32
    %broadcast_in_dim3A_751 = vector.broadcast %broadcast_in_dim3A_750 : f32 to vector<2048x88xf32>
    %transpose3A = tpu.transpose %div3A, [1, 0] : vector<1x2048xf32> -> vector<2048x1xf32>
    %transpose3A_752 = tpu.transpose %div3A_616, [1, 0] : vector<1x2048xf32> -> vector<2048x1xf32>
    %broadcast_in_dim3A_753 = vector.shape_cast %transpose3A : vector<2048x1xf32> to vector<2048x1xf32>
    %broadcast_in_dim3A_754 = vector.broadcast %broadcast_in_dim3A_753 : vector<2048x1xf32> to vector<2048x8xf32>
    %concatenate3A_755 = tpu.concatenate %get3A_749, %broadcast_in_dim3A_754, %broadcast_in_dim3A_751 in 1 : vector<2048x32xf32>, vector<2048x8xf32>, vector<2048x88xf32> -> vector<2048x128xf32>
    %swap3A_756 = arith.constant 0 : index
    %swap3A_757 = arith.constant 0 : index
    %swap3A_758 = vector.load %arg4[%swap3A_756, %swap3A_757] : memref<2048x128xf32, #tpu.memory_space<vmem>>, vector<2048x128xf32>
    tpu.vector_store %arg4[%swap3A_756, %swap3A_757], %concatenate3A_755 {strides = array<i32>} : memref<2048x128xf32, #tpu.memory_space<vmem>>, vector<2048x128xf32>,
    %broadcast_in_dim3A_759 = vector.shape_cast %transpose3A_752 : vector<2048x1xf32> to vector<2048x1xf32>
    %broadcast_in_dim3A_760 = vector.broadcast %broadcast_in_dim3A_759 : vector<2048x1xf32> to vector<2048x8xf32>
    %concatenate3A_761 = tpu.concatenate %get3A_749, %broadcast_in_dim3A_760, %broadcast_in_dim3A_751 in 1 : vector<2048x32xf32>, vector<2048x8xf32>, vector<2048x88xf32> -> vector<2048x128xf32>
    %swap3A_762 = arith.constant 0 : index
    %swap3A_763 = arith.constant 0 : index
    %swap3A_764 = vector.load %arg5[%swap3A_762, %swap3A_763] : memref<2048x128xf32, #tpu.memory_space<vmem>>, vector<2048x128xf32>
    tpu.vector_store %arg5[%swap3A_762, %swap3A_763], %concatenate3A_761 {strides = array<i32>} : memref<2048x128xf32, #tpu.memory_space<vmem>>, vector<2048x128xf32>,
    %add3A_765 = arith.addf %dot_general3A_709, %mul3A_702 : vector<8x1xf32>
    %iota3A_766 = tpu.iota {dimensions = array<i32: 1>} : vector<8x64xi32>
    %convert_element_type3A_767 = arith.sitofp %iota3A_766 : vector<8x64xi32> to vector<8x64xf32>
    %mul3A_768 = arith.constant 2.560000e+02 : f32
    %mul3A_769 = vector.broadcast %mul3A_768 : f32 to vector<8x64xf32>
    %mul3A_770 = arith.mulf %convert_element_type3A_767, %mul3A_769 : vector<8x64xf32>
    %ge3A_771 = vector.broadcast %add3A_765 : vector<8x1xf32> to vector<8x64xf32>
    %ge3A_772 = arith.cmpf oge, %mul3A_770, %ge3A_771 : vector<8x64xf32>
    %convert_element_type3A_773 = arith.extui %ge3A_772 : vector<8x64xi1> to vector<8x64xi32>
    %convert_element_type3A_774 = arith.sitofp %convert_element_type3A_773 : vector<8x64xi32> to vector<8x64xf32>
    %reduce_sum3A_775 = arith.constant dense<0.000000e+00> : vector<64xf32>
    %reduce_sum3A_776 = vector.multi_reduction <add>, %convert_element_type3A_774, %reduce_sum3A_775 [0] : vector<8x64xf32> to vector<64xf32>
    %broadcast_in_dim3A_777 = vector.shape_cast %reduce_sum3A_776 : vector<64xf32> to vector<1x64xf32>
    %min3A = arith.constant 7.000000e+00 : f32
    %min3A_778 = vector.broadcast %min3A : f32 to vector<1x64xf32>
    %min3A_779 = arith.minimumf %broadcast_in_dim3A_777, %min3A_778 : vector<1x64xf32>
    %convert_element_type3A_780 = arith.fptosi %min3A_779 : vector<1x64xf32> to vector<1x64xi32>
    %swap3A_781 = arith.constant 0 : index
    %swap3A_782 = arith.constant 0 : index
    %swap3A_783 = vector.load %arg6[%swap3A_781, %swap3A_782] : memref<1x64xi32, #tpu.memory_space<vmem>>, vector<1x64xi32>
    tpu.vector_store %arg6[%swap3A_781, %swap3A_782], %convert_element_type3A_780 {strides = array<i32>} : memref<1x64xi32, #tpu.memory_space<vmem>>, vector<1x64xi32>,
    %jit3A_784 = arith.constant 0.000000e+00 : f32
    %broadcast_in_dim3A_785 = vector.shape_cast %div3A : vector<1x2048xf32> to vector<1x2048xf32>
    %broadcast_in_dim3A_786 = vector.broadcast %broadcast_in_dim3A_785 : vector<1x2048xf32> to vector<8x2048xf32>
    %broadcast_in_dim3A_787 = vector.broadcast %jit3A_784 : f32 to vector<8x2048xf32>
    %select_n3A_788 = arith.select %eq3A_597, %broadcast_in_dim3A_786, %broadcast_in_dim3A_787 : vector<8x2048xi1>, vector<8x2048xf32>
    %jit3A_789 = arith.constant 0.000000e+00 : f32
    %broadcast_in_dim3A_790 = vector.shape_cast %div3A_616 : vector<1x2048xf32> to vector<1x2048xf32>
    %broadcast_in_dim3A_791 = vector.broadcast %broadcast_in_dim3A_790 : vector<1x2048xf32> to vector<8x2048xf32>
    %broadcast_in_dim3A_792 = vector.broadcast %jit3A_789 : f32 to vector<8x2048xf32>
    %select_n3A_793 = arith.select %eq3A_599, %broadcast_in_dim3A_791, %broadcast_in_dim3A_792 : vector<8x2048xi1>, vector<8x2048xf32>
    %add3A_794 = arith.addf %select_n3A_788, %select_n3A_793 : vector<8x2048xf32>
    %reduce_sum3A_795 = arith.constant dense<0.000000e+00> : vector<8xf32>
    %reduce_sum3A_796 = vector.multi_reduction <add>, %add3A_794, %reduce_sum3A_795 [1] : vector<8x2048xf32> to vector<8xf32>
    %broadcast_in_dim3A_797 = vector.shape_cast %reduce_sum3A_796 : vector<8xf32> to vector<8x1xf32>
    %reduce_sum3A_798 = arith.constant dense<0.000000e+00> : vector<1xf32>
    %reduce_sum3A_799 = vector.multi_reduction <add>, %broadcast_in_dim3A_797, %reduce_sum3A_798 [0] : vector<8x1xf32> to vector<1xf32>
    %broadcast_in_dim3A_800 = vector.shape_cast %reduce_sum3A_799 : vector<1xf32> to vector<1x1xf32>
    %div3A_801 = arith.constant 8.000000e+00 : f32
    %div3A_802 = vector.broadcast %div3A_801 : f32 to vector<1x1xf32>
    %div3A_803 = arith.divf %broadcast_in_dim3A_800, %div3A_802 : vector<1x1xf32>
    %sub3A_804 = vector.broadcast %div3A_803 : vector<1x1xf32> to vector<8x1xf32>
    %sub3A_805 = arith.subf %broadcast_in_dim3A_797, %sub3A_804 : vector<8x1xf32>
    %integer_pow3A = arith.mulf %sub3A_805, %sub3A_805 : vector<8x1xf32>
    %reduce_sum3A_806 = arith.constant dense<0.000000e+00> : vector<1xf32>
    %reduce_sum3A_807 = vector.multi_reduction <add>, %integer_pow3A, %reduce_sum3A_806 [0] : vector<8x1xf32> to vector<1xf32>
    %broadcast_in_dim3A_808 = vector.shape_cast %reduce_sum3A_807 : vector<1xf32> to vector<1x1xf32>
    %div3A_809 = arith.constant 8.000000e+00 : f32
    %div3A_810 = vector.broadcast %div3A_809 : f32 to vector<1x1xf32>
    %div3A_811 = arith.divf %broadcast_in_dim3A_808, %div3A_810 : vector<1x1xf32>
    %mul3A_812 = arith.mulf %div3A_803, %div3A_803 : vector<1x1xf32>
    %add3A_813 = arith.constant 1.000000e-10 : f32
    %add3A_814 = vector.broadcast %add3A_813 : f32 to vector<1x1xf32>
    %add3A_815 = arith.addf %mul3A_812, %add3A_814 : vector<1x1xf32>
    %div3A_816 = arith.divf %div3A_811, %add3A_815 : vector<1x1xf32>
    %reduce_sum3A_817 = arith.constant dense<0.000000e+00> : vector<1xf32>
    %reduce_sum3A_818 = vector.multi_reduction <add>, %add3A_693, %reduce_sum3A_817 [0] : vector<8x1xf32> to vector<1xf32>
    %broadcast_in_dim3A_819 = vector.shape_cast %reduce_sum3A_818 : vector<1xf32> to vector<1x1xf32>
    %div3A_820 = arith.constant 8.000000e+00 : f32
    %div3A_821 = vector.broadcast %div3A_820 : f32 to vector<1x1xf32>
    %div3A_822 = arith.divf %broadcast_in_dim3A_819, %div3A_821 : vector<1x1xf32>
    %sub3A_823 = vector.broadcast %div3A_822 : vector<1x1xf32> to vector<8x1xf32>
    %sub3A_824 = arith.subf %add3A_693, %sub3A_823 : vector<8x1xf32>
    %integer_pow3A_825 = arith.mulf %sub3A_824, %sub3A_824 : vector<8x1xf32>
    %reduce_sum3A_826 = arith.constant dense<0.000000e+00> : vector<1xf32>
    %reduce_sum3A_827 = vector.multi_reduction <add>, %integer_pow3A_825, %reduce_sum3A_826 [0] : vector<8x1xf32> to vector<1xf32>
    %broadcast_in_dim3A_828 = vector.shape_cast %reduce_sum3A_827 : vector<1xf32> to vector<1x1xf32>
    %div3A_829 = arith.constant 8.000000e+00 : f32
    %div3A_830 = vector.broadcast %div3A_829 : f32 to vector<1x1xf32>
    %div3A_831 = arith.divf %broadcast_in_dim3A_828, %div3A_830 : vector<1x1xf32>
    %mul3A_832 = arith.mulf %div3A_822, %div3A_822 : vector<1x1xf32>
    %add3A_833 = arith.constant 1.000000e-10 : f32
    %add3A_834 = vector.broadcast %add3A_833 : f32 to vector<1x1xf32>
    %add3A_835 = arith.addf %mul3A_832, %add3A_834 : vector<1x1xf32>
    %div3A_836 = arith.divf %div3A_831, %add3A_835 : vector<1x1xf32>
    %add3A_837 = arith.addf %div3A_816, %div3A_836 : vector<1x1xf32>
    %mul3A_838 = arith.constant 0.00999999977 : f32
    %mul3A_839 = vector.broadcast %mul3A_838 : f32 to vector<1x1xf32>
    %mul3A_840 = arith.mulf %add3A_837, %mul3A_839 : vector<1x1xf32>
    %swap3A_841 = arith.constant 0 : index
    %swap3A_842 = arith.constant 0 : index
    %swap3A_843 = vector.load %arg7[%swap3A_841, %swap3A_842] : memref<1x1xf32, #tpu.memory_space<vmem>>, vector<1x1xf32>
    tpu.vector_store %arg7[%swap3A_841, %swap3A_842], %mul3A_840 {strides = array<i32>} : memref<1x1xf32, #tpu.memory_space<vmem>>, vector<1x1xf32>,
    return
  }
}

module attributes {stable_mosaic.version = 14 : i64} {
  func.func @_ffn_body(%arg0: i32, %arg1: memref<64xi32, #tpu.memory_space<smem>>, %arg2: memref<256x768xf32, #tpu.memory_space<vmem>>, %arg3: memref<256x128xf32, #tpu.memory_space<vmem>>, %arg4: memref<1x768x1536xf32, #tpu.memory_space<vmem>>, %arg5: memref<1x1x1536xf32, #tpu.memory_space<vmem>>, %arg6: memref<1x768x32xf32, #tpu.memory_space<vmem>>, %arg7: memref<1x32x1536xf32, #tpu.memory_space<vmem>>, %arg8: memref<1x1536x768xf32, #tpu.memory_space<vmem>>, %arg9: memref<1x1x768xf32, #tpu.memory_space<vmem>>, %arg10: memref<1x1536x32xf32, #tpu.memory_space<vmem>>, %arg11: memref<1x32x768xf32, #tpu.memory_space<vmem>>, %arg12: memref<256x768xf32, #tpu.memory_space<vmem>>) attributes {dimension_semantics = [#tpu.dimension_semantics<arbitrary>], iteration_bounds = array<i64: 24>, scalar_prefetch = 1 : i64, scratch_operands = 0 : i64, tpu.core_type = #tpu.core_type<tc>, window_params = [{transform_indices = @transform_0, window_bounds = array<i64: 256, 768>}, {transform_indices = @transform_1, window_bounds = array<i64: 256, 128>}, {transform_indices = @transform_2, window_bounds = array<i64: 1, 768, 1536>}, {transform_indices = @transform_3, window_bounds = array<i64: 1, 1, 1536>}, {transform_indices = @transform_4, window_bounds = array<i64: 1, 768, 32>}, {transform_indices = @transform_5, window_bounds = array<i64: 1, 32, 1536>}, {transform_indices = @transform_6, window_bounds = array<i64: 1, 1536, 768>}, {transform_indices = @transform_7, window_bounds = array<i64: 1, 1, 768>}, {transform_indices = @transform_8, window_bounds = array<i64: 1, 1536, 32>}, {transform_indices = @transform_9, window_bounds = array<i64: 1, 32, 768>}, {transform_indices = @transform_10, window_bounds = array<i64: 256, 768>}]} {
    %get3A = arith.constant 0 : index
    %get3A_0 = arith.constant 0 : index
    %get3A_1 = vector.load %arg2[%get3A, %get3A_0] : memref<256x768xf32, #tpu.memory_space<vmem>>, vector<256x768xf32>
    %get3A_2 = arith.constant 0 : index
    %get3A_3 = arith.constant 0 : index
    %get3A_4 = vector.load %arg3[%get3A_2, %get3A_3] : memref<256x128xf32, #tpu.memory_space<vmem>>, vector<256x128xf32>
    %slice3A = vector.extract_strided_slice %get3A_4 {offsets = [0, 0], sizes = [256, 32], strides = [1, 1]} : vector<256x128xf32> to vector<256x32xf32>
    %get3A_5 = arith.constant 0 : index
    %get3A_6 = arith.constant 0 : index
    %get3A_7 = arith.constant 0 : index
    %get3A_8 = vector.load %arg6[%get3A_5, %get3A_6, %get3A_7] : memref<1x768x32xf32, #tpu.memory_space<vmem>>, vector<1x768x32xf32>
    %get3A_9 = vector.shape_cast %get3A_8 : vector<1x768x32xf32> to vector<768x32xf32>
    %dot_general3A = arith.constant dense<0.000000e+00> : vector<256x32xf32>
    %dot_general3A_10 = tpu.matmul %get3A_1, %get3A_9, %dot_general3A {dimension_numbers = #tpu.dot_dimension_numbers<[1], [0], [0], [1], [0, 0, 1, 1], [], []>, transpose_lhs_hint = false} : vector<256x768xf32>, vector<768x32xf32>, vector<256x32xf32> -> vector<256x32xf32>
    %mul3A = arith.mulf %dot_general3A_10, %slice3A : vector<256x32xf32>
    %get3A_11 = arith.constant 0 : index
    %get3A_12 = arith.constant 0 : index
    %get3A_13 = arith.constant 0 : index
    %get3A_14 = vector.load %arg4[%get3A_11, %get3A_12, %get3A_13] : memref<1x768x1536xf32, #tpu.memory_space<vmem>>, vector<1x768x1536xf32>
    %get3A_15 = vector.shape_cast %get3A_14 : vector<1x768x1536xf32> to vector<768x1536xf32>
    %dot_general3A_16 = arith.constant dense<0.000000e+00> : vector<256x1536xf32>
    %dot_general3A_17 = tpu.matmul %get3A_1, %get3A_15, %dot_general3A_16 {dimension_numbers = #tpu.dot_dimension_numbers<[1], [0], [0], [1], [0, 0, 1, 1], [], []>, transpose_lhs_hint = false} : vector<256x768xf32>, vector<768x1536xf32>, vector<256x1536xf32> -> vector<256x1536xf32>
    %get3A_18 = arith.constant 0 : index
    %get3A_19 = arith.constant 0 : index
    %get3A_20 = arith.constant 0 : index
    %get3A_21 = vector.load %arg5[%get3A_18, %get3A_19, %get3A_20] : memref<1x1x1536xf32, #tpu.memory_space<vmem>>, vector<1x1x1536xf32>
    %get3A_22 = vector.shape_cast %get3A_21 : vector<1x1x1536xf32> to vector<1x1536xf32>
    %add3A = vector.broadcast %get3A_22 : vector<1x1536xf32> to vector<256x1536xf32>
    %add3A_23 = arith.addf %dot_general3A_17, %add3A : vector<256x1536xf32>
    %get3A_24 = arith.constant 0 : index
    %get3A_25 = arith.constant 0 : index
    %get3A_26 = arith.constant 0 : index
    %get3A_27 = vector.load %arg7[%get3A_24, %get3A_25, %get3A_26] : memref<1x32x1536xf32, #tpu.memory_space<vmem>>, vector<1x32x1536xf32>
    %get3A_28 = vector.shape_cast %get3A_27 : vector<1x32x1536xf32> to vector<32x1536xf32>
    %dot_general3A_29 = arith.constant dense<0.000000e+00> : vector<256x1536xf32>
    %dot_general3A_30 = tpu.matmul %mul3A, %get3A_28, %dot_general3A_29 {dimension_numbers = #tpu.dot_dimension_numbers<[1], [0], [0], [1], [0, 0, 1, 1], [], []>, transpose_lhs_hint = false} : vector<256x32xf32>, vector<32x1536xf32>, vector<256x1536xf32> -> vector<256x1536xf32>
    %add3A_31 = arith.addf %add3A_23, %dot_general3A_30 : vector<256x1536xf32>
    %integer_pow3A = arith.mulf %add3A_31, %add3A_31 : vector<256x1536xf32>
    %integer_pow3A_32 = arith.mulf %add3A_31, %integer_pow3A : vector<256x1536xf32>
    %mul3A_33 = arith.constant 4.471500e-02 : f32
    %mul3A_34 = vector.broadcast %mul3A_33 : f32 to vector<256x1536xf32>
    %mul3A_35 = arith.mulf %mul3A_34, %integer_pow3A_32 : vector<256x1536xf32>
    %add3A_36 = arith.addf %add3A_31, %mul3A_35 : vector<256x1536xf32>
    %mul3A_37 = arith.constant 0.797884583 : f32
    %mul3A_38 = vector.broadcast %mul3A_37 : f32 to vector<256x1536xf32>
    %mul3A_39 = arith.mulf %mul3A_38, %add3A_36 : vector<256x1536xf32>
    %tanh3A = math.tanh %mul3A_39 : vector<256x1536xf32>
    %add3A_40 = arith.constant 1.000000e+00 : f32
    %add3A_41 = vector.broadcast %add3A_40 : f32 to vector<256x1536xf32>
    %add3A_42 = arith.addf %add3A_41, %tanh3A : vector<256x1536xf32>
    %mul3A_43 = arith.constant 5.000000e-01 : f32
    %mul3A_44 = vector.broadcast %mul3A_43 : f32 to vector<256x1536xf32>
    %mul3A_45 = arith.mulf %mul3A_44, %add3A_42 : vector<256x1536xf32>
    %mul3A_46 = arith.mulf %add3A_31, %mul3A_45 : vector<256x1536xf32>
    %get3A_47 = arith.constant 0 : index
    %get3A_48 = arith.constant 0 : index
    %get3A_49 = arith.constant 0 : index
    %get3A_50 = vector.load %arg10[%get3A_47, %get3A_48, %get3A_49] : memref<1x1536x32xf32, #tpu.memory_space<vmem>>, vector<1x1536x32xf32>
    %get3A_51 = vector.shape_cast %get3A_50 : vector<1x1536x32xf32> to vector<1536x32xf32>
    %dot_general3A_52 = arith.constant dense<0.000000e+00> : vector<256x32xf32>
    %dot_general3A_53 = tpu.matmul %mul3A_46, %get3A_51, %dot_general3A_52 {dimension_numbers = #tpu.dot_dimension_numbers<[1], [0], [0], [1], [0, 0, 1, 1], [], []>, transpose_lhs_hint = false} : vector<256x1536xf32>, vector<1536x32xf32>, vector<256x32xf32> -> vector<256x32xf32>
    %mul3A_54 = arith.mulf %dot_general3A_53, %slice3A : vector<256x32xf32>
    %get3A_55 = arith.constant 0 : index
    %get3A_56 = arith.constant 0 : index
    %get3A_57 = arith.constant 0 : index
    %get3A_58 = vector.load %arg8[%get3A_55, %get3A_56, %get3A_57] : memref<1x1536x768xf32, #tpu.memory_space<vmem>>, vector<1x1536x768xf32>
    %get3A_59 = vector.shape_cast %get3A_58 : vector<1x1536x768xf32> to vector<1536x768xf32>
    %dot_general3A_60 = arith.constant dense<0.000000e+00> : vector<256x768xf32>
    %dot_general3A_61 = tpu.matmul %mul3A_46, %get3A_59, %dot_general3A_60 {dimension_numbers = #tpu.dot_dimension_numbers<[1], [0], [0], [1], [0, 0, 1, 1], [], []>, transpose_lhs_hint = false} : vector<256x1536xf32>, vector<1536x768xf32>, vector<256x768xf32> -> vector<256x768xf32>
    %get3A_62 = arith.constant 0 : index
    %get3A_63 = arith.constant 0 : index
    %get3A_64 = arith.constant 0 : index
    %get3A_65 = vector.load %arg9[%get3A_62, %get3A_63, %get3A_64] : memref<1x1x768xf32, #tpu.memory_space<vmem>>, vector<1x1x768xf32>
    %get3A_66 = vector.shape_cast %get3A_65 : vector<1x1x768xf32> to vector<1x768xf32>
    %add3A_67 = vector.broadcast %get3A_66 : vector<1x768xf32> to vector<256x768xf32>
    %add3A_68 = arith.addf %dot_general3A_61, %add3A_67 : vector<256x768xf32>
    %get3A_69 = arith.constant 0 : index
    %get3A_70 = arith.constant 0 : index
    %get3A_71 = arith.constant 0 : index
    %get3A_72 = vector.load %arg11[%get3A_69, %get3A_70, %get3A_71] : memref<1x32x768xf32, #tpu.memory_space<vmem>>, vector<1x32x768xf32>
    %get3A_73 = vector.shape_cast %get3A_72 : vector<1x32x768xf32> to vector<32x768xf32>
    %dot_general3A_74 = arith.constant dense<0.000000e+00> : vector<256x768xf32>
    %dot_general3A_75 = tpu.matmul %mul3A_54, %get3A_73, %dot_general3A_74 {dimension_numbers = #tpu.dot_dimension_numbers<[1], [0], [0], [1], [0, 0, 1, 1], [], []>, transpose_lhs_hint = false} : vector<256x32xf32>, vector<32x768xf32>, vector<256x768xf32> -> vector<256x768xf32>
    %add3A_76 = arith.addf %add3A_68, %dot_general3A_75 : vector<256x768xf32>
    %slice3A_77 = vector.extract_strided_slice %get3A_4 {offsets = [0, 32], sizes = [256, 1], strides = [1, 1]} : vector<256x128xf32> to vector<256x1xf32>
    %mul3A_78 = vector.broadcast %slice3A_77 : vector<256x1xf32> to vector<256x768xf32>
    %mul3A_79 = arith.mulf %add3A_76, %mul3A_78 : vector<256x768xf32>
    %swap3A = arith.constant 0 : index
    %swap3A_80 = arith.constant 0 : index
    %swap3A_81 = vector.load %arg12[%swap3A, %swap3A_80] : memref<256x768xf32, #tpu.memory_space<vmem>>, vector<256x768xf32>
    tpu.vector_store %arg12[%swap3A, %swap3A_80], %mul3A_79 {strides = array<i32>} : memref<256x768xf32, #tpu.memory_space<vmem>>, vector<256x768xf32>,
    return
  }
  func.func @transform_0(%arg0: i32, %arg1: memref<64xi32, #tpu.memory_space<smem>>) -> (i32, i32) {
    %c0_i32 = arith.constant 0 : i32
    %c0_i32_0 = arith.constant 0 : i32
    return %arg0, %c0_i32 : i32, i32
  }
  func.func @transform_1(%arg0: i32, %arg1: memref<64xi32, #tpu.memory_space<smem>>) -> (i32, i32) {
    %c0_i32 = arith.constant 0 : i32
    %c0_i32_0 = arith.constant 0 : i32
    return %arg0, %c0_i32 : i32, i32
  }
  func.func @transform_2(%arg0: i32, %arg1: memref<64xi32, #tpu.memory_space<smem>>) -> (i32, i32, i32) {
    %get3A = arith.index_cast %arg0 : i32 to index
    %get3A_0 = memref.load %arg1[%get3A] : memref<64xi32, #tpu.memory_space<smem>>
    %c0_i32 = arith.constant 0 : i32
    %c0_i32_1 = arith.constant 0 : i32
    %c0_i32_2 = arith.constant 0 : i32
    return %get3A_0, %c0_i32, %c0_i32_1 : i32, i32, i32
  }
  func.func @transform_3(%arg0: i32, %arg1: memref<64xi32, #tpu.memory_space<smem>>) -> (i32, i32, i32) {
    %get3A = arith.index_cast %arg0 : i32 to index
    %get3A_0 = memref.load %arg1[%get3A] : memref<64xi32, #tpu.memory_space<smem>>
    %c0_i32 = arith.constant 0 : i32
    %c0_i32_1 = arith.constant 0 : i32
    %c0_i32_2 = arith.constant 0 : i32
    return %get3A_0, %c0_i32, %c0_i32_1 : i32, i32, i32
  }
  func.func @transform_4(%arg0: i32, %arg1: memref<64xi32, #tpu.memory_space<smem>>) -> (i32, i32, i32) {
    %get3A = arith.index_cast %arg0 : i32 to index
    %get3A_0 = memref.load %arg1[%get3A] : memref<64xi32, #tpu.memory_space<smem>>
    %c0_i32 = arith.constant 0 : i32
    %c0_i32_1 = arith.constant 0 : i32
    %c0_i32_2 = arith.constant 0 : i32
    return %get3A_0, %c0_i32, %c0_i32_1 : i32, i32, i32
  }
  func.func @transform_5(%arg0: i32, %arg1: memref<64xi32, #tpu.memory_space<smem>>) -> (i32, i32, i32) {
    %get3A = arith.index_cast %arg0 : i32 to index
    %get3A_0 = memref.load %arg1[%get3A] : memref<64xi32, #tpu.memory_space<smem>>
    %c0_i32 = arith.constant 0 : i32
    %c0_i32_1 = arith.constant 0 : i32
    %c0_i32_2 = arith.constant 0 : i32
    return %get3A_0, %c0_i32, %c0_i32_1 : i32, i32, i32
  }
  func.func @transform_6(%arg0: i32, %arg1: memref<64xi32, #tpu.memory_space<smem>>) -> (i32, i32, i32) {
    %get3A = arith.index_cast %arg0 : i32 to index
    %get3A_0 = memref.load %arg1[%get3A] : memref<64xi32, #tpu.memory_space<smem>>
    %c0_i32 = arith.constant 0 : i32
    %c0_i32_1 = arith.constant 0 : i32
    %c0_i32_2 = arith.constant 0 : i32
    return %get3A_0, %c0_i32, %c0_i32_1 : i32, i32, i32
  }
  func.func @transform_7(%arg0: i32, %arg1: memref<64xi32, #tpu.memory_space<smem>>) -> (i32, i32, i32) {
    %get3A = arith.index_cast %arg0 : i32 to index
    %get3A_0 = memref.load %arg1[%get3A] : memref<64xi32, #tpu.memory_space<smem>>
    %c0_i32 = arith.constant 0 : i32
    %c0_i32_1 = arith.constant 0 : i32
    %c0_i32_2 = arith.constant 0 : i32
    return %get3A_0, %c0_i32, %c0_i32_1 : i32, i32, i32
  }
  func.func @transform_8(%arg0: i32, %arg1: memref<64xi32, #tpu.memory_space<smem>>) -> (i32, i32, i32) {
    %get3A = arith.index_cast %arg0 : i32 to index
    %get3A_0 = memref.load %arg1[%get3A] : memref<64xi32, #tpu.memory_space<smem>>
    %c0_i32 = arith.constant 0 : i32
    %c0_i32_1 = arith.constant 0 : i32
    %c0_i32_2 = arith.constant 0 : i32
    return %get3A_0, %c0_i32, %c0_i32_1 : i32, i32, i32
  }
  func.func @transform_9(%arg0: i32, %arg1: memref<64xi32, #tpu.memory_space<smem>>) -> (i32, i32, i32) {
    %get3A = arith.index_cast %arg0 : i32 to index
    %get3A_0 = memref.load %arg1[%get3A] : memref<64xi32, #tpu.memory_space<smem>>
    %c0_i32 = arith.constant 0 : i32
    %c0_i32_1 = arith.constant 0 : i32
    %c0_i32_2 = arith.constant 0 : i32
    return %get3A_0, %c0_i32, %c0_i32_1 : i32, i32, i32
  }
  func.func @transform_10(%arg0: i32, %arg1: memref<64xi32, #tpu.memory_space<smem>>) -> (i32, i32) {
    %c0_i32 = arith.constant 0 : i32
    %c0_i32_0 = arith.constant 0 : i32
    return %arg0, %c0_i32 : i32, i32
  }
}

</mosaic_0001>

<sc_bundles>
// kernel: kernel.6.cloned.1.call-start
scs
__scs_entry_jumppad:
0x0: {  	(pc) =	sbr.rel $0x88, $3  }
0x1: {  	(tag) =	ssettag $0x0;
	lr =	simm.s32 $0x1  }
0x2: {  	[smem:$0x3F91] =	sst lr;
	_ =	strace $0xD0000000  }
0x3: {  	_ = 	snop  }
0x4: {  	_ = 	snop  }
0x5: {  	_ = 	snop  }
0x6: {  	_ = 	snop  }
0x7: {  	_ = 	snop  }
__scs_overlays_trampoline_lowered:
0x8: {  	[smem:$0x3FA0] =	sst s0  }
0x9: {  	[smem:$0x3FA1] =	sst s1  }
0xa: {  	[smem:$0x3FA2] =	sst s2  }
0xb: {  	[smem:$0x3FA3] =	sst s3  }
0xc: {  	[smem:$0x3FA4] =	sst s4  }
0xd: {  	[smem:$0x3FA5] =	sst s5  }
0xe: {  	[smem:$0x3FA6] =	sst s6  }
0xf: {  	[smem:$0x3FA7] =	sst s7  }
0x10: {  	[smem:$0x3FA8] =	sst s8  }
0x11: {  	[smem:$0x3FA9] =	sst s9;
	s0 =	simm.s32 @!p0 $0x0  }
0x12: {  	s1 =	sld [smem:$0x3F8F];
	s0 =	simm.s32 @p0 $0x1  }
0x13: {  	[smem:$0x3FAA] =	sst s0;
	s0 =	simm.s32 @!p1 $0x0  }
0x14: {  	s2 =	sld [smem:$0x3F8E];
	s0 =	simm.s32 @p1 $0x1  }
0x15: {  	[smem:$0x3FAB] =	sst s0;
	s0 =	simm.s32 @!p2 $0x0  }
0x16: {  	s3 =	sld [smem:$0x3FDB];
	s0 =	simm.s32 @p2 $0x1  }
0x17: {  	s4 =	simm.s32 $0x1BF5;
	[smem:$0x3FAD] =	sst s0  }
0x18: {  	s0 =	sld [smem:$0x3F90];
	_ =	swait.ge [sflag:s4], $0x0  }
0x19: {  	s7 =	sld [smem:$0x3F91]  }
0x1a: {  	s8 =	sadd.s32 $0xFFFFE003, lr  }
0x1b: {  	s9 =	sadd.s32 $0xFFFFFEF7, lr;
	s5 =	simm.s32 $0xFFFFFFFF;
	p2 =	slt.u32 s8, $0xFFFFF086  }
0x1c: {  	p1 =	slt.u32 s9, $0xF7A;
	s5 =	simm.s32 @!p2 $0x0  }
0x1d: {  	s5 =	simm.s32 @p1 $0x1;
	p0 =	seq.s32 s7, s2  }
0x1e: {  	s7 =	smul.u32 @!p0 $0xF7A, s2;
	p2 =	seq.s32 @!p0 s5, $0x0  }
0x1f: {  	s9 =	smul.u32 $0xF7A, s1;
	s8 =	simm.s32 @!p0 $0x1BF5;
	p2 =	por !p2, p0  }
0x20: {  	[sflag:s8] =	ssyncset.s32 @!p0 $0xFFFFF086;
	s6 =	sadd.s32 @!p0 s3, s7;
	s7 =	simm.s32 @!p0 $0x108  }
0x21: {  	s3 =	sadd.s32 s3, s9;
	s6 =	sadd.s32 @!p0 $0x88, s6;
	s7 =	simm.s32 @p2 $0x1082  }
0x22: {  	[simem:s7], [sflag:s8] =	dma.local @!p0 [hbm:s6], $0xF7A  }
0x23: {  	s9 =	sor.u32 $0xD0000000, s2;
	s6 =	simm.s32 $0x108;
	_ =	swait.ge @!p0 [sflag:s8], $0x0  }
0x24: {  	s3 =	sadd.s32 $0x88, s3;
	s6 =	simm.s32 @!p1 $0x1082;
	[sflag:s4] =	ssyncset.s32 $0xFFFFF086  }
0x25: {  	[simem:s6], [sflag:s4] =	dma.local [hbm:s3], $0xF7A  }
0x26: {  	[smem:$0x3F91] =	sst s1;
	(tag) =	ssettag s2;
	_ =	strace s9  }
0x27: {  	s1 =	sld [smem:$0x3FA1]  }
0x28: {  	s2 =	sld [smem:$0x3FA2]  }
0x29: {  	s4 =	sld [smem:$0x3FA4]  }
0x2a: {  	p0 =	seq.s32 s5, $0x0;
	s5 =	sld [smem:$0x3FA5]  }
0x2b: {  	s6 =	sld [smem:$0x3FA6]  }
0x2c: {  	s7 =	sld [smem:$0x3FA7]  }
0x2d: {  	s3 =	simm.s32 $0x108;
	s8 =	sld [smem:$0x3FA8]  }
0x2e: {  	s3 =	simm.s32 @!p0 $0x1082;
	s9 =	sld [smem:$0x3FA9]  }
0x2f: {  	lr =	sadd.s32 s0, s3;
	s0 =	sld [smem:$0x3FA0]  }
0x30: {  	s3 =	sld [smem:$0x3FA3]  }
0x31: {  	[smem:$0x3FAC] =	sst s10  }
0x32: {  	s10 =	sld [smem:$0x3FAA];
	_ =	sdelay $0x3  }
0x33: {  	p0 =	seq.s32 s10, $0x1;
	s10 =	sld [smem:$0x3FAC];
	_ =	sdelay $0x3  }
0x34: {  	[smem:$0x3FAC] =	sst s10  }
0x35: {  	s10 =	sld [smem:$0x3FAB];
	_ =	sdelay $0x3  }
0x36: {  	p1 =	seq.s32 s10, $0x1;
	s10 =	sld [smem:$0x3FAC];
	_ =	sdelay $0x3  }
0x37: {  	[smem:$0x3FAC] =	sst s10  }
0x38: {  	s10 =	sld [smem:$0x3FAD]  }
0x39: {  	_ = 	snop;
	(pc) =	sbr.ind lr, $3  }
0x3a: {  	_ = 	snop  }
0x3b: {  	_ = 	snop  }
0x3c: {  	p2 =	seq.s32 s10, $0x1;
	s10 =	sld [smem:$0x3FAC]  }
0x3d: {  	_ =	shalt  }
0x3e: {  	_ =	shalt  }
0x3f: {  	_ =	shalt  }
0x40: {  	_ =	shalt  }
0x41: {  	_ =	shalt  }
0x42: {  	_ =	shalt  }
0x43: {  	_ =	shalt  }
0x44: {  	_ =	shalt  }
0x45: {  	_ =	shalt  }
0x46: {  	_ =	shalt  }
0x47: {  	_ =	shalt  }
0x48: {  	_ =	shalt  }
0x49: {  	_ =	shalt  }
0x4a: {  	_ =	shalt  }
0x4b: {  	_ =	shalt  }
0x4c: {  	_ =	shalt  }
0x4d: {  	_ =	shalt  }
0x4e: {  	_ =	shalt  }
0x4f: {  	_ =	shalt  }
0x50: {  	_ =	shalt  }
0x51: {  	_ =	shalt  }
0x52: {  	_ =	shalt  }
0x53: {  	_ =	shalt  }
0x54: {  	_ =	shalt  }
0x55: {  	_ =	shalt  }
0x56: {  	_ =	shalt  }
0x57: {  	_ =	shalt  }
0x58: {  	_ =	shalt  }
0x59: {  	_ =	shalt  }
0x5a: {  	_ =	shalt  }
0x5b: {  	_ =	shalt  }
0x5c: {  	_ =	shalt  }
0x5d: {  	_ =	shalt  }
0x5e: {  	_ =	shalt  }
0x5f: {  	_ =	shalt  }
0x60: {  	_ =	shalt  }
0x61: {  	_ =	shalt  }
0x62: {  	_ =	shalt  }
0x63: {  	_ =	shalt  }
0x64: {  	_ =	shalt  }
0x65: {  	_ =	shalt  }
0x66: {  	_ =	shalt  }
0x67: {  	_ =	shalt  }
0x68: {  	_ =	shalt  }
0x69: {  	_ =	shalt  }
0x6a: {  	_ =	shalt  }
0x6b: {  	_ =	shalt  }
0x6c: {  	_ =	shalt  }
0x6d: {  	_ =	shalt  }
0x6e: {  	_ =	shalt  }
0x6f: {  	_ =	shalt  }
0x70: {  	_ =	shalt  }
0x71: {  	_ =	shalt  }
0x72: {  	_ =	shalt  }
0x73: {  	_ =	shalt  }
0x74: {  	_ =	shalt  }
0x75: {  	_ =	shalt  }
0x76: {  	_ =	shalt  }
0x77: {  	_ =	shalt  }
0x78: {  	_ =	shalt  }
0x79: {  	_ =	shalt  }
0x7a: {  	_ =	shalt  }
0x7b: {  	_ =	shalt  }
0x7c: {  	_ =	shalt  }
0x7d: {  	_ =	shalt  }
0x7e: {  	_ =	shalt  }
0x7f: {  	_ =	shalt  }
0x80: {  	_ =	shalt  }
0x81: {  	_ =	shalt  }
0x82: {  	_ =	shalt  }
0x83: {  	_ =	shalt  }
0x84: {  	_ =	shalt  }
0x85: {  	_ =	shalt  }
0x86: {  	_ =	shalt  }
0x87: {  	_ =	shalt  }
.Lfunc_end0:
.L_simem_size_0:
called_computation_lowered:
.L_overlay_start_0:
0x88: {  	s2 =	sld [smem:$0x3FD9]  }
0x89: {  	s3 =	sld [smem:$0x3FFE];
	_ =	sdelay $0x1  }
0x8a: {  	s1 =	srdreg.scid  }
0x8b: {  	s0 =	sand.u32 $0x1, s1  }
0x8c: {  	s14 =	sshll.u32 s0, $0xA;
	s2 =	sadd.s32 s3, s2  }
0x8d: {  	s2 =	sadd.s32 s2, s14  }
0x8e: {  	[smem:$0x3FB8] =	sst s2  }
0x8f: {  	_ = 	snop  }
0x90: {  	s2 =	sld [smem:$0x3FD0];
	_ =	sdelay $0x2  }
0x91: {  	s4 =	simm.s32 $0xA;
	s5 =	simm.s32 $0x10;
	s15 =	sld [smem:$0x3FC9]  }
0x92: {  	[smem:s5], [sflag:s4] =	dma.local [hbm:s2], $0x1  }
0x93: {  	_ =	swait.eq [sflag:s4], $0x1  }
0x94: {  	[sflag:s4] =	ssyncset.done $0x0  }
0x95: {  	[sflag:s4] =	ssyncadd.s32 $0xFFFFFFFF  }
0x96: {  	s16 =	sld [smem:$0x10];
	(tm) =	ssettm $0x1  }
0x97: {  	s17 =	sld [smem:$0x3FFB];
	_ =	sdelay $0x3  }
0x98: {  	_ =	strace s17  }
0x99: {  	s4 =	sld [smem:$0x3FFC];
	_ =	sdelay $0x3  }
0x9a: {  	_ =	strace s4  }
0x9b: {  	s4 =	sld [smem:$0x3FFD];
	_ =	sdelay $0x3  }
0x9c: {  	_ =	strace s4  }
0x9d: {  	_ =	strace $0x8FFFFFFF  }
0x9e: {  	s18 =	sld [smem:$0x3FDB];
	_ =	sdelay $0x1  }
0x9f: {  	s19 =	simm.s32 $_scs_section_size  }
0xa0: {  	s6 =	simm.s32 $_size__tile_overlayer_lowered;
	s7 =	simm.s32 $_tile_overlayer_lowered  }
0xa1: {  	s22 =	simm.s32 $0x1BFF;
	s21 =	sshll.u32 s7, $0x1;
	s4 =	sadd.s32 s19, s18  }
0xa2: {  	s8 =	simm.s32 $0x0;
	s20 =	sshll.u32 s6, $0x1;
	s6 =	sadd.s32 s21, s4  }
0xa3: {  	[timem:s8], [sflag:s22] =	dma.local [hbm:s6], s20  }
0xa4: {  	_ =	swait.ge [sflag:s22], s20  }
0xa5: {  	s5 =	ssub.s32 $0x0, s20;
	[sflag:s22] =	ssyncset.done $0x0  }
0xa6: {  	[sflag:s22] =	ssyncadd.s32 s5;
	_ =	sdelay $0x1  }
0xa7: {  	s23 =	simm.s32 $0x1B8B  }
0xa8: {  	_ =	swait.ge [sflag:s23], $0x1  }
0xa9: {  	[sflag:s23] =	ssyncset.done $0x0  }
0xaa: {  	s25 =	simm.s32 $0x1B8E;
	s24 =	sld [smem:$0x3FFE];
	[sflag:s23] =	ssyncadd.s32 $0xFFFFFFFF  }
0xab: {  	s26 =	simm.s32 $execute0_lowered;
	[smem:$0x3FD2] =	sst s25  }
0xac: {  	s6 =	sshll.u32 s26, $0x1;
	_ =	strace $0x80000046;
	[dreg:$0x1] =	wrdreg $0xFFFFFFFF  }
0xad: {  	s28 =	simm.s32 $_size_execute0_lowered;
	s4 =	sadd.s32 s4, s6;
	[dreg:$0x0] =	wrdreg $0x0  }
0xae: {  	s6 =	sshll.u32 s28, $0x1;
	[dreg:$0x2] =	wrdreg s4  }
0xaf: {  	[dreg:$0x3] =	wrdreg s6  }
0xb0: {  	[dreg:$0x4] =	wrdreg $0xC0  }
0xb1: {  	_ =	task [dreg:s8], $0x5FFFF  }
0xb2: {  	[dreg:$0x1] =	wrdreg $0xFFFFFFFF  }
0xb3: {  	[dreg:$0x0] =	wrdreg $0x60  }
0xb4: {  	[dreg:$0x2] =	wrdreg s15  }
0xb5: {  	[dreg:$0x3] =	wrdreg s24  }
0xb6: {  	[dreg:$0x4] =	wrdreg s16  }
0xb7: {  	[dreg:$0x5] =	wrdreg $0x9  }
0xb8: {  	_ =	task.clear_ibuf [dreg:s8], $0x6FFFF;
	_ =	strace $0x90000046  }
0xb9: {  	s29 =	simm.s32 $0x9;
	_ =	strace $0x80000048  }
0xba: {  	_ =	swait.ge [sflag:s29], $0x1  }
0xbb: {  	[sflag:s29] =	ssyncadd.s32 $0xFFFFFFFF  }
0xbc: {  	_ =	strace $0x90000048  }
0xbd: {  	_ =	sfence  }
0xbe: {  	s30 =	sld [smem:$0x0];
	_ =	sdelay $0x2  }
0xbf: {  	s31 =	sshll.u32 s1, $0xD;
	s1 =	sshrl.u32 s1, $0x2  }
0xc0: {  	s3 =	sand.u32 $0x4000, s31;
	s1 =	sadd.s32 s1, s30  }
0xc1: {  	s0 =	sor.u32 s3, s0;
	s1 =	sshll.u32 s1, $0x11  }
0xc2: {  	s0 =	sor.u32 s1, s0  }
0xc3: {  	s0 =	sadd.s32 $0x8F2B, s0  }
0xc4: {  	[sflag:s0] =	ssyncadd.remote.s32 $0x1  }
0xc5: {  	_ =	sfence.sel $0xFFFF  }
0xc6: {  	[dreg:$0x0] =	wrdreg $0xFFFFFFFF;
	(pc) =	sbr.abs _section_cstart, $3  }
0xc7: {  	[dreg:$0x1] =	wrdreg $0xFFFFFFFF  }
0xc8: {  	_ =	task.clear_ibuf [dreg:s8], $0x2FFFF;
	_ =	strace $0x9FFFFFFF  }
0xc9: {  	(tm) =	ssettm $0x7FFFFFFF  }
tec
execute0_lowered:
.L_overlay_start_1:
0x0: {  	(tag) =	ssettag $0x1  }
0x1: {  	s0 =	srdreg.scid;
	s1 =	rddreg [dreg:$0x0]  }
0x2: {  	s2 =	stileid.u32;
	s6 =	rddreg [dreg:$0x1]  }
0x3: {  	s9 =	simm.s32 $0x2;
	s13 =	simm.s32 $0x1;
	s17 =	simm.s32 $0x100  }
0x4: {  	s18 =	simm.s32 $0x1100;
	s19 =	simm.s32 $0x1900;
	s20 =	simm.s32 $0x2100  }
0x5: {  	s21 =	simm.s32 $0x2900;
	s28 =	simm.s32 $0x5900;
	s29 =	simm.s32 $0x6100  }
0x6: {  	s30 =	simm.s32 $0x6900;
	s31 =	simm.s32 $0x7100;
	s10 =	simm.s32 $0x9100  }
0x7: {  	s11 =	simm.s32 $0x9900;
	s12 =	simm.s32 $0xA100;
	s8 =	simm.s32 $0xA900  }
0x8: {  	s15 =	simm.s32 $0xB100;
	s16 =	simm.s32 $0xB900;
	s0 =	sand.u32 $0x1, s0  }
0x9: {  	s2 =	sshll.u32 s2, $0x7;
	s3 =	sshll.u32 s0, $0x6;
	s0 =	ssub.s32 $0x2, s0  }
0xa: {  	s2 =	sor.u32 s3, s2;
	s3 =	simm.s32 $0x0;
	s25 =	sshrl.u32 s0, $0x1  }
0xb: {  	s4 =	sshrl.u32 s2, $0x3;
	[smem:$0x7FF] =	sst s3;
	s2 =	sshll.u32 s2, $0x4  }
0xc: {  	s0 =	ssub.s32 s0, s25;
	s5 =	smul.u32 $0x300, s4;
	s4 =	sadd.s32 s4, s6  }
0xd: {  	s25 =	simm.s32 $0x4900;
	_ =	strace $0x80000047;
	s22 =	sadd.s32 $0x12800, s4  }
0xe: {  	s2 =	sadd.s32 s2, s6;
	s23 =	sadd.s32 $0x12600, s4;
	[dreg:$0x5] =	wrdreg s22  }
0xf: {  	s7 =	smax.u32 s0, $0x1;
	s24 =	sadd.s32 $0x2600, s2;
	[dreg:$0x6] =	wrdreg s23  }
0x10: {  	s26 =	sadd.s32 $0xA600, s2;
	s4 =	sadd.s32 $0x12A00, s6;
	[dreg:$0x7] =	wrdreg s24  }
0x11: {  	v2 =	vlaneseq.u32;
	s1 =	sadd.s32 s1, s5;
	[dreg:$0x8] =	wrdreg s26;
	s5 =	sadd.s32 $0x12B00, s6  }
0x12: {  	vm0 =	vmmov $0xffff;
	v1 =	vshrl.u32 v2, $0x3;
	s6 =	sadd.s32 $0x12C00, s6;
	s22 =	simm.s32 $0x3100;
	s23 =	simm.s32 $0x3900  }
0x13: {  	v0 =	vand.u32 $0x7, v2;
	v2 =	vor.u32 $0x8, v2;
	v1 =	vmul.u32 $0x8, v1;
	s24 =	simm.s32 $0x4100;
	s26 =	simm.s32 $0x5100;
	[dreg:$0x4] =	wrdreg s1  }
.LBB2_1:
0x14: {  	s14 =	rddreg [dreg:$0x4]  }
0x15: {  	[tilespmem:s17], [sflag:$0x2] =	stream.linear.gather [hbm4b:s14+s3], $0xC000, $0x38;
	[tilespmem:$0x10100] =	vst v63  }
0x16: {  	_ =	swait.ge [sflag:s9], $0xC000  }
0x17: {  	[sflag:s9] =	ssyncset.done $0x0  }
0x18: {  	s1 =	rddreg [dreg:$0x5];
	[sflag:s9] =	ssyncadd.s32 $0xFFFF4000  }
0x19: {  	[tilespmem:s3], [sflag:$0x2] =	stream.linear.gather [hbm4b:s1+s3], $0x40, $0x38;
	[tilespmem:$0x10100] =	vst v63  }
0x1a: {  	_ =	swait.ge [sflag:s9], $0x40  }
0x1b: {  	[sflag:s9] =	ssyncset.done $0x0  }
0x1c: {  	s0 =	simm.s32 $0x80;
	s2 =	rddreg [dreg:$0x6];
	[sflag:s9] =	ssyncadd.s32 $0xFFFFFFC0  }
0x1d: {  	[tilespmem:s0], [sflag:$0x2] =	stream.linear.gather [hbm4b:s2+s3], $0x40, $0x38;
	[tilespmem:$0x10100] =	vst v63  }
0x1e: {  	_ =	swait.ge [sflag:s9], $0x40  }
0x1f: {  	[sflag:s9] =	ssyncset.done $0x0  }
0x20: {  	s2 =	simm.s32 $0xC100;
	s1 =	rddreg [dreg:$0x7];
	[sflag:s9] =	ssyncadd.s32 $0xFFFFFFC0  }
0x21: {  	[tilespmem:s2], [sflag:$0x2] =	stream.linear.gather [hbm4b:s1+s3], $0x2000, $0x38;
	[tilespmem:$0x10100] =	vst v63  }
0x22: {  	_ =	swait.ge [sflag:s9], $0x2000  }
0x23: {  	[sflag:s9] =	ssyncset.done $0x0  }
0x24: {  	s1 =	simm.s32 $0xE100;
	s0 =	rddreg [dreg:$0x8];
	[sflag:s9] =	ssyncadd.s32 $0xFFFFE000  }
0x25: {  	[tilespmem:s1], [sflag:$0x2] =	stream.linear.gather [hbm4b:s0+s3], $0x2000, $0x38;
	[tilespmem:$0x10100] =	vst v63  }
0x26: {  	_ =	swait.ge [sflag:s9], $0x2000  }
0x27: {  	[sflag:s9] =	ssyncset.done $0x0  }
0x28: {  	[sflag:s9] =	ssyncadd.s32 $0xFFFFE000  }
0x29: {  	v3 =	vld [tilespmem:$0x0];
	_ =	sdelay $0x4  }
0x2a: {  	v4 =	vshrl.u32 v3, $0x3  }
0x2b: {  	v4 =	vmul.u32 $0x30, v4  }
0x2c: {  	v3 =	vand.u32 $0x7, v3  }
0x2d: {  	v3 =	vor.u32 v3, v4  }
0x2e: {  	v4 =	vperm.xlane v3, v0;
	_ =	sdelay $0x1  }
0x2f: {  	v4 =	vadd.s32 v1, v4;
	_ =	sdelay $0x3  }
0x30: {  	v3 =	vperm.xlane v3, v2  }
0x31: {  	[hbm4b:s4+s3] =	stream.indirect_vreg.scatter [tilespmem:s17], [sflag:$0x1], $0x80, v4, vm0, $0xb8;
	[tilespmem:$0x10100] =	vst v63  }
0x32: {  	s14 =	simm.s32 $0x900;
	v3 =	vadd.s32 v1, v3  }
0x33: {  	[hbm4b:s5+s3] =	stream.indirect_vreg.scatter [tilespmem:s14], [sflag:$0x1], $0x80, v4, vm0, $0xb8;
	[tilespmem:$0x10100] =	vst v63  }
0x34: {  	_ = 	snop  }
0x35: {  	[hbm4b:s6+s3] =	stream.indirect_vreg.scatter [tilespmem:s18], [sflag:$0x1], $0x80, v4, vm0, $0xb8;
	[tilespmem:$0x10100] =	vst v63  }
0x36: {  	_ = 	snop  }
0x37: {  	[hbm4b:s4+s3] =	stream.indirect_vreg.scatter [tilespmem:s19], [sflag:$0x1], $0x80, v3, vm0, $0xb8;
	[tilespmem:$0x10100] =	vst v63  }
0x38: {  	_ = 	snop  }
0x39: {  	[hbm4b:s5+s3] =	stream.indirect_vreg.scatter [tilespmem:s20], [sflag:$0x1], $0x80, v3, vm0, $0xb8;
	[tilespmem:$0x10100] =	vst v63  }
0x3a: {  	_ = 	snop  }
0x3b: {  	[hbm4b:s6+s3] =	stream.indirect_vreg.scatter [tilespmem:s21], [sflag:$0x1], $0x80, v3, vm0, $0xb8;
	[tilespmem:$0x10100] =	vst v63  }
0x3c: {  	v3 =	vld [tilespmem:$0x10];
	_ =	sdelay $0x4  }
0x3d: {  	v57 =	vshrl.u32 v3, $0x3  }
0x3e: {  	v4 =	vmul.u32 $0x30, v57  }
0x3f: {  	v3 =	vand.u32 $0x7, v3  }
0x40: {  	v3 =	vor.u32 v3, v4  }
0x41: {  	v4 =	vperm.xlane v3, v0;
	_ =	sdelay $0x1  }
0x42: {  	v4 =	vadd.s32 v1, v4;
	_ =	sdelay $0x3  }
0x43: {  	v3 =	vperm.xlane v3, v2  }
0x44: {  	[hbm4b:s4+s3] =	stream.indirect_vreg.scatter [tilespmem:s22], [sflag:$0x1], $0x80, v4, vm0, $0xb8;
	[tilespmem:$0x10100] =	vst v63  }
0x45: {  	v3 =	vadd.s32 v1, v3  }
0x46: {  	[hbm4b:s5+s3] =	stream.indirect_vreg.scatter [tilespmem:s23], [sflag:$0x1], $0x80, v4, vm0, $0xb8;
	[tilespmem:$0x10100] =	vst v63  }
0x47: {  	_ = 	snop  }
0x48: {  	[hbm4b:s6+s3] =	stream.indirect_vreg.scatter [tilespmem:s24], [sflag:$0x1], $0x80, v4, vm0, $0xb8;
	[tilespmem:$0x10100] =	vst v63  }
0x49: {  	_ = 	snop  }
0x4a: {  	[hbm4b:s4+s3] =	stream.indirect_vreg.scatter [tilespmem:s25], [sflag:$0x1], $0x80, v3, vm0, $0xb8;
	[tilespmem:$0x10100] =	vst v63  }
0x4b: {  	_ = 	snop  }
0x4c: {  	[hbm4b:s5+s3] =	stream.indirect_vreg.scatter [tilespmem:s26], [sflag:$0x1], $0x80, v3, vm0, $0xb8;
	[tilespmem:$0x10100] =	vst v63  }
0x4d: {  	_ = 	snop  }
0x4e: {  	[hbm4b:s6+s3] =	stream.indirect_vreg.scatter [tilespmem:s28], [sflag:$0x1], $0x80, v3, vm0, $0xb8;
	[tilespmem:$0x10100] =	vst v63  }
0x4f: {  	v3 =	vld [tilespmem:$0x20];
	_ =	sdelay $0x4  }
0x50: {  	v58 =	vshrl.u32 v3, $0x3  }
0x51: {  	v4 =	vmul.u32 $0x30, v58  }
0x52: {  	v3 =	vand.u32 $0x7, v3  }
0x53: {  	v3 =	vor.u32 v3, v4  }
0x54: {  	v4 =	vperm.xlane v3, v0;
	_ =	sdelay $0x1  }
0x55: {  	v4 =	vadd.s32 v1, v4;
	_ =	sdelay $0x3  }
0x56: {  	v3 =	vperm.xlane v3, v2  }
0x57: {  	[hbm4b:s4+s3] =	stream.indirect_vreg.scatter [tilespmem:s29], [sflag:$0x1], $0x80, v4, vm0, $0xb8;
	[tilespmem:$0x10100] =	vst v63  }
0x58: {  	v3 =	vadd.s32 v1, v3  }
0x59: {  	[hbm4b:s5+s3] =	stream.indirect_vreg.scatter [tilespmem:s30], [sflag:$0x1], $0x80, v4, vm0, $0xb8;
	[tilespmem:$0x10100] =	vst v63  }
0x5a: {  	_ = 	snop  }
0x5b: {  	[hbm4b:s6+s3] =	stream.indirect_vreg.scatter [tilespmem:s31], [sflag:$0x1], $0x80, v4, vm0, $0xb8;
	[tilespmem:$0x10100] =	vst v63  }
0x5c: {  	s1 =	simm.s32 $0x7900  }
0x5d: {  	[hbm4b:s4+s3] =	stream.indirect_vreg.scatter [tilespmem:s1], [sflag:$0x1], $0x80, v3, vm0, $0xb8;
	[tilespmem:$0x10100] =	vst v63  }
0x5e: {  	s0 =	simm.s32 $0x8100  }
0x5f: {  	[hbm4b:s5+s3] =	stream.indirect_vreg.scatter [tilespmem:s0], [sflag:$0x1], $0x80, v3, vm0, $0xb8;
	[tilespmem:$0x10100] =	vst v63  }
0x60: {  	s2 =	simm.s32 $0x8900  }
0x61: {  	[hbm4b:s6+s3] =	stream.indirect_vreg.scatter [tilespmem:s2], [sflag:$0x1], $0x80, v3, vm0, $0xb8;
	[tilespmem:$0x10100] =	vst v63  }
0x62: {  	v3 =	vld [tilespmem:$0x30];
	_ =	sdelay $0x4  }
0x63: {  	v59 =	vshrl.u32 v3, $0x3  }
0x64: {  	v4 =	vmul.u32 $0x30, v59  }
0x65: {  	v3 =	vand.u32 $0x7, v3  }
0x66: {  	v3 =	vor.u32 v3, v4  }
0x67: {  	v4 =	vperm.xlane v3, v0;
	_ =	sdelay $0x1  }
0x68: {  	v4 =	vadd.s32 v1, v4;
	_ =	sdelay $0x3  }
0x69: {  	v3 =	vperm.xlane v3, v2  }
0x6a: {  	[hbm4b:s4+s3] =	stream.indirect_vreg.scatter [tilespmem:s10], [sflag:$0x1], $0x80, v4, vm0, $0xb8;
	[tilespmem:$0x10100] =	vst v63  }
0x6b: {  	v3 =	vadd.s32 v1, v3  }
0x6c: {  	[hbm4b:s5+s3] =	stream.indirect_vreg.scatter [tilespmem:s11], [sflag:$0x1], $0x80, v4, vm0, $0xb8;
	[tilespmem:$0x10100] =	vst v63  }
0x6d: {  	_ = 	snop  }
0x6e: {  	[hbm4b:s6+s3] =	stream.indirect_vreg.scatter [tilespmem:s12], [sflag:$0x1], $0x80, v4, vm0, $0xb8;
	[tilespmem:$0x10100] =	vst v63  }
0x6f: {  	_ = 	snop  }
0x70: {  	[hbm4b:s4+s3] =	stream.indirect_vreg.scatter [tilespmem:s8], [sflag:$0x1], $0x80, v3, vm0, $0xb8;
	[tilespmem:$0x10100] =	vst v63  }
0x71: {  	_ = 	snop  }
0x72: {  	[hbm4b:s5+s3] =	stream.indirect_vreg.scatter [tilespmem:s15], [sflag:$0x1], $0x80, v3, vm0, $0xb8;
	[tilespmem:$0x10100] =	vst v63  }
0x73: {  	_ = 	snop  }
0x74: {  	[hbm4b:s6+s3] =	stream.indirect_vreg.scatter [tilespmem:s16], [sflag:$0x1], $0x80, v3, vm0, $0xb8;
	[tilespmem:$0x10100] =	vst v63  }
0x75: {  	v3 =	vld [tilespmem:$0x80];
	_ =	sdelay $0x4  }
0x76: {  	v60 =	vshrl.u32 v3, $0x3  }
0x77: {  	v4 =	vmul.u32 $0x30, v60  }
0x78: {  	v3 =	vand.u32 $0x7, v3  }
0x79: {  	v3 =	vor.u32 v3, v4  }
0x7a: {  	v4 =	vperm.xlane v3, v0;
	_ =	sdelay $0x1  }
0x7b: {  	v4 =	vadd.s32 v1, v4;
	_ =	sdelay $0x3  }
0x7c: {  	v3 =	vperm.xlane v3, v2  }
0x7d: {  	[hbm4b:s4+s3] =	stream.indirect_vreg.scatter [tilespmem:s17], [sflag:$0x1], $0x80, v4, vm0, $0xb8;
	[tilespmem:$0x10100] =	vst v63  }
0x7e: {  	v3 =	vadd.s32 v1, v3  }
0x7f: {  	[hbm4b:s5+s3] =	stream.indirect_vreg.scatter [tilespmem:s14], [sflag:$0x1], $0x80, v4, vm0, $0xb8;
	[tilespmem:$0x10100] =	vst v63  }
0x80: {  	_ = 	snop  }
0x81: {  	[hbm4b:s6+s3] =	stream.indirect_vreg.scatter [tilespmem:s18], [sflag:$0x1], $0x80, v4, vm0, $0xb8;
	[tilespmem:$0x10100] =	vst v63  }
0x82: {  	_ = 	snop  }
0x83: {  	[hbm4b:s4+s3] =	stream.indirect_vreg.scatter [tilespmem:s19], [sflag:$0x1], $0x80, v3, vm0, $0xb8;
	[tilespmem:$0x10100] =	vst v63  }
0x84: {  	_ = 	snop  }
0x85: {  	[hbm4b:s5+s3] =	stream.indirect_vreg.scatter [tilespmem:s20], [sflag:$0x1], $0x80, v3, vm0, $0xb8;
	[tilespmem:$0x10100] =	vst v63  }
0x86: {  	_ = 	snop  }
0x87: {  	[hbm4b:s6+s3] =	stream.indirect_vreg.scatter [tilespmem:s21], [sflag:$0x1], $0x80, v3, vm0, $0xb8;
	[tilespmem:$0x10100] =	vst v63  }
0x88: {  	v3 =	vld [tilespmem:$0x90];
	_ =	sdelay $0x4  }
0x89: {  	v61 =	vshrl.u32 v3, $0x3  }
0x8a: {  	v4 =	vmul.u32 $0x30, v61  }
0x8b: {  	v3 =	vand.u32 $0x7, v3  }
0x8c: {  	v3 =	vor.u32 v3, v4  }
0x8d: {  	v4 =	vperm.xlane v3, v0;
	_ =	sdelay $0x1  }
0x8e: {  	v4 =	vadd.s32 v1, v4;
	_ =	sdelay $0x3  }
0x8f: {  	v3 =	vperm.xlane v3, v2  }
0x90: {  	[hbm4b:s4+s3] =	stream.indirect_vreg.scatter [tilespmem:s22], [sflag:$0x1], $0x80, v4, vm0, $0xb8;
	[tilespmem:$0x10100] =	vst v63  }
0x91: {  	v3 =	vadd.s32 v1, v3  }
0x92: {  	[hbm4b:s5+s3] =	stream.indirect_vreg.scatter [tilespmem:s23], [sflag:$0x1], $0x80, v4, vm0, $0xb8;
	[tilespmem:$0x10100] =	vst v63  }
0x93: {  	_ = 	snop  }
0x94: {  	[hbm4b:s6+s3] =	stream.indirect_vreg.scatter [tilespmem:s24], [sflag:$0x1], $0x80, v4, vm0, $0xb8;
	[tilespmem:$0x10100] =	vst v63  }
0x95: {  	_ = 	snop  }
0x96: {  	[hbm4b:s4+s3] =	stream.indirect_vreg.scatter [tilespmem:s25], [sflag:$0x1], $0x80, v3, vm0, $0xb8;
	[tilespmem:$0x10100] =	vst v63  }
0x97: {  	_ = 	snop  }
0x98: {  	[hbm4b:s5+s3] =	stream.indirect_vreg.scatter [tilespmem:s26], [sflag:$0x1], $0x80, v3, vm0, $0xb8;
	[tilespmem:$0x10100] =	vst v63  }
0x99: {  	_ = 	snop  }
0x9a: {  	[hbm4b:s6+s3] =	stream.indirect_vreg.scatter [tilespmem:s28], [sflag:$0x1], $0x80, v3, vm0, $0xb8;
	[tilespmem:$0x10100] =	vst v63  }
0x9b: {  	v3 =	vld [tilespmem:$0xA0];
	_ =	sdelay $0x4  }
0x9c: {  	v62 =	vshrl.u32 v3, $0x3  }
0x9d: {  	v4 =	vmul.u32 $0x30, v62  }
0x9e: {  	v3 =	vand.u32 $0x7, v3  }
0x9f: {  	v3 =	vor.u32 v3, v4  }
0xa0: {  	v4 =	vperm.xlane v3, v0;
	_ =	sdelay $0x1  }
0xa1: {  	v4 =	vadd.s32 v1, v4;
	_ =	sdelay $0x3  }
0xa2: {  	v3 =	vperm.xlane v3, v2  }
0xa3: {  	[hbm4b:s4+s3] =	stream.indirect_vreg.scatter [tilespmem:s29], [sflag:$0x1], $0x80, v4, vm0, $0xb8;
	[tilespmem:$0x10100] =	vst v63  }
0xa4: {  	v3 =	vadd.s32 v1, v3  }
0xa5: {  	[hbm4b:s5+s3] =	stream.indirect_vreg.scatter [tilespmem:s30], [sflag:$0x1], $0x80, v4, vm0, $0xb8;
	[tilespmem:$0x10100] =	vst v63  }
0xa6: {  	_ = 	snop  }
0xa7: {  	[hbm4b:s6+s3] =	stream.indirect_vreg.scatter [tilespmem:s31], [sflag:$0x1], $0x80, v4, vm0, $0xb8;
	[tilespmem:$0x10100] =	vst v63  }
0xa8: {  	_ = 	snop  }
0xa9: {  	[hbm4b:s4+s3] =	stream.indirect_vreg.scatter [tilespmem:s1], [sflag:$0x1], $0x80, v3, vm0, $0xb8;
	[tilespmem:$0x10100] =	vst v63  }
0xaa: {  	_ = 	snop  }
0xab: {  	[hbm4b:s5+s3] =	stream.indirect_vreg.scatter [tilespmem:s0], [sflag:$0x1], $0x80, v3, vm0, $0xb8;
	[tilespmem:$0x10100] =	vst v63  }
0xac: {  	_ = 	snop  }
0xad: {  	[hbm4b:s6+s3] =	stream.indirect_vreg.scatter [tilespmem:s2], [sflag:$0x1], $0x80, v3, vm0, $0xb8;
	[tilespmem:$0x10100] =	vst v63  }
0xae: {  	v3 =	vld [tilespmem:$0xB0];
	_ =	sdelay $0x4  }
0xaf: {  	v63 =	vshrl.u32 v3, $0x3  }
0xb0: {  	v4 =	vmul.u32 $0x30, v63  }
0xb1: {  	v3 =	vand.u32 $0x7, v3  }
0xb2: {  	v3 =	vor.u32 v3, v4  }
0xb3: {  	v4 =	vperm.xlane v3, v0;
	_ =	sdelay $0x1  }
0xb4: {  	v4 =	vadd.s32 v1, v4;
	_ =	sdelay $0x3  }
0xb5: {  	v3 =	vperm.xlane v3, v2  }
0xb6: {  	[hbm4b:s4+s3] =	stream.indirect_vreg.scatter [tilespmem:s10], [sflag:$0x1], $0x80, v4, vm0, $0xb8;
	[tilespmem:$0x10100] =	vst v63  }
0xb7: {  	v3 =	vadd.s32 v1, v3  }
0xb8: {  	[hbm4b:s5+s3] =	stream.indirect_vreg.scatter [tilespmem:s11], [sflag:$0x1], $0x80, v4, vm0, $0xb8;
	[tilespmem:$0x10100] =	vst v63  }
0xb9: {  	_ = 	snop  }
0xba: {  	[hbm4b:s6+s3] =	stream.indirect_vreg.scatter [tilespmem:s12], [sflag:$0x1], $0x80, v4, vm0, $0xb8;
	[tilespmem:$0x10100] =	vst v63  }
0xbb: {  	_ = 	snop  }
0xbc: {  	[hbm4b:s4+s3] =	stream.indirect_vreg.scatter [tilespmem:s8], [sflag:$0x1], $0x80, v3, vm0, $0xb8;
	[tilespmem:$0x10100] =	vst v63  }
0xbd: {  	_ = 	snop  }
0xbe: {  	[hbm4b:s5+s3] =	stream.indirect_vreg.scatter [tilespmem:s15], [sflag:$0x1], $0x80, v3, vm0, $0xb8;
	[tilespmem:$0x10100] =	vst v63  }
0xbf: {  	_ = 	snop  }
0xc0: {  	[hbm4b:s6+s3] =	stream.indirect_vreg.scatter [tilespmem:s16], [sflag:$0x1], $0x80, v3, vm0, $0xb8;
	[tilespmem:$0x10100] =	vst v63  }
0xc1: {  	s14 =	rddreg [dreg:$0x2];
	s0 =	simm.s32 $0x40;
	s2 =	simm.s32 $0xC100  }
0xc2: {  	[hbm4b:s14+s0] =	stream.indirect.scatter [tilespmem:s2], [sflag:$0x1], $0x80, s3, s0, $0xb8;
	[tilespmem:$0x10100] =	vst v63  }
0xc3: {  	s1 =	simm.s32 $0x80;
	s2 =	simm.s32 $0xE100  }
0xc4: {  	[hbm4b:s14+s0] =	stream.indirect.scatter [tilespmem:s2], [sflag:$0x1], $0x80, s1, s0, $0xb8;
	[tilespmem:$0x10100] =	vst v63  }
0xc5: {  	_ =	swait.ge [sflag:s13], $0xC000  }
0xc6: {  	[sflag:s13] =	ssyncset.done $0x0  }
0xc7: {  	[sflag:s13] =	ssyncadd.s32 $0xFFFF4000  }
0xc8: {  	_ =	swait.ge [sflag:s13], $0xC000  }
0xc9: {  	[sflag:s13] =	ssyncset.done $0x0  }
0xca: {  	[sflag:s13] =	ssyncadd.s32 $0xFFFF4000  }
0xcb: {  	p0 =	sne.s32 s7, $0x1;
	_ =	swait.ge [sflag:s13], $0x2000  }
.Ltmp0:
0xcc: {  	[sflag:s13] =	ssyncset.done $0x0;
	(pc) =	sbr.rel @p0 .LBB2_1-.Ltmp0, $4  }
0xcd: {  	[sflag:s13] =	ssyncadd.s32 $0xFFFFE000  }
0xce: {  	_ =	swait.ge [sflag:s13], $0x2000  }
0xcf: {  	[sflag:s13] =	ssyncset.done $0x0  }
0xd0: {  	s7 =	sadd.s32 $0xFFFFFFFF, s7;
	[sflag:s13] =	ssyncadd.s32 $0xFFFFE000  }
0xd1: {  	_ =	sfence.sel $0x180000  }
0xd2: {  	[bflag:$0x0] =	sbarrier.arrive $0xFFFF  }
0xd3: {  	_ =	strace $0x90000047  }
0xd4: {  	s0 =	stileid.u32;
	[bflag:$0x2] =	sbarrier.arrive $0xFFFF  }
0xd5: {  	p0 =	sne.s32 s0, $0x0;
	s0 =	rddreg [dreg:$0x3]  }
0xd6: {  	s0 =	sadd.s32 @!p0 $0x100000, s0  }
0xd7: {  	[sflag:s0] =	ssyncadd.tile.s32 @!p0 $0x1;
	_ =	shalt  }
.Lfunc_end2:
_tile_overlayer_lowered:
.L_overlay_start_2:
0xd8: {  	(tag) =	ssettag $0x2  }
0xd9: {  	s0 =	rddreg [dreg:$0x0];
	s2 =	stileid.u32  }
0xda: {  	s1 =	rddreg [dreg:$0x1];
	p0 =	sne.s32 s2, $0x0  }
0xdb: {  	s3 =	rddreg [dreg:$0x2];
	[bflag:$0x3] =	sbarrier.arrive $0xFFFF;
	s2 =	simm.s32 @!p0 $0x1C02  }
0xdc: {  	[timem:s3], [sflag:s2] =	dma.local @!p0 [hbm:s0], s1  }
0xdd: {  	s0 =	simm.s32 @!p0 $0x2  }
0xde: {  	_ =	swait.ge @!p0 [sflag:s0], s1  }
0xdf: {  	s1 =	ssub.s32 @!p0 $0x0, s1;
	[sflag:s0] =	ssyncset.done @!p0 $0x0  }
0xe0: {  	[sflag:s0] =	ssyncadd.s32 @!p0 s1  }
0xe1: {  	[bflag:$0x3] =	sbarrier.arrive $0xFFFF  }
0xe2: {  	_ =	shalt  }

// kernel: kernel.9.cloned.1.call-start
scs
__scs_entry_jumppad:
0x0: {  	(pc) =	sbr.rel $0x88, $3  }
0x1: {  	(tag) =	ssettag $0x0;
	lr =	simm.s32 $0x1  }
0x2: {  	[smem:$0x3F91] =	sst lr;
	_ =	strace $0xD0000000  }
0x3: {  	_ = 	snop  }
0x4: {  	_ = 	snop  }
0x5: {  	_ = 	snop  }
0x6: {  	_ = 	snop  }
0x7: {  	_ = 	snop  }
__scs_overlays_trampoline_lowered:
0x8: {  	[smem:$0x3FA0] =	sst s0  }
0x9: {  	[smem:$0x3FA1] =	sst s1  }
0xa: {  	[smem:$0x3FA2] =	sst s2  }
0xb: {  	[smem:$0x3FA3] =	sst s3  }
0xc: {  	[smem:$0x3FA4] =	sst s4  }
0xd: {  	[smem:$0x3FA5] =	sst s5  }
0xe: {  	[smem:$0x3FA6] =	sst s6  }
0xf: {  	[smem:$0x3FA7] =	sst s7  }
0x10: {  	[smem:$0x3FA8] =	sst s8  }
0x11: {  	[smem:$0x3FA9] =	sst s9;
	s0 =	simm.s32 @!p0 $0x0  }
0x12: {  	s1 =	sld [smem:$0x3F8F];
	s0 =	simm.s32 @p0 $0x1  }
0x13: {  	[smem:$0x3FAA] =	sst s0;
	s0 =	simm.s32 @!p1 $0x0  }
0x14: {  	s2 =	sld [smem:$0x3F8E];
	s0 =	simm.s32 @p1 $0x1  }
0x15: {  	[smem:$0x3FAB] =	sst s0;
	s0 =	simm.s32 @!p2 $0x0  }
0x16: {  	s3 =	sld [smem:$0x3FDB];
	s0 =	simm.s32 @p2 $0x1  }
0x17: {  	s4 =	simm.s32 $0x1BF5;
	[smem:$0x3FAD] =	sst s0  }
0x18: {  	s0 =	sld [smem:$0x3F90];
	_ =	swait.ge [sflag:s4], $0x0  }
0x19: {  	s7 =	sld [smem:$0x3F91]  }
0x1a: {  	s8 =	sadd.s32 $0xFFFFE003, lr  }
0x1b: {  	s9 =	sadd.s32 $0xFFFFFEF7, lr;
	s5 =	simm.s32 $0xFFFFFFFF;
	p2 =	slt.u32 s8, $0xFFFFF086  }
0x1c: {  	p1 =	slt.u32 s9, $0xF7A;
	s5 =	simm.s32 @!p2 $0x0  }
0x1d: {  	s5 =	simm.s32 @p1 $0x1;
	p0 =	seq.s32 s7, s2  }
0x1e: {  	s7 =	smul.u32 @!p0 $0xF7A, s2;
	p2 =	seq.s32 @!p0 s5, $0x0  }
0x1f: {  	s9 =	smul.u32 $0xF7A, s1;
	s8 =	simm.s32 @!p0 $0x1BF5;
	p2 =	por !p2, p0  }
0x20: {  	[sflag:s8] =	ssyncset.s32 @!p0 $0xFFFFF086;
	s6 =	sadd.s32 @!p0 s3, s7;
	s7 =	simm.s32 @!p0 $0x108  }
0x21: {  	s3 =	sadd.s32 s3, s9;
	s6 =	sadd.s32 @!p0 $0x88, s6;
	s7 =	simm.s32 @p2 $0x1082  }
0x22: {  	[simem:s7], [sflag:s8] =	dma.local @!p0 [hbm:s6], $0xF7A  }
0x23: {  	s9 =	sor.u32 $0xD0000000, s2;
	s6 =	simm.s32 $0x108;
	_ =	swait.ge @!p0 [sflag:s8], $0x0  }
0x24: {  	s3 =	sadd.s32 $0x88, s3;
	s6 =	simm.s32 @!p1 $0x1082;
	[sflag:s4] =	ssyncset.s32 $0xFFFFF086  }
0x25: {  	[simem:s6], [sflag:s4] =	dma.local [hbm:s3], $0xF7A  }
0x26: {  	[smem:$0x3F91] =	sst s1;
	(tag) =	ssettag s2;
	_ =	strace s9  }
0x27: {  	s1 =	sld [smem:$0x3FA1]  }
0x28: {  	s2 =	sld [smem:$0x3FA2]  }
0x29: {  	s4 =	sld [smem:$0x3FA4]  }
0x2a: {  	p0 =	seq.s32 s5, $0x0;
	s5 =	sld [smem:$0x3FA5]  }
0x2b: {  	s6 =	sld [smem:$0x3FA6]  }
0x2c: {  	s7 =	sld [smem:$0x3FA7]  }
0x2d: {  	s3 =	simm.s32 $0x108;
	s8 =	sld [smem:$0x3FA8]  }
0x2e: {  	s3 =	simm.s32 @!p0 $0x1082;
	s9 =	sld [smem:$0x3FA9]  }
0x2f: {  	lr =	sadd.s32 s0, s3;
	s0 =	sld [smem:$0x3FA0]  }
0x30: {  	s3 =	sld [smem:$0x3FA3]  }
0x31: {  	[smem:$0x3FAC] =	sst s10  }
0x32: {  	s10 =	sld [smem:$0x3FAA];
	_ =	sdelay $0x3  }
0x33: {  	p0 =	seq.s32 s10, $0x1;
	s10 =	sld [smem:$0x3FAC];
	_ =	sdelay $0x3  }
0x34: {  	[smem:$0x3FAC] =	sst s10  }
0x35: {  	s10 =	sld [smem:$0x3FAB];
	_ =	sdelay $0x3  }
0x36: {  	p1 =	seq.s32 s10, $0x1;
	s10 =	sld [smem:$0x3FAC];
	_ =	sdelay $0x3  }
0x37: {  	[smem:$0x3FAC] =	sst s10  }
0x38: {  	s10 =	sld [smem:$0x3FAD]  }
0x39: {  	_ = 	snop;
	(pc) =	sbr.ind lr, $3  }
0x3a: {  	_ = 	snop  }
0x3b: {  	_ = 	snop  }
0x3c: {  	p2 =	seq.s32 s10, $0x1;
	s10 =	sld [smem:$0x3FAC]  }
0x3d: {  	_ =	shalt  }
0x3e: {  	_ =	shalt  }
0x3f: {  	_ =	shalt  }
0x40: {  	_ =	shalt  }
0x41: {  	_ =	shalt  }
0x42: {  	_ =	shalt  }
0x43: {  	_ =	shalt  }
0x44: {  	_ =	shalt  }
0x45: {  	_ =	shalt  }
0x46: {  	_ =	shalt  }
0x47: {  	_ =	shalt  }
0x48: {  	_ =	shalt  }
0x49: {  	_ =	shalt  }
0x4a: {  	_ =	shalt  }
0x4b: {  	_ =	shalt  }
0x4c: {  	_ =	shalt  }
0x4d: {  	_ =	shalt  }
0x4e: {  	_ =	shalt  }
0x4f: {  	_ =	shalt  }
0x50: {  	_ =	shalt  }
0x51: {  	_ =	shalt  }
0x52: {  	_ =	shalt  }
0x53: {  	_ =	shalt  }
0x54: {  	_ =	shalt  }
0x55: {  	_ =	shalt  }
0x56: {  	_ =	shalt  }
0x57: {  	_ =	shalt  }
0x58: {  	_ =	shalt  }
0x59: {  	_ =	shalt  }
0x5a: {  	_ =	shalt  }
0x5b: {  	_ =	shalt  }
0x5c: {  	_ =	shalt  }
0x5d: {  	_ =	shalt  }
0x5e: {  	_ =	shalt  }
0x5f: {  	_ =	shalt  }
0x60: {  	_ =	shalt  }
0x61: {  	_ =	shalt  }
0x62: {  	_ =	shalt  }
0x63: {  	_ =	shalt  }
0x64: {  	_ =	shalt  }
0x65: {  	_ =	shalt  }
0x66: {  	_ =	shalt  }
0x67: {  	_ =	shalt  }
0x68: {  	_ =	shalt  }
0x69: {  	_ =	shalt  }
0x6a: {  	_ =	shalt  }
0x6b: {  	_ =	shalt  }
0x6c: {  	_ =	shalt  }
0x6d: {  	_ =	shalt  }
0x6e: {  	_ =	shalt  }
0x6f: {  	_ =	shalt  }
0x70: {  	_ =	shalt  }
0x71: {  	_ =	shalt  }
0x72: {  	_ =	shalt  }
0x73: {  	_ =	shalt  }
0x74: {  	_ =	shalt  }
0x75: {  	_ =	shalt  }
0x76: {  	_ =	shalt  }
0x77: {  	_ =	shalt  }
0x78: {  	_ =	shalt  }
0x79: {  	_ =	shalt  }
0x7a: {  	_ =	shalt  }
0x7b: {  	_ =	shalt  }
0x7c: {  	_ =	shalt  }
0x7d: {  	_ =	shalt  }
0x7e: {  	_ =	shalt  }
0x7f: {  	_ =	shalt  }
0x80: {  	_ =	shalt  }
0x81: {  	_ =	shalt  }
0x82: {  	_ =	shalt  }
0x83: {  	_ =	shalt  }
0x84: {  	_ =	shalt  }
0x85: {  	_ =	shalt  }
0x86: {  	_ =	shalt  }
0x87: {  	_ =	shalt  }
.Lfunc_end0:
.L_simem_size_0:
called_computation.1_lowered:
.L_overlay_start_0:
0x88: {  	s2 =	sld [smem:$0x3FD9]  }
0x89: {  	s3 =	sld [smem:$0x3FFE];
	_ =	sdelay $0x1  }
0x8a: {  	s1 =	srdreg.scid  }
0x8b: {  	s0 =	sand.u32 $0x1, s1  }
0x8c: {  	s14 =	sshll.u32 s0, $0xA;
	s2 =	sadd.s32 s3, s2  }
0x8d: {  	s2 =	sadd.s32 s2, s14  }
0x8e: {  	[smem:$0x3FB8] =	sst s2  }
0x8f: {  	_ = 	snop  }
0x90: {  	s2 =	sld [smem:$0x3FD0];
	_ =	sdelay $0x2  }
0x91: {  	s15 =	simm.s32 $0xA;
	s4 =	simm.s32 $0x10  }
0x92: {  	[smem:s4], [sflag:s15] =	dma.local [hbm:s2], $0x1  }
0x93: {  	_ =	swait.eq [sflag:s15], $0x1  }
0x94: {  	[sflag:s15] =	ssyncset.done $0x0  }
0x95: {  	[sflag:s15] =	ssyncadd.s32 $0xFFFFFFFF  }
0x96: {  	s16 =	sld [smem:$0x10];
	(tm) =	ssettm $0x1  }
0x97: {  	s17 =	sld [smem:$0x3FFB];
	_ =	sdelay $0x3  }
0x98: {  	_ =	strace s17  }
0x99: {  	s3 =	sld [smem:$0x3FFC];
	_ =	sdelay $0x3  }
0x9a: {  	_ =	strace s3  }
0x9b: {  	s3 =	sld [smem:$0x3FFD];
	_ =	sdelay $0x3  }
0x9c: {  	_ =	strace s3  }
0x9d: {  	_ =	strace $0x8FFFFFFF  }
0x9e: {  	s18 =	sld [smem:$0x3FDB];
	_ =	sdelay $0x1  }
0x9f: {  	s19 =	simm.s32 $_scs_section_size  }
0xa0: {  	s5 =	simm.s32 $_size__tile_overlayer_lowered;
	s6 =	simm.s32 $_tile_overlayer_lowered  }
0xa1: {  	s22 =	simm.s32 $0x1BFF;
	s21 =	sshll.u32 s6, $0x1;
	s3 =	sadd.s32 s19, s18  }
0xa2: {  	s7 =	simm.s32 $0x0;
	s20 =	sshll.u32 s5, $0x1;
	s5 =	sadd.s32 s21, s3  }
0xa3: {  	[timem:s7], [sflag:s22] =	dma.local [hbm:s5], s20  }
0xa4: {  	_ =	swait.ge [sflag:s22], s20  }
0xa5: {  	s4 =	ssub.s32 $0x0, s20;
	[sflag:s22] =	ssyncset.done $0x0  }
0xa6: {  	[sflag:s22] =	ssyncadd.s32 s4;
	_ =	sdelay $0x1  }
0xa7: {  	s23 =	simm.s32 $0x1B8B  }
0xa8: {  	_ =	swait.ge [sflag:s23], $0x1  }
0xa9: {  	[sflag:s23] =	ssyncset.done $0x0  }
0xaa: {  	s25 =	simm.s32 $0x1B8E;
	s24 =	sld [smem:$0x3FFE];
	[sflag:s23] =	ssyncadd.s32 $0xFFFFFFFF  }
0xab: {  	s26 =	simm.s32 $execute0_lowered;
	[smem:$0x3FD2] =	sst s25  }
0xac: {  	s5 =	sshll.u32 s26, $0x1;
	_ =	strace $0x80000049;
	[dreg:$0x1] =	wrdreg $0xFFFFFFFF  }
0xad: {  	s28 =	simm.s32 $_size_execute0_lowered;
	s3 =	sadd.s32 s3, s5;
	[dreg:$0x0] =	wrdreg $0x0  }
0xae: {  	s5 =	sshll.u32 s28, $0x1;
	[dreg:$0x2] =	wrdreg s3  }
0xaf: {  	[dreg:$0x3] =	wrdreg s5  }
0xb0: {  	[dreg:$0x4] =	wrdreg $0xC0  }
0xb1: {  	_ =	task [dreg:s7], $0x5FFFF  }
0xb2: {  	[dreg:$0x1] =	wrdreg $0xFFFFFFFF  }
0xb3: {  	[dreg:$0x0] =	wrdreg $0x60  }
0xb4: {  	[dreg:$0x2] =	wrdreg s24  }
0xb5: {  	[dreg:$0x3] =	wrdreg s16  }
0xb6: {  	[dreg:$0x4] =	wrdreg $0x9  }
0xb7: {  	_ =	task.clear_ibuf [dreg:s7], $0x5FFFF;
	_ =	strace $0x90000049  }
0xb8: {  	s29 =	simm.s32 $0x9;
	_ =	strace $0x8000004B  }
0xb9: {  	_ =	swait.ge [sflag:s29], $0x1  }
0xba: {  	[sflag:s29] =	ssyncadd.s32 $0xFFFFFFFF  }
0xbb: {  	_ =	strace $0x9000004B  }
0xbc: {  	_ =	sfence  }
0xbd: {  	s30 =	sld [smem:$0x0];
	_ =	sdelay $0x2  }
0xbe: {  	s31 =	sshll.u32 s1, $0xD;
	s1 =	sshrl.u32 s1, $0x2  }
0xbf: {  	s3 =	sand.u32 $0x4000, s31;
	s1 =	sadd.s32 s1, s30  }
0xc0: {  	s0 =	sor.u32 s3, s0;
	s1 =	sshll.u32 s1, $0x11  }
0xc1: {  	s0 =	sor.u32 s1, s0  }
0xc2: {  	s0 =	sadd.s32 $0x8F2B, s0  }
0xc3: {  	[sflag:s0] =	ssyncadd.remote.s32 $0x1  }
0xc4: {  	_ =	sfence.sel $0xFFFF  }
0xc5: {  	[dreg:$0x0] =	wrdreg $0xFFFFFFFF;
	(pc) =	sbr.abs _section_cstart, $3  }
0xc6: {  	[dreg:$0x1] =	wrdreg $0xFFFFFFFF  }
0xc7: {  	_ =	task.clear_ibuf [dreg:s7], $0x2FFFF;
	_ =	strace $0x9FFFFFFF  }
0xc8: {  	(tm) =	ssettm $0x7FFFFFFF  }
0xc9: {  	_ =	shalt  }
tec
execute0_lowered:
.L_overlay_start_1:
0x0: {  	(tag) =	ssettag $0x1  }
0x1: {  	s0 =	rddreg [dreg:$0x0]  }
0x2: {  	s2 =	rddreg [dreg:$0x1];
	s1 =	simm.s32 $0x0;
	s4 =	srdreg.scid  }
0x3: {  	s7 =	stileid.u32;
	s13 =	simm.s32 $0x3;
	s29 =	simm.s32 $0x6900  }
0x4: {  	s30 =	simm.s32 $0x7100;
	s31 =	simm.s32 $0x7900;
	s14 =	simm.s32 $0x9100  }
0x5: {  	s15 =	simm.s32 $0x9900;
	s16 =	simm.s32 $0xA100;
	s17 =	simm.s32 $0xA900  }
0x6: {  	s18 =	simm.s32 $0xB100;
	s19 =	simm.s32 $0xB900;
	s20 =	simm.s32 $0x1  }
0x7: {  	s21 =	simm.s32 $0x2;
	s22 =	simm.s32 $0xC100;
	s23 =	simm.s32 $0x0  }
0x8: {  	[smem:$0x7FF] =	sst s1;
	s3 =	sadd.s32 $0xA2A00, s0;
	s4 =	sand.u32 $0x1, s4  }
0x9: {  	s9 =	sadd.s32 $0x12800, s0;
	s7 =	sshll.u32 s7, $0x4;
	s10 =	sadd.s32 $0x12600, s0  }
0xa: {  	_ =	strace $0x8000004A;
	s5 =	ssub.s32 $0x2, s4;
	s4 =	sshll.u32 s4, $0x3  }
0xb: {  	s6 =	sshrl.u32 s5, $0x1;
	s4 =	sor.u32 s4, s7;
	s7 =	sadd.s32 $0xA2C00, s0  }
0xc: {  	s12 =	ssub.s32 s5, s6;
	s26 =	sadd.s32 s9, s4;
	s8 =	smul.u32 $0x300, s4  }
0xd: {  	s11 =	sor.u32 $0x4, s4;
	s5 =	sadd.s32 s10, s4;
	s6 =	sadd.s32 $0xA2B00, s0  }
0xe: {  	v2 =	vlaneseq.u32;
	s0 =	simm.s32 $0x8100;
	[dreg:$0x3] =	wrdreg s26;
	s28 =	smul.u32 $0x300, s11  }
0xf: {  	vm0 =	vmmov $0xffff;
	v1 =	vshrl.u32 v2, $0x3;
	s9 =	sadd.s32 s9, s11;
	s10 =	sadd.s32 s10, s11;
	s12 =	smax.u32 s12, $0x1  }
0x10: {  	v0 =	vand.u32 $0x7, v2;
	v2 =	vor.u32 $0x8, v2;
	v1 =	vmul.u32 $0x8, v1;
	s8 =	sadd.s32 s2, s8;
	s11 =	sadd.s32 s2, s28;
	s2 =	simm.s32 $0x8900  }
.LBB2_1:
0x11: {  	s4 =	rddreg [dreg:$0x3]  }
0x12: {  	[tilespmem:s1], [sflag:$0x3] =	stream.linear.gather [hbm4b:s4+s1], $0x20, $0x38;
	[tilespmem:$0x12100] =	vst v63  }
0x13: {  	_ =	swait.ge [sflag:s13], $0x20  }
0x14: {  	[sflag:s13] =	ssyncset.done $0x0  }
0x15: {  	s24 =	simm.s32 $0x80;
	[sflag:s13] =	ssyncadd.s32 $0xFFFFFFE0  }
0x16: {  	[tilespmem:s24], [sflag:$0x3] =	stream.linear.gather [hbm4b:s5+s1], $0x20, $0x38;
	[tilespmem:$0x12100] =	vst v63  }
0x17: {  	_ =	swait.ge [sflag:s13], $0x20  }
0x18: {  	[sflag:s13] =	ssyncset.done $0x0  }
0x19: {  	[sflag:s13] =	ssyncadd.s32 $0xFFFFFFE0  }
0x1a: {  	v3 =	vld [tilespmem:$0x0];
	_ =	sdelay $0x4  }
0x1b: {  	v4 =	vshrl.u32 v3, $0x3  }
0x1c: {  	v4 =	vmul.u32 $0x30, v4  }
0x1d: {  	v3 =	vand.u32 $0x7, v3  }
0x1e: {  	v3 =	vor.u32 v3, v4  }
0x1f: {  	v4 =	vperm.xlane v3, v0;
	_ =	sdelay $0x1  }
0x20: {  	v4 =	vadd.s32 v1, v4;
	_ =	sdelay $0x3  }
0x21: {  	s25 =	simm.s32 $0x100;
	v3 =	vperm.xlane v3, v2  }
0x22: {  	[tilespmem:s25], [sflag:$0x1] =	stream.indirect_vreg.gather [hbm4b:s3+s1], $0x80, v4, vm0, $0xb8;
	[tilespmem:$0x12100] =	vst v63  }
0x23: {  	s26 =	simm.s32 $0x900;
	v3 =	vadd.s32 v1, v3  }
0x24: {  	[tilespmem:s26], [sflag:$0x1] =	stream.indirect_vreg.gather [hbm4b:s6+s1], $0x80, v4, vm0, $0xb8;
	[tilespmem:$0x12100] =	vst v63  }
0x25: {  	s28 =	simm.s32 $0x1100  }
0x26: {  	[tilespmem:s28], [sflag:$0x1] =	stream.indirect_vreg.gather [hbm4b:s7+s1], $0x80, v4, vm0, $0xb8;
	[tilespmem:$0x12100] =	vst v63  }
0x27: {  	s24 =	simm.s32 $0x1900  }
0x28: {  	[tilespmem:s24], [sflag:$0x1] =	stream.indirect_vreg.gather [hbm4b:s3+s1], $0x80, v3, vm0, $0xb8;
	[tilespmem:$0x12100] =	vst v63  }
0x29: {  	s25 =	simm.s32 $0x2100  }
0x2a: {  	[tilespmem:s25], [sflag:$0x1] =	stream.indirect_vreg.gather [hbm4b:s6+s1], $0x80, v3, vm0, $0xb8;
	[tilespmem:$0x12100] =	vst v63  }
0x2b: {  	s26 =	simm.s32 $0x2900  }
0x2c: {  	[tilespmem:s26], [sflag:$0x1] =	stream.indirect_vreg.gather [hbm4b:s7+s1], $0x80, v3, vm0, $0xb8;
	[tilespmem:$0x12100] =	vst v63  }
0x2d: {  	v3 =	vld [tilespmem:$0x10];
	_ =	sdelay $0x4  }
0x2e: {  	v4 =	vshrl.u32 v3, $0x3  }
0x2f: {  	v4 =	vmul.u32 $0x30, v4  }
0x30: {  	v3 =	vand.u32 $0x7, v3  }
0x31: {  	v3 =	vor.u32 v3, v4  }
0x32: {  	v4 =	vperm.xlane v3, v0;
	_ =	sdelay $0x1  }
0x33: {  	v4 =	vadd.s32 v1, v4;
	_ =	sdelay $0x3  }
0x34: {  	s28 =	simm.s32 $0x3100;
	v3 =	vperm.xlane v3, v2  }
0x35: {  	[tilespmem:s28], [sflag:$0x1] =	stream.indirect_vreg.gather [hbm4b:s3+s1], $0x80, v4, vm0, $0xb8;
	[tilespmem:$0x12100] =	vst v63  }
0x36: {  	s24 =	simm.s32 $0x3900;
	v3 =	vadd.s32 v1, v3  }
0x37: {  	[tilespmem:s24], [sflag:$0x1] =	stream.indirect_vreg.gather [hbm4b:s6+s1], $0x80, v4, vm0, $0xb8;
	[tilespmem:$0x12100] =	vst v63  }
0x38: {  	s25 =	simm.s32 $0x4100  }
0x39: {  	[tilespmem:s25], [sflag:$0x1] =	stream.indirect_vreg.gather [hbm4b:s7+s1], $0x80, v4, vm0, $0xb8;
	[tilespmem:$0x12100] =	vst v63  }
0x3a: {  	s26 =	simm.s32 $0x4900  }
0x3b: {  	[tilespmem:s26], [sflag:$0x1] =	stream.indirect_vreg.gather [hbm4b:s3+s1], $0x80, v3, vm0, $0xb8;
	[tilespmem:$0x12100] =	vst v63  }
0x3c: {  	s28 =	simm.s32 $0x5100  }
0x3d: {  	[tilespmem:s28], [sflag:$0x1] =	stream.indirect_vreg.gather [hbm4b:s6+s1], $0x80, v3, vm0, $0xb8;
	[tilespmem:$0x12100] =	vst v63  }
0x3e: {  	s24 =	simm.s32 $0x5900  }
0x3f: {  	[tilespmem:s24], [sflag:$0x1] =	stream.indirect_vreg.gather [hbm4b:s7+s1], $0x80, v3, vm0, $0xb8;
	[tilespmem:$0x12100] =	vst v63  }
0x40: {  	v3 =	vld [tilespmem:$0x80];
	_ =	sdelay $0x4  }
0x41: {  	v4 =	vshrl.u32 v3, $0x3  }
0x42: {  	v4 =	vmul.u32 $0x30, v4  }
0x43: {  	v3 =	vand.u32 $0x7, v3  }
0x44: {  	v3 =	vor.u32 v3, v4  }
0x45: {  	v4 =	vperm.xlane v3, v0;
	_ =	sdelay $0x1  }
0x46: {  	v4 =	vadd.s32 v1, v4;
	_ =	sdelay $0x3  }
0x47: {  	s25 =	simm.s32 $0x6100;
	v3 =	vperm.xlane v3, v2  }
0x48: {  	[tilespmem:s25], [sflag:$0x2] =	stream.indirect_vreg.gather [hbm4b:s3+s1], $0x80, v4, vm0, $0xb8;
	[tilespmem:$0x12100] =	vst v63  }
0x49: {  	v3 =	vadd.s32 v1, v3  }
0x4a: {  	[tilespmem:s29], [sflag:$0x2] =	stream.indirect_vreg.gather [hbm4b:s6+s1], $0x80, v4, vm0, $0xb8;
	[tilespmem:$0x12100] =	vst v63  }
0x4b: {  	_ = 	snop  }
0x4c: {  	[tilespmem:s30], [sflag:$0x2] =	stream.indirect_vreg.gather [hbm4b:s7+s1], $0x80, v4, vm0, $0xb8;
	[tilespmem:$0x12100] =	vst v63  }
0x4d: {  	_ = 	snop  }
0x4e: {  	[tilespmem:s31], [sflag:$0x2] =	stream.indirect_vreg.gather [hbm4b:s3+s1], $0x80, v3, vm0, $0xb8;
	[tilespmem:$0x12100] =	vst v63  }
0x4f: {  	_ = 	snop  }
0x50: {  	[tilespmem:s0], [sflag:$0x2] =	stream.indirect_vreg.gather [hbm4b:s6+s1], $0x80, v3, vm0, $0xb8;
	[tilespmem:$0x12100] =	vst v63  }
0x51: {  	_ = 	snop  }
0x52: {  	[tilespmem:s2], [sflag:$0x2] =	stream.indirect_vreg.gather [hbm4b:s7+s1], $0x80, v3, vm0, $0xb8;
	[tilespmem:$0x12100] =	vst v63  }
0x53: {  	v3 =	vld [tilespmem:$0x90];
	_ =	sdelay $0x4  }
0x54: {  	v4 =	vshrl.u32 v3, $0x3  }
0x55: {  	v4 =	vmul.u32 $0x30, v4  }
0x56: {  	v3 =	vand.u32 $0x7, v3  }
0x57: {  	v3 =	vor.u32 v3, v4  }
0x58: {  	v4 =	vperm.xlane v3, v0;
	_ =	sdelay $0x1  }
0x59: {  	v4 =	vadd.s32 v1, v4;
	_ =	sdelay $0x3  }
0x5a: {  	v3 =	vperm.xlane v3, v2  }
0x5b: {  	[tilespmem:s14], [sflag:$0x2] =	stream.indirect_vreg.gather [hbm4b:s3+s1], $0x80, v4, vm0, $0xb8;
	[tilespmem:$0x12100] =	vst v63  }
0x5c: {  	v3 =	vadd.s32 v1, v3  }
0x5d: {  	[tilespmem:s15], [sflag:$0x2] =	stream.indirect_vreg.gather [hbm4b:s6+s1], $0x80, v4, vm0, $0xb8;
	[tilespmem:$0x12100] =	vst v63  }
0x5e: {  	_ = 	snop  }
0x5f: {  	[tilespmem:s16], [sflag:$0x2] =	stream.indirect_vreg.gather [hbm4b:s7+s1], $0x80, v4, vm0, $0xb8;
	[tilespmem:$0x12100] =	vst v63  }
0x60: {  	_ = 	snop  }
0x61: {  	[tilespmem:s17], [sflag:$0x2] =	stream.indirect_vreg.gather [hbm4b:s3+s1], $0x80, v3, vm0, $0xb8;
	[tilespmem:$0x12100] =	vst v63  }
0x62: {  	_ = 	snop  }
0x63: {  	[tilespmem:s18], [sflag:$0x2] =	stream.indirect_vreg.gather [hbm4b:s6+s1], $0x80, v3, vm0, $0xb8;
	[tilespmem:$0x12100] =	vst v63  }
0x64: {  	_ = 	snop  }
0x65: {  	[tilespmem:s19], [sflag:$0x2] =	stream.indirect_vreg.gather [hbm4b:s7+s1], $0x80, v3, vm0, $0xb8;
	[tilespmem:$0x12100] =	vst v63  }
0x66: {  	_ =	swait.ge [sflag:s20], $0x6000  }
0x67: {  	[sflag:s20] =	ssyncset.done $0x0  }
0x68: {  	s26 =	simm.s32 $0x0;
	[sflag:s20] =	ssyncadd.s32 $0xFFFFA000  }
0x69: {  	s4 =	smul.u32 $0x1800, s26;
	_ =	swait.ge [sflag:s21], $0x6000  }
0x6a: {  	s24 =	sand.u32 $0x380, s1;
	[sflag:s21] =	ssyncset.done $0x0  }
0x6b: {  	s24 =	sor.u32 s24, s4;
	[sflag:s21] =	ssyncadd.s32 $0xFFFFA000  }
0x6c: {  	v3 =	vld [tilespmem:s24+$0x1570]  }
0x6d: {  	v4 =	vld [tilespmem:s24+$0x7570]  }
0x6e: {  	v5 =	vld [tilespmem:s24+$0x100]  }
0x6f: {  	v6 =	vld [tilespmem:s24+$0x6100]  }
0x70: {  	v7 =	vld [tilespmem:s24+$0x110]  }
0x71: {  	v8 =	vld [tilespmem:s24+$0x6110]  }
0x72: {  	v9 =	vld [tilespmem:s24+$0x120]  }
0x73: {  	v10 =	vld [tilespmem:s24+$0x130]  }
0x74: {  	v11 =	vld [tilespmem:s24+$0x7520];
	v3 =	vadd.f32 v4, v3  }
0x75: {  	v4 =	vld [tilespmem:s24+$0x6120]  }
0x76: {  	v5 =	vadd.f32 v6, v5;
	[tilespmem:s24+$0xD570] =	vst v3;
	v3 =	vld [tilespmem:s24+$0x6130]  }
0x77: {  	v6 =	vld [tilespmem:s24+$0x140]  }
0x78: {  	[tilespmem:s24+$0xC100] =	vst v5;
	v5 =	vadd.f32 v8, v7;
	v7 =	vld [tilespmem:s24+$0x6140]  }
0x79: {  	v8 =	vld [tilespmem:s24+$0x6150]  }
0x7a: {  	[tilespmem:s24+$0xC110] =	vst v5;
	v5 =	vld [tilespmem:s24+$0x150];
	v4 =	vadd.f32 v4, v9  }
0x7b: {  	v9 =	vld [tilespmem:s24+$0x6160];
	v3 =	vadd.f32 v3, v10  }
0x7c: {  	[tilespmem:s24+$0xC120] =	vst v4;
	v4 =	vld [tilespmem:s24+$0x160]  }
0x7d: {  	[tilespmem:s24+$0xC130] =	vst v3;
	v3 =	vadd.f32 v7, v6;
	v6 =	vld [tilespmem:s24+$0x170]  }
0x7e: {  	v7 =	vld [tilespmem:s24+$0x6170]  }
0x7f: {  	[tilespmem:s24+$0xC140] =	vst v3;
	v3 =	vadd.f32 v8, v5;
	v5 =	vld [tilespmem:s24+$0x500]  }
0x80: {  	v8 =	vld [tilespmem:s24+$0x6500]  }
0x81: {  	[tilespmem:s24+$0xC150] =	vst v3;
	v3 =	vadd.f32 v9, v4;
	v4 =	vld [tilespmem:s24+$0x510]  }
0x82: {  	v9 =	vld [tilespmem:s24+$0x6510]  }
0x83: {  	[tilespmem:s24+$0xC160] =	vst v3;
	v3 =	vadd.f32 v7, v6;
	v6 =	vld [tilespmem:s24+$0x520]  }
0x84: {  	v7 =	vld [tilespmem:s24+$0x6520]  }
0x85: {  	[tilespmem:s24+$0xC170] =	vst v3;
	v3 =	vadd.f32 v8, v5;
	v5 =	vld [tilespmem:s24+$0x530]  }
0x86: {  	v8 =	vld [tilespmem:s24+$0x6530]  }
0x87: {  	[tilespmem:s24+$0xC500] =	vst v3;
	v3 =	vadd.f32 v9, v4;
	v4 =	vld [tilespmem:s24+$0x540]  }
0x88: {  	v9 =	vld [tilespmem:s24+$0x6540]  }
0x89: {  	[tilespmem:s24+$0xC510] =	vst v3;
	v3 =	vadd.f32 v7, v6;
	v6 =	vld [tilespmem:s24+$0x550]  }
0x8a: {  	v7 =	vld [tilespmem:s24+$0x6550]  }
0x8b: {  	[tilespmem:s24+$0xC520] =	vst v3;
	v3 =	vadd.f32 v8, v5;
	v5 =	vld [tilespmem:s24+$0x560]  }
0x8c: {  	v8 =	vld [tilespmem:s24+$0x6560]  }
0x8d: {  	[tilespmem:s24+$0xC530] =	vst v3;
	v3 =	vadd.f32 v9, v4;
	v4 =	vld [tilespmem:s24+$0x570]  }
0x8e: {  	v9 =	vld [tilespmem:s24+$0x6570]  }
0x8f: {  	[tilespmem:s24+$0xC540] =	vst v3;
	v3 =	vadd.f32 v7, v6;
	v6 =	vld [tilespmem:s24+$0x900]  }
0x90: {  	v7 =	vld [tilespmem:s24+$0x6900]  }
0x91: {  	[tilespmem:s24+$0xC550] =	vst v3;
	v3 =	vadd.f32 v8, v5;
	v5 =	vld [tilespmem:s24+$0x910]  }
0x92: {  	v8 =	vld [tilespmem:s24+$0x6910]  }
0x93: {  	[tilespmem:s24+$0xC560] =	vst v3;
	v3 =	vadd.f32 v9, v4;
	v4 =	vld [tilespmem:s24+$0x920]  }
0x94: {  	v9 =	vld [tilespmem:s24+$0x6920]  }
0x95: {  	[tilespmem:s24+$0xC570] =	vst v3;
	v3 =	vadd.f32 v7, v6;
	v6 =	vld [tilespmem:s24+$0x930]  }
0x96: {  	v7 =	vld [tilespmem:s24+$0x6930]  }
0x97: {  	[tilespmem:s24+$0xC900] =	vst v3;
	v3 =	vadd.f32 v8, v5;
	v5 =	vld [tilespmem:s24+$0x940]  }
0x98: {  	v8 =	vld [tilespmem:s24+$0x6940]  }
0x99: {  	[tilespmem:s24+$0xC910] =	vst v3;
	v3 =	vadd.f32 v9, v4;
	v4 =	vld [tilespmem:s24+$0x950]  }
0x9a: {  	v9 =	vld [tilespmem:s24+$0x6950]  }
0x9b: {  	[tilespmem:s24+$0xC920] =	vst v3;
	v3 =	vadd.f32 v7, v6;
	v6 =	vld [tilespmem:s24+$0x960]  }
0x9c: {  	v7 =	vld [tilespmem:s24+$0x6960]  }
0x9d: {  	[tilespmem:s24+$0xC930] =	vst v3;
	v3 =	vadd.f32 v8, v5;
	v5 =	vld [tilespmem:s24+$0x970]  }
0x9e: {  	v8 =	vld [tilespmem:s24+$0x6970]  }
0x9f: {  	[tilespmem:s24+$0xC940] =	vst v3;
	v3 =	vadd.f32 v9, v4;
	v4 =	vld [tilespmem:s24+$0xD00]  }
0xa0: {  	v9 =	vld [tilespmem:s24+$0x6D00]  }
0xa1: {  	[tilespmem:s24+$0xC950] =	vst v3;
	v3 =	vadd.f32 v7, v6;
	v6 =	vld [tilespmem:s24+$0xD10]  }
0xa2: {  	v7 =	vld [tilespmem:s24+$0x6D10]  }
0xa3: {  	[tilespmem:s24+$0xC960] =	vst v3;
	v3 =	vadd.f32 v8, v5;
	v5 =	vld [tilespmem:s24+$0xD20]  }
0xa4: {  	v8 =	vld [tilespmem:s24+$0x6D20]  }
0xa5: {  	[tilespmem:s24+$0xC970] =	vst v3;
	v3 =	vadd.f32 v9, v4;
	v4 =	vld [tilespmem:s24+$0xD30]  }
0xa6: {  	v9 =	vld [tilespmem:s24+$0x6D30]  }
0xa7: {  	[tilespmem:s24+$0xCD00] =	vst v3;
	v3 =	vadd.f32 v7, v6;
	v6 =	vld [tilespmem:s24+$0xD40]  }
0xa8: {  	v7 =	vld [tilespmem:s24+$0x6D40]  }
0xa9: {  	[tilespmem:s24+$0xCD10] =	vst v3;
	v3 =	vadd.f32 v8, v5;
	v5 =	vld [tilespmem:s24+$0xD50]  }
0xaa: {  	v8 =	vld [tilespmem:s24+$0x6D50]  }
0xab: {  	[tilespmem:s24+$0xCD20] =	vst v3;
	v3 =	vadd.f32 v9, v4;
	v4 =	vld [tilespmem:s24+$0xD60]  }
0xac: {  	v9 =	vld [tilespmem:s24+$0x6D60]  }
0xad: {  	[tilespmem:s24+$0xCD30] =	vst v3;
	v3 =	vadd.f32 v7, v6;
	v6 =	vld [tilespmem:s24+$0xD70]  }
0xae: {  	v7 =	vld [tilespmem:s24+$0x6D70]  }
0xaf: {  	[tilespmem:s24+$0xCD40] =	vst v3;
	v3 =	vadd.f32 v8, v5;
	v5 =	vld [tilespmem:s24+$0x1100]  }
0xb0: {  	v8 =	vld [tilespmem:s24+$0x7100]  }
0xb1: {  	[tilespmem:s24+$0xCD50] =	vst v3;
	v3 =	vadd.f32 v9, v4;
	v4 =	vld [tilespmem:s24+$0x1110]  }
0xb2: {  	v9 =	vld [tilespmem:s24+$0x7110]  }
0xb3: {  	[tilespmem:s24+$0xCD60] =	vst v3;
	v3 =	vadd.f32 v7, v6;
	v6 =	vld [tilespmem:s24+$0x1120]  }
0xb4: {  	v7 =	vld [tilespmem:s24+$0x7120]  }
0xb5: {  	[tilespmem:s24+$0xCD70] =	vst v3;
	v3 =	vadd.f32 v8, v5;
	v5 =	vld [tilespmem:s24+$0x1130]  }
0xb6: {  	v8 =	vld [tilespmem:s24+$0x7130]  }
0xb7: {  	[tilespmem:s24+$0xD100] =	vst v3;
	v3 =	vadd.f32 v9, v4;
	v4 =	vld [tilespmem:s24+$0x1140]  }
0xb8: {  	v9 =	vld [tilespmem:s24+$0x7140]  }
0xb9: {  	[tilespmem:s24+$0xD110] =	vst v3;
	v3 =	vadd.f32 v7, v6;
	v6 =	vld [tilespmem:s24+$0x1150]  }
0xba: {  	v7 =	vld [tilespmem:s24+$0x7150]  }
0xbb: {  	[tilespmem:s24+$0xD120] =	vst v3;
	v3 =	vadd.f32 v8, v5;
	v5 =	vld [tilespmem:s24+$0x1160]  }
0xbc: {  	v8 =	vld [tilespmem:s24+$0x7160]  }
0xbd: {  	[tilespmem:s24+$0xD130] =	vst v3;
	v3 =	vadd.f32 v9, v4;
	v4 =	vld [tilespmem:s24+$0x1170]  }
0xbe: {  	v9 =	vld [tilespmem:s24+$0x7170]  }
0xbf: {  	[tilespmem:s24+$0xD140] =	vst v3;
	v3 =	vadd.f32 v7, v6;
	v6 =	vld [tilespmem:s24+$0x1500]  }
0xc0: {  	v7 =	vld [tilespmem:s24+$0x7500]  }
0xc1: {  	v10 =	vld [tilespmem:s24+$0x7510];
	[tilespmem:s24+$0xD150] =	vst v3;
	v3 =	vadd.f32 v8, v5  }
0xc2: {  	v8 =	vld [tilespmem:s24+$0x1510]  }
0xc3: {  	[tilespmem:s24+$0xD160] =	vst v3;
	v3 =	vadd.f32 v9, v4;
	v9 =	vld [tilespmem:s24+$0x1520]  }
0xc4: {  	v5 =	vld [tilespmem:s24+$0x1530]  }
0xc5: {  	[tilespmem:s24+$0xD170] =	vst v3;
	v3 =	vadd.f32 v7, v6;
	v7 =	vld [tilespmem:s24+$0x7530]  }
0xc6: {  	v6 =	vld [tilespmem:s24+$0x7540]  }
0xc7: {  	v4 =	vadd.f32 v10, v8;
	[tilespmem:s24+$0xD500] =	vst v3;
	v3 =	vld [tilespmem:s24+$0x1540]  }
0xc8: {  	s28 =	simm.s32 $0x0;
	v8 =	vld [tilespmem:s24+$0x7550];
	v9 =	vadd.f32 v11, v9  }
0xc9: {  	s26 =	smul.u32 $0x1800, s28;
	s4 =	simm.s32 $0x2;
	s25 =	simm.s32 $0x80;
	[tilespmem:s24+$0xD510] =	vst v4;
	v4 =	vld [tilespmem:s24+$0x1550]  }
.LBB2_2:
0xca: {  	p0 =	sne.s32 s4, $0x1F;
	s28 =	sand.u32 $0x380, s25;
	[tilespmem:s24+$0xD520] =	vst v9;
	v5 =	vadd.f32 v7, v5;
	v7 =	vld [tilespmem:s24+$0x1560]  }
0xcb: {  	s26 =	sor.u32 s28, s26;
	v9 =	vld [tilespmem:s24+$0x7560]  }
0xcc: {  	v10 =	vld [tilespmem:s26+$0x1570];
	[tilespmem:s24+$0xD530] =	vst v5;
	v3 =	vadd.f32 v6, v3  }
0xcd: {  	v5 =	vld [tilespmem:s26+$0x7570]  }
0xce: {  	v6 =	vld [tilespmem:s26+$0x100];
	[tilespmem:s24+$0xD540] =	vst v3;
	v3 =	vadd.f32 v8, v4  }
0xcf: {  	v4 =	vld [tilespmem:s26+$0x6100]  }
0xd0: {  	v8 =	vld [tilespmem:s26+$0x110];
	[tilespmem:s24+$0xD550] =	vst v3;
	v3 =	vadd.f32 v9, v7  }
0xd1: {  	v7 =	vld [tilespmem:s26+$0x6110]  }
0xd2: {  	v9 =	vld [tilespmem:s26+$0x120];
	v5 =	vadd.f32 v5, v10;
	[tilespmem:s24+$0xD560] =	vst v3;
	s24 =	smov.u32 s26  }
0xd3: {  	v3 =	vld [tilespmem:s24+$0x6120]  }
0xd4: {  	v4 =	vadd.f32 v4, v6;
	v6 =	vld [tilespmem:s24+$0x130];
	[tilespmem:s24+$0xD570] =	vst v5  }
0xd5: {  	v5 =	vld [tilespmem:s24+$0x6130]  }
0xd6: {  	[tilespmem:s24+$0xC100] =	vst v4;
	v4 =	vadd.f32 v7, v8;
	v7 =	vld [tilespmem:s24+$0x140]  }
0xd7: {  	v8 =	vld [tilespmem:s24+$0x6140]  }
0xd8: {  	[tilespmem:s24+$0xC110] =	vst v4;
	v3 =	vadd.f32 v3, v9;
	v4 =	vld [tilespmem:s24+$0x150]  }
0xd9: {  	v9 =	vld [tilespmem:s24+$0x6150]  }
0xda: {  	[tilespmem:s24+$0xC120] =	vst v3;
	v3 =	vadd.f32 v5, v6;
	v5 =	vld [tilespmem:s24+$0x160]  }
0xdb: {  	v6 =	vld [tilespmem:s24+$0x6160]  }
0xdc: {  	[tilespmem:s24+$0xC130] =	vst v3;
	v3 =	vadd.f32 v8, v7;
	v7 =	vld [tilespmem:s24+$0x170]  }
0xdd: {  	v8 =	vld [tilespmem:s24+$0x6170]  }
0xde: {  	[tilespmem:s24+$0xC140] =	vst v3;
	v3 =	vadd.f32 v9, v4;
	v4 =	vld [tilespmem:s24+$0x500]  }
0xdf: {  	v9 =	vld [tilespmem:s24+$0x6500]  }
0xe0: {  	[tilespmem:s24+$0xC150] =	vst v3;
	v3 =	vadd.f32 v6, v5;
	v5 =	vld [tilespmem:s24+$0x510]  }
0xe1: {  	v6 =	vld [tilespmem:s24+$0x6510]  }
0xe2: {  	[tilespmem:s24+$0xC160] =	vst v3;
	v3 =	vadd.f32 v8, v7;
	v7 =	vld [tilespmem:s24+$0x520]  }
0xe3: {  	v8 =	vld [tilespmem:s24+$0x6520]  }
0xe4: {  	[tilespmem:s24+$0xC170] =	vst v3;
	v3 =	vadd.f32 v9, v4;
	v4 =	vld [tilespmem:s24+$0x530]  }
0xe5: {  	v9 =	vld [tilespmem:s24+$0x6530]  }
0xe6: {  	[tilespmem:s24+$0xC500] =	vst v3;
	v3 =	vadd.f32 v6, v5;
	v5 =	vld [tilespmem:s24+$0x540]  }
0xe7: {  	v6 =	vld [tilespmem:s24+$0x6540]  }
0xe8: {  	[tilespmem:s24+$0xC510] =	vst v3;
	v3 =	vadd.f32 v8, v7;
	v7 =	vld [tilespmem:s24+$0x550]  }
0xe9: {  	v8 =	vld [tilespmem:s24+$0x6550]  }
0xea: {  	[tilespmem:s24+$0xC520] =	vst v3;
	v3 =	vadd.f32 v9, v4;
	v4 =	vld [tilespmem:s24+$0x560]  }
0xeb: {  	v9 =	vld [tilespmem:s24+$0x6560]  }
0xec: {  	[tilespmem:s24+$0xC530] =	vst v3;
	v3 =	vadd.f32 v6, v5;
	v5 =	vld [tilespmem:s24+$0x570]  }
0xed: {  	v6 =	vld [tilespmem:s24+$0x6570]  }
0xee: {  	[tilespmem:s24+$0xC540] =	vst v3;
	v3 =	vadd.f32 v8, v7;
	v7 =	vld [tilespmem:s24+$0x900]  }
0xef: {  	v8 =	vld [tilespmem:s24+$0x6900]  }
0xf0: {  	[tilespmem:s24+$0xC550] =	vst v3;
	v3 =	vadd.f32 v9, v4;
	v4 =	vld [tilespmem:s24+$0x910]  }
0xf1: {  	v9 =	vld [tilespmem:s24+$0x6910]  }
0xf2: {  	[tilespmem:s24+$0xC560] =	vst v3;
	v3 =	vadd.f32 v6, v5;
	v5 =	vld [tilespmem:s24+$0x920]  }
0xf3: {  	v6 =	vld [tilespmem:s24+$0x6920]  }
0xf4: {  	[tilespmem:s24+$0xC570] =	vst v3;
	v3 =	vadd.f32 v8, v7;
	v7 =	vld [tilespmem:s24+$0x930]  }
0xf5: {  	v8 =	vld [tilespmem:s24+$0x6930]  }
0xf6: {  	[tilespmem:s24+$0xC900] =	vst v3;
	v3 =	vadd.f32 v9, v4;
	v4 =	vld [tilespmem:s24+$0x940]  }
0xf7: {  	v9 =	vld [tilespmem:s24+$0x6940]  }
0xf8: {  	[tilespmem:s24+$0xC910] =	vst v3;
	v3 =	vadd.f32 v6, v5;
	v5 =	vld [tilespmem:s24+$0x950]  }
0xf9: {  	v6 =	vld [tilespmem:s24+$0x6950]  }
0xfa: {  	[tilespmem:s24+$0xC920] =	vst v3;
	v3 =	vadd.f32 v8, v7;
	v7 =	vld [tilespmem:s24+$0x960]  }
0xfb: {  	v8 =	vld [tilespmem:s24+$0x6960]  }
0xfc: {  	[tilespmem:s24+$0xC930] =	vst v3;
	v3 =	vadd.f32 v9, v4;
	v4 =	vld [tilespmem:s24+$0x970]  }
0xfd: {  	v9 =	vld [tilespmem:s24+$0x6970]  }
0xfe: {  	[tilespmem:s24+$0xC940] =	vst v3;
	v3 =	vadd.f32 v6, v5;
	v5 =	vld [tilespmem:s24+$0xD00]  }
0xff: {  	v6 =	vld [tilespmem:s24+$0x6D00]  }
0x100: {  	[tilespmem:s24+$0xC950] =	vst v3;
	v3 =	vadd.f32 v8, v7;
	v7 =	vld [tilespmem:s24+$0xD10]  }
0x101: {  	v8 =	vld [tilespmem:s24+$0x6D10]  }
0x102: {  	[tilespmem:s24+$0xC960] =	vst v3;
	v3 =	vadd.f32 v9, v4;
	v4 =	vld [tilespmem:s24+$0xD20]  }
0x103: {  	v9 =	vld [tilespmem:s24+$0x6D20]  }
0x104: {  	[tilespmem:s24+$0xC970] =	vst v3;
	v3 =	vadd.f32 v6, v5;
	v5 =	vld [tilespmem:s24+$0xD30]  }
0x105: {  	v6 =	vld [tilespmem:s24+$0x6D30]  }
0x106: {  	[tilespmem:s24+$0xCD00] =	vst v3;
	v3 =	vadd.f32 v8, v7;
	v7 =	vld [tilespmem:s24+$0xD40]  }
0x107: {  	v8 =	vld [tilespmem:s24+$0x6D40]  }
0x108: {  	[tilespmem:s24+$0xCD10] =	vst v3;
	v3 =	vadd.f32 v9, v4;
	v4 =	vld [tilespmem:s24+$0xD50]  }
0x109: {  	v9 =	vld [tilespmem:s24+$0x6D50]  }
0x10a: {  	[tilespmem:s24+$0xCD20] =	vst v3;
	v3 =	vadd.f32 v6, v5;
	v5 =	vld [tilespmem:s24+$0xD60]  }
0x10b: {  	v6 =	vld [tilespmem:s24+$0x6D60]  }
0x10c: {  	[tilespmem:s24+$0xCD30] =	vst v3;
	v3 =	vadd.f32 v8, v7;
	v7 =	vld [tilespmem:s24+$0xD70]  }
0x10d: {  	v8 =	vld [tilespmem:s24+$0x6D70]  }
0x10e: {  	[tilespmem:s24+$0xCD40] =	vst v3;
	v3 =	vadd.f32 v9, v4;
	v4 =	vld [tilespmem:s24+$0x1100]  }
0x10f: {  	v9 =	vld [tilespmem:s24+$0x7100]  }
0x110: {  	[tilespmem:s24+$0xCD50] =	vst v3;
	v3 =	vadd.f32 v6, v5;
	v5 =	vld [tilespmem:s24+$0x1110]  }
0x111: {  	v6 =	vld [tilespmem:s24+$0x7110]  }
0x112: {  	[tilespmem:s24+$0xCD60] =	vst v3;
	v3 =	vadd.f32 v8, v7;
	v7 =	vld [tilespmem:s24+$0x1120]  }
0x113: {  	v8 =	vld [tilespmem:s24+$0x7120]  }
0x114: {  	[tilespmem:s24+$0xCD70] =	vst v3;
	v3 =	vadd.f32 v9, v4;
	v4 =	vld [tilespmem:s24+$0x1130]  }
0x115: {  	v9 =	vld [tilespmem:s24+$0x7130]  }
0x116: {  	[tilespmem:s24+$0xD100] =	vst v3;
	v3 =	vadd.f32 v6, v5;
	v5 =	vld [tilespmem:s24+$0x1140]  }
0x117: {  	v6 =	vld [tilespmem:s24+$0x7140]  }
0x118: {  	[tilespmem:s24+$0xD110] =	vst v3;
	v3 =	vadd.f32 v8, v7;
	v7 =	vld [tilespmem:s24+$0x1150]  }
0x119: {  	v8 =	vld [tilespmem:s24+$0x7150]  }
0x11a: {  	[tilespmem:s24+$0xD120] =	vst v3;
	v3 =	vadd.f32 v9, v4;
	v4 =	vld [tilespmem:s24+$0x1160]  }
0x11b: {  	v9 =	vld [tilespmem:s24+$0x7160]  }
0x11c: {  	[tilespmem:s24+$0xD130] =	vst v3;
	v3 =	vadd.f32 v6, v5;
	v5 =	vld [tilespmem:s24+$0x1170]  }
0x11d: {  	v6 =	vld [tilespmem:s24+$0x7170]  }
0x11e: {  	[tilespmem:s24+$0xD140] =	vst v3;
	v3 =	vadd.f32 v8, v7;
	v7 =	vld [tilespmem:s24+$0x1500]  }
0x11f: {  	v8 =	vld [tilespmem:s24+$0x7500]  }
0x120: {  	[tilespmem:s24+$0xD150] =	vst v3;
	v3 =	vadd.f32 v9, v4;
	v4 =	vld [tilespmem:s24+$0x1510]  }
0x121: {  	v9 =	vld [tilespmem:s24+$0x7510]  }
0x122: {  	[tilespmem:s24+$0xD160] =	vst v3;
	v3 =	vadd.f32 v6, v5;
	v10 =	vld [tilespmem:s24+$0x1520]  }
0x123: {  	v11 =	vld [tilespmem:s24+$0x7520]  }
0x124: {  	[tilespmem:s24+$0xD170] =	vst v3;
	v3 =	vadd.f32 v8, v7;
	v5 =	vld [tilespmem:s24+$0x1530]  }
.Ltmp0:
0x125: {  	v7 =	vld [tilespmem:s24+$0x7530];
	(pc) =	sbr.rel @p0 .LBB2_2-.Ltmp0, $4  }
0x126: {  	[tilespmem:s24+$0xD500] =	vst v3;
	v4 =	vadd.f32 v9, v4;
	v3 =	vld [tilespmem:s24+$0x1540]  }
0x127: {  	v6 =	vld [tilespmem:s24+$0x7540]  }
0x128: {  	s26 =	sshrl.u32 s4, $0x3;
	[tilespmem:s24+$0xD510] =	vst v4;
	v9 =	vadd.f32 v11, v10;
	v4 =	vld [tilespmem:s24+$0x1550]  }
0x129: {  	s25 =	sadd.s32 $0x80, s25;
	s4 =	sadd.s32 $0x1, s4;
	s26 =	smul.u32 $0x1800, s26;
	v8 =	vld [tilespmem:s24+$0x7550]  }
0x12a: {  	[tilespmem:s24+$0xD520] =	vst v9;
	s4 =	sand.u32 $0x380, s25;
	v9 =	vld [tilespmem:s24+$0x1560];
	v5 =	vadd.f32 v7, v5  }
0x12b: {  	v7 =	vld [tilespmem:s24+$0x7560];
	s4 =	sor.u32 s4, s26  }
0x12c: {  	v10 =	vld [tilespmem:s4+$0x1570];
	[tilespmem:s24+$0xD530] =	vst v5;
	v3 =	vadd.f32 v6, v3  }
0x12d: {  	v5 =	vld [tilespmem:s4+$0x7570]  }
0x12e: {  	v6 =	vld [tilespmem:s4+$0x100];
	[tilespmem:s24+$0xD540] =	vst v3;
	v3 =	vadd.f32 v8, v4  }
0x12f: {  	v4 =	vld [tilespmem:s4+$0x6100]  }
0x130: {  	v8 =	vld [tilespmem:s4+$0x110];
	[tilespmem:s24+$0xD550] =	vst v3;
	v3 =	vadd.f32 v7, v9  }
0x131: {  	v7 =	vld [tilespmem:s4+$0x6110]  }
0x132: {  	v9 =	vld [tilespmem:s4+$0x120];
	[tilespmem:s24+$0xD560] =	vst v3  }
0x133: {  	v3 =	vld [tilespmem:s4+$0x6120]  }
0x134: {  	v11 =	vld [tilespmem:s4+$0x130]  }
0x135: {  	v12 =	vld [tilespmem:s4+$0x6130]  }
0x136: {  	v13 =	vld [tilespmem:s4+$0x140]  }
0x137: {  	v14 =	vld [tilespmem:s4+$0x6140]  }
0x138: {  	v15 =	vld [tilespmem:s4+$0x150]  }
0x139: {  	v16 =	vld [tilespmem:s4+$0x6150]  }
0x13a: {  	v17 =	vld [tilespmem:s4+$0x160]  }
0x13b: {  	v18 =	vld [tilespmem:s4+$0x6160]  }
0x13c: {  	v19 =	vld [tilespmem:s4+$0x170]  }
0x13d: {  	v20 =	vld [tilespmem:s4+$0x6170]  }
0x13e: {  	v21 =	vld [tilespmem:s4+$0x500]  }
0x13f: {  	v22 =	vld [tilespmem:s4+$0x6500]  }
0x140: {  	v23 =	vld [tilespmem:s4+$0x510]  }
0x141: {  	v24 =	vld [tilespmem:s4+$0x6510]  }
0x142: {  	v25 =	vld [tilespmem:s4+$0x520]  }
0x143: {  	v26 =	vld [tilespmem:s4+$0x6520]  }
0x144: {  	v27 =	vld [tilespmem:s4+$0x530]  }
0x145: {  	v28 =	vld [tilespmem:s4+$0x6530]  }
0x146: {  	v29 =	vld [tilespmem:s4+$0x540]  }
0x147: {  	v30 =	vld [tilespmem:s4+$0x6540]  }
0x148: {  	v31 =	vld [tilespmem:s4+$0x550]  }
0x149: {  	v32 =	vld [tilespmem:s4+$0x6550]  }
0x14a: {  	v33 =	vld [tilespmem:s4+$0x560]  }
0x14b: {  	v34 =	vld [tilespmem:s4+$0x6560]  }
0x14c: {  	v35 =	vld [tilespmem:s4+$0x570]  }
0x14d: {  	v36 =	vld [tilespmem:s4+$0x6570]  }
0x14e: {  	v37 =	vld [tilespmem:s4+$0x900]  }
0x14f: {  	v38 =	vld [tilespmem:s4+$0x6900]  }
0x150: {  	v39 =	vld [tilespmem:s4+$0x910]  }
0x151: {  	v40 =	vld [tilespmem:s4+$0x6910]  }
0x152: {  	v41 =	vld [tilespmem:s4+$0x920]  }
0x153: {  	v42 =	vld [tilespmem:s4+$0x6920]  }
0x154: {  	v43 =	vld [tilespmem:s4+$0x930]  }
0x155: {  	v44 =	vld [tilespmem:s4+$0x6930]  }
0x156: {  	v45 =	vld [tilespmem:s4+$0x940]  }
0x157: {  	v46 =	vld [tilespmem:s4+$0x6940]  }
0x158: {  	v47 =	vld [tilespmem:s4+$0x950]  }
0x159: {  	v48 =	vld [tilespmem:s4+$0x6950]  }
0x15a: {  	v49 =	vld [tilespmem:s4+$0x960]  }
0x15b: {  	v50 =	vld [tilespmem:s4+$0x6960]  }
0x15c: {  	v51 =	vld [tilespmem:s4+$0x970]  }
0x15d: {  	v52 =	vld [tilespmem:s4+$0x6970]  }
0x15e: {  	v53 =	vld [tilespmem:s4+$0xD00];
	v4 =	vadd.f32 v4, v6  }
0x15f: {  	v5 =	vadd.f32 v5, v10;
	v54 =	vld [tilespmem:s4+$0x6D00]  }
0x160: {  	[tilespmem:s4+$0xC100] =	vst v4;
	v4 =	vld [tilespmem:s4+$0xD30]  }
0x161: {  	[tilespmem:s4+$0xD570] =	vst v5;
	v5 =	vadd.f32 v7, v8;
	v8 =	vld [tilespmem:s4+$0x6D30]  }
0x162: {  	v55 =	vld [tilespmem:s4+$0xD10];
	v3 =	vadd.f32 v3, v9  }
0x163: {  	v10 =	vld [tilespmem:s4+$0x6D10];
	[tilespmem:s4+$0xC110] =	vst v5;
	v5 =	vadd.f32 v12, v11  }
0x164: {  	v58 =	vld [tilespmem:s4+$0xD60];
	[tilespmem:s4+$0xC120] =	vst v3;
	v3 =	vadd.f32 v14, v13  }
0x165: {  	v12 =	vld [tilespmem:s4+$0xD50];
	[tilespmem:s4+$0xC130] =	vst v5;
	v5 =	vadd.f32 v16, v15  }
0x166: {  	v13 =	vld [tilespmem:s4+$0x6D50];
	v4 =	vadd.f32 v8, v4;
	[tilespmem:s4+$0xC140] =	vst v3  }
0x167: {  	v59 =	vld [tilespmem:s4+$0x6D60];
	v3 =	vadd.f32 v18, v17;
	[tilespmem:s4+$0xC150] =	vst v5  }
0x168: {  	v60 =	vld [tilespmem:s4+$0xD70];
	v5 =	vadd.f32 v20, v19;
	[tilespmem:s4+$0xCD30] =	vst v4  }
0x169: {  	v61 =	vld [tilespmem:s4+$0x6D70];
	[tilespmem:s4+$0xC160] =	vst v3;
	v3 =	vadd.f32 v22, v21  }
0x16a: {  	v62 =	vld [tilespmem:s4+$0x1100];
	[tilespmem:s4+$0xC170] =	vst v5;
	v5 =	vadd.f32 v24, v23  }
0x16b: {  	v63 =	vld [tilespmem:s4+$0x7100];
	v4 =	vadd.f32 v13, v12;
	[tilespmem:s4+$0xC500] =	vst v3  }
0x16c: {  	v56 =	vld [tilespmem:s4+$0x7150];
	v3 =	vadd.f32 v26, v25;
	[tilespmem:s4+$0xC510] =	vst v5  }
0x16d: {  	v57 =	vld [tilespmem:s4+$0x1160];
	v5 =	vadd.f32 v28, v27;
	[tilespmem:s4+$0xCD50] =	vst v4  }
0x16e: {  	v6 =	vld [tilespmem:s4+$0xD20];
	[tilespmem:s4+$0xC520] =	vst v3;
	v3 =	vadd.f32 v30, v29  }
0x16f: {  	v7 =	vld [tilespmem:s4+$0x6D20];
	v4 =	vadd.f32 v61, v60;
	[tilespmem:s4+$0xC530] =	vst v5  }
0x170: {  	v9 =	vld [tilespmem:s4+$0xD40];
	[tilespmem:s4+$0xC540] =	vst v3;
	v3 =	vadd.f32 v34, v33  }
0x171: {  	v11 =	vld [tilespmem:s4+$0x6D40];
	v5 =	vadd.f32 v32, v31;
	[tilespmem:s4+$0xCD70] =	vst v4  }
0x172: {  	v8 =	vld [tilespmem:s4+$0x7500];
	[tilespmem:s4+$0xC560] =	vst v3;
	v3 =	vadd.f32 v38, v37  }
0x173: {  	v60 =	vld [tilespmem:s4+$0x1530];
	[tilespmem:s4+$0xC550] =	vst v5;
	v5 =	vadd.f32 v36, v35  }
0x174: {  	v61 =	vld [tilespmem:s4+$0x7530];
	[tilespmem:s4+$0xC900] =	vst v3;
	v3 =	vadd.f32 v42, v41  }
0x175: {  	v34 =	vld [tilespmem:s4+$0x1110];
	[tilespmem:s4+$0xC570] =	vst v5;
	v5 =	vadd.f32 v40, v39  }
0x176: {  	v36 =	vld [tilespmem:s4+$0x7110];
	[tilespmem:s4+$0xC920] =	vst v3;
	v3 =	vadd.f32 v46, v45  }
0x177: {  	v38 =	vld [tilespmem:s4+$0x1120];
	[tilespmem:s4+$0xC910] =	vst v5;
	v5 =	vadd.f32 v44, v43  }
0x178: {  	v40 =	vld [tilespmem:s4+$0x7120];
	[tilespmem:s4+$0xC940] =	vst v3;
	v3 =	vadd.f32 v50, v49  }
0x179: {  	v42 =	vld [tilespmem:s4+$0x1130];
	[tilespmem:s4+$0xC930] =	vst v5;
	v5 =	vadd.f32 v48, v47  }
0x17a: {  	v44 =	vld [tilespmem:s4+$0x7130];
	[tilespmem:s4+$0xC960] =	vst v3;
	v3 =	vadd.f32 v54, v53  }
0x17b: {  	v46 =	vld [tilespmem:s4+$0x1140];
	[tilespmem:s4+$0xC950] =	vst v5;
	v5 =	vadd.f32 v52, v51  }
0x17c: {  	v48 =	vld [tilespmem:s4+$0x7140];
	[tilespmem:s4+$0xCD00] =	vst v3;
	v3 =	vadd.f32 v7, v6  }
0x17d: {  	v50 =	vld [tilespmem:s4+$0x1150];
	[tilespmem:s4+$0xC970] =	vst v5;
	v5 =	vadd.f32 v10, v55  }
0x17e: {  	v10 =	vld [tilespmem:s4+$0x7160];
	[tilespmem:s4+$0xCD20] =	vst v3;
	v3 =	vadd.f32 v11, v9  }
0x17f: {  	v4 =	vadd.f32 v36, v34;
	v6 =	vld [tilespmem:s4+$0x1170];
	[tilespmem:s4+$0xCD10] =	vst v5  }
0x180: {  	v5 =	vld [tilespmem:s4+$0x7170];
	[tilespmem:s4+$0xCD40] =	vst v3;
	v3 =	vadd.f32 v59, v58  }
0x181: {  	[tilespmem:s4+$0xD110] =	vst v4;
	v4 =	vadd.f32 v44, v42;
	v7 =	vld [tilespmem:s4+$0x1500]  }
0x182: {  	v9 =	vld [tilespmem:s4+$0x1510];
	[tilespmem:s4+$0xCD60] =	vst v3;
	v3 =	vadd.f32 v63, v62  }
0x183: {  	[tilespmem:s4+$0xD130] =	vst v4;
	v4 =	vadd.f32 v56, v50;
	v11 =	vld [tilespmem:s4+$0x7510]  }
0x184: {  	v58 =	vld [tilespmem:s4+$0x1520];
	[tilespmem:s4+$0xD100] =	vst v3;
	v3 =	vadd.f32 v40, v38  }
0x185: {  	[tilespmem:s4+$0xD150] =	vst v4;
	v59 =	vld [tilespmem:s4+$0x7520]  }
0x186: {  	v4 =	vadd.f32 v5, v6;
	v5 =	vld [tilespmem:s4+$0x7550];
	[tilespmem:s4+$0xD120] =	vst v3;
	v3 =	vadd.f32 v48, v46  }
0x187: {  	v6 =	vld [tilespmem:s4+$0x1560]  }
0x188: {  	v62 =	vld [tilespmem:s4+$0x1540];
	[tilespmem:s4+$0xD140] =	vst v3;
	v3 =	vadd.f32 v10, v57  }
0x189: {  	v63 =	vld [tilespmem:s4+$0x7540]  }
0x18a: {  	v10 =	vld [tilespmem:s4+$0x1550];
	[tilespmem:s4+$0xD160] =	vst v3;
	v3 =	vadd.f32 v8, v7  }
0x18b: {  	[tilespmem:s4+$0xD170] =	vst v4;
	v4 =	vadd.f32 v11, v9;
	v7 =	vld [tilespmem:s4+$0x7560]  }
0x18c: {  	[tilespmem:s4+$0xD500] =	vst v3;
	v3 =	vadd.f32 v59, v58  }
0x18d: {  	[tilespmem:s4+$0xD510] =	vst v4;
	v4 =	vadd.f32 v61, v60  }
0x18e: {  	[tilespmem:s4+$0xD520] =	vst v3;
	v3 =	vadd.f32 v63, v62  }
0x18f: {  	[tilespmem:s4+$0xD530] =	vst v4;
	v4 =	vadd.f32 v5, v10  }
0x190: {  	[tilespmem:s4+$0xD540] =	vst v3;
	v3 =	vadd.f32 v7, v6  }
0x191: {  	[tilespmem:s4+$0xD550] =	vst v4  }
0x192: {  	[tilespmem:s4+$0xD560] =	vst v3;
	s4 =	simm.s32 $0x0  }
0x193: {  	[hbm4b:s8+s4] =	stream.linear.scatter [tilespmem:s22], [sflag:$0x3], $0x6000, $0x38;
	[tilespmem:$0x12100] =	vst v63  }
0x194: {  	_ =	swait.ge [sflag:s13], $0x6000  }
0x195: {  	[sflag:s13] =	ssyncset.done $0x0  }
0x196: {  	[sflag:s13] =	ssyncadd.s32 $0xFFFFA000  }
0x197: {  	[tilespmem:s4], [sflag:$0x3] =	stream.linear.gather [hbm4b:s9+s4], $0x20, $0x38;
	[tilespmem:$0x12100] =	vst v63  }
0x198: {  	_ =	swait.ge [sflag:s13], $0x20  }
0x199: {  	[sflag:s13] =	ssyncset.done $0x0  }
0x19a: {  	s28 =	simm.s32 $0x80;
	[sflag:s13] =	ssyncadd.s32 $0xFFFFFFE0  }
0x19b: {  	[tilespmem:s28], [sflag:$0x3] =	stream.linear.gather [hbm4b:s10+s4], $0x20, $0x38;
	[tilespmem:$0x12100] =	vst v63  }
0x19c: {  	_ =	swait.ge [sflag:s13], $0x20  }
0x19d: {  	[sflag:s13] =	ssyncset.done $0x0  }
0x19e: {  	[sflag:s13] =	ssyncadd.s32 $0xFFFFFFE0  }
0x19f: {  	v3 =	vld [tilespmem:$0x0];
	_ =	sdelay $0x4  }
0x1a0: {  	v4 =	vshrl.u32 v3, $0x3  }
0x1a1: {  	v4 =	vmul.u32 $0x30, v4  }
0x1a2: {  	v3 =	vand.u32 $0x7, v3  }
0x1a3: {  	v3 =	vor.u32 v3, v4  }
0x1a4: {  	v4 =	vperm.xlane v3, v0;
	_ =	sdelay $0x1  }
0x1a5: {  	v4 =	vadd.s32 v1, v4;
	_ =	sdelay $0x3  }
0x1a6: {  	s25 =	simm.s32 $0x100;
	v3 =	vperm.xlane v3, v2  }
0x1a7: {  	[tilespmem:s25], [sflag:$0x1] =	stream.indirect_vreg.gather [hbm4b:s3+s4], $0x80, v4, vm0, $0xb8;
	[tilespmem:$0x12100] =	vst v63  }
0x1a8: {  	s26 =	simm.s32 $0x900;
	v3 =	vadd.s32 v1, v3  }
0x1a9: {  	[tilespmem:s26], [sflag:$0x1] =	stream.indirect_vreg.gather [hbm4b:s6+s4], $0x80, v4, vm0, $0xb8;
	[tilespmem:$0x12100] =	vst v63  }
0x1aa: {  	s28 =	simm.s32 $0x1100  }
0x1ab: {  	[tilespmem:s28], [sflag:$0x1] =	stream.indirect_vreg.gather [hbm4b:s7+s4], $0x80, v4, vm0, $0xb8;
	[tilespmem:$0x12100] =	vst v63  }
0x1ac: {  	s25 =	simm.s32 $0x1900  }
0x1ad: {  	[tilespmem:s25], [sflag:$0x1] =	stream.indirect_vreg.gather [hbm4b:s3+s4], $0x80, v3, vm0, $0xb8;
	[tilespmem:$0x12100] =	vst v63  }
0x1ae: {  	s26 =	simm.s32 $0x2100  }
0x1af: {  	[tilespmem:s26], [sflag:$0x1] =	stream.indirect_vreg.gather [hbm4b:s6+s4], $0x80, v3, vm0, $0xb8;
	[tilespmem:$0x12100] =	vst v63  }
0x1b0: {  	s28 =	simm.s32 $0x2900  }
0x1b1: {  	[tilespmem:s28], [sflag:$0x1] =	stream.indirect_vreg.gather [hbm4b:s7+s4], $0x80, v3, vm0, $0xb8;
	[tilespmem:$0x12100] =	vst v63  }
0x1b2: {  	v3 =	vld [tilespmem:$0x10];
	_ =	sdelay $0x4  }
0x1b3: {  	v4 =	vshrl.u32 v3, $0x3  }
0x1b4: {  	v4 =	vmul.u32 $0x30, v4  }
0x1b5: {  	v3 =	vand.u32 $0x7, v3  }
0x1b6: {  	v3 =	vor.u32 v3, v4  }
0x1b7: {  	v4 =	vperm.xlane v3, v0;
	_ =	sdelay $0x1  }
0x1b8: {  	v4 =	vadd.s32 v1, v4;
	_ =	sdelay $0x3  }
0x1b9: {  	s25 =	simm.s32 $0x3100;
	v3 =	vperm.xlane v3, v2  }
0x1ba: {  	[tilespmem:s25], [sflag:$0x1] =	stream.indirect_vreg.gather [hbm4b:s3+s4], $0x80, v4, vm0, $0xb8;
	[tilespmem:$0x12100] =	vst v63  }
0x1bb: {  	s26 =	simm.s32 $0x3900;
	v3 =	vadd.s32 v1, v3  }
0x1bc: {  	[tilespmem:s26], [sflag:$0x1] =	stream.indirect_vreg.gather [hbm4b:s6+s4], $0x80, v4, vm0, $0xb8;
	[tilespmem:$0x12100] =	vst v63  }
0x1bd: {  	s28 =	simm.s32 $0x4100  }
0x1be: {  	[tilespmem:s28], [sflag:$0x1] =	stream.indirect_vreg.gather [hbm4b:s7+s4], $0x80, v4, vm0, $0xb8;
	[tilespmem:$0x12100] =	vst v63  }
0x1bf: {  	s25 =	simm.s32 $0x4900  }
0x1c0: {  	[tilespmem:s25], [sflag:$0x1] =	stream.indirect_vreg.gather [hbm4b:s3+s4], $0x80, v3, vm0, $0xb8;
	[tilespmem:$0x12100] =	vst v63  }
0x1c1: {  	s26 =	simm.s32 $0x5100  }
0x1c2: {  	[tilespmem:s26], [sflag:$0x1] =	stream.indirect_vreg.gather [hbm4b:s6+s4], $0x80, v3, vm0, $0xb8;
	[tilespmem:$0x12100] =	vst v63  }
0x1c3: {  	s28 =	simm.s32 $0x5900  }
0x1c4: {  	[tilespmem:s28], [sflag:$0x1] =	stream.indirect_vreg.gather [hbm4b:s7+s4], $0x80, v3, vm0, $0xb8;
	[tilespmem:$0x12100] =	vst v63  }
0x1c5: {  	v3 =	vld [tilespmem:$0x80];
	_ =	sdelay $0x4  }
0x1c6: {  	v4 =	vshrl.u32 v3, $0x3  }
0x1c7: {  	v4 =	vmul.u32 $0x30, v4  }
0x1c8: {  	v3 =	vand.u32 $0x7, v3  }
0x1c9: {  	v3 =	vor.u32 v3, v4  }
0x1ca: {  	v4 =	vperm.xlane v3, v0;
	_ =	sdelay $0x1  }
0x1cb: {  	v4 =	vadd.s32 v1, v4;
	_ =	sdelay $0x3  }
0x1cc: {  	s25 =	simm.s32 $0x6100;
	v3 =	vperm.xlane v3, v2  }
0x1cd: {  	[tilespmem:s25], [sflag:$0x2] =	stream.indirect_vreg.gather [hbm4b:s3+s4], $0x80, v4, vm0, $0xb8;
	[tilespmem:$0x12100] =	vst v63  }
0x1ce: {  	v3 =	vadd.s32 v1, v3  }
0x1cf: {  	[tilespmem:s29], [sflag:$0x2] =	stream.indirect_vreg.gather [hbm4b:s6+s4], $0x80, v4, vm0, $0xb8;
	[tilespmem:$0x12100] =	vst v63  }
0x1d0: {  	_ = 	snop  }
0x1d1: {  	[tilespmem:s30], [sflag:$0x2] =	stream.indirect_vreg.gather [hbm4b:s7+s4], $0x80, v4, vm0, $0xb8;
	[tilespmem:$0x12100] =	vst v63  }
0x1d2: {  	_ = 	snop  }
0x1d3: {  	[tilespmem:s31], [sflag:$0x2] =	stream.indirect_vreg.gather [hbm4b:s3+s4], $0x80, v3, vm0, $0xb8;
	[tilespmem:$0x12100] =	vst v63  }
0x1d4: {  	_ = 	snop  }
0x1d5: {  	[tilespmem:s0], [sflag:$0x2] =	stream.indirect_vreg.gather [hbm4b:s6+s4], $0x80, v3, vm0, $0xb8;
	[tilespmem:$0x12100] =	vst v63  }
0x1d6: {  	_ = 	snop  }
0x1d7: {  	[tilespmem:s2], [sflag:$0x2] =	stream.indirect_vreg.gather [hbm4b:s7+s4], $0x80, v3, vm0, $0xb8;
	[tilespmem:$0x12100] =	vst v63  }
0x1d8: {  	v3 =	vld [tilespmem:$0x90];
	_ =	sdelay $0x4  }
0x1d9: {  	v4 =	vshrl.u32 v3, $0x3  }
0x1da: {  	v4 =	vmul.u32 $0x30, v4  }
0x1db: {  	v3 =	vand.u32 $0x7, v3  }
0x1dc: {  	v3 =	vor.u32 v3, v4  }
0x1dd: {  	v4 =	vperm.xlane v3, v0;
	_ =	sdelay $0x1  }
0x1de: {  	v4 =	vadd.s32 v1, v4;
	_ =	sdelay $0x3  }
0x1df: {  	v3 =	vperm.xlane v3, v2  }
0x1e0: {  	[tilespmem:s14], [sflag:$0x2] =	stream.indirect_vreg.gather [hbm4b:s3+s4], $0x80, v4, vm0, $0xb8;
	[tilespmem:$0x12100] =	vst v63  }
0x1e1: {  	v3 =	vadd.s32 v1, v3  }
0x1e2: {  	[tilespmem:s15], [sflag:$0x2] =	stream.indirect_vreg.gather [hbm4b:s6+s4], $0x80, v4, vm0, $0xb8;
	[tilespmem:$0x12100] =	vst v63  }
0x1e3: {  	_ = 	snop  }
0x1e4: {  	[tilespmem:s16], [sflag:$0x2] =	stream.indirect_vreg.gather [hbm4b:s7+s4], $0x80, v4, vm0, $0xb8;
	[tilespmem:$0x12100] =	vst v63  }
0x1e5: {  	_ = 	snop  }
0x1e6: {  	[tilespmem:s17], [sflag:$0x2] =	stream.indirect_vreg.gather [hbm4b:s3+s4], $0x80, v3, vm0, $0xb8;
	[tilespmem:$0x12100] =	vst v63  }
0x1e7: {  	_ = 	snop  }
0x1e8: {  	[tilespmem:s18], [sflag:$0x2] =	stream.indirect_vreg.gather [hbm4b:s6+s4], $0x80, v3, vm0, $0xb8;
	[tilespmem:$0x12100] =	vst v63  }
0x1e9: {  	_ = 	snop  }
0x1ea: {  	[tilespmem:s19], [sflag:$0x2] =	stream.indirect_vreg.gather [hbm4b:s7+s4], $0x80, v3, vm0, $0xb8;
	[tilespmem:$0x12100] =	vst v63  }
0x1eb: {  	_ =	swait.ge [sflag:s20], $0x6000  }
0x1ec: {  	[sflag:s20] =	ssyncset.done $0x0  }
0x1ed: {  	s26 =	simm.s32 $0x0;
	[sflag:s20] =	ssyncadd.s32 $0xFFFFA000  }
0x1ee: {  	s24 =	smul.u32 $0x1800, s26;
	_ =	swait.ge [sflag:s21], $0x6000  }
0x1ef: {  	s4 =	sand.u32 $0x380, s4;
	[sflag:s21] =	ssyncset.done $0x0  }
0x1f0: {  	s24 =	sor.u32 s4, s24;
	[sflag:s21] =	ssyncadd.s32 $0xFFFFA000  }
0x1f1: {  	v3 =	vld [tilespmem:s24+$0x1570]  }
0x1f2: {  	v4 =	vld [tilespmem:s24+$0x7570]  }
0x1f3: {  	v5 =	vld [tilespmem:s24+$0x100]  }
0x1f4: {  	v6 =	vld [tilespmem:s24+$0x6100]  }
0x1f5: {  	v7 =	vld [tilespmem:s24+$0x110]  }
0x1f6: {  	v8 =	vld [tilespmem:s24+$0x6110]  }
0x1f7: {  	v9 =	vld [tilespmem:s24+$0x120]  }
0x1f8: {  	v10 =	vld [tilespmem:s24+$0x130]  }
0x1f9: {  	v11 =	vld [tilespmem:s24+$0x7520];
	v3 =	vadd.f32 v4, v3  }
0x1fa: {  	v4 =	vld [tilespmem:s24+$0x6120]  }
0x1fb: {  	v5 =	vadd.f32 v6, v5;
	[tilespmem:s24+$0xD570] =	vst v3;
	v3 =	vld [tilespmem:s24+$0x6130]  }
0x1fc: {  	v6 =	vld [tilespmem:s24+$0x140]  }
0x1fd: {  	[tilespmem:s24+$0xC100] =	vst v5;
	v5 =	vadd.f32 v8, v7;
	v7 =	vld [tilespmem:s24+$0x6140]  }
0x1fe: {  	v8 =	vld [tilespmem:s24+$0x6150]  }
0x1ff: {  	[tilespmem:s24+$0xC110] =	vst v5;
	v5 =	vld [tilespmem:s24+$0x150];
	v4 =	vadd.f32 v4, v9  }
0x200: {  	v9 =	vld [tilespmem:s24+$0x6160];
	v3 =	vadd.f32 v3, v10  }
0x201: {  	[tilespmem:s24+$0xC120] =	vst v4;
	v4 =	vld [tilespmem:s24+$0x160]  }
0x202: {  	[tilespmem:s24+$0xC130] =	vst v3;
	v3 =	vadd.f32 v7, v6;
	v6 =	vld [tilespmem:s24+$0x170]  }
0x203: {  	v7 =	vld [tilespmem:s24+$0x6170]  }
0x204: {  	[tilespmem:s24+$0xC140] =	vst v3;
	v3 =	vadd.f32 v8, v5;
	v5 =	vld [tilespmem:s24+$0x500]  }
0x205: {  	v8 =	vld [tilespmem:s24+$0x6500]  }
0x206: {  	[tilespmem:s24+$0xC150] =	vst v3;
	v3 =	vadd.f32 v9, v4;
	v4 =	vld [tilespmem:s24+$0x510]  }
0x207: {  	v9 =	vld [tilespmem:s24+$0x6510]  }
0x208: {  	[tilespmem:s24+$0xC160] =	vst v3;
	v3 =	vadd.f32 v7, v6;
	v6 =	vld [tilespmem:s24+$0x520]  }
0x209: {  	v7 =	vld [tilespmem:s24+$0x6520]  }
0x20a: {  	[tilespmem:s24+$0xC170] =	vst v3;
	v3 =	vadd.f32 v8, v5;
	v5 =	vld [tilespmem:s24+$0x530]  }
0x20b: {  	v8 =	vld [tilespmem:s24+$0x6530]  }
0x20c: {  	[tilespmem:s24+$0xC500] =	vst v3;
	v3 =	vadd.f32 v9, v4;
	v4 =	vld [tilespmem:s24+$0x540]  }
0x20d: {  	v9 =	vld [tilespmem:s24+$0x6540]  }
0x20e: {  	[tilespmem:s24+$0xC510] =	vst v3;
	v3 =	vadd.f32 v7, v6;
	v6 =	vld [tilespmem:s24+$0x550]  }
0x20f: {  	v7 =	vld [tilespmem:s24+$0x6550]  }
0x210: {  	[tilespmem:s24+$0xC520] =	vst v3;
	v3 =	vadd.f32 v8, v5;
	v5 =	vld [tilespmem:s24+$0x560]  }
0x211: {  	v8 =	vld [tilespmem:s24+$0x6560]  }
0x212: {  	[tilespmem:s24+$0xC530] =	vst v3;
	v3 =	vadd.f32 v9, v4;
	v4 =	vld [tilespmem:s24+$0x570]  }
0x213: {  	v9 =	vld [tilespmem:s24+$0x6570]  }
0x214: {  	[tilespmem:s24+$0xC540] =	vst v3;
	v3 =	vadd.f32 v7, v6;
	v6 =	vld [tilespmem:s24+$0x900]  }
0x215: {  	v7 =	vld [tilespmem:s24+$0x6900]  }
0x216: {  	[tilespmem:s24+$0xC550] =	vst v3;
	v3 =	vadd.f32 v8, v5;
	v5 =	vld [tilespmem:s24+$0x910]  }
0x217: {  	v8 =	vld [tilespmem:s24+$0x6910]  }
0x218: {  	[tilespmem:s24+$0xC560] =	vst v3;
	v3 =	vadd.f32 v9, v4;
	v4 =	vld [tilespmem:s24+$0x920]  }
0x219: {  	v9 =	vld [tilespmem:s24+$0x6920]  }
0x21a: {  	[tilespmem:s24+$0xC570] =	vst v3;
	v3 =	vadd.f32 v7, v6;
	v6 =	vld [tilespmem:s24+$0x930]  }
0x21b: {  	v7 =	vld [tilespmem:s24+$0x6930]  }
0x21c: {  	[tilespmem:s24+$0xC900] =	vst v3;
	v3 =	vadd.f32 v8, v5;
	v5 =	vld [tilespmem:s24+$0x940]  }
0x21d: {  	v8 =	vld [tilespmem:s24+$0x6940]  }
0x21e: {  	[tilespmem:s24+$0xC910] =	vst v3;
	v3 =	vadd.f32 v9, v4;
	v4 =	vld [tilespmem:s24+$0x950]  }
0x21f: {  	v9 =	vld [tilespmem:s24+$0x6950]  }
0x220: {  	[tilespmem:s24+$0xC920] =	vst v3;
	v3 =	vadd.f32 v7, v6;
	v6 =	vld [tilespmem:s24+$0x960]  }
0x221: {  	v7 =	vld [tilespmem:s24+$0x6960]  }
0x222: {  	[tilespmem:s24+$0xC930] =	vst v3;
	v3 =	vadd.f32 v8, v5;
	v5 =	vld [tilespmem:s24+$0x970]  }
0x223: {  	v8 =	vld [tilespmem:s24+$0x6970]  }
0x224: {  	[tilespmem:s24+$0xC940] =	vst v3;
	v3 =	vadd.f32 v9, v4;
	v4 =	vld [tilespmem:s24+$0xD00]  }
0x225: {  	v9 =	vld [tilespmem:s24+$0x6D00]  }
0x226: {  	[tilespmem:s24+$0xC950] =	vst v3;
	v3 =	vadd.f32 v7, v6;
	v6 =	vld [tilespmem:s24+$0xD10]  }
0x227: {  	v7 =	vld [tilespmem:s24+$0x6D10]  }
0x228: {  	[tilespmem:s24+$0xC960] =	vst v3;
	v3 =	vadd.f32 v8, v5;
	v5 =	vld [tilespmem:s24+$0xD20]  }
0x229: {  	v8 =	vld [tilespmem:s24+$0x6D20]  }
0x22a: {  	[tilespmem:s24+$0xC970] =	vst v3;
	v3 =	vadd.f32 v9, v4;
	v4 =	vld [tilespmem:s24+$0xD30]  }
0x22b: {  	v9 =	vld [tilespmem:s24+$0x6D30]  }
0x22c: {  	[tilespmem:s24+$0xCD00] =	vst v3;
	v3 =	vadd.f32 v7, v6;
	v6 =	vld [tilespmem:s24+$0xD40]  }
0x22d: {  	v7 =	vld [tilespmem:s24+$0x6D40]  }
0x22e: {  	[tilespmem:s24+$0xCD10] =	vst v3;
	v3 =	vadd.f32 v8, v5;
	v5 =	vld [tilespmem:s24+$0xD50]  }
0x22f: {  	v8 =	vld [tilespmem:s24+$0x6D50]  }
0x230: {  	[tilespmem:s24+$0xCD20] =	vst v3;
	v3 =	vadd.f32 v9, v4;
	v4 =	vld [tilespmem:s24+$0xD60]  }
0x231: {  	v9 =	vld [tilespmem:s24+$0x6D60]  }
0x232: {  	[tilespmem:s24+$0xCD30] =	vst v3;
	v3 =	vadd.f32 v7, v6;
	v6 =	vld [tilespmem:s24+$0xD70]  }
0x233: {  	v7 =	vld [tilespmem:s24+$0x6D70]  }
0x234: {  	[tilespmem:s24+$0xCD40] =	vst v3;
	v3 =	vadd.f32 v8, v5;
	v5 =	vld [tilespmem:s24+$0x1100]  }
0x235: {  	v8 =	vld [tilespmem:s24+$0x7100]  }
0x236: {  	[tilespmem:s24+$0xCD50] =	vst v3;
	v3 =	vadd.f32 v9, v4;
	v4 =	vld [tilespmem:s24+$0x1110]  }
0x237: {  	v9 =	vld [tilespmem:s24+$0x7110]  }
0x238: {  	[tilespmem:s24+$0xCD60] =	vst v3;
	v3 =	vadd.f32 v7, v6;
	v6 =	vld [tilespmem:s24+$0x1120]  }
0x239: {  	v7 =	vld [tilespmem:s24+$0x7120]  }
0x23a: {  	[tilespmem:s24+$0xCD70] =	vst v3;
	v3 =	vadd.f32 v8, v5;
	v5 =	vld [tilespmem:s24+$0x1130]  }
0x23b: {  	v8 =	vld [tilespmem:s24+$0x7130]  }
0x23c: {  	[tilespmem:s24+$0xD100] =	vst v3;
	v3 =	vadd.f32 v9, v4;
	v4 =	vld [tilespmem:s24+$0x1140]  }
0x23d: {  	v9 =	vld [tilespmem:s24+$0x7140]  }
0x23e: {  	[tilespmem:s24+$0xD110] =	vst v3;
	v3 =	vadd.f32 v7, v6;
	v6 =	vld [tilespmem:s24+$0x1150]  }
0x23f: {  	v7 =	vld [tilespmem:s24+$0x7150]  }
0x240: {  	[tilespmem:s24+$0xD120] =	vst v3;
	v3 =	vadd.f32 v8, v5;
	v5 =	vld [tilespmem:s24+$0x1160]  }
0x241: {  	v8 =	vld [tilespmem:s24+$0x7160]  }
0x242: {  	[tilespmem:s24+$0xD130] =	vst v3;
	v3 =	vadd.f32 v9, v4;
	v4 =	vld [tilespmem:s24+$0x1170]  }
0x243: {  	v9 =	vld [tilespmem:s24+$0x7170]  }
0x244: {  	[tilespmem:s24+$0xD140] =	vst v3;
	v3 =	vadd.f32 v7, v6;
	v6 =	vld [tilespmem:s24+$0x1500]  }
0x245: {  	v7 =	vld [tilespmem:s24+$0x7500]  }
0x246: {  	v10 =	vld [tilespmem:s24+$0x7510];
	[tilespmem:s24+$0xD150] =	vst v3;
	v3 =	vadd.f32 v8, v5  }
0x247: {  	v8 =	vld [tilespmem:s24+$0x1510]  }
0x248: {  	[tilespmem:s24+$0xD160] =	vst v3;
	v3 =	vadd.f32 v9, v4;
	v9 =	vld [tilespmem:s24+$0x1520]  }
0x249: {  	v5 =	vld [tilespmem:s24+$0x1530]  }
0x24a: {  	[tilespmem:s24+$0xD170] =	vst v3;
	v3 =	vadd.f32 v7, v6;
	v7 =	vld [tilespmem:s24+$0x7530]  }
0x24b: {  	v6 =	vld [tilespmem:s24+$0x7540]  }
0x24c: {  	v4 =	vadd.f32 v10, v8;
	[tilespmem:s24+$0xD500] =	vst v3;
	v3 =	vld [tilespmem:s24+$0x1540]  }
0x24d: {  	s28 =	simm.s32 $0x0;
	v8 =	vld [tilespmem:s24+$0x7550];
	v9 =	vadd.f32 v11, v9  }
0x24e: {  	s26 =	smul.u32 $0x1800, s28;
	s25 =	simm.s32 $0x80;
	s4 =	simm.s32 $0x2;
	[tilespmem:s24+$0xD510] =	vst v4;
	v4 =	vld [tilespmem:s24+$0x1550]  }
.LBB2_4:
0x24f: {  	p0 =	sne.s32 s4, $0x1F;
	s28 =	sand.u32 $0x380, s25;
	[tilespmem:s24+$0xD520] =	vst v9;
	v5 =	vadd.f32 v7, v5;
	v7 =	vld [tilespmem:s24+$0x1560]  }
0x250: {  	s26 =	sor.u32 s28, s26;
	v9 =	vld [tilespmem:s24+$0x7560]  }
0x251: {  	v10 =	vld [tilespmem:s26+$0x1570];
	[tilespmem:s24+$0xD530] =	vst v5;
	v3 =	vadd.f32 v6, v3  }
0x252: {  	v5 =	vld [tilespmem:s26+$0x7570]  }
0x253: {  	v6 =	vld [tilespmem:s26+$0x100];
	[tilespmem:s24+$0xD540] =	vst v3;
	v3 =	vadd.f32 v8, v4  }
0x254: {  	v4 =	vld [tilespmem:s26+$0x6100]  }
0x255: {  	v8 =	vld [tilespmem:s26+$0x110];
	[tilespmem:s24+$0xD550] =	vst v3;
	v3 =	vadd.f32 v9, v7  }
0x256: {  	v7 =	vld [tilespmem:s26+$0x6110]  }
0x257: {  	v9 =	vld [tilespmem:s26+$0x120];
	v5 =	vadd.f32 v5, v10;
	[tilespmem:s24+$0xD560] =	vst v3;
	s24 =	smov.u32 s26  }
0x258: {  	v3 =	vld [tilespmem:s24+$0x6120]  }
0x259: {  	v4 =	vadd.f32 v4, v6;
	v6 =	vld [tilespmem:s24+$0x130];
	[tilespmem:s24+$0xD570] =	vst v5  }
0x25a: {  	v5 =	vld [tilespmem:s24+$0x6130]  }
0x25b: {  	[tilespmem:s24+$0xC100] =	vst v4;
	v4 =	vadd.f32 v7, v8;
	v7 =	vld [tilespmem:s24+$0x140]  }
0x25c: {  	v8 =	vld [tilespmem:s24+$0x6140]  }
0x25d: {  	[tilespmem:s24+$0xC110] =	vst v4;
	v3 =	vadd.f32 v3, v9;
	v4 =	vld [tilespmem:s24+$0x150]  }
0x25e: {  	v9 =	vld [tilespmem:s24+$0x6150]  }
0x25f: {  	[tilespmem:s24+$0xC120] =	vst v3;
	v3 =	vadd.f32 v5, v6;
	v5 =	vld [tilespmem:s24+$0x160]  }
0x260: {  	v6 =	vld [tilespmem:s24+$0x6160]  }
0x261: {  	[tilespmem:s24+$0xC130] =	vst v3;
	v3 =	vadd.f32 v8, v7;
	v7 =	vld [tilespmem:s24+$0x170]  }
0x262: {  	v8 =	vld [tilespmem:s24+$0x6170]  }
0x263: {  	[tilespmem:s24+$0xC140] =	vst v3;
	v3 =	vadd.f32 v9, v4;
	v4 =	vld [tilespmem:s24+$0x500]  }
0x264: {  	v9 =	vld [tilespmem:s24+$0x6500]  }
0x265: {  	[tilespmem:s24+$0xC150] =	vst v3;
	v3 =	vadd.f32 v6, v5;
	v5 =	vld [tilespmem:s24+$0x510]  }
0x266: {  	v6 =	vld [tilespmem:s24+$0x6510]  }
0x267: {  	[tilespmem:s24+$0xC160] =	vst v3;
	v3 =	vadd.f32 v8, v7;
	v7 =	vld [tilespmem:s24+$0x520]  }
0x268: {  	v8 =	vld [tilespmem:s24+$0x6520]  }
0x269: {  	[tilespmem:s24+$0xC170] =	vst v3;
	v3 =	vadd.f32 v9, v4;
	v4 =	vld [tilespmem:s24+$0x530]  }
0x26a: {  	v9 =	vld [tilespmem:s24+$0x6530]  }
0x26b: {  	[tilespmem:s24+$0xC500] =	vst v3;
	v3 =	vadd.f32 v6, v5;
	v5 =	vld [tilespmem:s24+$0x540]  }
0x26c: {  	v6 =	vld [tilespmem:s24+$0x6540]  }
0x26d: {  	[tilespmem:s24+$0xC510] =	vst v3;
	v3 =	vadd.f32 v8, v7;
	v7 =	vld [tilespmem:s24+$0x550]  }
0x26e: {  	v8 =	vld [tilespmem:s24+$0x6550]  }
0x26f: {  	[tilespmem:s24+$0xC520] =	vst v3;
	v3 =	vadd.f32 v9, v4;
	v4 =	vld [tilespmem:s24+$0x560]  }
0x270: {  	v9 =	vld [tilespmem:s24+$0x6560]  }
0x271: {  	[tilespmem:s24+$0xC530] =	vst v3;
	v3 =	vadd.f32 v6, v5;
	v5 =	vld [tilespmem:s24+$0x570]  }
0x272: {  	v6 =	vld [tilespmem:s24+$0x6570]  }
0x273: {  	[tilespmem:s24+$0xC540] =	vst v3;
	v3 =	vadd.f32 v8, v7;
	v7 =	vld [tilespmem:s24+$0x900]  }
0x274: {  	v8 =	vld [tilespmem:s24+$0x6900]  }
0x275: {  	[tilespmem:s24+$0xC550] =	vst v3;
	v3 =	vadd.f32 v9, v4;
	v4 =	vld [tilespmem:s24+$0x910]  }
0x276: {  	v9 =	vld [tilespmem:s24+$0x6910]  }
0x277: {  	[tilespmem:s24+$0xC560] =	vst v3;
	v3 =	vadd.f32 v6, v5;
	v5 =	vld [tilespmem:s24+$0x920]  }
0x278: {  	v6 =	vld [tilespmem:s24+$0x6920]  }
0x279: {  	[tilespmem:s24+$0xC570] =	vst v3;
	v3 =	vadd.f32 v8, v7;
	v7 =	vld [tilespmem:s24+$0x930]  }
0x27a: {  	v8 =	vld [tilespmem:s24+$0x6930]  }
0x27b: {  	[tilespmem:s24+$0xC900] =	vst v3;
	v3 =	vadd.f32 v9, v4;
	v4 =	vld [tilespmem:s24+$0x940]  }
0x27c: {  	v9 =	vld [tilespmem:s24+$0x6940]  }
0x27d: {  	[tilespmem:s24+$0xC910] =	vst v3;
	v3 =	vadd.f32 v6, v5;
	v5 =	vld [tilespmem:s24+$0x950]  }
0x27e: {  	v6 =	vld [tilespmem:s24+$0x6950]  }
0x27f: {  	[tilespmem:s24+$0xC920] =	vst v3;
	v3 =	vadd.f32 v8, v7;
	v7 =	vld [tilespmem:s24+$0x960]  }
0x280: {  	v8 =	vld [tilespmem:s24+$0x6960]  }
0x281: {  	[tilespmem:s24+$0xC930] =	vst v3;
	v3 =	vadd.f32 v9, v4;
	v4 =	vld [tilespmem:s24+$0x970]  }
0x282: {  	v9 =	vld [tilespmem:s24+$0x6970]  }
0x283: {  	[tilespmem:s24+$0xC940] =	vst v3;
	v3 =	vadd.f32 v6, v5;
	v5 =	vld [tilespmem:s24+$0xD00]  }
0x284: {  	v6 =	vld [tilespmem:s24+$0x6D00]  }
0x285: {  	[tilespmem:s24+$0xC950] =	vst v3;
	v3 =	vadd.f32 v8, v7;
	v7 =	vld [tilespmem:s24+$0xD10]  }
0x286: {  	v8 =	vld [tilespmem:s24+$0x6D10]  }
0x287: {  	[tilespmem:s24+$0xC960] =	vst v3;
	v3 =	vadd.f32 v9, v4;
	v4 =	vld [tilespmem:s24+$0xD20]  }
0x288: {  	v9 =	vld [tilespmem:s24+$0x6D20]  }
0x289: {  	[tilespmem:s24+$0xC970] =	vst v3;
	v3 =	vadd.f32 v6, v5;
	v5 =	vld [tilespmem:s24+$0xD30]  }
0x28a: {  	v6 =	vld [tilespmem:s24+$0x6D30]  }
0x28b: {  	[tilespmem:s24+$0xCD00] =	vst v3;
	v3 =	vadd.f32 v8, v7;
	v7 =	vld [tilespmem:s24+$0xD40]  }
0x28c: {  	v8 =	vld [tilespmem:s24+$0x6D40]  }
0x28d: {  	[tilespmem:s24+$0xCD10] =	vst v3;
	v3 =	vadd.f32 v9, v4;
	v4 =	vld [tilespmem:s24+$0xD50]  }
0x28e: {  	v9 =	vld [tilespmem:s24+$0x6D50]  }
0x28f: {  	[tilespmem:s24+$0xCD20] =	vst v3;
	v3 =	vadd.f32 v6, v5;
	v5 =	vld [tilespmem:s24+$0xD60]  }
0x290: {  	v6 =	vld [tilespmem:s24+$0x6D60]  }
0x291: {  	[tilespmem:s24+$0xCD30] =	vst v3;
	v3 =	vadd.f32 v8, v7;
	v7 =	vld [tilespmem:s24+$0xD70]  }
0x292: {  	v8 =	vld [tilespmem:s24+$0x6D70]  }
0x293: {  	[tilespmem:s24+$0xCD40] =	vst v3;
	v3 =	vadd.f32 v9, v4;
	v4 =	vld [tilespmem:s24+$0x1100]  }
0x294: {  	v9 =	vld [tilespmem:s24+$0x7100]  }
0x295: {  	[tilespmem:s24+$0xCD50] =	vst v3;
	v3 =	vadd.f32 v6, v5;
	v5 =	vld [tilespmem:s24+$0x1110]  }
0x296: {  	v6 =	vld [tilespmem:s24+$0x7110]  }
0x297: {  	[tilespmem:s24+$0xCD60] =	vst v3;
	v3 =	vadd.f32 v8, v7;
	v7 =	vld [tilespmem:s24+$0x1120]  }
0x298: {  	v8 =	vld [tilespmem:s24+$0x7120]  }
0x299: {  	[tilespmem:s24+$0xCD70] =	vst v3;
	v3 =	vadd.f32 v9, v4;
	v4 =	vld [tilespmem:s24+$0x1130]  }
0x29a: {  	v9 =	vld [tilespmem:s24+$0x7130]  }
0x29b: {  	[tilespmem:s24+$0xD100] =	vst v3;
	v3 =	vadd.f32 v6, v5;
	v5 =	vld [tilespmem:s24+$0x1140]  }
0x29c: {  	v6 =	vld [tilespmem:s24+$0x7140]  }
0x29d: {  	[tilespmem:s24+$0xD110] =	vst v3;
	v3 =	vadd.f32 v8, v7;
	v7 =	vld [tilespmem:s24+$0x1150]  }
0x29e: {  	v8 =	vld [tilespmem:s24+$0x7150]  }
0x29f: {  	[tilespmem:s24+$0xD120] =	vst v3;
	v3 =	vadd.f32 v9, v4;
	v4 =	vld [tilespmem:s24+$0x1160]  }
0x2a0: {  	v9 =	vld [tilespmem:s24+$0x7160]  }
0x2a1: {  	[tilespmem:s24+$0xD130] =	vst v3;
	v3 =	vadd.f32 v6, v5;
	v5 =	vld [tilespmem:s24+$0x1170]  }
0x2a2: {  	v6 =	vld [tilespmem:s24+$0x7170]  }
0x2a3: {  	[tilespmem:s24+$0xD140] =	vst v3;
	v3 =	vadd.f32 v8, v7;
	v7 =	vld [tilespmem:s24+$0x1500]  }
0x2a4: {  	v8 =	vld [tilespmem:s24+$0x7500]  }
0x2a5: {  	[tilespmem:s24+$0xD150] =	vst v3;
	v3 =	vadd.f32 v9, v4;
	v4 =	vld [tilespmem:s24+$0x1510]  }
0x2a6: {  	v9 =	vld [tilespmem:s24+$0x7510]  }
0x2a7: {  	[tilespmem:s24+$0xD160] =	vst v3;
	v3 =	vadd.f32 v6, v5;
	v10 =	vld [tilespmem:s24+$0x1520]  }
0x2a8: {  	v11 =	vld [tilespmem:s24+$0x7520]  }
0x2a9: {  	[tilespmem:s24+$0xD170] =	vst v3;
	v3 =	vadd.f32 v8, v7;
	v5 =	vld [tilespmem:s24+$0x1530]  }
.Ltmp1:
0x2aa: {  	v7 =	vld [tilespmem:s24+$0x7530];
	(pc) =	sbr.rel @p0 .LBB2_4-.Ltmp1, $4  }
0x2ab: {  	[tilespmem:s24+$0xD500] =	vst v3;
	v4 =	vadd.f32 v9, v4;
	v3 =	vld [tilespmem:s24+$0x1540]  }
0x2ac: {  	v6 =	vld [tilespmem:s24+$0x7540]  }
0x2ad: {  	s26 =	sshrl.u32 s4, $0x3;
	[tilespmem:s24+$0xD510] =	vst v4;
	v9 =	vadd.f32 v11, v10;
	v4 =	vld [tilespmem:s24+$0x1550]  }
0x2ae: {  	s25 =	sadd.s32 $0x80, s25;
	s4 =	sadd.s32 $0x1, s4;
	s26 =	smul.u32 $0x1800, s26;
	v8 =	vld [tilespmem:s24+$0x7550]  }
0x2af: {  	s4 =	sand.u32 $0x380, s25;
	v56 =	vld [tilespmem:s24+$0x1560];
	v5 =	vadd.f32 v7, v5  }
0x2b0: {  	[tilespmem:s24+$0xD520] =	vst v9;
	v57 =	vld [tilespmem:s24+$0x7560];
	s4 =	sor.u32 s4, s26  }
0x2b1: {  	v10 =	vld [tilespmem:s4+$0x1570];
	[tilespmem:s24+$0xD530] =	vst v5;
	v3 =	vadd.f32 v6, v3  }
0x2b2: {  	v5 =	vld [tilespmem:s4+$0x7570]  }
0x2b3: {  	v58 =	vld [tilespmem:s4+$0x100];
	[tilespmem:s24+$0xD540] =	vst v3;
	v3 =	vadd.f32 v8, v4  }
0x2b4: {  	v59 =	vld [tilespmem:s4+$0x6100]  }
0x2b5: {  	v60 =	vld [tilespmem:s4+$0x110];
	[tilespmem:s24+$0xD550] =	vst v3;
	v3 =	vadd.f32 v57, v56  }
0x2b6: {  	v61 =	vld [tilespmem:s4+$0x6110]  }
0x2b7: {  	v62 =	vld [tilespmem:s4+$0x120];
	[tilespmem:s24+$0xD560] =	vst v3  }
0x2b8: {  	v3 =	vld [tilespmem:s4+$0x6120]  }
0x2b9: {  	v11 =	vld [tilespmem:s4+$0x130]  }
0x2ba: {  	v12 =	vld [tilespmem:s4+$0x6130]  }
0x2bb: {  	v13 =	vld [tilespmem:s4+$0x140]  }
0x2bc: {  	v14 =	vld [tilespmem:s4+$0x6140]  }
0x2bd: {  	v15 =	vld [tilespmem:s4+$0x150]  }
0x2be: {  	v16 =	vld [tilespmem:s4+$0x6150]  }
0x2bf: {  	v17 =	vld [tilespmem:s4+$0x160]  }
0x2c0: {  	v18 =	vld [tilespmem:s4+$0x6160]  }
0x2c1: {  	v19 =	vld [tilespmem:s4+$0x170]  }
0x2c2: {  	v20 =	vld [tilespmem:s4+$0x6170]  }
0x2c3: {  	v21 =	vld [tilespmem:s4+$0x500]  }
0x2c4: {  	v22 =	vld [tilespmem:s4+$0x6500]  }
0x2c5: {  	v23 =	vld [tilespmem:s4+$0x510]  }
0x2c6: {  	v24 =	vld [tilespmem:s4+$0x6510]  }
0x2c7: {  	v25 =	vld [tilespmem:s4+$0x520]  }
0x2c8: {  	v26 =	vld [tilespmem:s4+$0x6520]  }
0x2c9: {  	v27 =	vld [tilespmem:s4+$0x530]  }
0x2ca: {  	v28 =	vld [tilespmem:s4+$0x6530]  }
0x2cb: {  	v29 =	vld [tilespmem:s4+$0x540]  }
0x2cc: {  	v30 =	vld [tilespmem:s4+$0x6540]  }
0x2cd: {  	v31 =	vld [tilespmem:s4+$0x550]  }
0x2ce: {  	v32 =	vld [tilespmem:s4+$0x6550]  }
0x2cf: {  	v33 =	vld [tilespmem:s4+$0x560]  }
0x2d0: {  	v34 =	vld [tilespmem:s4+$0x6560]  }
0x2d1: {  	v35 =	vld [tilespmem:s4+$0x570]  }
0x2d2: {  	v36 =	vld [tilespmem:s4+$0x6570]  }
0x2d3: {  	v37 =	vld [tilespmem:s4+$0x900]  }
0x2d4: {  	v38 =	vld [tilespmem:s4+$0x6900]  }
0x2d5: {  	v39 =	vld [tilespmem:s4+$0x910]  }
0x2d6: {  	v40 =	vld [tilespmem:s4+$0x6910]  }
0x2d7: {  	v41 =	vld [tilespmem:s4+$0x920]  }
0x2d8: {  	v42 =	vld [tilespmem:s4+$0x6920]  }
0x2d9: {  	v43 =	vld [tilespmem:s4+$0x930]  }
0x2da: {  	v44 =	vld [tilespmem:s4+$0x6930]  }
0x2db: {  	v45 =	vld [tilespmem:s4+$0x940]  }
0x2dc: {  	v46 =	vld [tilespmem:s4+$0x6940]  }
0x2dd: {  	v47 =	vld [tilespmem:s4+$0x950]  }
0x2de: {  	v48 =	vld [tilespmem:s4+$0x6950]  }
0x2df: {  	v49 =	vld [tilespmem:s4+$0x960]  }
0x2e0: {  	v50 =	vld [tilespmem:s4+$0x6960]  }
0x2e1: {  	v51 =	vld [tilespmem:s4+$0x970]  }
0x2e2: {  	v52 =	vld [tilespmem:s4+$0x6970]  }
0x2e3: {  	v53 =	vld [tilespmem:s4+$0xD00]  }
0x2e4: {  	v54 =	vld [tilespmem:s4+$0x6D00]  }
0x2e5: {  	v55 =	vld [tilespmem:s4+$0xD10]  }
0x2e6: {  	v5 =	vadd.f32 v5, v10;
	v10 =	vld [tilespmem:s4+$0x6D10]  }
0x2e7: {  	v6 =	vld [tilespmem:s4+$0xD20];
	v4 =	vadd.f32 v59, v58  }
0x2e8: {  	v7 =	vld [tilespmem:s4+$0x6D20];
	[tilespmem:s4+$0xD570] =	vst v5;
	v63 =	vadd.f32 v61, v60  }
0x2e9: {  	v8 =	vld [tilespmem:s4+$0x6D30];
	[tilespmem:s4+$0xC100] =	vst v4;
	v3 =	vadd.f32 v3, v62  }
0x2ea: {  	v9 =	vld [tilespmem:s4+$0xD40];
	[tilespmem:s4+$0xC110] =	vst v63;
	v12 =	vadd.f32 v12, v11  }
0x2eb: {  	v57 =	vld [tilespmem:s4+$0x7120];
	[tilespmem:s4+$0xC120] =	vst v3;
	v3 =	vadd.f32 v14, v13  }
0x2ec: {  	v58 =	vld [tilespmem:s4+$0x1130];
	v16 =	vadd.f32 v16, v15;
	[tilespmem:s4+$0xC130] =	vst v12  }
0x2ed: {  	v4 =	vld [tilespmem:s4+$0xD30];
	[tilespmem:s4+$0xC140] =	vst v3;
	v3 =	vadd.f32 v18, v17  }
0x2ee: {  	v60 =	vld [tilespmem:s4+$0x7130];
	v20 =	vadd.f32 v20, v19;
	[tilespmem:s4+$0xC150] =	vst v16  }
0x2ef: {  	v61 =	vld [tilespmem:s4+$0x1140];
	[tilespmem:s4+$0xC160] =	vst v3;
	v3 =	vadd.f32 v22, v21  }
0x2f0: {  	v11 =	vld [tilespmem:s4+$0x6D40];
	v24 =	vadd.f32 v24, v23;
	[tilespmem:s4+$0xC170] =	vst v20  }
0x2f1: {  	v15 =	vld [tilespmem:s4+$0x6D60];
	[tilespmem:s4+$0xC500] =	vst v3;
	v3 =	vadd.f32 v26, v25  }
0x2f2: {  	v28 =	vadd.f32 v28, v27;
	v19 =	vld [tilespmem:s4+$0x7100];
	[tilespmem:s4+$0xC510] =	vst v24  }
0x2f3: {  	v63 =	vld [tilespmem:s4+$0x7140];
	[tilespmem:s4+$0xC520] =	vst v3;
	v3 =	vadd.f32 v30, v29  }
0x2f4: {  	v32 =	vadd.f32 v32, v31;
	v36 =	vadd.f32 v36, v35;
	v35 =	vld [tilespmem:s4+$0x7150];
	[tilespmem:s4+$0xC530] =	vst v28  }
0x2f5: {  	v56 =	vadd.f32 v40, v39;
	v39 =	vld [tilespmem:s4+$0x1170];
	[tilespmem:s4+$0xC540] =	vst v3;
	v3 =	vadd.f32 v34, v33  }
0x2f6: {  	v40 =	vld [tilespmem:s4+$0x7170];
	[tilespmem:s4+$0xC550] =	vst v32  }
0x2f7: {  	v59 =	vadd.f32 v44, v43;
	v43 =	vld [tilespmem:s4+$0x7500];
	[tilespmem:s4+$0xC560] =	vst v3;
	v3 =	vadd.f32 v38, v37  }
0x2f8: {  	v44 =	vld [tilespmem:s4+$0x1510];
	[tilespmem:s4+$0xC570] =	vst v36  }
0x2f9: {  	v62 =	vadd.f32 v48, v47;
	v47 =	vld [tilespmem:s4+$0x1520];
	[tilespmem:s4+$0xC900] =	vst v3;
	v3 =	vadd.f32 v42, v41  }
0x2fa: {  	v20 =	vld [tilespmem:s4+$0x1110];
	[tilespmem:s4+$0xC910] =	vst v56  }
0x2fb: {  	v21 =	vld [tilespmem:s4+$0x7110];
	[tilespmem:s4+$0xC920] =	vst v3;
	v3 =	vadd.f32 v46, v45  }
0x2fc: {  	v12 =	vld [tilespmem:s4+$0xD50];
	[tilespmem:s4+$0xC930] =	vst v59  }
0x2fd: {  	v13 =	vld [tilespmem:s4+$0x6D50];
	[tilespmem:s4+$0xC940] =	vst v3;
	v3 =	vadd.f32 v50, v49  }
0x2fe: {  	v14 =	vld [tilespmem:s4+$0xD60];
	[tilespmem:s4+$0xC950] =	vst v62;
	v4 =	vadd.f32 v8, v4  }
0x2ff: {  	v16 =	vld [tilespmem:s4+$0xD70];
	[tilespmem:s4+$0xC960] =	vst v3;
	v3 =	vadd.f32 v54, v53  }
0x300: {  	v36 =	vld [tilespmem:s4+$0x1160];
	[tilespmem:s4+$0xCD30] =	vst v4;
	v48 =	vadd.f32 v21, v20  }
0x301: {  	v56 =	vld [tilespmem:s4+$0x1550];
	[tilespmem:s4+$0xCD00] =	vst v3;
	v3 =	vadd.f32 v7, v6  }
0x302: {  	v18 =	vld [tilespmem:s4+$0x1100];
	v34 =	vadd.f32 v52, v51;
	[tilespmem:s4+$0xD110] =	vst v48  }
0x303: {  	v59 =	vld [tilespmem:s4+$0x1560];
	[tilespmem:s4+$0xCD20] =	vst v3;
	v3 =	vadd.f32 v11, v9  }
0x304: {  	v22 =	vld [tilespmem:s4+$0x1120];
	v51 =	vadd.f32 v60, v58;
	[tilespmem:s4+$0xC970] =	vst v34  }
0x305: {  	v17 =	vld [tilespmem:s4+$0x6D70];
	[tilespmem:s4+$0xCD40] =	vst v3;
	v3 =	vadd.f32 v15, v14  }
0x306: {  	v33 =	vld [tilespmem:s4+$0x1150];
	v37 =	vadd.f32 v10, v55;
	[tilespmem:s4+$0xD130] =	vst v51  }
0x307: {  	v52 =	vld [tilespmem:s4+$0x7530];
	[tilespmem:s4+$0xCD60] =	vst v3;
	v3 =	vadd.f32 v19, v18  }
0x308: {  	v38 =	vld [tilespmem:s4+$0x7160];
	[tilespmem:s4+$0xCD10] =	vst v37;
	v42 =	vadd.f32 v13, v12  }
0x309: {  	v46 =	vld [tilespmem:s4+$0x7510];
	[tilespmem:s4+$0xD100] =	vst v3;
	v3 =	vadd.f32 v57, v22  }
0x30a: {  	v41 =	vld [tilespmem:s4+$0x1500];
	[tilespmem:s4+$0xCD50] =	vst v42;
	v45 =	vadd.f32 v17, v16  }
0x30b: {  	v50 =	vld [tilespmem:s4+$0x1530];
	[tilespmem:s4+$0xD120] =	vst v3;
	v3 =	vadd.f32 v63, v61  }
0x30c: {  	[tilespmem:s4+$0xCD70] =	vst v45;
	v49 =	vld [tilespmem:s4+$0x7520];
	v54 =	vadd.f32 v35, v33  }
0x30d: {  	v55 =	vld [tilespmem:s4+$0x7540];
	[tilespmem:s4+$0xD140] =	vst v3;
	v3 =	vadd.f32 v38, v36  }
0x30e: {  	v53 =	vld [tilespmem:s4+$0x1540];
	v60 =	vadd.f32 v46, v44;
	[tilespmem:s4+$0xD150] =	vst v54  }
0x30f: {  	v58 =	vld [tilespmem:s4+$0x7550];
	[tilespmem:s4+$0xD160] =	vst v3;
	v3 =	vadd.f32 v43, v41  }
0x310: {  	[tilespmem:s4+$0xD510] =	vst v60;
	v62 =	vadd.f32 v52, v50;
	v61 =	vld [tilespmem:s4+$0x7560]  }
0x311: {  	[tilespmem:s4+$0xD500] =	vst v3;
	v3 =	vadd.f32 v49, v47  }
0x312: {  	[tilespmem:s4+$0xD530] =	vst v62;
	v57 =	vadd.f32 v40, v39  }
0x313: {  	[tilespmem:s4+$0xD520] =	vst v3;
	v3 =	vadd.f32 v55, v53  }
0x314: {  	[tilespmem:s4+$0xD170] =	vst v57;
	v63 =	vadd.f32 v58, v56  }
0x315: {  	s23 =	sadd.s32 $0x1, s23;
	[tilespmem:s4+$0xD540] =	vst v3;
	v3 =	vadd.f32 v61, v59  }
0x316: {  	p0 =	sne.s32 s23, s12;
	[tilespmem:s4+$0xD550] =	vst v63  }
.Ltmp2:
0x317: {  	[tilespmem:s4+$0xD560] =	vst v3;
	(pc) =	sbr.rel @p0 .LBB2_1-.Ltmp2, $4  }
0x318: {  	[hbm4b:s11+s1] =	stream.linear.scatter [tilespmem:s22], [sflag:$0x3], $0x6000, $0x38;
	[tilespmem:$0x12100] =	vst v63  }
0x319: {  	_ =	swait.ge [sflag:s13], $0x6000  }
0x31a: {  	[sflag:s13] =	ssyncset.done $0x0  }
0x31b: {  	[sflag:s13] =	ssyncadd.s32 $0xFFFFA000  }
0x31c: {  	_ =	sfence.sel $0x180000  }
0x31d: {  	[bflag:$0x0] =	sbarrier.arrive $0xFFFF  }
0x31e: {  	_ =	strace $0x9000004A  }
0x31f: {  	s0 =	stileid.u32;
	[bflag:$0x2] =	sbarrier.arrive $0xFFFF  }
0x320: {  	p0 =	sne.s32 s0, $0x0;
	s0 =	rddreg [dreg:$0x2]  }
0x321: {  	s0 =	sadd.s32 @!p0 $0x100000, s0  }
0x322: {  	[sflag:s0] =	ssyncadd.tile.s32 @!p0 $0x1;
	_ =	shalt  }
.Lfunc_end2:
_tile_overlayer_lowered:
.L_overlay_start_2:
0x323: {  	(tag) =	ssettag $0x2  }
0x324: {  	s0 =	rddreg [dreg:$0x0];
	s2 =	stileid.u32  }
0x325: {  	s1 =	rddreg [dreg:$0x1];
	p0 =	sne.s32 s2, $0x0  }
0x326: {  	s3 =	rddreg [dreg:$0x2];
	[bflag:$0x3] =	sbarrier.arrive $0xFFFF;
	s2 =	simm.s32 @!p0 $0x1C03  }
0x327: {  	[timem:s3], [sflag:s2] =	dma.local @!p0 [hbm:s0], s1  }
0x328: {  	s0 =	simm.s32 @!p0 $0x3  }
0x329: {  	_ =	swait.ge @!p0 [sflag:s0], s1  }
0x32a: {  	s1 =	ssub.s32 @!p0 $0x0, s1;
	[sflag:s0] =	ssyncset.done @!p0 $0x0  }
0x32b: {  	[sflag:s0] =	ssyncadd.s32 @!p0 s1  }
0x32c: {  	[bflag:$0x3] =	sbarrier.arrive $0xFFFF  }
0x32d: {  	_ =	shalt  }

</sc_bundles>
